<compile_context>
chip_gen: v7x
topology: tpu7x:2x2x1
jax: 0.10.2.dev20260603
libtpu: 0.0.44.dev20260713+nightly
codegen_flags: <defaults>
</compile_context>

<pallas_src>
import jax
import jax.numpy as jnp
from jax import lax
from jax.experimental import pallas as pl
from jax.experimental.pallas import tpu as pltpu
from jax.experimental.pallas import tpu_sc as plsc

N_NODES = 10000
DIM = 128
HEADS = 8
NPAD = 10112
NWORK = 32
NB1 = 96
NB2 = 24
EP = 331776
NC1 = EP // (NWORK * NB1)
NC2 = EP // (NWORK * NB2)

_SC_PARAMS = pltpu.CompilerParams(use_tc_tiling_on_sc=False)
_SC_PARAMS2 = pltpu.CompilerParams(use_tc_tiling_on_sc=False,
                                   needs_layout_passes=False)


def _leaky(v):
    return jnp.where(v > 0, v, v * 0.2)


def _proj_body(x_ref, w_ref, attcat_ref, xp_ref, acat_ref, amax_ref):
    i = pl.program_id(0)
    x_blk = x_ref[...]
    xp_ref[...] = lax.dot_general(x_blk, w_ref[...], (((1,), (1,)), ((), ())),
                                  preferred_element_type=jnp.float32)
    rows = []
    for k in range(16):
        wk = w_ref[pl.ds((k % HEADS) * DIM, DIM), :]
        rows.append(jnp.dot(attcat_ref[k:k + 1, :], wk,
                            preferred_element_type=jnp.float32))
    vcat = jnp.concatenate(rows, axis=0)
    acat = lax.dot_general(x_blk, vcat, (((1,), (1,)), ((), ())),
                           preferred_element_type=jnp.float32)
    acat_ref[...] = acat
    cur = jnp.max(acat, axis=0, keepdims=True)

    @pl.when(i == 0)
    def _():
        amax_ref[...] = cur

    @pl.when(i > 0)
    def _():
        amax_ref[...] = jnp.maximum(amax_ref[...], cur)


def _project(x, W, att_cat):
    nblk = 10
    B = N_NODES // nblk
    return pl.pallas_call(
        _proj_body,
        grid=(nblk,),
        in_specs=[
            pl.BlockSpec((B, DIM), lambda i: (i, 0)),
            pl.BlockSpec((HEADS * DIM, DIM), lambda i: (0, 0)),
            pl.BlockSpec((16, DIM), lambda i: (0, 0)),
        ],
        out_specs=[
            pl.BlockSpec((B, HEADS * DIM), lambda i: (i, 0)),
            pl.BlockSpec((B, 16), lambda i: (i, 0)),
            pl.BlockSpec((1, 16), lambda i: (0, 0)),
        ],
        out_shape=[
            jax.ShapeDtypeStruct((N_NODES, HEADS * DIM), jnp.float32),
            jax.ShapeDtypeStruct((N_NODES, 16), jnp.float32),
            jax.ShapeDtypeStruct((1, 16), jnp.float32),
        ],
    )(x, W, att_cat)


def _sc_denom_body(src2_hbm, dst2_hbm, s_hbm, d_hbm, amax_hbm, zd_hbm,
                   denom_hbm, exf_hbm,
                   sall, dall, pa0, pa1, pb0, pb1, exb, amv, dsh,
                   semA0, semA1, semB0, semB1):
    c = lax.axis_index("c")
    s = lax.axis_index("s")
    w = s * 2 + c
    rows = NPAD // 16
    r0 = s * rows
    pltpu.sync_copy(zd_hbm.at[pl.ds(r0, rows)], dsh.at[pl.ds(r0, rows)])
    pltpu.sync_copy(amax_hbm, amv)
    pltpu.sync_copy(src2_hbm.at[pl.ds(w * NC1, NC1)], sall)
    pltpu.sync_copy(dst2_hbm.at[pl.ds(w * NC1, NC1)], dall)
    plsc.subcore_barrier()
    av = amv[...]
    pas = (pa0, pa1)
    pbs = (pb0, pb1)
    semAs = (semA0, semA1)
    semBs = (semB0, semB1)

    def fire(j, b):
        pltpu.async_copy(s_hbm.at[sall.at[j]], pas[b], semAs[b])
        pltpu.async_copy(d_hbm.at[dall.at[j]], pbs[b], semBs[b])

    fire(0, 0)

    def outer(i2, carry):
        for b in range(2):
            j = i2 * 2 + b
            pltpu.make_async_copy(s_hbm.at[sall.at[j]], pas[b], semAs[b]).wait()
            pltpu.make_async_copy(d_hbm.at[dall.at[j]], pbs[b], semBs[b]).wait()
            nxt = j + 1

            @pl.when(nxt < NC1)
            def _():
                fire(nxt, 1 - b)

            pa = pas[b]
            pb = pbs[b]

            @plsc.parallel_loop(0, NB1, 1, unroll=4)
            def _(e):
                va = pa[e]
                vb = pb[e]
                al = _leaky(va + vb)
                bd = _leaky(av + vb)
                exb[e] = jnp.exp(al - bd)
            pltpu.sync_copy(exb, dsh.at[dall.at[j]], add=True)
            gb = (w * NC1 + j) * NB1
            pltpu.sync_copy(exb, exf_hbm.at[pl.ds(gb, NB1)])
        return carry

    lax.fori_loop(0, NC1 // 2, outer, 0)
    plsc.subcore_barrier()
    pltpu.sync_copy(dsh.at[pl.ds(r0, rows)], denom_hbm.at[c, pl.ds(r0, rows)])


def _sc_denom(src2, dst2, S, D, amax16, zd):
    mesh = plsc.VectorSubcoreMesh(core_axis_name="c", subcore_axis_name="s")
    return pl.kernel(
        _sc_denom_body,
        out_type=[
            jax.ShapeDtypeStruct((2, NPAD, 16), jnp.float32),
            jax.ShapeDtypeStruct((EP, 16), jnp.float32),
        ],
        mesh=mesh,
        compiler_params=_SC_PARAMS,
        scratch_types=[
            pltpu.VMEM((NC1, NB1), jnp.int32),
            pltpu.VMEM((NC1, NB1), jnp.int32),
            pltpu.VMEM((NB1, 16), jnp.float32),
            pltpu.VMEM((NB1, 16), jnp.float32),
            pltpu.VMEM((NB1, 16), jnp.float32),
            pltpu.VMEM((NB1, 16), jnp.float32),
            pltpu.VMEM((NB1, 16), jnp.float32),
            pltpu.VMEM((16,), jnp.float32),
            pltpu.VMEM_SHARED((NPAD, 16), jnp.float32),
            pltpu.SemaphoreType.DMA,
            pltpu.SemaphoreType.DMA,
            pltpu.SemaphoreType.DMA,
            pltpu.SemaphoreType.DMA,
        ],
    )(src2, dst2, S, D, amax16, zd)


def _recip_body(d_ref, r_ref):
    r_ref[...] = 1.0 / (d_ref[0] + d_ref[1] + 1e-16)


def _recip(denom):
    return pl.pallas_call(
        _recip_body,
        out_shape=jax.ShapeDtypeStruct((NPAD, 16), jnp.float32),
    )(denom)


def _sc_msgs_body(src_hbm, dst2_hbm, r_hbm, x_hbm, exf_hbm, zo_hbm,
                  opart_hbm,
                  dall, si0, si1, pr0, pr1, xb0, xb1, ev0, ev1, cb0, cb1, osh,
                  semS0, semS1, semR0, semR1, semX0, semX1, semE0, semE1,
                  semC0, semC1):
    c = lax.axis_index("c")
    s = lax.axis_index("s")
    w = s * 2 + c
    rows = NPAD // 16
    r0 = s * rows
    pltpu.sync_copy(zo_hbm.at[pl.ds(r0, rows)], osh.at[pl.ds(r0, rows)])
    pltpu.sync_copy(dst2_hbm.at[pl.ds(w * NC2, NC2)], dall)
    plsc.subcore_barrier()
    sis = (si0, si1)
    prs = (pr0, pr1)
    xbs = (xb0, xb1)
    evs = (ev0, ev1)

    semSs = (semS0, semS1)
    semRs = (semR0, semR1)
    semXs = (semX0, semX1)
    semEs = (semE0, semE1)
    cbs = (cb0, cb1)
    semCs = (semC0, semC1)
    hsel = [jnp.full((16,), h, dtype=jnp.int32) for h in range(HEADS)]
    base_e = w * NC2 * NB2

    def fire_si(j, slot):
        pltpu.async_copy(src_hbm.at[pl.ds(base_e + j * NB2, NB2)],
                         sis[slot], semSs[slot])

    def wait_si(j, slot):
        pltpu.make_async_copy(src_hbm.at[pl.ds(base_e + j * NB2, NB2)],
                              sis[slot], semSs[slot]).wait()

    def fire_g(j, b, slot):
        gb = base_e + j * NB2
        pltpu.async_copy(r_hbm.at[dall.at[j]], prs[b], semRs[b])
        pltpu.async_copy(x_hbm.at[sis[slot]], xbs[b], semXs[b])
        pltpu.async_copy(exf_hbm.at[pl.ds(gb, NB2)], evs[b], semEs[b])

    def wait_g(j, b):
        gb = base_e + j * NB2
        pltpu.make_async_copy(r_hbm.at[dall.at[j]], prs[b], semRs[b]).wait()
        pltpu.make_async_copy(x_hbm.at[sis[0]], xbs[b], semXs[b]).wait()
        pltpu.make_async_copy(exf_hbm.at[pl.ds(gb, NB2)], evs[b],
                              semEs[b]).wait()

    fire_si(0, 0)
    wait_si(0, 0)
    fire_si(1, 1)
    fire_g(0, 0, 0)

    def outer(i2, carry):
        for b in range(2):
            j = i2 * 2 + b
            nxt = j + 1

            @pl.when(nxt < NC2)
            def _():
                wait_si(nxt, 1 - b)

            wait_g(j, b)

            @pl.when(nxt < NC2)
            def _():
                fire_g(nxt, 1 - b, 1 - b)

            @pl.when(j + 2 < NC2)
            def _():
                fire_si(j + 2, b)

            pr = prs[b]
            xb = xbs[b]
            ev = evs[b]
            cb = cbs[b]

            @pl.when(j >= 2)
            def _():
                pltpu.make_async_copy(cb, osh.at[dall.at[j - 2]],
                                      semCs[b]).wait()

            def e_body(e, cc):
                att = ev[e] * pr[e]
                for h in range(HEADS):
                    ab = att.at[hsel[h]].get(mode="promise_in_bounds")
                    base = h * DIM
                    for g in range(4):
                        x32 = xb[e, pl.ds(base + g * 32, 32)]
                        lo, hi = plsc.unpack(
                            x32, format=plsc.PackFormat.INTERLEAVED)
                        if h == 0:
                            cb[e, pl.ds(g * 32, 16)] = ab * lo
                            cb[e, pl.ds(g * 32 + 16, 16)] = ab * hi
                        else:
                            cb[e, pl.ds(g * 32, 16)] += ab * lo
                            cb[e, pl.ds(g * 32 + 16, 16)] += ab * hi
                return cc

            lax.fori_loop(0, NB2, e_body, 0)

            pltpu.async_copy(cb, osh.at[dall.at[j]], semCs[b], add=True)
        return carry

    lax.fori_loop(0, NC2 // 2, outer, 0)
    pltpu.make_async_copy(cbs[0], osh.at[dall.at[NC2 - 2]], semCs[0]).wait()
    pltpu.make_async_copy(cbs[1], osh.at[dall.at[NC2 - 1]], semCs[1]).wait()
    plsc.subcore_barrier()
    pltpu.sync_copy(osh.at[pl.ds(r0, rows)], opart_hbm.at[c, pl.ds(r0, rows)])


def _sc_msgs(src, dst2, R, xp, exf, zo):
    mesh = plsc.VectorSubcoreMesh(core_axis_name="c", subcore_axis_name="s")
    return pl.kernel(
        _sc_msgs_body,
        out_type=jax.ShapeDtypeStruct((2, NPAD, DIM), jnp.float32),
        mesh=mesh,
        compiler_params=_SC_PARAMS2,
        scratch_types=[
            pltpu.VMEM((NC2, NB2), jnp.int32),
            pltpu.VMEM((NB2,), jnp.int32),
            pltpu.VMEM((NB2,), jnp.int32),
            pltpu.VMEM((NB2, 16), jnp.float32),
            pltpu.VMEM((NB2, 16), jnp.float32),
            pltpu.VMEM((NB2, HEADS * DIM), jnp.bfloat16),
            pltpu.VMEM((NB2, HEADS * DIM), jnp.bfloat16),
            pltpu.VMEM((NB2, 16), jnp.float32),
            pltpu.VMEM((NB2, 16), jnp.float32),
            pltpu.VMEM((NB2, DIM), jnp.float32),
            pltpu.VMEM((NB2, DIM), jnp.float32),
            pltpu.VMEM_SHARED((NPAD, DIM), jnp.float32),
            pltpu.SemaphoreType.DMA,
            pltpu.SemaphoreType.DMA,
            pltpu.SemaphoreType.DMA,
            pltpu.SemaphoreType.DMA,
            pltpu.SemaphoreType.DMA,
            pltpu.SemaphoreType.DMA,
            pltpu.SemaphoreType.DMA,
            pltpu.SemaphoreType.DMA,
            pltpu.SemaphoreType.DMA,
            pltpu.SemaphoreType.DMA,
        ],
    )(src, dst2, R, xp, exf, zo)


def _final_body(op_ref, bias_ref, o_ref):
    o_ref[...] = (op_ref[0] + op_ref[1]) * (1.0 / HEADS) + bias_ref[...]


def _final(opart, bias):
    nblk = 10
    B = N_NODES // nblk
    return pl.pallas_call(
        _final_body,
        grid=(nblk,),
        in_specs=[
            pl.BlockSpec((2, B, DIM), lambda i: (0, i, 0)),
            pl.BlockSpec((1, DIM), lambda i: (0, 0)),
        ],
        out_specs=pl.BlockSpec((B, DIM), lambda i: (i, 0)),
        out_shape=jax.ShapeDtypeStruct((N_NODES, DIM), jnp.float32),
    )(opart, bias.reshape(1, DIM))


def kernel(x, edge_index, W, att_src, att_dst, bias):
    N = N_NODES
    E2 = edge_index.shape[1] + N

    loop = jnp.arange(N, dtype=jnp.int32)
    src = jnp.concatenate([edge_index[0].astype(jnp.int32), loop,
                           jnp.zeros((EP - E2,), jnp.int32)])
    dst = jnp.concatenate([edge_index[1].astype(jnp.int32), loop,
                           jnp.full((EP - E2,), N, jnp.int32)])
    src1 = src.reshape(EP // NB1, NB1)
    dst1 = dst.reshape(EP // NB1, NB1)
    dst2 = dst.reshape(EP // NB2, NB2)

    att_cat = jnp.concatenate([att_src, att_dst], axis=0)
    xp, acat, amaxo = _project(x, W, att_cat)

    pad = ((0, NPAD - N), (0, 0))
    S = jnp.pad(jnp.concatenate([acat[:, :8], acat[:, :8]], axis=1), pad)
    Dd = jnp.pad(jnp.concatenate([acat[:, 8:], acat[:, 8:]], axis=1), pad)
    amax16 = jnp.concatenate([amaxo[0, :8], amaxo[0, :8]])

    zd = jnp.zeros((NPAD, 16), jnp.float32)
    denom, exf = _sc_denom(src1, dst1, S, Dd, amax16, zd)
    R = _recip(denom)

    xsw = (xp.reshape(N, HEADS, 4, 2, 16).transpose(0, 1, 2, 4, 3)
           .reshape(N, HEADS * DIM).astype(jnp.bfloat16))

    zo = jnp.zeros((NPAD, DIM), jnp.float32)
    opart = _sc_msgs(src, dst2, R, xsw, exf, zo)
    return _final(opart, bias)

# --- scband reference (transcript-rebuilt; emitter-appended) ---
"""Pipeline reference for scband-graph-attention-network-16509854286164 (READ-ONLY COPY).

The authoritative reference and input builder live on the scoring server;
editing this copy changes nothing except your own understanding.
"""

import jax, jax.numpy as jnp
import numpy as np

N_NODES = 10000
N_EDGES = 320000
DIM = 128
HEADS = 8


def setup_inputs(seed: int = 0) -> dict:
    key = jax.random.key(seed)
    k1, k2, k3, k4, k5, k6 = jax.random.split(key, 6)
    x = jax.random.normal(k1, (N_NODES, DIM), dtype=jnp.float32)
    edge_index = jax.random.randint(k2, (2, N_EDGES), 0, N_NODES, dtype=jnp.int64)
    # Parameters mirroring PyG GATConv(in_channels=128, out_channels=128, heads=8, concat=False)
    W = jax.random.normal(k3, (HEADS * DIM, DIM), dtype=jnp.float32) * (1.0 / np.sqrt(DIM))
    att_src = jax.random.normal(k4, (HEADS, DIM), dtype=jnp.float32) * (1.0 / np.sqrt(DIM))
    att_dst = jax.random.normal(k5, (HEADS, DIM), dtype=jnp.float32) * (1.0 / np.sqrt(DIM))
    bias = jnp.zeros((DIM,), dtype=jnp.float32)
    return {"x": x, "edge_index": edge_index, "W": W, "att_src": att_src, "att_dst": att_dst, "bias": bias}


def reference(x, edge_index, W, att_src, att_dst, bias):
    N = x.shape[0]
    H = HEADS
    C = DIM
    # Add self loops (PyG GATConv default add_self_loops=True)
    loop = jnp.arange(N, dtype=edge_index.dtype)
    ei = jnp.concatenate([edge_index, jnp.stack([loop, loop])], axis=1)
    src = ei[0]
    dst = ei[1]
    # Linear projection to [N, H, C]
    xp = (x @ W.T).reshape(N, H, C)
    # Per-node attention logits
    a_src = (xp * att_src[None, :, :]).sum(axis=-1)  # [N, H]
    a_dst = (xp * att_dst[None, :, :]).sum(axis=-1)  # [N, H]
    alpha = a_src[src] + a_dst[dst]                  # [E, H] gather
    alpha = jax.nn.leaky_relu(alpha, negative_slope=0.2)
    # Segment softmax over incoming edges of each destination node
    amax = jax.ops.segment_max(alpha, dst, num_segments=N)
    amax = jnp.where(jnp.isfinite(amax), amax, 0.0)
    ex = jnp.exp(alpha - amax[dst])
    denom = jax.ops.segment_sum(ex, dst, num_segments=N)
    att = ex / (denom[dst] + 1e-16)                  # [E, H]
    # Message passing: weighted gather of source features, scatter-add to dst
    msgs = xp[src] * att[:, :, None]                 # [E, H, C]
    out = jax.ops.segment_sum(msgs, dst, num_segments=N)  # [N, H, C]
    # concat=False -> mean over heads, then bias
    out = out.mean(axis=1) + bias
    return out

if __name__ == "__main__":
    import jax
    _d = setup_inputs()
    print(jax.jit(kernel)(*tuple(_d.values())))

</pallas_src>

<mosaic_0001>
#map = affine_map<(d0, d1) -> (0, 0)>
#map1 = affine_map<(d0, d1) -> (0)>
#map2 = affine_map<(d0, d1) -> (0, 0, 0)>
module attributes {stable_mosaic.version = 14 : i64} {
  func.func @_sc_denom_body(%arg0: i32, %arg1: i32, %arg2: memref<3456x96xi32, #tpu.memory_space<hbm>>, %arg3: memref<3456x96xi32, #tpu.memory_space<hbm>>, %arg4: memref<10112x16xf32, #tpu.memory_space<hbm>>, %arg5: memref<10112x16xf32, #tpu.memory_space<hbm>>, %arg6: memref<16xf32, #tpu.memory_space<hbm>>, %arg7: memref<10112x16xf32, #tpu.memory_space<hbm>>, %arg8: memref<2x10112x16xf32, #tpu.memory_space<hbm>>, %arg9: memref<331776x16xf32, #tpu.memory_space<hbm>>, %arg10: memref<108x96xi32, #tpu.memory_space<vmem>>, %arg11: memref<108x96xi32, #tpu.memory_space<vmem>>, %arg12: memref<96x16xf32, #tpu.memory_space<vmem>>, %arg13: memref<96x16xf32, #tpu.memory_space<vmem>>, %arg14: memref<96x16xf32, #tpu.memory_space<vmem>>, %arg15: memref<96x16xf32, #tpu.memory_space<vmem>>, %arg16: memref<96x16xf32, #tpu.memory_space<vmem>>, %arg17: memref<16xf32, #tpu.memory_space<vmem>>, %arg18: memref<10112x16xf32, #tpu.memory_space<vmem_shared>>, %arg19: memref<!tpu.dma_semaphore, #tpu.memory_space<semaphore_mem>>, %arg20: memref<!tpu.dma_semaphore, #tpu.memory_space<semaphore_mem>>, %arg21: memref<!tpu.dma_semaphore, #tpu.memory_space<semaphore_mem>>, %arg22: memref<!tpu.dma_semaphore, #tpu.memory_space<semaphore_mem>>) attributes {dimension_semantics = [#tpu.dimension_semantics<core_parallel>, #tpu.dimension_semantics<subcore_parallel>], iteration_bounds = array<i64: 2, 16>, scalar_prefetch = 0 : i64, scratch_operands = 13 : i64, tpu.core_type = #tpu.core_type<sc_vector_subcore>, window_params = [{transform_indices = #map}, {transform_indices = #map}, {transform_indices = #map}, {transform_indices = #map}, {transform_indices = #map1}, {transform_indices = #map}, {transform_indices = #map2}, {transform_indices = #map}]} {
    %mul3A = arith.constant 2 : i32
    %mul3A_0 = arith.muli %arg1, %mul3A : i32
    %add3A = arith.addi %mul3A_0, %arg0 : i32
    %mul3A_1 = arith.constant 632 : i32
    %mul3A_2 = arith.muli %arg1, %mul3A_1 : i32
    "tpu.region"() ({
      %run_scoped3A = tpu.sem_alloc : memref<!tpu.dma_semaphore, #tpu.memory_space<semaphore_mem>>
      %dma_start3A_28 = arith.constant 0 : i32
      %dma_start3A_29 = tpu.memref_slice %arg18[%mul3A_2, %dma_start3A_28] : memref<10112x16xf32, #tpu.memory_space<vmem_shared>> -> memref<632x16xf32, #tpu.memory_space<vmem_shared>>
      %dma_start3A_30 = arith.constant 0 : i32
      %dma_start3A_31 = tpu.memref_slice %arg7[%mul3A_2, %dma_start3A_30] : memref<10112x16xf32, #tpu.memory_space<hbm>> -> memref<632x16xf32, #tpu.memory_space<hbm>>
      tpu.enqueue_dma source(%dma_start3A_31 : memref<632x16xf32, #tpu.memory_space<hbm>>) target(%dma_start3A_29 : memref<632x16xf32, #tpu.memory_space<vmem_shared>>) target_semaphore(%run_scoped3A : memref<!tpu.dma_semaphore, #tpu.memory_space<semaphore_mem>>)
      %dma_wait3A = arith.constant 0 : i32
      %dma_wait3A_32 = tpu.memref_slice %arg18[%mul3A_2, %dma_wait3A] : memref<10112x16xf32, #tpu.memory_space<vmem_shared>> -> memref<632x16xf32, #tpu.memory_space<vmem_shared>>
      %dma_wait3A_33 = arith.constant 0 : i32
      %dma_wait3A_34 = tpu.memref_slice %arg7[%mul3A_2, %dma_wait3A_33] : memref<10112x16xf32, #tpu.memory_space<hbm>> -> memref<632x16xf32, #tpu.memory_space<hbm>>
      tpu.wait_dma2 semaphore(%run_scoped3A : memref<!tpu.dma_semaphore, #tpu.memory_space<semaphore_mem>>) src(%dma_wait3A_34 : memref<632x16xf32, #tpu.memory_space<hbm>>) dst(%dma_wait3A_32 : memref<632x16xf32, #tpu.memory_space<vmem_shared>>)
      tpu.yield
    }) : () -> ()
    "tpu.region"() ({
      %run_scoped3A = tpu.sem_alloc : memref<!tpu.dma_semaphore, #tpu.memory_space<semaphore_mem>>
      tpu.enqueue_dma source(%arg6 : memref<16xf32, #tpu.memory_space<hbm>>) target(%arg17 : memref<16xf32, #tpu.memory_space<vmem>>) target_semaphore(%run_scoped3A : memref<!tpu.dma_semaphore, #tpu.memory_space<semaphore_mem>>)
      tpu.wait_dma2 semaphore(%run_scoped3A : memref<!tpu.dma_semaphore, #tpu.memory_space<semaphore_mem>>) src(%arg6 : memref<16xf32, #tpu.memory_space<hbm>>) dst(%arg17 : memref<16xf32, #tpu.memory_space<vmem>>)
      tpu.yield
    }) : () -> ()
    %mul3A_3 = arith.constant 108 : i32
    %mul3A_4 = arith.muli %add3A, %mul3A_3 : i32
    "tpu.region"() ({
      %run_scoped3A = tpu.sem_alloc : memref<!tpu.dma_semaphore, #tpu.memory_space<semaphore_mem>>
      %dma_start3A_28 = arith.constant 0 : i32
      %dma_start3A_29 = tpu.memref_slice %arg2[%mul3A_4, %dma_start3A_28] : memref<3456x96xi32, #tpu.memory_space<hbm>> -> memref<108x96xi32, #tpu.memory_space<hbm>>
      %dma_start3A_30 = arith.constant 0 : i32
      %dma_start3A_31 = tpu.memref_slice %arg2[%mul3A_4, %dma_start3A_30] : memref<3456x96xi32, #tpu.memory_space<hbm>> -> memref<108x96xi32, #tpu.memory_space<hbm>>
      tpu.enqueue_dma source(%dma_start3A_31 : memref<108x96xi32, #tpu.memory_space<hbm>>) target(%arg10 : memref<108x96xi32, #tpu.memory_space<vmem>>) target_semaphore(%run_scoped3A : memref<!tpu.dma_semaphore, #tpu.memory_space<semaphore_mem>>)
      %dma_wait3A = arith.constant 0 : i32
      %dma_wait3A_32 = tpu.memref_slice %arg2[%mul3A_4, %dma_wait3A] : memref<3456x96xi32, #tpu.memory_space<hbm>> -> memref<108x96xi32, #tpu.memory_space<hbm>>
      %dma_wait3A_33 = arith.constant 0 : i32
      %dma_wait3A_34 = tpu.memref_slice %arg2[%mul3A_4, %dma_wait3A_33] : memref<3456x96xi32, #tpu.memory_space<hbm>> -> memref<108x96xi32, #tpu.memory_space<hbm>>
      tpu.wait_dma2 semaphore(%run_scoped3A : memref<!tpu.dma_semaphore, #tpu.memory_space<semaphore_mem>>) src(%dma_wait3A_34 : memref<108x96xi32, #tpu.memory_space<hbm>>) dst(%arg10 : memref<108x96xi32, #tpu.memory_space<vmem>>)
      tpu.yield
    }) : () -> ()
    %mul3A_5 = arith.constant 108 : i32
    %mul3A_6 = arith.muli %add3A, %mul3A_5 : i32
    "tpu.region"() ({
      %run_scoped3A = tpu.sem_alloc : memref<!tpu.dma_semaphore, #tpu.memory_space<semaphore_mem>>
      %dma_start3A_28 = arith.constant 0 : i32
      %dma_start3A_29 = tpu.memref_slice %arg3[%mul3A_6, %dma_start3A_28] : memref<3456x96xi32, #tpu.memory_space<hbm>> -> memref<108x96xi32, #tpu.memory_space<hbm>>
      %dma_start3A_30 = arith.constant 0 : i32
      %dma_start3A_31 = tpu.memref_slice %arg3[%mul3A_6, %dma_start3A_30] : memref<3456x96xi32, #tpu.memory_space<hbm>> -> memref<108x96xi32, #tpu.memory_space<hbm>>
      tpu.enqueue_dma source(%dma_start3A_31 : memref<108x96xi32, #tpu.memory_space<hbm>>) target(%arg11 : memref<108x96xi32, #tpu.memory_space<vmem>>) target_semaphore(%run_scoped3A : memref<!tpu.dma_semaphore, #tpu.memory_space<semaphore_mem>>)
      %dma_wait3A = arith.constant 0 : i32
      %dma_wait3A_32 = tpu.memref_slice %arg3[%mul3A_6, %dma_wait3A] : memref<3456x96xi32, #tpu.memory_space<hbm>> -> memref<108x96xi32, #tpu.memory_space<hbm>>
      %dma_wait3A_33 = arith.constant 0 : i32
      %dma_wait3A_34 = tpu.memref_slice %arg3[%mul3A_6, %dma_wait3A_33] : memref<3456x96xi32, #tpu.memory_space<hbm>> -> memref<108x96xi32, #tpu.memory_space<hbm>>
      tpu.wait_dma2 semaphore(%run_scoped3A : memref<!tpu.dma_semaphore, #tpu.memory_space<semaphore_mem>>) src(%dma_wait3A_34 : memref<108x96xi32, #tpu.memory_space<hbm>>) dst(%arg11 : memref<108x96xi32, #tpu.memory_space<vmem>>)
      tpu.yield
    }) : () -> ()
    %barrier3A = arith.constant 0 : index
    tpu.barrier barrier_id(%barrier3A)
    %get3A = arith.constant 0 : index
    %get3A_7 = tpu.vector_load %arg17[%get3A] {strides = array<i32>} : memref<16xf32, #tpu.memory_space<vmem>>, vector<16xf32>,
    %get3A_8 = vector.shape_cast %get3A_7 : vector<16xf32> to vector<16xf32>
    %dma_start3A = arith.constant 0 : i32
    %dma_start3A_9 = arith.constant 0 : i32
    %dma_start3A_10 = tpu.memref_slice %arg10[%dma_start3A, %dma_start3A_9] : memref<108x96xi32, #tpu.memory_space<vmem>> -> memref<1x96xi32, #tpu.memory_space<vmem>>
    %dma_start3A_11 = tpu.memref_squeeze %dma_start3A_10 : memref<1x96xi32, #tpu.memory_space<vmem>> -> memref<96xi32, #tpu.memory_space<vmem>>
    %dma_start3A_12 = arith.constant 0 : i32
    %dma_start3A_13 = arith.constant 0 : i32
    %dma_start3A_14 = tpu.memref_slice %arg4[%dma_start3A_12, %dma_start3A_13] : memref<10112x16xf32, #tpu.memory_space<hbm>> -> memref<10112x16xf32, #tpu.memory_space<hbm>>
    tpu.enqueue_indirect_dma source(%dma_start3A_14 : memref<10112x16xf32, #tpu.memory_space<hbm>>) target(%arg12 : memref<96x16xf32, #tpu.memory_space<vmem>>) offsets(%dma_start3A_11 : memref<96xi32, #tpu.memory_space<vmem>>) semaphore(%arg19 : memref<!tpu.dma_semaphore, #tpu.memory_space<semaphore_mem>>)
    %dma_start3A_15 = arith.constant 0 : i32
    %dma_start3A_16 = arith.constant 0 : i32
    %dma_start3A_17 = tpu.memref_slice %arg11[%dma_start3A_15, %dma_start3A_16] : memref<108x96xi32, #tpu.memory_space<vmem>> -> memref<1x96xi32, #tpu.memory_space<vmem>>
    %dma_start3A_18 = tpu.memref_squeeze %dma_start3A_17 : memref<1x96xi32, #tpu.memory_space<vmem>> -> memref<96xi32, #tpu.memory_space<vmem>>
    %dma_start3A_19 = arith.constant 0 : i32
    %dma_start3A_20 = arith.constant 0 : i32
    %dma_start3A_21 = tpu.memref_slice %arg5[%dma_start3A_19, %dma_start3A_20] : memref<10112x16xf32, #tpu.memory_space<hbm>> -> memref<10112x16xf32, #tpu.memory_space<hbm>>
    tpu.enqueue_indirect_dma source(%dma_start3A_21 : memref<10112x16xf32, #tpu.memory_space<hbm>>) target(%arg14 : memref<96x16xf32, #tpu.memory_space<vmem>>) offsets(%dma_start3A_18 : memref<96xi32, #tpu.memory_space<vmem>>) semaphore(%arg21 : memref<!tpu.dma_semaphore, #tpu.memory_space<semaphore_mem>>)
    %scan3A = arith.constant 0 : i32
    %scan3A_22 = arith.constant 0 : i32
    %scan3A_23 = arith.constant 54 : i32
    %scan3A_24 = arith.addi %scan3A_22, %scan3A_23 : i32
    %scan3A_25 = arith.constant 1 : i32
    scf.for %scan3A_28 = %scan3A_22 to %scan3A_24 step %scan3A_25  : i32 {
      %mul3A_29 = arith.constant 2 : i32
      %mul3A_30 = arith.muli %scan3A_28, %mul3A_29 : i32
      %add3A_31 = arith.constant 0 : i32
      %add3A_32 = arith.addi %mul3A_30, %add3A_31 : i32
      %dma_wait3A = arith.constant 0 : i32
      %dma_wait3A_33 = tpu.memref_slice %arg10[%add3A_32, %dma_wait3A] : memref<108x96xi32, #tpu.memory_space<vmem>> -> memref<1x96xi32, #tpu.memory_space<vmem>>
      %dma_wait3A_34 = tpu.memref_squeeze %dma_wait3A_33 : memref<1x96xi32, #tpu.memory_space<vmem>> -> memref<96xi32, #tpu.memory_space<vmem>>
      %dma_wait3A_35 = arith.constant 0 : i32
      %dma_wait3A_36 = arith.constant 0 : i32
      %dma_wait3A_37 = tpu.memref_slice %arg4[%dma_wait3A_35, %dma_wait3A_36] : memref<10112x16xf32, #tpu.memory_space<hbm>> -> memref<10112x16xf32, #tpu.memory_space<hbm>>
      tpu.wait_indirect_dma semaphore(%arg19 : memref<!tpu.dma_semaphore, #tpu.memory_space<semaphore_mem>>) src(%dma_wait3A_37 : memref<10112x16xf32, #tpu.memory_space<hbm>>) dst(%arg12 : memref<96x16xf32, #tpu.memory_space<vmem>>)
      %dma_wait3A_38 = arith.constant 0 : i32
      %dma_wait3A_39 = tpu.memref_slice %arg11[%add3A_32, %dma_wait3A_38] : memref<108x96xi32, #tpu.memory_space<vmem>> -> memref<1x96xi32, #tpu.memory_space<vmem>>
      %dma_wait3A_40 = tpu.memref_squeeze %dma_wait3A_39 : memref<1x96xi32, #tpu.memory_space<vmem>> -> memref<96xi32, #tpu.memory_space<vmem>>
      %dma_wait3A_41 = arith.constant 0 : i32
      %dma_wait3A_42 = arith.constant 0 : i32
      %dma_wait3A_43 = tpu.memref_slice %arg5[%dma_wait3A_41, %dma_wait3A_42] : memref<10112x16xf32, #tpu.memory_space<hbm>> -> memref<10112x16xf32, #tpu.memory_space<hbm>>
      tpu.wait_indirect_dma semaphore(%arg21 : memref<!tpu.dma_semaphore, #tpu.memory_space<semaphore_mem>>) src(%dma_wait3A_43 : memref<10112x16xf32, #tpu.memory_space<hbm>>) dst(%arg14 : memref<96x16xf32, #tpu.memory_space<vmem>>)
      %add3A_44 = arith.constant 1 : i32
      %add3A_45 = arith.addi %add3A_32, %add3A_44 : i32
      %lt3A = arith.constant 108 : i32
      %lt3A_46 = arith.cmpi slt, %add3A_45, %lt3A : i32
      %convert_element_type3A = arith.extui %lt3A_46 : i1 to i32
      %cond3A = arith.constant 0 : i32
      %cond3A_47 = arith.cmpi ne, %convert_element_type3A, %cond3A : i32
      scf.if %cond3A_47 {
        %dma_start3A_86 = arith.constant 0 : i32
        %dma_start3A_87 = tpu.memref_slice %arg10[%add3A_45, %dma_start3A_86] : memref<108x96xi32, #tpu.memory_space<vmem>> -> memref<1x96xi32, #tpu.memory_space<vmem>>
        %dma_start3A_88 = tpu.memref_squeeze %dma_start3A_87 : memref<1x96xi32, #tpu.memory_space<vmem>> -> memref<96xi32, #tpu.memory_space<vmem>>
        %dma_start3A_89 = arith.constant 0 : i32
        %dma_start3A_90 = arith.constant 0 : i32
        %dma_start3A_91 = tpu.memref_slice %arg4[%dma_start3A_89, %dma_start3A_90] : memref<10112x16xf32, #tpu.memory_space<hbm>> -> memref<10112x16xf32, #tpu.memory_space<hbm>>
        tpu.enqueue_indirect_dma source(%dma_start3A_91 : memref<10112x16xf32, #tpu.memory_space<hbm>>) target(%arg13 : memref<96x16xf32, #tpu.memory_space<vmem>>) offsets(%dma_start3A_88 : memref<96xi32, #tpu.memory_space<vmem>>) semaphore(%arg20 : memref<!tpu.dma_semaphore, #tpu.memory_space<semaphore_mem>>)
        %dma_start3A_92 = arith.constant 0 : i32
        %dma_start3A_93 = tpu.memref_slice %arg11[%add3A_45, %dma_start3A_92] : memref<108x96xi32, #tpu.memory_space<vmem>> -> memref<1x96xi32, #tpu.memory_space<vmem>>
        %dma_start3A_94 = tpu.memref_squeeze %dma_start3A_93 : memref<1x96xi32, #tpu.memory_space<vmem>> -> memref<96xi32, #tpu.memory_space<vmem>>
        %dma_start3A_95 = arith.constant 0 : i32
        %dma_start3A_96 = arith.constant 0 : i32
        %dma_start3A_97 = tpu.memref_slice %arg5[%dma_start3A_95, %dma_start3A_96] : memref<10112x16xf32, #tpu.memory_space<hbm>> -> memref<10112x16xf32, #tpu.memory_space<hbm>>
        tpu.enqueue_indirect_dma source(%dma_start3A_97 : memref<10112x16xf32, #tpu.memory_space<hbm>>) target(%arg15 : memref<96x16xf32, #tpu.memory_space<vmem>>) offsets(%dma_start3A_94 : memref<96xi32, #tpu.memory_space<vmem>>) semaphore(%arg22 : memref<!tpu.dma_semaphore, #tpu.memory_space<semaphore_mem>>)
      } else {
      }
      %parallel_loop3A = arith.constant 0 : i32
      %parallel_loop3A_48 = arith.constant 96 : i32
      %parallel_loop3A_49 = arith.constant 1 : i32
      scf.for %parallel_loop3A_86 = %parallel_loop3A to %parallel_loop3A_48 step %parallel_loop3A_49  : i32 {
        %parallel_loop3A_87 = arith.index_cast %parallel_loop3A_86 : i32 to index
        %parallel_loop3A_88 = arith.constant 0 : index
        %parallel_loop3A_89 = tpu.vector_load %arg12[%parallel_loop3A_87, %parallel_loop3A_88] {strides = array<i32>} : memref<96x16xf32, #tpu.memory_space<vmem>>, vector<1x16xf32>,
        %parallel_loop3A_90 = vector.shape_cast %parallel_loop3A_89 : vector<1x16xf32> to vector<16xf32>
        %parallel_loop3A_91 = arith.index_cast %parallel_loop3A_86 : i32 to index
        %parallel_loop3A_92 = arith.constant 0 : index
        %parallel_loop3A_93 = tpu.vector_load %arg14[%parallel_loop3A_91, %parallel_loop3A_92] {strides = array<i32>} : memref<96x16xf32, #tpu.memory_space<vmem>>, vector<1x16xf32>,
        %parallel_loop3A_94 = vector.shape_cast %parallel_loop3A_93 : vector<1x16xf32> to vector<16xf32>
        %parallel_loop3A_95 = arith.addf %parallel_loop3A_90, %parallel_loop3A_94 : vector<16xf32>
        %parallel_loop3A_96 = arith.constant 0.000000e+00 : f32
        %parallel_loop3A_97 = vector.broadcast %parallel_loop3A_96 : f32 to vector<16xf32>
        %parallel_loop3A_98 = arith.cmpf ogt, %parallel_loop3A_95, %parallel_loop3A_97 : vector<16xf32>
        %parallel_loop3A_99 = arith.constant 2.000000e-01 : f32
        %parallel_loop3A_100 = vector.broadcast %parallel_loop3A_99 : f32 to vector<16xf32>
        %parallel_loop3A_101 = arith.mulf %parallel_loop3A_95, %parallel_loop3A_100 : vector<16xf32>
        %parallel_loop3A_102 = arith.select %parallel_loop3A_98, %parallel_loop3A_95, %parallel_loop3A_101 : vector<16xi1>, vector<16xf32>
        %parallel_loop3A_103 = arith.addf %get3A_8, %parallel_loop3A_94 : vector<16xf32>
        %parallel_loop3A_104 = arith.constant 0.000000e+00 : f32
        %parallel_loop3A_105 = vector.broadcast %parallel_loop3A_104 : f32 to vector<16xf32>
        %parallel_loop3A_106 = arith.cmpf ogt, %parallel_loop3A_103, %parallel_loop3A_105 : vector<16xf32>
        %parallel_loop3A_107 = arith.constant 2.000000e-01 : f32
        %parallel_loop3A_108 = vector.broadcast %parallel_loop3A_107 : f32 to vector<16xf32>
        %parallel_loop3A_109 = arith.mulf %parallel_loop3A_103, %parallel_loop3A_108 : vector<16xf32>
        %parallel_loop3A_110 = arith.select %parallel_loop3A_106, %parallel_loop3A_103, %parallel_loop3A_109 : vector<16xi1>, vector<16xf32>
        %parallel_loop3A_111 = arith.subf %parallel_loop3A_102, %parallel_loop3A_110 : vector<16xf32>
        %parallel_loop3A_112 = math.exp %parallel_loop3A_111 : vector<16xf32>
        %parallel_loop3A_113 = arith.index_cast %parallel_loop3A_86 : i32 to index
        %parallel_loop3A_114 = arith.constant 0 : index
        %parallel_loop3A_115 = tpu.vector_load %arg16[%parallel_loop3A_113, %parallel_loop3A_114] {strides = array<i32>} : memref<96x16xf32, #tpu.memory_space<vmem>>, vector<1x16xf32>,
        %parallel_loop3A_116 = vector.shape_cast %parallel_loop3A_115 : vector<1x16xf32> to vector<16xf32>
        %parallel_loop3A_117 = vector.shape_cast %parallel_loop3A_112 : vector<16xf32> to vector<1x16xf32>
        tpu.vector_store %arg16[%parallel_loop3A_113, %parallel_loop3A_114], %parallel_loop3A_117 {strides = array<i32>} : memref<96x16xf32, #tpu.memory_space<vmem>>, vector<1x16xf32>,
      } {sc.loop_unroll_factor = 4 : i64, sc.parallel_access}
      "tpu.region"() ({
        %run_scoped3A = tpu.sem_alloc : memref<!tpu.dma_semaphore, #tpu.memory_space<semaphore_mem>>
        %dma_start3A_86 = arith.constant 0 : i32
        %dma_start3A_87 = tpu.memref_slice %arg11[%add3A_32, %dma_start3A_86] : memref<108x96xi32, #tpu.memory_space<vmem>> -> memref<1x96xi32, #tpu.memory_space<vmem>>
        %dma_start3A_88 = tpu.memref_squeeze %dma_start3A_87 : memref<1x96xi32, #tpu.memory_space<vmem>> -> memref<96xi32, #tpu.memory_space<vmem>>
        %dma_start3A_89 = arith.constant 0 : i32
        %dma_start3A_90 = arith.constant 0 : i32
        %dma_start3A_91 = tpu.memref_slice %arg18[%dma_start3A_89, %dma_start3A_90] : memref<10112x16xf32, #tpu.memory_space<vmem_shared>> -> memref<10112x16xf32, #tpu.memory_space<vmem_shared>>
        tpu.enqueue_indirect_dma source(%arg16 : memref<96x16xf32, #tpu.memory_space<vmem>>) target(%dma_start3A_91 : memref<10112x16xf32, #tpu.memory_space<vmem_shared>>) offsets(%dma_start3A_88 : memref<96xi32, #tpu.memory_space<vmem>>) semaphore(%run_scoped3A : memref<!tpu.dma_semaphore, #tpu.memory_space<semaphore_mem>>) {add = true}
        %dma_wait3A_92 = arith.constant 0 : i32
        %dma_wait3A_93 = tpu.memref_slice %arg11[%add3A_32, %dma_wait3A_92] : memref<108x96xi32, #tpu.memory_space<vmem>> -> memref<1x96xi32, #tpu.memory_space<vmem>>
        %dma_wait3A_94 = tpu.memref_squeeze %dma_wait3A_93 : memref<1x96xi32, #tpu.memory_space<vmem>> -> memref<96xi32, #tpu.memory_space<vmem>>
        %dma_wait3A_95 = arith.constant 0 : i32
        %dma_wait3A_96 = arith.constant 0 : i32
        %dma_wait3A_97 = tpu.memref_slice %arg18[%dma_wait3A_95, %dma_wait3A_96] : memref<10112x16xf32, #tpu.memory_space<vmem_shared>> -> memref<10112x16xf32, #tpu.memory_space<vmem_shared>>
        tpu.wait_indirect_dma semaphore(%run_scoped3A : memref<!tpu.dma_semaphore, #tpu.memory_space<semaphore_mem>>) src(%arg16 : memref<96x16xf32, #tpu.memory_space<vmem>>) dst(%dma_wait3A_97 : memref<10112x16xf32, #tpu.memory_space<vmem_shared>>)
        tpu.yield
      }) : () -> ()
      %mul3A_50 = arith.constant 108 : i32
      %mul3A_51 = arith.muli %add3A, %mul3A_50 : i32
      %add3A_52 = arith.addi %mul3A_51, %add3A_32 : i32
      %mul3A_53 = arith.constant 96 : i32
      %mul3A_54 = arith.muli %add3A_52, %mul3A_53 : i32
      "tpu.region"() ({
        %run_scoped3A = tpu.sem_alloc : memref<!tpu.dma_semaphore, #tpu.memory_space<semaphore_mem>>
        %dma_start3A_86 = arith.constant 0 : i32
        %dma_start3A_87 = tpu.memref_slice %arg9[%mul3A_54, %dma_start3A_86] : memref<331776x16xf32, #tpu.memory_space<hbm>> -> memref<96x16xf32, #tpu.memory_space<hbm>>
        %dma_start3A_88 = arith.constant 0 : i32
        %dma_start3A_89 = tpu.memref_slice %arg9[%mul3A_54, %dma_start3A_88] : memref<331776x16xf32, #tpu.memory_space<hbm>> -> memref<96x16xf32, #tpu.memory_space<hbm>>
        tpu.enqueue_dma source(%arg16 : memref<96x16xf32, #tpu.memory_space<vmem>>) target(%dma_start3A_89 : memref<96x16xf32, #tpu.memory_space<hbm>>) target_semaphore(%run_scoped3A : memref<!tpu.dma_semaphore, #tpu.memory_space<semaphore_mem>>)
        %dma_wait3A_90 = arith.constant 0 : i32
        %dma_wait3A_91 = tpu.memref_slice %arg9[%mul3A_54, %dma_wait3A_90] : memref<331776x16xf32, #tpu.memory_space<hbm>> -> memref<96x16xf32, #tpu.memory_space<hbm>>
        %dma_wait3A_92 = arith.constant 0 : i32
        %dma_wait3A_93 = tpu.memref_slice %arg9[%mul3A_54, %dma_wait3A_92] : memref<331776x16xf32, #tpu.memory_space<hbm>> -> memref<96x16xf32, #tpu.memory_space<hbm>>
        tpu.wait_dma2 semaphore(%run_scoped3A : memref<!tpu.dma_semaphore, #tpu.memory_space<semaphore_mem>>) src(%arg16 : memref<96x16xf32, #tpu.memory_space<vmem>>) dst(%dma_wait3A_93 : memref<96x16xf32, #tpu.memory_space<hbm>>)
        tpu.yield
      }) : () -> ()
      %mul3A_55 = arith.constant 2 : i32
      %mul3A_56 = arith.muli %scan3A_28, %mul3A_55 : i32
      %add3A_57 = arith.constant 1 : i32
      %add3A_58 = arith.addi %mul3A_56, %add3A_57 : i32
      %dma_wait3A_59 = arith.constant 0 : i32
      %dma_wait3A_60 = tpu.memref_slice %arg10[%add3A_58, %dma_wait3A_59] : memref<108x96xi32, #tpu.memory_space<vmem>> -> memref<1x96xi32, #tpu.memory_space<vmem>>
      %dma_wait3A_61 = tpu.memref_squeeze %dma_wait3A_60 : memref<1x96xi32, #tpu.memory_space<vmem>> -> memref<96xi32, #tpu.memory_space<vmem>>
      %dma_wait3A_62 = arith.constant 0 : i32
      %dma_wait3A_63 = arith.constant 0 : i32
      %dma_wait3A_64 = tpu.memref_slice %arg4[%dma_wait3A_62, %dma_wait3A_63] : memref<10112x16xf32, #tpu.memory_space<hbm>> -> memref<10112x16xf32, #tpu.memory_space<hbm>>
      tpu.wait_indirect_dma semaphore(%arg20 : memref<!tpu.dma_semaphore, #tpu.memory_space<semaphore_mem>>) src(%dma_wait3A_64 : memref<10112x16xf32, #tpu.memory_space<hbm>>) dst(%arg13 : memref<96x16xf32, #tpu.memory_space<vmem>>)
      %dma_wait3A_65 = arith.constant 0 : i32
      %dma_wait3A_66 = tpu.memref_slice %arg11[%add3A_58, %dma_wait3A_65] : memref<108x96xi32, #tpu.memory_space<vmem>> -> memref<1x96xi32, #tpu.memory_space<vmem>>
      %dma_wait3A_67 = tpu.memref_squeeze %dma_wait3A_66 : memref<1x96xi32, #tpu.memory_space<vmem>> -> memref<96xi32, #tpu.memory_space<vmem>>
      %dma_wait3A_68 = arith.constant 0 : i32
      %dma_wait3A_69 = arith.constant 0 : i32
      %dma_wait3A_70 = tpu.memref_slice %arg5[%dma_wait3A_68, %dma_wait3A_69] : memref<10112x16xf32, #tpu.memory_space<hbm>> -> memref<10112x16xf32, #tpu.memory_space<hbm>>
      tpu.wait_indirect_dma semaphore(%arg22 : memref<!tpu.dma_semaphore, #tpu.memory_space<semaphore_mem>>) src(%dma_wait3A_70 : memref<10112x16xf32, #tpu.memory_space<hbm>>) dst(%arg15 : memref<96x16xf32, #tpu.memory_space<vmem>>)
      %add3A_71 = arith.constant 1 : i32
      %add3A_72 = arith.addi %add3A_58, %add3A_71 : i32
      %lt3A_73 = arith.constant 108 : i32
      %lt3A_74 = arith.cmpi slt, %add3A_72, %lt3A_73 : i32
      %convert_element_type3A_75 = arith.extui %lt3A_74 : i1 to i32
      %cond3A_76 = arith.constant 0 : i32
      %cond3A_77 = arith.cmpi ne, %convert_element_type3A_75, %cond3A_76 : i32
      scf.if %cond3A_77 {
        %dma_start3A_86 = arith.constant 0 : i32
        %dma_start3A_87 = tpu.memref_slice %arg10[%add3A_72, %dma_start3A_86] : memref<108x96xi32, #tpu.memory_space<vmem>> -> memref<1x96xi32, #tpu.memory_space<vmem>>
        %dma_start3A_88 = tpu.memref_squeeze %dma_start3A_87 : memref<1x96xi32, #tpu.memory_space<vmem>> -> memref<96xi32, #tpu.memory_space<vmem>>
        %dma_start3A_89 = arith.constant 0 : i32
        %dma_start3A_90 = arith.constant 0 : i32
        %dma_start3A_91 = tpu.memref_slice %arg4[%dma_start3A_89, %dma_start3A_90] : memref<10112x16xf32, #tpu.memory_space<hbm>> -> memref<10112x16xf32, #tpu.memory_space<hbm>>
        tpu.enqueue_indirect_dma source(%dma_start3A_91 : memref<10112x16xf32, #tpu.memory_space<hbm>>) target(%arg12 : memref<96x16xf32, #tpu.memory_space<vmem>>) offsets(%dma_start3A_88 : memref<96xi32, #tpu.memory_space<vmem>>) semaphore(%arg19 : memref<!tpu.dma_semaphore, #tpu.memory_space<semaphore_mem>>)
        %dma_start3A_92 = arith.constant 0 : i32
        %dma_start3A_93 = tpu.memref_slice %arg11[%add3A_72, %dma_start3A_92] : memref<108x96xi32, #tpu.memory_space<vmem>> -> memref<1x96xi32, #tpu.memory_space<vmem>>
        %dma_start3A_94 = tpu.memref_squeeze %dma_start3A_93 : memref<1x96xi32, #tpu.memory_space<vmem>> -> memref<96xi32, #tpu.memory_space<vmem>>
        %dma_start3A_95 = arith.constant 0 : i32
        %dma_start3A_96 = arith.constant 0 : i32
        %dma_start3A_97 = tpu.memref_slice %arg5[%dma_start3A_95, %dma_start3A_96] : memref<10112x16xf32, #tpu.memory_space<hbm>> -> memref<10112x16xf32, #tpu.memory_space<hbm>>
        tpu.enqueue_indirect_dma source(%dma_start3A_97 : memref<10112x16xf32, #tpu.memory_space<hbm>>) target(%arg14 : memref<96x16xf32, #tpu.memory_space<vmem>>) offsets(%dma_start3A_94 : memref<96xi32, #tpu.memory_space<vmem>>) semaphore(%arg21 : memref<!tpu.dma_semaphore, #tpu.memory_space<semaphore_mem>>)
      } else {
      }
      %parallel_loop3A_78 = arith.constant 0 : i32
      %parallel_loop3A_79 = arith.constant 96 : i32
      %parallel_loop3A_80 = arith.constant 1 : i32
      scf.for %parallel_loop3A_86 = %parallel_loop3A_78 to %parallel_loop3A_79 step %parallel_loop3A_80  : i32 {
        %parallel_loop3A_87 = arith.index_cast %parallel_loop3A_86 : i32 to index
        %parallel_loop3A_88 = arith.constant 0 : index
        %parallel_loop3A_89 = tpu.vector_load %arg13[%parallel_loop3A_87, %parallel_loop3A_88] {strides = array<i32>} : memref<96x16xf32, #tpu.memory_space<vmem>>, vector<1x16xf32>,
        %parallel_loop3A_90 = vector.shape_cast %parallel_loop3A_89 : vector<1x16xf32> to vector<16xf32>
        %parallel_loop3A_91 = arith.index_cast %parallel_loop3A_86 : i32 to index
        %parallel_loop3A_92 = arith.constant 0 : index
        %parallel_loop3A_93 = tpu.vector_load %arg15[%parallel_loop3A_91, %parallel_loop3A_92] {strides = array<i32>} : memref<96x16xf32, #tpu.memory_space<vmem>>, vector<1x16xf32>,
        %parallel_loop3A_94 = vector.shape_cast %parallel_loop3A_93 : vector<1x16xf32> to vector<16xf32>
        %parallel_loop3A_95 = arith.addf %parallel_loop3A_90, %parallel_loop3A_94 : vector<16xf32>
        %parallel_loop3A_96 = arith.constant 0.000000e+00 : f32
        %parallel_loop3A_97 = vector.broadcast %parallel_loop3A_96 : f32 to vector<16xf32>
        %parallel_loop3A_98 = arith.cmpf ogt, %parallel_loop3A_95, %parallel_loop3A_97 : vector<16xf32>
        %parallel_loop3A_99 = arith.constant 2.000000e-01 : f32
        %parallel_loop3A_100 = vector.broadcast %parallel_loop3A_99 : f32 to vector<16xf32>
        %parallel_loop3A_101 = arith.mulf %parallel_loop3A_95, %parallel_loop3A_100 : vector<16xf32>
        %parallel_loop3A_102 = arith.select %parallel_loop3A_98, %parallel_loop3A_95, %parallel_loop3A_101 : vector<16xi1>, vector<16xf32>
        %parallel_loop3A_103 = arith.addf %get3A_8, %parallel_loop3A_94 : vector<16xf32>
        %parallel_loop3A_104 = arith.constant 0.000000e+00 : f32
        %parallel_loop3A_105 = vector.broadcast %parallel_loop3A_104 : f32 to vector<16xf32>
        %parallel_loop3A_106 = arith.cmpf ogt, %parallel_loop3A_103, %parallel_loop3A_105 : vector<16xf32>
        %parallel_loop3A_107 = arith.constant 2.000000e-01 : f32
        %parallel_loop3A_108 = vector.broadcast %parallel_loop3A_107 : f32 to vector<16xf32>
        %parallel_loop3A_109 = arith.mulf %parallel_loop3A_103, %parallel_loop3A_108 : vector<16xf32>
        %parallel_loop3A_110 = arith.select %parallel_loop3A_106, %parallel_loop3A_103, %parallel_loop3A_109 : vector<16xi1>, vector<16xf32>
        %parallel_loop3A_111 = arith.subf %parallel_loop3A_102, %parallel_loop3A_110 : vector<16xf32>
        %parallel_loop3A_112 = math.exp %parallel_loop3A_111 : vector<16xf32>
        %parallel_loop3A_113 = arith.index_cast %parallel_loop3A_86 : i32 to index
        %parallel_loop3A_114 = arith.constant 0 : index
        %parallel_loop3A_115 = tpu.vector_load %arg16[%parallel_loop3A_113, %parallel_loop3A_114] {strides = array<i32>} : memref<96x16xf32, #tpu.memory_space<vmem>>, vector<1x16xf32>,
        %parallel_loop3A_116 = vector.shape_cast %parallel_loop3A_115 : vector<1x16xf32> to vector<16xf32>
        %parallel_loop3A_117 = vector.shape_cast %parallel_loop3A_112 : vector<16xf32> to vector<1x16xf32>
        tpu.vector_store %arg16[%parallel_loop3A_113, %parallel_loop3A_114], %parallel_loop3A_117 {strides = array<i32>} : memref<96x16xf32, #tpu.memory_space<vmem>>, vector<1x16xf32>,
      } {sc.loop_unroll_factor = 4 : i64, sc.parallel_access}
      "tpu.region"() ({
        %run_scoped3A = tpu.sem_alloc : memref<!tpu.dma_semaphore, #tpu.memory_space<semaphore_mem>>
        %dma_start3A_86 = arith.constant 0 : i32
        %dma_start3A_87 = tpu.memref_slice %arg11[%add3A_58, %dma_start3A_86] : memref<108x96xi32, #tpu.memory_space<vmem>> -> memref<1x96xi32, #tpu.memory_space<vmem>>
        %dma_start3A_88 = tpu.memref_squeeze %dma_start3A_87 : memref<1x96xi32, #tpu.memory_space<vmem>> -> memref<96xi32, #tpu.memory_space<vmem>>
        %dma_start3A_89 = arith.constant 0 : i32
        %dma_start3A_90 = arith.constant 0 : i32
        %dma_start3A_91 = tpu.memref_slice %arg18[%dma_start3A_89, %dma_start3A_90] : memref<10112x16xf32, #tpu.memory_space<vmem_shared>> -> memref<10112x16xf32, #tpu.memory_space<vmem_shared>>
        tpu.enqueue_indirect_dma source(%arg16 : memref<96x16xf32, #tpu.memory_space<vmem>>) target(%dma_start3A_91 : memref<10112x16xf32, #tpu.memory_space<vmem_shared>>) offsets(%dma_start3A_88 : memref<96xi32, #tpu.memory_space<vmem>>) semaphore(%run_scoped3A : memref<!tpu.dma_semaphore, #tpu.memory_space<semaphore_mem>>) {add = true}
        %dma_wait3A_92 = arith.constant 0 : i32
        %dma_wait3A_93 = tpu.memref_slice %arg11[%add3A_58, %dma_wait3A_92] : memref<108x96xi32, #tpu.memory_space<vmem>> -> memref<1x96xi32, #tpu.memory_space<vmem>>
        %dma_wait3A_94 = tpu.memref_squeeze %dma_wait3A_93 : memref<1x96xi32, #tpu.memory_space<vmem>> -> memref<96xi32, #tpu.memory_space<vmem>>
        %dma_wait3A_95 = arith.constant 0 : i32
        %dma_wait3A_96 = arith.constant 0 : i32
        %dma_wait3A_97 = tpu.memref_slice %arg18[%dma_wait3A_95, %dma_wait3A_96] : memref<10112x16xf32, #tpu.memory_space<vmem_shared>> -> memref<10112x16xf32, #tpu.memory_space<vmem_shared>>
        tpu.wait_indirect_dma semaphore(%run_scoped3A : memref<!tpu.dma_semaphore, #tpu.memory_space<semaphore_mem>>) src(%arg16 : memref<96x16xf32, #tpu.memory_space<vmem>>) dst(%dma_wait3A_97 : memref<10112x16xf32, #tpu.memory_space<vmem_shared>>)
        tpu.yield
      }) : () -> ()
      %mul3A_81 = arith.constant 108 : i32
      %mul3A_82 = arith.muli %add3A, %mul3A_81 : i32
      %add3A_83 = arith.addi %mul3A_82, %add3A_58 : i32
      %mul3A_84 = arith.constant 96 : i32
      %mul3A_85 = arith.muli %add3A_83, %mul3A_84 : i32
      "tpu.region"() ({
        %run_scoped3A = tpu.sem_alloc : memref<!tpu.dma_semaphore, #tpu.memory_space<semaphore_mem>>
        %dma_start3A_86 = arith.constant 0 : i32
        %dma_start3A_87 = tpu.memref_slice %arg9[%mul3A_85, %dma_start3A_86] : memref<331776x16xf32, #tpu.memory_space<hbm>> -> memref<96x16xf32, #tpu.memory_space<hbm>>
        %dma_start3A_88 = arith.constant 0 : i32
        %dma_start3A_89 = tpu.memref_slice %arg9[%mul3A_85, %dma_start3A_88] : memref<331776x16xf32, #tpu.memory_space<hbm>> -> memref<96x16xf32, #tpu.memory_space<hbm>>
        tpu.enqueue_dma source(%arg16 : memref<96x16xf32, #tpu.memory_space<vmem>>) target(%dma_start3A_89 : memref<96x16xf32, #tpu.memory_space<hbm>>) target_semaphore(%run_scoped3A : memref<!tpu.dma_semaphore, #tpu.memory_space<semaphore_mem>>)
        %dma_wait3A_90 = arith.constant 0 : i32
        %dma_wait3A_91 = tpu.memref_slice %arg9[%mul3A_85, %dma_wait3A_90] : memref<331776x16xf32, #tpu.memory_space<hbm>> -> memref<96x16xf32, #tpu.memory_space<hbm>>
        %dma_wait3A_92 = arith.constant 0 : i32
        %dma_wait3A_93 = tpu.memref_slice %arg9[%mul3A_85, %dma_wait3A_92] : memref<331776x16xf32, #tpu.memory_space<hbm>> -> memref<96x16xf32, #tpu.memory_space<hbm>>
        tpu.wait_dma2 semaphore(%run_scoped3A : memref<!tpu.dma_semaphore, #tpu.memory_space<semaphore_mem>>) src(%arg16 : memref<96x16xf32, #tpu.memory_space<vmem>>) dst(%dma_wait3A_93 : memref<96x16xf32, #tpu.memory_space<hbm>>)
        tpu.yield
      }) : () -> ()
    }
    %scan3A_26 = arith.constant 54 : i32
    %barrier3A_27 = arith.constant 0 : index
    tpu.barrier barrier_id(%barrier3A_27)
    "tpu.region"() ({
      %run_scoped3A = tpu.sem_alloc : memref<!tpu.dma_semaphore, #tpu.memory_space<semaphore_mem>>
      %dma_start3A_28 = arith.constant 0 : i32
      %dma_start3A_29 = tpu.memref_slice %arg8[%arg0, %mul3A_2, %dma_start3A_28] : memref<2x10112x16xf32, #tpu.memory_space<hbm>> -> memref<1x632x16xf32, #tpu.memory_space<hbm>>
      %dma_start3A_30 = tpu.memref_squeeze %dma_start3A_29 : memref<1x632x16xf32, #tpu.memory_space<hbm>> -> memref<632x16xf32, #tpu.memory_space<hbm>>
      %dma_start3A_31 = arith.constant 0 : i32
      %dma_start3A_32 = tpu.memref_slice %arg18[%mul3A_2, %dma_start3A_31] : memref<10112x16xf32, #tpu.memory_space<vmem_shared>> -> memref<632x16xf32, #tpu.memory_space<vmem_shared>>
      tpu.enqueue_dma source(%dma_start3A_32 : memref<632x16xf32, #tpu.memory_space<vmem_shared>>) target(%dma_start3A_30 : memref<632x16xf32, #tpu.memory_space<hbm>>) target_semaphore(%run_scoped3A : memref<!tpu.dma_semaphore, #tpu.memory_space<semaphore_mem>>)
      %dma_wait3A = arith.constant 0 : i32
      %dma_wait3A_33 = tpu.memref_slice %arg8[%arg0, %mul3A_2, %dma_wait3A] : memref<2x10112x16xf32, #tpu.memory_space<hbm>> -> memref<1x632x16xf32, #tpu.memory_space<hbm>>
      %dma_wait3A_34 = tpu.memref_squeeze %dma_wait3A_33 : memref<1x632x16xf32, #tpu.memory_space<hbm>> -> memref<632x16xf32, #tpu.memory_space<hbm>>
      %dma_wait3A_35 = arith.constant 0 : i32
      %dma_wait3A_36 = tpu.memref_slice %arg18[%mul3A_2, %dma_wait3A_35] : memref<10112x16xf32, #tpu.memory_space<vmem_shared>> -> memref<632x16xf32, #tpu.memory_space<vmem_shared>>
      tpu.wait_dma2 semaphore(%run_scoped3A : memref<!tpu.dma_semaphore, #tpu.memory_space<semaphore_mem>>) src(%dma_wait3A_36 : memref<632x16xf32, #tpu.memory_space<vmem_shared>>) dst(%dma_wait3A_34 : memref<632x16xf32, #tpu.memory_space<hbm>>)
      tpu.yield
    }) : () -> ()
    return
  }
}

#map = affine_map<(d0, d1) -> (0)>
#map1 = affine_map<(d0, d1) -> (0, 0)>
#map2 = affine_map<(d0, d1) -> (0, 0, 0)>
module attributes {stable_mosaic.version = 14 : i64} {
  func.func @_sc_msgs_body(%arg0: i32, %arg1: i32, %arg2: memref<331776xi32, #tpu.memory_space<hbm>>, %arg3: memref<13824x24xi32, #tpu.memory_space<hbm>>, %arg4: memref<10112x16xf32, #tpu.memory_space<hbm>>, %arg5: memref<10000x1024xbf16, #tpu.memory_space<hbm>>, %arg6: memref<331776x16xf32, #tpu.memory_space<hbm>>, %arg7: memref<10112x128xf32, #tpu.memory_space<hbm>>, %arg8: memref<2x10112x128xf32, #tpu.memory_space<hbm>>, %arg9: memref<432x24xi32, #tpu.memory_space<vmem>>, %arg10: memref<24xi32, #tpu.memory_space<vmem>>, %arg11: memref<24xi32, #tpu.memory_space<vmem>>, %arg12: memref<24x16xf32, #tpu.memory_space<vmem>>, %arg13: memref<24x16xf32, #tpu.memory_space<vmem>>, %arg14: memref<24x1024xbf16, #tpu.memory_space<vmem>>, %arg15: memref<24x1024xbf16, #tpu.memory_space<vmem>>, %arg16: memref<24x16xf32, #tpu.memory_space<vmem>>, %arg17: memref<24x16xf32, #tpu.memory_space<vmem>>, %arg18: memref<24x128xf32, #tpu.memory_space<vmem>>, %arg19: memref<24x128xf32, #tpu.memory_space<vmem>>, %arg20: memref<10112x128xf32, #tpu.memory_space<vmem_shared>>, %arg21: memref<!tpu.dma_semaphore, #tpu.memory_space<semaphore_mem>>, %arg22: memref<!tpu.dma_semaphore, #tpu.memory_space<semaphore_mem>>, %arg23: memref<!tpu.dma_semaphore, #tpu.memory_space<semaphore_mem>>, %arg24: memref<!tpu.dma_semaphore, #tpu.memory_space<semaphore_mem>>, %arg25: memref<!tpu.dma_semaphore, #tpu.memory_space<semaphore_mem>>, %arg26: memref<!tpu.dma_semaphore, #tpu.memory_space<semaphore_mem>>, %arg27: memref<!tpu.dma_semaphore, #tpu.memory_space<semaphore_mem>>, %arg28: memref<!tpu.dma_semaphore, #tpu.memory_space<semaphore_mem>>, %arg29: memref<!tpu.dma_semaphore, #tpu.memory_space<semaphore_mem>>, %arg30: memref<!tpu.dma_semaphore, #tpu.memory_space<semaphore_mem>>) attributes {dimension_semantics = [#tpu.dimension_semantics<core_parallel>, #tpu.dimension_semantics<subcore_parallel>], iteration_bounds = array<i64: 2, 16>, scalar_prefetch = 0 : i64, scratch_operands = 22 : i64, tpu.core_type = #tpu.core_type<sc_vector_subcore>, window_params = [{transform_indices = #map}, {transform_indices = #map1}, {transform_indices = #map1}, {transform_indices = #map1}, {transform_indices = #map1}, {transform_indices = #map1}, {transform_indices = #map2}]} {
    %mul3A = arith.constant 2 : i32
    %mul3A_0 = arith.muli %arg1, %mul3A : i32
    %add3A = arith.addi %mul3A_0, %arg0 : i32
    %mul3A_1 = arith.constant 632 : i32
    %mul3A_2 = arith.muli %arg1, %mul3A_1 : i32
    "tpu.region"() ({
      %run_scoped3A = tpu.sem_alloc : memref<!tpu.dma_semaphore, #tpu.memory_space<semaphore_mem>>
      %dma_start3A_70 = arith.constant 0 : i32
      %dma_start3A_71 = tpu.memref_slice %arg20[%mul3A_2, %dma_start3A_70] : memref<10112x128xf32, #tpu.memory_space<vmem_shared>> -> memref<632x128xf32, #tpu.memory_space<vmem_shared>>
      %dma_start3A_72 = arith.constant 0 : i32
      %dma_start3A_73 = tpu.memref_slice %arg7[%mul3A_2, %dma_start3A_72] : memref<10112x128xf32, #tpu.memory_space<hbm>> -> memref<632x128xf32, #tpu.memory_space<hbm>>
      tpu.enqueue_dma source(%dma_start3A_73 : memref<632x128xf32, #tpu.memory_space<hbm>>) target(%dma_start3A_71 : memref<632x128xf32, #tpu.memory_space<vmem_shared>>) target_semaphore(%run_scoped3A : memref<!tpu.dma_semaphore, #tpu.memory_space<semaphore_mem>>)
      %dma_wait3A_74 = arith.constant 0 : i32
      %dma_wait3A_75 = tpu.memref_slice %arg20[%mul3A_2, %dma_wait3A_74] : memref<10112x128xf32, #tpu.memory_space<vmem_shared>> -> memref<632x128xf32, #tpu.memory_space<vmem_shared>>
      %dma_wait3A_76 = arith.constant 0 : i32
      %dma_wait3A_77 = tpu.memref_slice %arg7[%mul3A_2, %dma_wait3A_76] : memref<10112x128xf32, #tpu.memory_space<hbm>> -> memref<632x128xf32, #tpu.memory_space<hbm>>
      tpu.wait_dma2 semaphore(%run_scoped3A : memref<!tpu.dma_semaphore, #tpu.memory_space<semaphore_mem>>) src(%dma_wait3A_77 : memref<632x128xf32, #tpu.memory_space<hbm>>) dst(%dma_wait3A_75 : memref<632x128xf32, #tpu.memory_space<vmem_shared>>)
      tpu.yield
    }) : () -> ()
    %mul3A_3 = arith.constant 432 : i32
    %mul3A_4 = arith.muli %add3A, %mul3A_3 : i32
    "tpu.region"() ({
      %run_scoped3A = tpu.sem_alloc : memref<!tpu.dma_semaphore, #tpu.memory_space<semaphore_mem>>
      %dma_start3A_70 = arith.constant 0 : i32
      %dma_start3A_71 = tpu.memref_slice %arg3[%mul3A_4, %dma_start3A_70] : memref<13824x24xi32, #tpu.memory_space<hbm>> -> memref<432x24xi32, #tpu.memory_space<hbm>>
      %dma_start3A_72 = arith.constant 0 : i32
      %dma_start3A_73 = tpu.memref_slice %arg3[%mul3A_4, %dma_start3A_72] : memref<13824x24xi32, #tpu.memory_space<hbm>> -> memref<432x24xi32, #tpu.memory_space<hbm>>
      tpu.enqueue_dma source(%dma_start3A_73 : memref<432x24xi32, #tpu.memory_space<hbm>>) target(%arg9 : memref<432x24xi32, #tpu.memory_space<vmem>>) target_semaphore(%run_scoped3A : memref<!tpu.dma_semaphore, #tpu.memory_space<semaphore_mem>>)
      %dma_wait3A_74 = arith.constant 0 : i32
      %dma_wait3A_75 = tpu.memref_slice %arg3[%mul3A_4, %dma_wait3A_74] : memref<13824x24xi32, #tpu.memory_space<hbm>> -> memref<432x24xi32, #tpu.memory_space<hbm>>
      %dma_wait3A_76 = arith.constant 0 : i32
      %dma_wait3A_77 = tpu.memref_slice %arg3[%mul3A_4, %dma_wait3A_76] : memref<13824x24xi32, #tpu.memory_space<hbm>> -> memref<432x24xi32, #tpu.memory_space<hbm>>
      tpu.wait_dma2 semaphore(%run_scoped3A : memref<!tpu.dma_semaphore, #tpu.memory_space<semaphore_mem>>) src(%dma_wait3A_77 : memref<432x24xi32, #tpu.memory_space<hbm>>) dst(%arg9 : memref<432x24xi32, #tpu.memory_space<vmem>>)
      tpu.yield
    }) : () -> ()
    %barrier3A = arith.constant 0 : index
    tpu.barrier barrier_id(%barrier3A)
    %broadcast_in_dim3A = arith.constant 0 : i32
    %broadcast_in_dim3A_5 = vector.broadcast %broadcast_in_dim3A : i32 to vector<16xi32>
    %broadcast_in_dim3A_6 = arith.constant 1 : i32
    %broadcast_in_dim3A_7 = vector.broadcast %broadcast_in_dim3A_6 : i32 to vector<16xi32>
    %broadcast_in_dim3A_8 = arith.constant 2 : i32
    %broadcast_in_dim3A_9 = vector.broadcast %broadcast_in_dim3A_8 : i32 to vector<16xi32>
    %broadcast_in_dim3A_10 = arith.constant 3 : i32
    %broadcast_in_dim3A_11 = vector.broadcast %broadcast_in_dim3A_10 : i32 to vector<16xi32>
    %broadcast_in_dim3A_12 = arith.constant 4 : i32
    %broadcast_in_dim3A_13 = vector.broadcast %broadcast_in_dim3A_12 : i32 to vector<16xi32>
    %broadcast_in_dim3A_14 = arith.constant 5 : i32
    %broadcast_in_dim3A_15 = vector.broadcast %broadcast_in_dim3A_14 : i32 to vector<16xi32>
    %broadcast_in_dim3A_16 = arith.constant 6 : i32
    %broadcast_in_dim3A_17 = vector.broadcast %broadcast_in_dim3A_16 : i32 to vector<16xi32>
    %broadcast_in_dim3A_18 = arith.constant 7 : i32
    %broadcast_in_dim3A_19 = vector.broadcast %broadcast_in_dim3A_18 : i32 to vector<16xi32>
    %mul3A_20 = arith.constant 432 : i32
    %mul3A_21 = arith.muli %add3A, %mul3A_20 : i32
    %mul3A_22 = arith.constant 24 : i32
    %mul3A_23 = arith.muli %mul3A_21, %mul3A_22 : i32
    %add3A_24 = arith.constant 0 : i32
    %add3A_25 = arith.addi %mul3A_23, %add3A_24 : i32
    %dma_start3A = tpu.memref_slice %arg2[%add3A_25] : memref<331776xi32, #tpu.memory_space<hbm>> -> memref<24xi32, #tpu.memory_space<hbm>>
    %dma_start3A_26 = tpu.memref_slice %arg2[%add3A_25] : memref<331776xi32, #tpu.memory_space<hbm>> -> memref<24xi32, #tpu.memory_space<hbm>>
    tpu.enqueue_dma source(%dma_start3A_26 : memref<24xi32, #tpu.memory_space<hbm>>) target(%arg10 : memref<24xi32, #tpu.memory_space<vmem>>) target_semaphore(%arg21 : memref<!tpu.dma_semaphore, #tpu.memory_space<semaphore_mem>>)
    %add3A_27 = arith.constant 0 : i32
    %add3A_28 = arith.addi %mul3A_23, %add3A_27 : i32
    %dma_wait3A = tpu.memref_slice %arg2[%add3A_28] : memref<331776xi32, #tpu.memory_space<hbm>> -> memref<24xi32, #tpu.memory_space<hbm>>
    %dma_wait3A_29 = tpu.memref_slice %arg2[%add3A_28] : memref<331776xi32, #tpu.memory_space<hbm>> -> memref<24xi32, #tpu.memory_space<hbm>>
    tpu.wait_dma2 semaphore(%arg21 : memref<!tpu.dma_semaphore, #tpu.memory_space<semaphore_mem>>) src(%dma_wait3A_29 : memref<24xi32, #tpu.memory_space<hbm>>) dst(%arg10 : memref<24xi32, #tpu.memory_space<vmem>>)
    %add3A_30 = arith.constant 24 : i32
    %add3A_31 = arith.addi %mul3A_23, %add3A_30 : i32
    %dma_start3A_32 = tpu.memref_slice %arg2[%add3A_31] : memref<331776xi32, #tpu.memory_space<hbm>> -> memref<24xi32, #tpu.memory_space<hbm>>
    %dma_start3A_33 = tpu.memref_slice %arg2[%add3A_31] : memref<331776xi32, #tpu.memory_space<hbm>> -> memref<24xi32, #tpu.memory_space<hbm>>
    tpu.enqueue_dma source(%dma_start3A_33 : memref<24xi32, #tpu.memory_space<hbm>>) target(%arg11 : memref<24xi32, #tpu.memory_space<vmem>>) target_semaphore(%arg22 : memref<!tpu.dma_semaphore, #tpu.memory_space<semaphore_mem>>)
    %add3A_34 = arith.constant 0 : i32
    %add3A_35 = arith.addi %mul3A_23, %add3A_34 : i32
    %dma_start3A_36 = arith.constant 0 : i32
    %dma_start3A_37 = arith.constant 0 : i32
    %dma_start3A_38 = tpu.memref_slice %arg9[%dma_start3A_36, %dma_start3A_37] : memref<432x24xi32, #tpu.memory_space<vmem>> -> memref<1x24xi32, #tpu.memory_space<vmem>>
    %dma_start3A_39 = tpu.memref_squeeze %dma_start3A_38 : memref<1x24xi32, #tpu.memory_space<vmem>> -> memref<24xi32, #tpu.memory_space<vmem>>
    %dma_start3A_40 = arith.constant 0 : i32
    %dma_start3A_41 = arith.constant 0 : i32
    %dma_start3A_42 = tpu.memref_slice %arg4[%dma_start3A_40, %dma_start3A_41] : memref<10112x16xf32, #tpu.memory_space<hbm>> -> memref<10112x16xf32, #tpu.memory_space<hbm>>
    tpu.enqueue_indirect_dma source(%dma_start3A_42 : memref<10112x16xf32, #tpu.memory_space<hbm>>) target(%arg12 : memref<24x16xf32, #tpu.memory_space<vmem>>) offsets(%dma_start3A_39 : memref<24xi32, #tpu.memory_space<vmem>>) semaphore(%arg23 : memref<!tpu.dma_semaphore, #tpu.memory_space<semaphore_mem>>)
    %dma_start3A_43 = arith.constant 0 : i32
    %dma_start3A_44 = arith.constant 0 : i32
    %dma_start3A_45 = tpu.memref_slice %arg5[%dma_start3A_43, %dma_start3A_44] : memref<10000x1024xbf16, #tpu.memory_space<hbm>> -> memref<10000x1024xbf16, #tpu.memory_space<hbm>>
    tpu.enqueue_indirect_dma source(%dma_start3A_45 : memref<10000x1024xbf16, #tpu.memory_space<hbm>>) target(%arg14 : memref<24x1024xbf16, #tpu.memory_space<vmem>>) offsets(%arg10 : memref<24xi32, #tpu.memory_space<vmem>>) semaphore(%arg25 : memref<!tpu.dma_semaphore, #tpu.memory_space<semaphore_mem>>)
    %dma_start3A_46 = arith.constant 0 : i32
    %dma_start3A_47 = tpu.memref_slice %arg6[%add3A_35, %dma_start3A_46] : memref<331776x16xf32, #tpu.memory_space<hbm>> -> memref<24x16xf32, #tpu.memory_space<hbm>>
    %dma_start3A_48 = arith.constant 0 : i32
    %dma_start3A_49 = tpu.memref_slice %arg6[%add3A_35, %dma_start3A_48] : memref<331776x16xf32, #tpu.memory_space<hbm>> -> memref<24x16xf32, #tpu.memory_space<hbm>>
    tpu.enqueue_dma source(%dma_start3A_49 : memref<24x16xf32, #tpu.memory_space<hbm>>) target(%arg16 : memref<24x16xf32, #tpu.memory_space<vmem>>) target_semaphore(%arg27 : memref<!tpu.dma_semaphore, #tpu.memory_space<semaphore_mem>>)
    %scan3A = arith.constant 0 : i32
    %scan3A_50 = arith.constant 0 : i32
    %scan3A_51 = arith.constant 216 : i32
    %scan3A_52 = arith.addi %scan3A_50, %scan3A_51 : i32
    %scan3A_53 = arith.constant 1 : i32
    scf.for %scan3A_70 = %scan3A_50 to %scan3A_52 step %scan3A_53  : i32 {
      %mul3A_71 = arith.constant 2 : i32
      %mul3A_72 = arith.muli %scan3A_70, %mul3A_71 : i32
      %add3A_73 = arith.constant 0 : i32
      %add3A_74 = arith.addi %mul3A_72, %add3A_73 : i32
      %add3A_75 = arith.constant 1 : i32
      %add3A_76 = arith.addi %add3A_74, %add3A_75 : i32
      %lt3A = arith.constant 432 : i32
      %lt3A_77 = arith.cmpi slt, %add3A_76, %lt3A : i32
      %convert_element_type3A = arith.extui %lt3A_77 : i1 to i32
      %cond3A = arith.constant 0 : i32
      %cond3A_78 = arith.cmpi ne, %convert_element_type3A, %cond3A : i32
      scf.if %cond3A_78 {
        %mul3A_179 = arith.constant 24 : i32
        %mul3A_180 = arith.muli %add3A_76, %mul3A_179 : i32
        %add3A_181 = arith.addi %mul3A_23, %mul3A_180 : i32
        %dma_wait3A_182 = tpu.memref_slice %arg2[%add3A_181] : memref<331776xi32, #tpu.memory_space<hbm>> -> memref<24xi32, #tpu.memory_space<hbm>>
        %dma_wait3A_183 = tpu.memref_slice %arg2[%add3A_181] : memref<331776xi32, #tpu.memory_space<hbm>> -> memref<24xi32, #tpu.memory_space<hbm>>
        tpu.wait_dma2 semaphore(%arg22 : memref<!tpu.dma_semaphore, #tpu.memory_space<semaphore_mem>>) src(%dma_wait3A_183 : memref<24xi32, #tpu.memory_space<hbm>>) dst(%arg11 : memref<24xi32, #tpu.memory_space<vmem>>)
      } else {
      }
      %mul3A_79 = arith.constant 24 : i32
      %mul3A_80 = arith.muli %add3A_74, %mul3A_79 : i32
      %add3A_81 = arith.addi %mul3A_23, %mul3A_80 : i32
      %dma_wait3A_82 = arith.constant 0 : i32
      %dma_wait3A_83 = tpu.memref_slice %arg9[%add3A_74, %dma_wait3A_82] : memref<432x24xi32, #tpu.memory_space<vmem>> -> memref<1x24xi32, #tpu.memory_space<vmem>>
      %dma_wait3A_84 = tpu.memref_squeeze %dma_wait3A_83 : memref<1x24xi32, #tpu.memory_space<vmem>> -> memref<24xi32, #tpu.memory_space<vmem>>
      %dma_wait3A_85 = arith.constant 0 : i32
      %dma_wait3A_86 = arith.constant 0 : i32
      %dma_wait3A_87 = tpu.memref_slice %arg4[%dma_wait3A_85, %dma_wait3A_86] : memref<10112x16xf32, #tpu.memory_space<hbm>> -> memref<10112x16xf32, #tpu.memory_space<hbm>>
      tpu.wait_indirect_dma semaphore(%arg23 : memref<!tpu.dma_semaphore, #tpu.memory_space<semaphore_mem>>) src(%dma_wait3A_87 : memref<10112x16xf32, #tpu.memory_space<hbm>>) dst(%arg12 : memref<24x16xf32, #tpu.memory_space<vmem>>)
      %dma_wait3A_88 = arith.constant 0 : i32
      %dma_wait3A_89 = arith.constant 0 : i32
      %dma_wait3A_90 = tpu.memref_slice %arg5[%dma_wait3A_88, %dma_wait3A_89] : memref<10000x1024xbf16, #tpu.memory_space<hbm>> -> memref<10000x1024xbf16, #tpu.memory_space<hbm>>
      tpu.wait_indirect_dma semaphore(%arg25 : memref<!tpu.dma_semaphore, #tpu.memory_space<semaphore_mem>>) src(%dma_wait3A_90 : memref<10000x1024xbf16, #tpu.memory_space<hbm>>) dst(%arg14 : memref<24x1024xbf16, #tpu.memory_space<vmem>>)
      %dma_wait3A_91 = arith.constant 0 : i32
      %dma_wait3A_92 = tpu.memref_slice %arg6[%add3A_81, %dma_wait3A_91] : memref<331776x16xf32, #tpu.memory_space<hbm>> -> memref<24x16xf32, #tpu.memory_space<hbm>>
      %dma_wait3A_93 = arith.constant 0 : i32
      %dma_wait3A_94 = tpu.memref_slice %arg6[%add3A_81, %dma_wait3A_93] : memref<331776x16xf32, #tpu.memory_space<hbm>> -> memref<24x16xf32, #tpu.memory_space<hbm>>
      tpu.wait_dma2 semaphore(%arg27 : memref<!tpu.dma_semaphore, #tpu.memory_space<semaphore_mem>>) src(%dma_wait3A_94 : memref<24x16xf32, #tpu.memory_space<hbm>>) dst(%arg16 : memref<24x16xf32, #tpu.memory_space<vmem>>)
      %lt3A_95 = arith.constant 432 : i32
      %lt3A_96 = arith.cmpi slt, %add3A_76, %lt3A_95 : i32
      %convert_element_type3A_97 = arith.extui %lt3A_96 : i1 to i32
      %cond3A_98 = arith.constant 0 : i32
      %cond3A_99 = arith.cmpi ne, %convert_element_type3A_97, %cond3A_98 : i32
      scf.if %cond3A_99 {
        %mul3A_179 = arith.constant 24 : i32
        %mul3A_180 = arith.muli %add3A_76, %mul3A_179 : i32
        %add3A_181 = arith.addi %mul3A_23, %mul3A_180 : i32
        %dma_start3A_182 = arith.constant 0 : i32
        %dma_start3A_183 = tpu.memref_slice %arg9[%add3A_76, %dma_start3A_182] : memref<432x24xi32, #tpu.memory_space<vmem>> -> memref<1x24xi32, #tpu.memory_space<vmem>>
        %dma_start3A_184 = tpu.memref_squeeze %dma_start3A_183 : memref<1x24xi32, #tpu.memory_space<vmem>> -> memref<24xi32, #tpu.memory_space<vmem>>
        %dma_start3A_185 = arith.constant 0 : i32
        %dma_start3A_186 = arith.constant 0 : i32
        %dma_start3A_187 = tpu.memref_slice %arg4[%dma_start3A_185, %dma_start3A_186] : memref<10112x16xf32, #tpu.memory_space<hbm>> -> memref<10112x16xf32, #tpu.memory_space<hbm>>
        tpu.enqueue_indirect_dma source(%dma_start3A_187 : memref<10112x16xf32, #tpu.memory_space<hbm>>) target(%arg13 : memref<24x16xf32, #tpu.memory_space<vmem>>) offsets(%dma_start3A_184 : memref<24xi32, #tpu.memory_space<vmem>>) semaphore(%arg24 : memref<!tpu.dma_semaphore, #tpu.memory_space<semaphore_mem>>)
        %dma_start3A_188 = arith.constant 0 : i32
        %dma_start3A_189 = arith.constant 0 : i32
        %dma_start3A_190 = tpu.memref_slice %arg5[%dma_start3A_188, %dma_start3A_189] : memref<10000x1024xbf16, #tpu.memory_space<hbm>> -> memref<10000x1024xbf16, #tpu.memory_space<hbm>>
        tpu.enqueue_indirect_dma source(%dma_start3A_190 : memref<10000x1024xbf16, #tpu.memory_space<hbm>>) target(%arg15 : memref<24x1024xbf16, #tpu.memory_space<vmem>>) offsets(%arg11 : memref<24xi32, #tpu.memory_space<vmem>>) semaphore(%arg26 : memref<!tpu.dma_semaphore, #tpu.memory_space<semaphore_mem>>)
        %dma_start3A_191 = arith.constant 0 : i32
        %dma_start3A_192 = tpu.memref_slice %arg6[%add3A_181, %dma_start3A_191] : memref<331776x16xf32, #tpu.memory_space<hbm>> -> memref<24x16xf32, #tpu.memory_space<hbm>>
        %dma_start3A_193 = arith.constant 0 : i32
        %dma_start3A_194 = tpu.memref_slice %arg6[%add3A_181, %dma_start3A_193] : memref<331776x16xf32, #tpu.memory_space<hbm>> -> memref<24x16xf32, #tpu.memory_space<hbm>>
        tpu.enqueue_dma source(%dma_start3A_194 : memref<24x16xf32, #tpu.memory_space<hbm>>) target(%arg17 : memref<24x16xf32, #tpu.memory_space<vmem>>) target_semaphore(%arg28 : memref<!tpu.dma_semaphore, #tpu.memory_space<semaphore_mem>>)
      } else {
      }
      %add3A_100 = arith.constant 2 : i32
      %add3A_101 = arith.addi %add3A_74, %add3A_100 : i32
      %lt3A_102 = arith.constant 432 : i32
      %lt3A_103 = arith.cmpi slt, %add3A_101, %lt3A_102 : i32
      %convert_element_type3A_104 = arith.extui %lt3A_103 : i1 to i32
      %cond3A_105 = arith.constant 0 : i32
      %cond3A_106 = arith.cmpi ne, %convert_element_type3A_104, %cond3A_105 : i32
      scf.if %cond3A_106 {
        %add3A_179 = arith.constant 2 : i32
        %add3A_180 = arith.addi %add3A_74, %add3A_179 : i32
        %mul3A_181 = arith.constant 24 : i32
        %mul3A_182 = arith.muli %add3A_180, %mul3A_181 : i32
        %add3A_183 = arith.addi %mul3A_23, %mul3A_182 : i32
        %dma_start3A_184 = tpu.memref_slice %arg2[%add3A_183] : memref<331776xi32, #tpu.memory_space<hbm>> -> memref<24xi32, #tpu.memory_space<hbm>>
        %dma_start3A_185 = tpu.memref_slice %arg2[%add3A_183] : memref<331776xi32, #tpu.memory_space<hbm>> -> memref<24xi32, #tpu.memory_space<hbm>>
        tpu.enqueue_dma source(%dma_start3A_185 : memref<24xi32, #tpu.memory_space<hbm>>) target(%arg10 : memref<24xi32, #tpu.memory_space<vmem>>) target_semaphore(%arg21 : memref<!tpu.dma_semaphore, #tpu.memory_space<semaphore_mem>>)
      } else {
      }
      %ge3A = arith.constant 2 : i32
      %ge3A_107 = arith.cmpi sge, %add3A_74, %ge3A : i32
      %convert_element_type3A_108 = arith.extui %ge3A_107 : i1 to i32
      %cond3A_109 = arith.constant 0 : i32
      %cond3A_110 = arith.cmpi ne, %convert_element_type3A_108, %cond3A_109 : i32
      scf.if %cond3A_110 {
        %sub3A = arith.constant 2 : i32
        %sub3A_179 = arith.subi %add3A_74, %sub3A : i32
        %dma_wait3A_180 = arith.constant 0 : i32
        %dma_wait3A_181 = tpu.memref_slice %arg9[%sub3A_179, %dma_wait3A_180] : memref<432x24xi32, #tpu.memory_space<vmem>> -> memref<1x24xi32, #tpu.memory_space<vmem>>
        %dma_wait3A_182 = tpu.memref_squeeze %dma_wait3A_181 : memref<1x24xi32, #tpu.memory_space<vmem>> -> memref<24xi32, #tpu.memory_space<vmem>>
        %dma_wait3A_183 = arith.constant 0 : i32
        %dma_wait3A_184 = arith.constant 0 : i32
        %dma_wait3A_185 = tpu.memref_slice %arg20[%dma_wait3A_183, %dma_wait3A_184] : memref<10112x128xf32, #tpu.memory_space<vmem_shared>> -> memref<10112x128xf32, #tpu.memory_space<vmem_shared>>
        tpu.wait_indirect_dma semaphore(%arg29 : memref<!tpu.dma_semaphore, #tpu.memory_space<semaphore_mem>>) src(%arg18 : memref<24x128xf32, #tpu.memory_space<vmem>>) dst(%dma_wait3A_185 : memref<10112x128xf32, #tpu.memory_space<vmem_shared>>)
      } else {
      }
      %scan3A_111 = arith.constant 0 : i32
      %scan3A_112 = arith.constant 0 : i32
      %scan3A_113 = arith.constant 24 : i32
      %scan3A_114 = arith.addi %scan3A_112, %scan3A_113 : i32
      %scan3A_115 = arith.constant 1 : i32
      scf.for %scan3A_179 = %scan3A_112 to %scan3A_114 step %scan3A_115  : i32 {
        %get3A = arith.index_cast %scan3A_179 : i32 to index
        %get3A_180 = arith.constant 0 : index
        %get3A_181 = tpu.vector_load %arg16[%get3A, %get3A_180] {strides = array<i32>} : memref<24x16xf32, #tpu.memory_space<vmem>>, vector<16xf32>,
        %get3A_182 = arith.index_cast %scan3A_179 : i32 to index
        %get3A_183 = arith.constant 0 : index
        %get3A_184 = tpu.vector_load %arg12[%get3A_182, %get3A_183] {strides = array<i32>} : memref<24x16xf32, #tpu.memory_space<vmem>>, vector<16xf32>,
        %mul3A_185 = arith.mulf %get3A_181, %get3A_184 : vector<16xf32>
        %lt3A_186 = arith.constant 0 : i32
        %lt3A_187 = vector.broadcast %lt3A_186 : i32 to vector<16xi32>
        %lt3A_188 = arith.cmpi slt, %broadcast_in_dim3A_5, %lt3A_187 : vector<16xi32>
        %add3A_189 = arith.constant 16 : i32
        %add3A_190 = vector.broadcast %add3A_189 : i32 to vector<16xi32>
        %add3A_191 = arith.addi %broadcast_in_dim3A_5, %add3A_190 : vector<16xi32>
        %select_n3A = arith.select %lt3A_188, %add3A_191, %broadcast_in_dim3A_5 : vector<16xi1>, vector<16xi32>
        %broadcast_in_dim3A_192 = vector.shape_cast %select_n3A : vector<16xi32> to vector<16x1xi32>
        %gather3A = vector.shape_cast %broadcast_in_dim3A_192 : vector<16x1xi32> to vector<16xi32>
        %gather3A_193 = tpu.dynamic_gather %mul3A_185[%gather3A] in [0] : vector<16xf32>, vector<16xi32> -> vector<16xf32>
        %get3A_194 = arith.index_cast %scan3A_179 : i32 to index
        %get3A_195 = arith.constant 0 : index
        %get3A_196 = tpu.vector_load %arg14[%get3A_194, %get3A_195] {strides = array<i32>} : memref<24x1024xbf16, #tpu.memory_space<vmem>>, vector<32xbf16>,
        %unpack3A = tpu.unpack_subelements %get3A_196, 0 {pack_format = #tpu.pack_format<interleaved>} : vector<32xbf16> -> vector<16xf32>
        %unpack3A_197 = tpu.unpack_subelements %get3A_196, 1 {pack_format = #tpu.pack_format<interleaved>} : vector<32xbf16> -> vector<16xf32>
        %mul3A_198 = arith.mulf %gather3A_193, %unpack3A : vector<16xf32>
        %swap3A = arith.index_cast %scan3A_179 : i32 to index
        %swap3A_199 = arith.constant 0 : index
        %swap3A_200 = tpu.vector_load %arg18[%swap3A, %swap3A_199] {strides = array<i32>} : memref<24x128xf32, #tpu.memory_space<vmem>>, vector<16xf32>,
        tpu.vector_store %arg18[%swap3A, %swap3A_199], %mul3A_198 {strides = array<i32>} : memref<24x128xf32, #tpu.memory_space<vmem>>, vector<16xf32>,
        %mul3A_201 = arith.mulf %gather3A_193, %unpack3A_197 : vector<16xf32>
        %swap3A_202 = arith.index_cast %scan3A_179 : i32 to index
        %swap3A_203 = arith.constant 16 : index
        %swap3A_204 = tpu.vector_load %arg18[%swap3A_202, %swap3A_203] {strides = array<i32>} : memref<24x128xf32, #tpu.memory_space<vmem>>, vector<16xf32>,
        tpu.vector_store %arg18[%swap3A_202, %swap3A_203], %mul3A_201 {strides = array<i32>} : memref<24x128xf32, #tpu.memory_space<vmem>>, vector<16xf32>,
        %get3A_205 = arith.index_cast %scan3A_179 : i32 to index
        %get3A_206 = arith.constant 32 : index
        %get3A_207 = tpu.vector_load %arg14[%get3A_205, %get3A_206] {strides = array<i32>} : memref<24x1024xbf16, #tpu.memory_space<vmem>>, vector<32xbf16>,
        %unpack3A_208 = tpu.unpack_subelements %get3A_207, 0 {pack_format = #tpu.pack_format<interleaved>} : vector<32xbf16> -> vector<16xf32>
        %unpack3A_209 = tpu.unpack_subelements %get3A_207, 1 {pack_format = #tpu.pack_format<interleaved>} : vector<32xbf16> -> vector<16xf32>
        %mul3A_210 = arith.mulf %gather3A_193, %unpack3A_208 : vector<16xf32>
        %swap3A_211 = arith.index_cast %scan3A_179 : i32 to index
        %swap3A_212 = arith.constant 32 : index
        %swap3A_213 = tpu.vector_load %arg18[%swap3A_211, %swap3A_212] {strides = array<i32>} : memref<24x128xf32, #tpu.memory_space<vmem>>, vector<16xf32>,
        tpu.vector_store %arg18[%swap3A_211, %swap3A_212], %mul3A_210 {strides = array<i32>} : memref<24x128xf32, #tpu.memory_space<vmem>>, vector<16xf32>,
        %mul3A_214 = arith.mulf %gather3A_193, %unpack3A_209 : vector<16xf32>
        %swap3A_215 = arith.index_cast %scan3A_179 : i32 to index
        %swap3A_216 = arith.constant 48 : index
        %swap3A_217 = tpu.vector_load %arg18[%swap3A_215, %swap3A_216] {strides = array<i32>} : memref<24x128xf32, #tpu.memory_space<vmem>>, vector<16xf32>,
        tpu.vector_store %arg18[%swap3A_215, %swap3A_216], %mul3A_214 {strides = array<i32>} : memref<24x128xf32, #tpu.memory_space<vmem>>, vector<16xf32>,
        %get3A_218 = arith.index_cast %scan3A_179 : i32 to index
        %get3A_219 = arith.constant 64 : index
        %get3A_220 = tpu.vector_load %arg14[%get3A_218, %get3A_219] {strides = array<i32>} : memref<24x1024xbf16, #tpu.memory_space<vmem>>, vector<32xbf16>,
        %unpack3A_221 = tpu.unpack_subelements %get3A_220, 0 {pack_format = #tpu.pack_format<interleaved>} : vector<32xbf16> -> vector<16xf32>
        %unpack3A_222 = tpu.unpack_subelements %get3A_220, 1 {pack_format = #tpu.pack_format<interleaved>} : vector<32xbf16> -> vector<16xf32>
        %mul3A_223 = arith.mulf %gather3A_193, %unpack3A_221 : vector<16xf32>
        %swap3A_224 = arith.index_cast %scan3A_179 : i32 to index
        %swap3A_225 = arith.constant 64 : index
        %swap3A_226 = tpu.vector_load %arg18[%swap3A_224, %swap3A_225] {strides = array<i32>} : memref<24x128xf32, #tpu.memory_space<vmem>>, vector<16xf32>,
        tpu.vector_store %arg18[%swap3A_224, %swap3A_225], %mul3A_223 {strides = array<i32>} : memref<24x128xf32, #tpu.memory_space<vmem>>, vector<16xf32>,
        %mul3A_227 = arith.mulf %gather3A_193, %unpack3A_222 : vector<16xf32>
        %swap3A_228 = arith.index_cast %scan3A_179 : i32 to index
        %swap3A_229 = arith.constant 80 : index
        %swap3A_230 = tpu.vector_load %arg18[%swap3A_228, %swap3A_229] {strides = array<i32>} : memref<24x128xf32, #tpu.memory_space<vmem>>, vector<16xf32>,
        tpu.vector_store %arg18[%swap3A_228, %swap3A_229], %mul3A_227 {strides = array<i32>} : memref<24x128xf32, #tpu.memory_space<vmem>>, vector<16xf32>,
        %get3A_231 = arith.index_cast %scan3A_179 : i32 to index
        %get3A_232 = arith.constant 96 : index
        %get3A_233 = tpu.vector_load %arg14[%get3A_231, %get3A_232] {strides = array<i32>} : memref<24x1024xbf16, #tpu.memory_space<vmem>>, vector<32xbf16>,
        %unpack3A_234 = tpu.unpack_subelements %get3A_233, 0 {pack_format = #tpu.pack_format<interleaved>} : vector<32xbf16> -> vector<16xf32>
        %unpack3A_235 = tpu.unpack_subelements %get3A_233, 1 {pack_format = #tpu.pack_format<interleaved>} : vector<32xbf16> -> vector<16xf32>
        %mul3A_236 = arith.mulf %gather3A_193, %unpack3A_234 : vector<16xf32>
        %swap3A_237 = arith.index_cast %scan3A_179 : i32 to index
        %swap3A_238 = arith.constant 96 : index
        %swap3A_239 = tpu.vector_load %arg18[%swap3A_237, %swap3A_238] {strides = array<i32>} : memref<24x128xf32, #tpu.memory_space<vmem>>, vector<16xf32>,
        tpu.vector_store %arg18[%swap3A_237, %swap3A_238], %mul3A_236 {strides = array<i32>} : memref<24x128xf32, #tpu.memory_space<vmem>>, vector<16xf32>,
        %mul3A_240 = arith.mulf %gather3A_193, %unpack3A_235 : vector<16xf32>
        %swap3A_241 = arith.index_cast %scan3A_179 : i32 to index
        %swap3A_242 = arith.constant 112 : index
        %swap3A_243 = tpu.vector_load %arg18[%swap3A_241, %swap3A_242] {strides = array<i32>} : memref<24x128xf32, #tpu.memory_space<vmem>>, vector<16xf32>,
        tpu.vector_store %arg18[%swap3A_241, %swap3A_242], %mul3A_240 {strides = array<i32>} : memref<24x128xf32, #tpu.memory_space<vmem>>, vector<16xf32>,
        %lt3A_244 = arith.constant 0 : i32
        %lt3A_245 = vector.broadcast %lt3A_244 : i32 to vector<16xi32>
        %lt3A_246 = arith.cmpi slt, %broadcast_in_dim3A_7, %lt3A_245 : vector<16xi32>
        %add3A_247 = arith.constant 16 : i32
        %add3A_248 = vector.broadcast %add3A_247 : i32 to vector<16xi32>
        %add3A_249 = arith.addi %broadcast_in_dim3A_7, %add3A_248 : vector<16xi32>
        %select_n3A_250 = arith.select %lt3A_246, %add3A_249, %broadcast_in_dim3A_7 : vector<16xi1>, vector<16xi32>
        %broadcast_in_dim3A_251 = vector.shape_cast %select_n3A_250 : vector<16xi32> to vector<16x1xi32>
        %gather3A_252 = vector.shape_cast %broadcast_in_dim3A_251 : vector<16x1xi32> to vector<16xi32>
        %gather3A_253 = tpu.dynamic_gather %mul3A_185[%gather3A_252] in [0] : vector<16xf32>, vector<16xi32> -> vector<16xf32>
        %get3A_254 = arith.index_cast %scan3A_179 : i32 to index
        %get3A_255 = arith.constant 128 : index
        %get3A_256 = tpu.vector_load %arg14[%get3A_254, %get3A_255] {strides = array<i32>} : memref<24x1024xbf16, #tpu.memory_space<vmem>>, vector<32xbf16>,
        %unpack3A_257 = tpu.unpack_subelements %get3A_256, 0 {pack_format = #tpu.pack_format<interleaved>} : vector<32xbf16> -> vector<16xf32>
        %unpack3A_258 = tpu.unpack_subelements %get3A_256, 1 {pack_format = #tpu.pack_format<interleaved>} : vector<32xbf16> -> vector<16xf32>
        %get3A_259 = arith.index_cast %scan3A_179 : i32 to index
        %get3A_260 = arith.constant 0 : index
        %get3A_261 = tpu.vector_load %arg18[%get3A_259, %get3A_260] {strides = array<i32>} : memref<24x128xf32, #tpu.memory_space<vmem>>, vector<16xf32>,
        %mul3A_262 = arith.mulf %gather3A_253, %unpack3A_257 : vector<16xf32>
        %add3A_263 = arith.addf %get3A_261, %mul3A_262 : vector<16xf32>
        %swap3A_264 = arith.index_cast %scan3A_179 : i32 to index
        %swap3A_265 = arith.constant 0 : index
        %swap3A_266 = tpu.vector_load %arg18[%swap3A_264, %swap3A_265] {strides = array<i32>} : memref<24x128xf32, #tpu.memory_space<vmem>>, vector<16xf32>,
        tpu.vector_store %arg18[%swap3A_264, %swap3A_265], %add3A_263 {strides = array<i32>} : memref<24x128xf32, #tpu.memory_space<vmem>>, vector<16xf32>,
        %get3A_267 = arith.index_cast %scan3A_179 : i32 to index
        %get3A_268 = arith.constant 16 : index
        %get3A_269 = tpu.vector_load %arg18[%get3A_267, %get3A_268] {strides = array<i32>} : memref<24x128xf32, #tpu.memory_space<vmem>>, vector<16xf32>,
        %mul3A_270 = arith.mulf %gather3A_253, %unpack3A_258 : vector<16xf32>
        %add3A_271 = arith.addf %get3A_269, %mul3A_270 : vector<16xf32>
        %swap3A_272 = arith.index_cast %scan3A_179 : i32 to index
        %swap3A_273 = arith.constant 16 : index
        %swap3A_274 = tpu.vector_load %arg18[%swap3A_272, %swap3A_273] {strides = array<i32>} : memref<24x128xf32, #tpu.memory_space<vmem>>, vector<16xf32>,
        tpu.vector_store %arg18[%swap3A_272, %swap3A_273], %add3A_271 {strides = array<i32>} : memref<24x128xf32, #tpu.memory_space<vmem>>, vector<16xf32>,
        %get3A_275 = arith.index_cast %scan3A_179 : i32 to index
        %get3A_276 = arith.constant 160 : index
        %get3A_277 = tpu.vector_load %arg14[%get3A_275, %get3A_276] {strides = array<i32>} : memref<24x1024xbf16, #tpu.memory_space<vmem>>, vector<32xbf16>,
        %unpack3A_278 = tpu.unpack_subelements %get3A_277, 0 {pack_format = #tpu.pack_format<interleaved>} : vector<32xbf16> -> vector<16xf32>
        %unpack3A_279 = tpu.unpack_subelements %get3A_277, 1 {pack_format = #tpu.pack_format<interleaved>} : vector<32xbf16> -> vector<16xf32>
        %get3A_280 = arith.index_cast %scan3A_179 : i32 to index
        %get3A_281 = arith.constant 32 : index
        %get3A_282 = tpu.vector_load %arg18[%get3A_280, %get3A_281] {strides = array<i32>} : memref<24x128xf32, #tpu.memory_space<vmem>>, vector<16xf32>,
        %mul3A_283 = arith.mulf %gather3A_253, %unpack3A_278 : vector<16xf32>
        %add3A_284 = arith.addf %get3A_282, %mul3A_283 : vector<16xf32>
        %swap3A_285 = arith.index_cast %scan3A_179 : i32 to index
        %swap3A_286 = arith.constant 32 : index
        %swap3A_287 = tpu.vector_load %arg18[%swap3A_285, %swap3A_286] {strides = array<i32>} : memref<24x128xf32, #tpu.memory_space<vmem>>, vector<16xf32>,
        tpu.vector_store %arg18[%swap3A_285, %swap3A_286], %add3A_284 {strides = array<i32>} : memref<24x128xf32, #tpu.memory_space<vmem>>, vector<16xf32>,
        %get3A_288 = arith.index_cast %scan3A_179 : i32 to index
        %get3A_289 = arith.constant 48 : index
        %get3A_290 = tpu.vector_load %arg18[%get3A_288, %get3A_289] {strides = array<i32>} : memref<24x128xf32, #tpu.memory_space<vmem>>, vector<16xf32>,
        %mul3A_291 = arith.mulf %gather3A_253, %unpack3A_279 : vector<16xf32>
        %add3A_292 = arith.addf %get3A_290, %mul3A_291 : vector<16xf32>
        %swap3A_293 = arith.index_cast %scan3A_179 : i32 to index
        %swap3A_294 = arith.constant 48 : index
        %swap3A_295 = tpu.vector_load %arg18[%swap3A_293, %swap3A_294] {strides = array<i32>} : memref<24x128xf32, #tpu.memory_space<vmem>>, vector<16xf32>,
        tpu.vector_store %arg18[%swap3A_293, %swap3A_294], %add3A_292 {strides = array<i32>} : memref<24x128xf32, #tpu.memory_space<vmem>>, vector<16xf32>,
        %get3A_296 = arith.index_cast %scan3A_179 : i32 to index
        %get3A_297 = arith.constant 192 : index
        %get3A_298 = tpu.vector_load %arg14[%get3A_296, %get3A_297] {strides = array<i32>} : memref<24x1024xbf16, #tpu.memory_space<vmem>>, vector<32xbf16>,
        %unpack3A_299 = tpu.unpack_subelements %get3A_298, 0 {pack_format = #tpu.pack_format<interleaved>} : vector<32xbf16> -> vector<16xf32>
        %unpack3A_300 = tpu.unpack_subelements %get3A_298, 1 {pack_format = #tpu.pack_format<interleaved>} : vector<32xbf16> -> vector<16xf32>
        %get3A_301 = arith.index_cast %scan3A_179 : i32 to index
        %get3A_302 = arith.constant 64 : index
        %get3A_303 = tpu.vector_load %arg18[%get3A_301, %get3A_302] {strides = array<i32>} : memref<24x128xf32, #tpu.memory_space<vmem>>, vector<16xf32>,
        %mul3A_304 = arith.mulf %gather3A_253, %unpack3A_299 : vector<16xf32>
        %add3A_305 = arith.addf %get3A_303, %mul3A_304 : vector<16xf32>
        %swap3A_306 = arith.index_cast %scan3A_179 : i32 to index
        %swap3A_307 = arith.constant 64 : index
        %swap3A_308 = tpu.vector_load %arg18[%swap3A_306, %swap3A_307] {strides = array<i32>} : memref<24x128xf32, #tpu.memory_space<vmem>>, vector<16xf32>,
        tpu.vector_store %arg18[%swap3A_306, %swap3A_307], %add3A_305 {strides = array<i32>} : memref<24x128xf32, #tpu.memory_space<vmem>>, vector<16xf32>,
        %get3A_309 = arith.index_cast %scan3A_179 : i32 to index
        %get3A_310 = arith.constant 80 : index
        %get3A_311 = tpu.vector_load %arg18[%get3A_309, %get3A_310] {strides = array<i32>} : memref<24x128xf32, #tpu.memory_space<vmem>>, vector<16xf32>,
        %mul3A_312 = arith.mulf %gather3A_253, %unpack3A_300 : vector<16xf32>
        %add3A_313 = arith.addf %get3A_311, %mul3A_312 : vector<16xf32>
        %swap3A_314 = arith.index_cast %scan3A_179 : i32 to index
        %swap3A_315 = arith.constant 80 : index
        %swap3A_316 = tpu.vector_load %arg18[%swap3A_314, %swap3A_315] {strides = array<i32>} : memref<24x128xf32, #tpu.memory_space<vmem>>, vector<16xf32>,
        tpu.vector_store %arg18[%swap3A_314, %swap3A_315], %add3A_313 {strides = array<i32>} : memref<24x128xf32, #tpu.memory_space<vmem>>, vector<16xf32>,
        %get3A_317 = arith.index_cast %scan3A_179 : i32 to index
        %get3A_318 = arith.constant 224 : index
        %get3A_319 = tpu.vector_load %arg14[%get3A_317, %get3A_318] {strides = array<i32>} : memref<24x1024xbf16, #tpu.memory_space<vmem>>, vector<32xbf16>,
        %unpack3A_320 = tpu.unpack_subelements %get3A_319, 0 {pack_format = #tpu.pack_format<interleaved>} : vector<32xbf16> -> vector<16xf32>
        %unpack3A_321 = tpu.unpack_subelements %get3A_319, 1 {pack_format = #tpu.pack_format<interleaved>} : vector<32xbf16> -> vector<16xf32>
        %get3A_322 = arith.index_cast %scan3A_179 : i32 to index
        %get3A_323 = arith.constant 96 : index
        %get3A_324 = tpu.vector_load %arg18[%get3A_322, %get3A_323] {strides = array<i32>} : memref<24x128xf32, #tpu.memory_space<vmem>>, vector<16xf32>,
        %mul3A_325 = arith.mulf %gather3A_253, %unpack3A_320 : vector<16xf32>
        %add3A_326 = arith.addf %get3A_324, %mul3A_325 : vector<16xf32>
        %swap3A_327 = arith.index_cast %scan3A_179 : i32 to index
        %swap3A_328 = arith.constant 96 : index
        %swap3A_329 = tpu.vector_load %arg18[%swap3A_327, %swap3A_328] {strides = array<i32>} : memref<24x128xf32, #tpu.memory_space<vmem>>, vector<16xf32>,
        tpu.vector_store %arg18[%swap3A_327, %swap3A_328], %add3A_326 {strides = array<i32>} : memref<24x128xf32, #tpu.memory_space<vmem>>, vector<16xf32>,
        %get3A_330 = arith.index_cast %scan3A_179 : i32 to index
        %get3A_331 = arith.constant 112 : index
        %get3A_332 = tpu.vector_load %arg18[%get3A_330, %get3A_331] {strides = array<i32>} : memref<24x128xf32, #tpu.memory_space<vmem>>, vector<16xf32>,
        %mul3A_333 = arith.mulf %gather3A_253, %unpack3A_321 : vector<16xf32>
        %add3A_334 = arith.addf %get3A_332, %mul3A_333 : vector<16xf32>
        %swap3A_335 = arith.index_cast %scan3A_179 : i32 to index
        %swap3A_336 = arith.constant 112 : index
        %swap3A_337 = tpu.vector_load %arg18[%swap3A_335, %swap3A_336] {strides = array<i32>} : memref<24x128xf32, #tpu.memory_space<vmem>>, vector<16xf32>,
        tpu.vector_store %arg18[%swap3A_335, %swap3A_336], %add3A_334 {strides = array<i32>} : memref<24x128xf32, #tpu.memory_space<vmem>>, vector<16xf32>,
        %lt3A_338 = arith.constant 0 : i32
        %lt3A_339 = vector.broadcast %lt3A_338 : i32 to vector<16xi32>
        %lt3A_340 = arith.cmpi slt, %broadcast_in_dim3A_9, %lt3A_339 : vector<16xi32>
        %add3A_341 = arith.constant 16 : i32
        %add3A_342 = vector.broadcast %add3A_341 : i32 to vector<16xi32>
        %add3A_343 = arith.addi %broadcast_in_dim3A_9, %add3A_342 : vector<16xi32>
        %select_n3A_344 = arith.select %lt3A_340, %add3A_343, %broadcast_in_dim3A_9 : vector<16xi1>, vector<16xi32>
        %broadcast_in_dim3A_345 = vector.shape_cast %select_n3A_344 : vector<16xi32> to vector<16x1xi32>
        %gather3A_346 = vector.shape_cast %broadcast_in_dim3A_345 : vector<16x1xi32> to vector<16xi32>
        %gather3A_347 = tpu.dynamic_gather %mul3A_185[%gather3A_346] in [0] : vector<16xf32>, vector<16xi32> -> vector<16xf32>
        %get3A_348 = arith.index_cast %scan3A_179 : i32 to index
        %get3A_349 = arith.constant 256 : index
        %get3A_350 = tpu.vector_load %arg14[%get3A_348, %get3A_349] {strides = array<i32>} : memref<24x1024xbf16, #tpu.memory_space<vmem>>, vector<32xbf16>,
        %unpack3A_351 = tpu.unpack_subelements %get3A_350, 0 {pack_format = #tpu.pack_format<interleaved>} : vector<32xbf16> -> vector<16xf32>
        %unpack3A_352 = tpu.unpack_subelements %get3A_350, 1 {pack_format = #tpu.pack_format<interleaved>} : vector<32xbf16> -> vector<16xf32>
        %get3A_353 = arith.index_cast %scan3A_179 : i32 to index
        %get3A_354 = arith.constant 0 : index
        %get3A_355 = tpu.vector_load %arg18[%get3A_353, %get3A_354] {strides = array<i32>} : memref<24x128xf32, #tpu.memory_space<vmem>>, vector<16xf32>,
        %mul3A_356 = arith.mulf %gather3A_347, %unpack3A_351 : vector<16xf32>
        %add3A_357 = arith.addf %get3A_355, %mul3A_356 : vector<16xf32>
        %swap3A_358 = arith.index_cast %scan3A_179 : i32 to index
        %swap3A_359 = arith.constant 0 : index
        %swap3A_360 = tpu.vector_load %arg18[%swap3A_358, %swap3A_359] {strides = array<i32>} : memref<24x128xf32, #tpu.memory_space<vmem>>, vector<16xf32>,
        tpu.vector_store %arg18[%swap3A_358, %swap3A_359], %add3A_357 {strides = array<i32>} : memref<24x128xf32, #tpu.memory_space<vmem>>, vector<16xf32>,
        %get3A_361 = arith.index_cast %scan3A_179 : i32 to index
        %get3A_362 = arith.constant 16 : index
        %get3A_363 = tpu.vector_load %arg18[%get3A_361, %get3A_362] {strides = array<i32>} : memref<24x128xf32, #tpu.memory_space<vmem>>, vector<16xf32>,
        %mul3A_364 = arith.mulf %gather3A_347, %unpack3A_352 : vector<16xf32>
        %add3A_365 = arith.addf %get3A_363, %mul3A_364 : vector<16xf32>
        %swap3A_366 = arith.index_cast %scan3A_179 : i32 to index
        %swap3A_367 = arith.constant 16 : index
        %swap3A_368 = tpu.vector_load %arg18[%swap3A_366, %swap3A_367] {strides = array<i32>} : memref<24x128xf32, #tpu.memory_space<vmem>>, vector<16xf32>,
        tpu.vector_store %arg18[%swap3A_366, %swap3A_367], %add3A_365 {strides = array<i32>} : memref<24x128xf32, #tpu.memory_space<vmem>>, vector<16xf32>,
        %get3A_369 = arith.index_cast %scan3A_179 : i32 to index
        %get3A_370 = arith.constant 288 : index
        %get3A_371 = tpu.vector_load %arg14[%get3A_369, %get3A_370] {strides = array<i32>} : memref<24x1024xbf16, #tpu.memory_space<vmem>>, vector<32xbf16>,
        %unpack3A_372 = tpu.unpack_subelements %get3A_371, 0 {pack_format = #tpu.pack_format<interleaved>} : vector<32xbf16> -> vector<16xf32>
        %unpack3A_373 = tpu.unpack_subelements %get3A_371, 1 {pack_format = #tpu.pack_format<interleaved>} : vector<32xbf16> -> vector<16xf32>
        %get3A_374 = arith.index_cast %scan3A_179 : i32 to index
        %get3A_375 = arith.constant 32 : index
        %get3A_376 = tpu.vector_load %arg18[%get3A_374, %get3A_375] {strides = array<i32>} : memref<24x128xf32, #tpu.memory_space<vmem>>, vector<16xf32>,
        %mul3A_377 = arith.mulf %gather3A_347, %unpack3A_372 : vector<16xf32>
        %add3A_378 = arith.addf %get3A_376, %mul3A_377 : vector<16xf32>
        %swap3A_379 = arith.index_cast %scan3A_179 : i32 to index
        %swap3A_380 = arith.constant 32 : index
        %swap3A_381 = tpu.vector_load %arg18[%swap3A_379, %swap3A_380] {strides = array<i32>} : memref<24x128xf32, #tpu.memory_space<vmem>>, vector<16xf32>,
        tpu.vector_store %arg18[%swap3A_379, %swap3A_380], %add3A_378 {strides = array<i32>} : memref<24x128xf32, #tpu.memory_space<vmem>>, vector<16xf32>,
        %get3A_382 = arith.index_cast %scan3A_179 : i32 to index
        %get3A_383 = arith.constant 48 : index
        %get3A_384 = tpu.vector_load %arg18[%get3A_382, %get3A_383] {strides = array<i32>} : memref<24x128xf32, #tpu.memory_space<vmem>>, vector<16xf32>,
        %mul3A_385 = arith.mulf %gather3A_347, %unpack3A_373 : vector<16xf32>
        %add3A_386 = arith.addf %get3A_384, %mul3A_385 : vector<16xf32>
        %swap3A_387 = arith.index_cast %scan3A_179 : i32 to index
        %swap3A_388 = arith.constant 48 : index
        %swap3A_389 = tpu.vector_load %arg18[%swap3A_387, %swap3A_388] {strides = array<i32>} : memref<24x128xf32, #tpu.memory_space<vmem>>, vector<16xf32>,
        tpu.vector_store %arg18[%swap3A_387, %swap3A_388], %add3A_386 {strides = array<i32>} : memref<24x128xf32, #tpu.memory_space<vmem>>, vector<16xf32>,
        %get3A_390 = arith.index_cast %scan3A_179 : i32 to index
        %get3A_391 = arith.constant 320 : index
        %get3A_392 = tpu.vector_load %arg14[%get3A_390, %get3A_391] {strides = array<i32>} : memref<24x1024xbf16, #tpu.memory_space<vmem>>, vector<32xbf16>,
        %unpack3A_393 = tpu.unpack_subelements %get3A_392, 0 {pack_format = #tpu.pack_format<interleaved>} : vector<32xbf16> -> vector<16xf32>
        %unpack3A_394 = tpu.unpack_subelements %get3A_392, 1 {pack_format = #tpu.pack_format<interleaved>} : vector<32xbf16> -> vector<16xf32>
        %get3A_395 = arith.index_cast %scan3A_179 : i32 to index
        %get3A_396 = arith.constant 64 : index
        %get3A_397 = tpu.vector_load %arg18[%get3A_395, %get3A_396] {strides = array<i32>} : memref<24x128xf32, #tpu.memory_space<vmem>>, vector<16xf32>,
        %mul3A_398 = arith.mulf %gather3A_347, %unpack3A_393 : vector<16xf32>
        %add3A_399 = arith.addf %get3A_397, %mul3A_398 : vector<16xf32>
        %swap3A_400 = arith.index_cast %scan3A_179 : i32 to index
        %swap3A_401 = arith.constant 64 : index
        %swap3A_402 = tpu.vector_load %arg18[%swap3A_400, %swap3A_401] {strides = array<i32>} : memref<24x128xf32, #tpu.memory_space<vmem>>, vector<16xf32>,
        tpu.vector_store %arg18[%swap3A_400, %swap3A_401], %add3A_399 {strides = array<i32>} : memref<24x128xf32, #tpu.memory_space<vmem>>, vector<16xf32>,
        %get3A_403 = arith.index_cast %scan3A_179 : i32 to index
        %get3A_404 = arith.constant 80 : index
        %get3A_405 = tpu.vector_load %arg18[%get3A_403, %get3A_404] {strides = array<i32>} : memref<24x128xf32, #tpu.memory_space<vmem>>, vector<16xf32>,
        %mul3A_406 = arith.mulf %gather3A_347, %unpack3A_394 : vector<16xf32>
        %add3A_407 = arith.addf %get3A_405, %mul3A_406 : vector<16xf32>
        %swap3A_408 = arith.index_cast %scan3A_179 : i32 to index
        %swap3A_409 = arith.constant 80 : index
        %swap3A_410 = tpu.vector_load %arg18[%swap3A_408, %swap3A_409] {strides = array<i32>} : memref<24x128xf32, #tpu.memory_space<vmem>>, vector<16xf32>,
        tpu.vector_store %arg18[%swap3A_408, %swap3A_409], %add3A_407 {strides = array<i32>} : memref<24x128xf32, #tpu.memory_space<vmem>>, vector<16xf32>,
        %get3A_411 = arith.index_cast %scan3A_179 : i32 to index
        %get3A_412 = arith.constant 352 : index
        %get3A_413 = tpu.vector_load %arg14[%get3A_411, %get3A_412] {strides = array<i32>} : memref<24x1024xbf16, #tpu.memory_space<vmem>>, vector<32xbf16>,
        %unpack3A_414 = tpu.unpack_subelements %get3A_413, 0 {pack_format = #tpu.pack_format<interleaved>} : vector<32xbf16> -> vector<16xf32>
        %unpack3A_415 = tpu.unpack_subelements %get3A_413, 1 {pack_format = #tpu.pack_format<interleaved>} : vector<32xbf16> -> vector<16xf32>
        %get3A_416 = arith.index_cast %scan3A_179 : i32 to index
        %get3A_417 = arith.constant 96 : index
        %get3A_418 = tpu.vector_load %arg18[%get3A_416, %get3A_417] {strides = array<i32>} : memref<24x128xf32, #tpu.memory_space<vmem>>, vector<16xf32>,
        %mul3A_419 = arith.mulf %gather3A_347, %unpack3A_414 : vector<16xf32>
        %add3A_420 = arith.addf %get3A_418, %mul3A_419 : vector<16xf32>
        %swap3A_421 = arith.index_cast %scan3A_179 : i32 to index
        %swap3A_422 = arith.constant 96 : index
        %swap3A_423 = tpu.vector_load %arg18[%swap3A_421, %swap3A_422] {strides = array<i32>} : memref<24x128xf32, #tpu.memory_space<vmem>>, vector<16xf32>,
        tpu.vector_store %arg18[%swap3A_421, %swap3A_422], %add3A_420 {strides = array<i32>} : memref<24x128xf32, #tpu.memory_space<vmem>>, vector<16xf32>,
        %get3A_424 = arith.index_cast %scan3A_179 : i32 to index
        %get3A_425 = arith.constant 112 : index
        %get3A_426 = tpu.vector_load %arg18[%get3A_424, %get3A_425] {strides = array<i32>} : memref<24x128xf32, #tpu.memory_space<vmem>>, vector<16xf32>,
        %mul3A_427 = arith.mulf %gather3A_347, %unpack3A_415 : vector<16xf32>
        %add3A_428 = arith.addf %get3A_426, %mul3A_427 : vector<16xf32>
        %swap3A_429 = arith.index_cast %scan3A_179 : i32 to index
        %swap3A_430 = arith.constant 112 : index
        %swap3A_431 = tpu.vector_load %arg18[%swap3A_429, %swap3A_430] {strides = array<i32>} : memref<24x128xf32, #tpu.memory_space<vmem>>, vector<16xf32>,
        tpu.vector_store %arg18[%swap3A_429, %swap3A_430], %add3A_428 {strides = array<i32>} : memref<24x128xf32, #tpu.memory_space<vmem>>, vector<16xf32>,
        %lt3A_432 = arith.constant 0 : i32
        %lt3A_433 = vector.broadcast %lt3A_432 : i32 to vector<16xi32>
        %lt3A_434 = arith.cmpi slt, %broadcast_in_dim3A_11, %lt3A_433 : vector<16xi32>
        %add3A_435 = arith.constant 16 : i32
        %add3A_436 = vector.broadcast %add3A_435 : i32 to vector<16xi32>
        %add3A_437 = arith.addi %broadcast_in_dim3A_11, %add3A_436 : vector<16xi32>
        %select_n3A_438 = arith.select %lt3A_434, %add3A_437, %broadcast_in_dim3A_11 : vector<16xi1>, vector<16xi32>
        %broadcast_in_dim3A_439 = vector.shape_cast %select_n3A_438 : vector<16xi32> to vector<16x1xi32>
        %gather3A_440 = vector.shape_cast %broadcast_in_dim3A_439 : vector<16x1xi32> to vector<16xi32>
        %gather3A_441 = tpu.dynamic_gather %mul3A_185[%gather3A_440] in [0] : vector<16xf32>, vector<16xi32> -> vector<16xf32>
        %get3A_442 = arith.index_cast %scan3A_179 : i32 to index
        %get3A_443 = arith.constant 384 : index
        %get3A_444 = tpu.vector_load %arg14[%get3A_442, %get3A_443] {strides = array<i32>} : memref<24x1024xbf16, #tpu.memory_space<vmem>>, vector<32xbf16>,
        %unpack3A_445 = tpu.unpack_subelements %get3A_444, 0 {pack_format = #tpu.pack_format<interleaved>} : vector<32xbf16> -> vector<16xf32>
        %unpack3A_446 = tpu.unpack_subelements %get3A_444, 1 {pack_format = #tpu.pack_format<interleaved>} : vector<32xbf16> -> vector<16xf32>
        %get3A_447 = arith.index_cast %scan3A_179 : i32 to index
        %get3A_448 = arith.constant 0 : index
        %get3A_449 = tpu.vector_load %arg18[%get3A_447, %get3A_448] {strides = array<i32>} : memref<24x128xf32, #tpu.memory_space<vmem>>, vector<16xf32>,
        %mul3A_450 = arith.mulf %gather3A_441, %unpack3A_445 : vector<16xf32>
        %add3A_451 = arith.addf %get3A_449, %mul3A_450 : vector<16xf32>
        %swap3A_452 = arith.index_cast %scan3A_179 : i32 to index
        %swap3A_453 = arith.constant 0 : index
        %swap3A_454 = tpu.vector_load %arg18[%swap3A_452, %swap3A_453] {strides = array<i32>} : memref<24x128xf32, #tpu.memory_space<vmem>>, vector<16xf32>,
        tpu.vector_store %arg18[%swap3A_452, %swap3A_453], %add3A_451 {strides = array<i32>} : memref<24x128xf32, #tpu.memory_space<vmem>>, vector<16xf32>,
        %get3A_455 = arith.index_cast %scan3A_179 : i32 to index
        %get3A_456 = arith.constant 16 : index
        %get3A_457 = tpu.vector_load %arg18[%get3A_455, %get3A_456] {strides = array<i32>} : memref<24x128xf32, #tpu.memory_space<vmem>>, vector<16xf32>,
        %mul3A_458 = arith.mulf %gather3A_441, %unpack3A_446 : vector<16xf32>
        %add3A_459 = arith.addf %get3A_457, %mul3A_458 : vector<16xf32>
        %swap3A_460 = arith.index_cast %scan3A_179 : i32 to index
        %swap3A_461 = arith.constant 16 : index
        %swap3A_462 = tpu.vector_load %arg18[%swap3A_460, %swap3A_461] {strides = array<i32>} : memref<24x128xf32, #tpu.memory_space<vmem>>, vector<16xf32>,
        tpu.vector_store %arg18[%swap3A_460, %swap3A_461], %add3A_459 {strides = array<i32>} : memref<24x128xf32, #tpu.memory_space<vmem>>, vector<16xf32>,
        %get3A_463 = arith.index_cast %scan3A_179 : i32 to index
        %get3A_464 = arith.constant 416 : index
        %get3A_465 = tpu.vector_load %arg14[%get3A_463, %get3A_464] {strides = array<i32>} : memref<24x1024xbf16, #tpu.memory_space<vmem>>, vector<32xbf16>,
        %unpack3A_466 = tpu.unpack_subelements %get3A_465, 0 {pack_format = #tpu.pack_format<interleaved>} : vector<32xbf16> -> vector<16xf32>
        %unpack3A_467 = tpu.unpack_subelements %get3A_465, 1 {pack_format = #tpu.pack_format<interleaved>} : vector<32xbf16> -> vector<16xf32>
        %get3A_468 = arith.index_cast %scan3A_179 : i32 to index
        %get3A_469 = arith.constant 32 : index
        %get3A_470 = tpu.vector_load %arg18[%get3A_468, %get3A_469] {strides = array<i32>} : memref<24x128xf32, #tpu.memory_space<vmem>>, vector<16xf32>,
        %mul3A_471 = arith.mulf %gather3A_441, %unpack3A_466 : vector<16xf32>
        %add3A_472 = arith.addf %get3A_470, %mul3A_471 : vector<16xf32>
        %swap3A_473 = arith.index_cast %scan3A_179 : i32 to index
        %swap3A_474 = arith.constant 32 : index
        %swap3A_475 = tpu.vector_load %arg18[%swap3A_473, %swap3A_474] {strides = array<i32>} : memref<24x128xf32, #tpu.memory_space<vmem>>, vector<16xf32>,
        tpu.vector_store %arg18[%swap3A_473, %swap3A_474], %add3A_472 {strides = array<i32>} : memref<24x128xf32, #tpu.memory_space<vmem>>, vector<16xf32>,
        %get3A_476 = arith.index_cast %scan3A_179 : i32 to index
        %get3A_477 = arith.constant 48 : index
        %get3A_478 = tpu.vector_load %arg18[%get3A_476, %get3A_477] {strides = array<i32>} : memref<24x128xf32, #tpu.memory_space<vmem>>, vector<16xf32>,
        %mul3A_479 = arith.mulf %gather3A_441, %unpack3A_467 : vector<16xf32>
        %add3A_480 = arith.addf %get3A_478, %mul3A_479 : vector<16xf32>
        %swap3A_481 = arith.index_cast %scan3A_179 : i32 to index
        %swap3A_482 = arith.constant 48 : index
        %swap3A_483 = tpu.vector_load %arg18[%swap3A_481, %swap3A_482] {strides = array<i32>} : memref<24x128xf32, #tpu.memory_space<vmem>>, vector<16xf32>,
        tpu.vector_store %arg18[%swap3A_481, %swap3A_482], %add3A_480 {strides = array<i32>} : memref<24x128xf32, #tpu.memory_space<vmem>>, vector<16xf32>,
        %get3A_484 = arith.index_cast %scan3A_179 : i32 to index
        %get3A_485 = arith.constant 448 : index
        %get3A_486 = tpu.vector_load %arg14[%get3A_484, %get3A_485] {strides = array<i32>} : memref<24x1024xbf16, #tpu.memory_space<vmem>>, vector<32xbf16>,
        %unpack3A_487 = tpu.unpack_subelements %get3A_486, 0 {pack_format = #tpu.pack_format<interleaved>} : vector<32xbf16> -> vector<16xf32>
        %unpack3A_488 = tpu.unpack_subelements %get3A_486, 1 {pack_format = #tpu.pack_format<interleaved>} : vector<32xbf16> -> vector<16xf32>
        %get3A_489 = arith.index_cast %scan3A_179 : i32 to index
        %get3A_490 = arith.constant 64 : index
        %get3A_491 = tpu.vector_load %arg18[%get3A_489, %get3A_490] {strides = array<i32>} : memref<24x128xf32, #tpu.memory_space<vmem>>, vector<16xf32>,
        %mul3A_492 = arith.mulf %gather3A_441, %unpack3A_487 : vector<16xf32>
        %add3A_493 = arith.addf %get3A_491, %mul3A_492 : vector<16xf32>
        %swap3A_494 = arith.index_cast %scan3A_179 : i32 to index
        %swap3A_495 = arith.constant 64 : index
        %swap3A_496 = tpu.vector_load %arg18[%swap3A_494, %swap3A_495] {strides = array<i32>} : memref<24x128xf32, #tpu.memory_space<vmem>>, vector<16xf32>,
        tpu.vector_store %arg18[%swap3A_494, %swap3A_495], %add3A_493 {strides = array<i32>} : memref<24x128xf32, #tpu.memory_space<vmem>>, vector<16xf32>,
        %get3A_497 = arith.index_cast %scan3A_179 : i32 to index
        %get3A_498 = arith.constant 80 : index
        %get3A_499 = tpu.vector_load %arg18[%get3A_497, %get3A_498] {strides = array<i32>} : memref<24x128xf32, #tpu.memory_space<vmem>>, vector<16xf32>,
        %mul3A_500 = arith.mulf %gather3A_441, %unpack3A_488 : vector<16xf32>
        %add3A_501 = arith.addf %get3A_499, %mul3A_500 : vector<16xf32>
        %swap3A_502 = arith.index_cast %scan3A_179 : i32 to index
        %swap3A_503 = arith.constant 80 : index
        %swap3A_504 = tpu.vector_load %arg18[%swap3A_502, %swap3A_503] {strides = array<i32>} : memref<24x128xf32, #tpu.memory_space<vmem>>, vector<16xf32>,
        tpu.vector_store %arg18[%swap3A_502, %swap3A_503], %add3A_501 {strides = array<i32>} : memref<24x128xf32, #tpu.memory_space<vmem>>, vector<16xf32>,
        %get3A_505 = arith.index_cast %scan3A_179 : i32 to index
        %get3A_506 = arith.constant 480 : index
        %get3A_507 = tpu.vector_load %arg14[%get3A_505, %get3A_506] {strides = array<i32>} : memref<24x1024xbf16, #tpu.memory_space<vmem>>, vector<32xbf16>,
        %unpack3A_508 = tpu.unpack_subelements %get3A_507, 0 {pack_format = #tpu.pack_format<interleaved>} : vector<32xbf16> -> vector<16xf32>
        %unpack3A_509 = tpu.unpack_subelements %get3A_507, 1 {pack_format = #tpu.pack_format<interleaved>} : vector<32xbf16> -> vector<16xf32>
        %get3A_510 = arith.index_cast %scan3A_179 : i32 to index
        %get3A_511 = arith.constant 96 : index
        %get3A_512 = tpu.vector_load %arg18[%get3A_510, %get3A_511] {strides = array<i32>} : memref<24x128xf32, #tpu.memory_space<vmem>>, vector<16xf32>,
        %mul3A_513 = arith.mulf %gather3A_441, %unpack3A_508 : vector<16xf32>
        %add3A_514 = arith.addf %get3A_512, %mul3A_513 : vector<16xf32>
        %swap3A_515 = arith.index_cast %scan3A_179 : i32 to index
        %swap3A_516 = arith.constant 96 : index
        %swap3A_517 = tpu.vector_load %arg18[%swap3A_515, %swap3A_516] {strides = array<i32>} : memref<24x128xf32, #tpu.memory_space<vmem>>, vector<16xf32>,
        tpu.vector_store %arg18[%swap3A_515, %swap3A_516], %add3A_514 {strides = array<i32>} : memref<24x128xf32, #tpu.memory_space<vmem>>, vector<16xf32>,
        %get3A_518 = arith.index_cast %scan3A_179 : i32 to index
        %get3A_519 = arith.constant 112 : index
        %get3A_520 = tpu.vector_load %arg18[%get3A_518, %get3A_519] {strides = array<i32>} : memref<24x128xf32, #tpu.memory_space<vmem>>, vector<16xf32>,
        %mul3A_521 = arith.mulf %gather3A_441, %unpack3A_509 : vector<16xf32>
        %add3A_522 = arith.addf %get3A_520, %mul3A_521 : vector<16xf32>
        %swap3A_523 = arith.index_cast %scan3A_179 : i32 to index
        %swap3A_524 = arith.constant 112 : index
        %swap3A_525 = tpu.vector_load %arg18[%swap3A_523, %swap3A_524] {strides = array<i32>} : memref<24x128xf32, #tpu.memory_space<vmem>>, vector<16xf32>,
        tpu.vector_store %arg18[%swap3A_523, %swap3A_524], %add3A_522 {strides = array<i32>} : memref<24x128xf32, #tpu.memory_space<vmem>>, vector<16xf32>,
        %lt3A_526 = arith.constant 0 : i32
        %lt3A_527 = vector.broadcast %lt3A_526 : i32 to vector<16xi32>
        %lt3A_528 = arith.cmpi slt, %broadcast_in_dim3A_13, %lt3A_527 : vector<16xi32>
        %add3A_529 = arith.constant 16 : i32
        %add3A_530 = vector.broadcast %add3A_529 : i32 to vector<16xi32>
        %add3A_531 = arith.addi %broadcast_in_dim3A_13, %add3A_530 : vector<16xi32>
        %select_n3A_532 = arith.select %lt3A_528, %add3A_531, %broadcast_in_dim3A_13 : vector<16xi1>, vector<16xi32>
        %broadcast_in_dim3A_533 = vector.shape_cast %select_n3A_532 : vector<16xi32> to vector<16x1xi32>
        %gather3A_534 = vector.shape_cast %broadcast_in_dim3A_533 : vector<16x1xi32> to vector<16xi32>
        %gather3A_535 = tpu.dynamic_gather %mul3A_185[%gather3A_534] in [0] : vector<16xf32>, vector<16xi32> -> vector<16xf32>
        %get3A_536 = arith.index_cast %scan3A_179 : i32 to index
        %get3A_537 = arith.constant 512 : index
        %get3A_538 = tpu.vector_load %arg14[%get3A_536, %get3A_537] {strides = array<i32>} : memref<24x1024xbf16, #tpu.memory_space<vmem>>, vector<32xbf16>,
        %unpack3A_539 = tpu.unpack_subelements %get3A_538, 0 {pack_format = #tpu.pack_format<interleaved>} : vector<32xbf16> -> vector<16xf32>
        %unpack3A_540 = tpu.unpack_subelements %get3A_538, 1 {pack_format = #tpu.pack_format<interleaved>} : vector<32xbf16> -> vector<16xf32>
        %get3A_541 = arith.index_cast %scan3A_179 : i32 to index
        %get3A_542 = arith.constant 0 : index
        %get3A_543 = tpu.vector_load %arg18[%get3A_541, %get3A_542] {strides = array<i32>} : memref<24x128xf32, #tpu.memory_space<vmem>>, vector<16xf32>,
        %mul3A_544 = arith.mulf %gather3A_535, %unpack3A_539 : vector<16xf32>
        %add3A_545 = arith.addf %get3A_543, %mul3A_544 : vector<16xf32>
        %swap3A_546 = arith.index_cast %scan3A_179 : i32 to index
        %swap3A_547 = arith.constant 0 : index
        %swap3A_548 = tpu.vector_load %arg18[%swap3A_546, %swap3A_547] {strides = array<i32>} : memref<24x128xf32, #tpu.memory_space<vmem>>, vector<16xf32>,
        tpu.vector_store %arg18[%swap3A_546, %swap3A_547], %add3A_545 {strides = array<i32>} : memref<24x128xf32, #tpu.memory_space<vmem>>, vector<16xf32>,
        %get3A_549 = arith.index_cast %scan3A_179 : i32 to index
        %get3A_550 = arith.constant 16 : index
        %get3A_551 = tpu.vector_load %arg18[%get3A_549, %get3A_550] {strides = array<i32>} : memref<24x128xf32, #tpu.memory_space<vmem>>, vector<16xf32>,
        %mul3A_552 = arith.mulf %gather3A_535, %unpack3A_540 : vector<16xf32>
        %add3A_553 = arith.addf %get3A_551, %mul3A_552 : vector<16xf32>
        %swap3A_554 = arith.index_cast %scan3A_179 : i32 to index
        %swap3A_555 = arith.constant 16 : index
        %swap3A_556 = tpu.vector_load %arg18[%swap3A_554, %swap3A_555] {strides = array<i32>} : memref<24x128xf32, #tpu.memory_space<vmem>>, vector<16xf32>,
        tpu.vector_store %arg18[%swap3A_554, %swap3A_555], %add3A_553 {strides = array<i32>} : memref<24x128xf32, #tpu.memory_space<vmem>>, vector<16xf32>,
        %get3A_557 = arith.index_cast %scan3A_179 : i32 to index
        %get3A_558 = arith.constant 544 : index
        %get3A_559 = tpu.vector_load %arg14[%get3A_557, %get3A_558] {strides = array<i32>} : memref<24x1024xbf16, #tpu.memory_space<vmem>>, vector<32xbf16>,
        %unpack3A_560 = tpu.unpack_subelements %get3A_559, 0 {pack_format = #tpu.pack_format<interleaved>} : vector<32xbf16> -> vector<16xf32>
        %unpack3A_561 = tpu.unpack_subelements %get3A_559, 1 {pack_format = #tpu.pack_format<interleaved>} : vector<32xbf16> -> vector<16xf32>
        %get3A_562 = arith.index_cast %scan3A_179 : i32 to index
        %get3A_563 = arith.constant 32 : index
        %get3A_564 = tpu.vector_load %arg18[%get3A_562, %get3A_563] {strides = array<i32>} : memref<24x128xf32, #tpu.memory_space<vmem>>, vector<16xf32>,
        %mul3A_565 = arith.mulf %gather3A_535, %unpack3A_560 : vector<16xf32>
        %add3A_566 = arith.addf %get3A_564, %mul3A_565 : vector<16xf32>
        %swap3A_567 = arith.index_cast %scan3A_179 : i32 to index
        %swap3A_568 = arith.constant 32 : index
        %swap3A_569 = tpu.vector_load %arg18[%swap3A_567, %swap3A_568] {strides = array<i32>} : memref<24x128xf32, #tpu.memory_space<vmem>>, vector<16xf32>,
        tpu.vector_store %arg18[%swap3A_567, %swap3A_568], %add3A_566 {strides = array<i32>} : memref<24x128xf32, #tpu.memory_space<vmem>>, vector<16xf32>,
        %get3A_570 = arith.index_cast %scan3A_179 : i32 to index
        %get3A_571 = arith.constant 48 : index
        %get3A_572 = tpu.vector_load %arg18[%get3A_570, %get3A_571] {strides = array<i32>} : memref<24x128xf32, #tpu.memory_space<vmem>>, vector<16xf32>,
        %mul3A_573 = arith.mulf %gather3A_535, %unpack3A_561 : vector<16xf32>
        %add3A_574 = arith.addf %get3A_572, %mul3A_573 : vector<16xf32>
        %swap3A_575 = arith.index_cast %scan3A_179 : i32 to index
        %swap3A_576 = arith.constant 48 : index
        %swap3A_577 = tpu.vector_load %arg18[%swap3A_575, %swap3A_576] {strides = array<i32>} : memref<24x128xf32, #tpu.memory_space<vmem>>, vector<16xf32>,
        tpu.vector_store %arg18[%swap3A_575, %swap3A_576], %add3A_574 {strides = array<i32>} : memref<24x128xf32, #tpu.memory_space<vmem>>, vector<16xf32>,
        %get3A_578 = arith.index_cast %scan3A_179 : i32 to index
        %get3A_579 = arith.constant 576 : index
        %get3A_580 = tpu.vector_load %arg14[%get3A_578, %get3A_579] {strides = array<i32>} : memref<24x1024xbf16, #tpu.memory_space<vmem>>, vector<32xbf16>,
        %unpack3A_581 = tpu.unpack_subelements %get3A_580, 0 {pack_format = #tpu.pack_format<interleaved>} : vector<32xbf16> -> vector<16xf32>
        %unpack3A_582 = tpu.unpack_subelements %get3A_580, 1 {pack_format = #tpu.pack_format<interleaved>} : vector<32xbf16> -> vector<16xf32>
        %get3A_583 = arith.index_cast %scan3A_179 : i32 to index
        %get3A_584 = arith.constant 64 : index
        %get3A_585 = tpu.vector_load %arg18[%get3A_583, %get3A_584] {strides = array<i32>} : memref<24x128xf32, #tpu.memory_space<vmem>>, vector<16xf32>,
        %mul3A_586 = arith.mulf %gather3A_535, %unpack3A_581 : vector<16xf32>
        %add3A_587 = arith.addf %get3A_585, %mul3A_586 : vector<16xf32>
        %swap3A_588 = arith.index_cast %scan3A_179 : i32 to index
        %swap3A_589 = arith.constant 64 : index
        %swap3A_590 = tpu.vector_load %arg18[%swap3A_588, %swap3A_589] {strides = array<i32>} : memref<24x128xf32, #tpu.memory_space<vmem>>, vector<16xf32>,
        tpu.vector_store %arg18[%swap3A_588, %swap3A_589], %add3A_587 {strides = array<i32>} : memref<24x128xf32, #tpu.memory_space<vmem>>, vector<16xf32>,
        %get3A_591 = arith.index_cast %scan3A_179 : i32 to index
        %get3A_592 = arith.constant 80 : index
        %get3A_593 = tpu.vector_load %arg18[%get3A_591, %get3A_592] {strides = array<i32>} : memref<24x128xf32, #tpu.memory_space<vmem>>, vector<16xf32>,
        %mul3A_594 = arith.mulf %gather3A_535, %unpack3A_582 : vector<16xf32>
        %add3A_595 = arith.addf %get3A_593, %mul3A_594 : vector<16xf32>
        %swap3A_596 = arith.index_cast %scan3A_179 : i32 to index
        %swap3A_597 = arith.constant 80 : index
        %swap3A_598 = tpu.vector_load %arg18[%swap3A_596, %swap3A_597] {strides = array<i32>} : memref<24x128xf32, #tpu.memory_space<vmem>>, vector<16xf32>,
        tpu.vector_store %arg18[%swap3A_596, %swap3A_597], %add3A_595 {strides = array<i32>} : memref<24x128xf32, #tpu.memory_space<vmem>>, vector<16xf32>,
        %get3A_599 = arith.index_cast %scan3A_179 : i32 to index
        %get3A_600 = arith.constant 608 : index
        %get3A_601 = tpu.vector_load %arg14[%get3A_599, %get3A_600] {strides = array<i32>} : memref<24x1024xbf16, #tpu.memory_space<vmem>>, vector<32xbf16>,
        %unpack3A_602 = tpu.unpack_subelements %get3A_601, 0 {pack_format = #tpu.pack_format<interleaved>} : vector<32xbf16> -> vector<16xf32>
        %unpack3A_603 = tpu.unpack_subelements %get3A_601, 1 {pack_format = #tpu.pack_format<interleaved>} : vector<32xbf16> -> vector<16xf32>
        %get3A_604 = arith.index_cast %scan3A_179 : i32 to index
        %get3A_605 = arith.constant 96 : index
        %get3A_606 = tpu.vector_load %arg18[%get3A_604, %get3A_605] {strides = array<i32>} : memref<24x128xf32, #tpu.memory_space<vmem>>, vector<16xf32>,
        %mul3A_607 = arith.mulf %gather3A_535, %unpack3A_602 : vector<16xf32>
        %add3A_608 = arith.addf %get3A_606, %mul3A_607 : vector<16xf32>
        %swap3A_609 = arith.index_cast %scan3A_179 : i32 to index
        %swap3A_610 = arith.constant 96 : index
        %swap3A_611 = tpu.vector_load %arg18[%swap3A_609, %swap3A_610] {strides = array<i32>} : memref<24x128xf32, #tpu.memory_space<vmem>>, vector<16xf32>,
        tpu.vector_store %arg18[%swap3A_609, %swap3A_610], %add3A_608 {strides = array<i32>} : memref<24x128xf32, #tpu.memory_space<vmem>>, vector<16xf32>,
        %get3A_612 = arith.index_cast %scan3A_179 : i32 to index
        %get3A_613 = arith.constant 112 : index
        %get3A_614 = tpu.vector_load %arg18[%get3A_612, %get3A_613] {strides = array<i32>} : memref<24x128xf32, #tpu.memory_space<vmem>>, vector<16xf32>,
        %mul3A_615 = arith.mulf %gather3A_535, %unpack3A_603 : vector<16xf32>
        %add3A_616 = arith.addf %get3A_614, %mul3A_615 : vector<16xf32>
        %swap3A_617 = arith.index_cast %scan3A_179 : i32 to index
        %swap3A_618 = arith.constant 112 : index
        %swap3A_619 = tpu.vector_load %arg18[%swap3A_617, %swap3A_618] {strides = array<i32>} : memref<24x128xf32, #tpu.memory_space<vmem>>, vector<16xf32>,
        tpu.vector_store %arg18[%swap3A_617, %swap3A_618], %add3A_616 {strides = array<i32>} : memref<24x128xf32, #tpu.memory_space<vmem>>, vector<16xf32>,
        %lt3A_620 = arith.constant 0 : i32
        %lt3A_621 = vector.broadcast %lt3A_620 : i32 to vector<16xi32>
        %lt3A_622 = arith.cmpi slt, %broadcast_in_dim3A_15, %lt3A_621 : vector<16xi32>
        %add3A_623 = arith.constant 16 : i32
        %add3A_624 = vector.broadcast %add3A_623 : i32 to vector<16xi32>
        %add3A_625 = arith.addi %broadcast_in_dim3A_15, %add3A_624 : vector<16xi32>
        %select_n3A_626 = arith.select %lt3A_622, %add3A_625, %broadcast_in_dim3A_15 : vector<16xi1>, vector<16xi32>
        %broadcast_in_dim3A_627 = vector.shape_cast %select_n3A_626 : vector<16xi32> to vector<16x1xi32>
        %gather3A_628 = vector.shape_cast %broadcast_in_dim3A_627 : vector<16x1xi32> to vector<16xi32>
        %gather3A_629 = tpu.dynamic_gather %mul3A_185[%gather3A_628] in [0] : vector<16xf32>, vector<16xi32> -> vector<16xf32>
        %get3A_630 = arith.index_cast %scan3A_179 : i32 to index
        %get3A_631 = arith.constant 640 : index
        %get3A_632 = tpu.vector_load %arg14[%get3A_630, %get3A_631] {strides = array<i32>} : memref<24x1024xbf16, #tpu.memory_space<vmem>>, vector<32xbf16>,
        %unpack3A_633 = tpu.unpack_subelements %get3A_632, 0 {pack_format = #tpu.pack_format<interleaved>} : vector<32xbf16> -> vector<16xf32>
        %unpack3A_634 = tpu.unpack_subelements %get3A_632, 1 {pack_format = #tpu.pack_format<interleaved>} : vector<32xbf16> -> vector<16xf32>
        %get3A_635 = arith.index_cast %scan3A_179 : i32 to index
        %get3A_636 = arith.constant 0 : index
        %get3A_637 = tpu.vector_load %arg18[%get3A_635, %get3A_636] {strides = array<i32>} : memref<24x128xf32, #tpu.memory_space<vmem>>, vector<16xf32>,
        %mul3A_638 = arith.mulf %gather3A_629, %unpack3A_633 : vector<16xf32>
        %add3A_639 = arith.addf %get3A_637, %mul3A_638 : vector<16xf32>
        %swap3A_640 = arith.index_cast %scan3A_179 : i32 to index
        %swap3A_641 = arith.constant 0 : index
        %swap3A_642 = tpu.vector_load %arg18[%swap3A_640, %swap3A_641] {strides = array<i32>} : memref<24x128xf32, #tpu.memory_space<vmem>>, vector<16xf32>,
        tpu.vector_store %arg18[%swap3A_640, %swap3A_641], %add3A_639 {strides = array<i32>} : memref<24x128xf32, #tpu.memory_space<vmem>>, vector<16xf32>,
        %get3A_643 = arith.index_cast %scan3A_179 : i32 to index
        %get3A_644 = arith.constant 16 : index
        %get3A_645 = tpu.vector_load %arg18[%get3A_643, %get3A_644] {strides = array<i32>} : memref<24x128xf32, #tpu.memory_space<vmem>>, vector<16xf32>,
        %mul3A_646 = arith.mulf %gather3A_629, %unpack3A_634 : vector<16xf32>
        %add3A_647 = arith.addf %get3A_645, %mul3A_646 : vector<16xf32>
        %swap3A_648 = arith.index_cast %scan3A_179 : i32 to index
        %swap3A_649 = arith.constant 16 : index
        %swap3A_650 = tpu.vector_load %arg18[%swap3A_648, %swap3A_649] {strides = array<i32>} : memref<24x128xf32, #tpu.memory_space<vmem>>, vector<16xf32>,
        tpu.vector_store %arg18[%swap3A_648, %swap3A_649], %add3A_647 {strides = array<i32>} : memref<24x128xf32, #tpu.memory_space<vmem>>, vector<16xf32>,
        %get3A_651 = arith.index_cast %scan3A_179 : i32 to index
        %get3A_652 = arith.constant 672 : index
        %get3A_653 = tpu.vector_load %arg14[%get3A_651, %get3A_652] {strides = array<i32>} : memref<24x1024xbf16, #tpu.memory_space<vmem>>, vector<32xbf16>,
        %unpack3A_654 = tpu.unpack_subelements %get3A_653, 0 {pack_format = #tpu.pack_format<interleaved>} : vector<32xbf16> -> vector<16xf32>
        %unpack3A_655 = tpu.unpack_subelements %get3A_653, 1 {pack_format = #tpu.pack_format<interleaved>} : vector<32xbf16> -> vector<16xf32>
        %get3A_656 = arith.index_cast %scan3A_179 : i32 to index
        %get3A_657 = arith.constant 32 : index
        %get3A_658 = tpu.vector_load %arg18[%get3A_656, %get3A_657] {strides = array<i32>} : memref<24x128xf32, #tpu.memory_space<vmem>>, vector<16xf32>,
        %mul3A_659 = arith.mulf %gather3A_629, %unpack3A_654 : vector<16xf32>
        %add3A_660 = arith.addf %get3A_658, %mul3A_659 : vector<16xf32>
        %swap3A_661 = arith.index_cast %scan3A_179 : i32 to index
        %swap3A_662 = arith.constant 32 : index
        %swap3A_663 = tpu.vector_load %arg18[%swap3A_661, %swap3A_662] {strides = array<i32>} : memref<24x128xf32, #tpu.memory_space<vmem>>, vector<16xf32>,
        tpu.vector_store %arg18[%swap3A_661, %swap3A_662], %add3A_660 {strides = array<i32>} : memref<24x128xf32, #tpu.memory_space<vmem>>, vector<16xf32>,
        %get3A_664 = arith.index_cast %scan3A_179 : i32 to index
        %get3A_665 = arith.constant 48 : index
        %get3A_666 = tpu.vector_load %arg18[%get3A_664, %get3A_665] {strides = array<i32>} : memref<24x128xf32, #tpu.memory_space<vmem>>, vector<16xf32>,
        %mul3A_667 = arith.mulf %gather3A_629, %unpack3A_655 : vector<16xf32>
        %add3A_668 = arith.addf %get3A_666, %mul3A_667 : vector<16xf32>
        %swap3A_669 = arith.index_cast %scan3A_179 : i32 to index
        %swap3A_670 = arith.constant 48 : index
        %swap3A_671 = tpu.vector_load %arg18[%swap3A_669, %swap3A_670] {strides = array<i32>} : memref<24x128xf32, #tpu.memory_space<vmem>>, vector<16xf32>,
        tpu.vector_store %arg18[%swap3A_669, %swap3A_670], %add3A_668 {strides = array<i32>} : memref<24x128xf32, #tpu.memory_space<vmem>>, vector<16xf32>,
        %get3A_672 = arith.index_cast %scan3A_179 : i32 to index
        %get3A_673 = arith.constant 704 : index
        %get3A_674 = tpu.vector_load %arg14[%get3A_672, %get3A_673] {strides = array<i32>} : memref<24x1024xbf16, #tpu.memory_space<vmem>>, vector<32xbf16>,
        %unpack3A_675 = tpu.unpack_subelements %get3A_674, 0 {pack_format = #tpu.pack_format<interleaved>} : vector<32xbf16> -> vector<16xf32>
        %unpack3A_676 = tpu.unpack_subelements %get3A_674, 1 {pack_format = #tpu.pack_format<interleaved>} : vector<32xbf16> -> vector<16xf32>
        %get3A_677 = arith.index_cast %scan3A_179 : i32 to index
        %get3A_678 = arith.constant 64 : index
        %get3A_679 = tpu.vector_load %arg18[%get3A_677, %get3A_678] {strides = array<i32>} : memref<24x128xf32, #tpu.memory_space<vmem>>, vector<16xf32>,
        %mul3A_680 = arith.mulf %gather3A_629, %unpack3A_675 : vector<16xf32>
        %add3A_681 = arith.addf %get3A_679, %mul3A_680 : vector<16xf32>
        %swap3A_682 = arith.index_cast %scan3A_179 : i32 to index
        %swap3A_683 = arith.constant 64 : index
        %swap3A_684 = tpu.vector_load %arg18[%swap3A_682, %swap3A_683] {strides = array<i32>} : memref<24x128xf32, #tpu.memory_space<vmem>>, vector<16xf32>,
        tpu.vector_store %arg18[%swap3A_682, %swap3A_683], %add3A_681 {strides = array<i32>} : memref<24x128xf32, #tpu.memory_space<vmem>>, vector<16xf32>,
        %get3A_685 = arith.index_cast %scan3A_179 : i32 to index
        %get3A_686 = arith.constant 80 : index
        %get3A_687 = tpu.vector_load %arg18[%get3A_685, %get3A_686] {strides = array<i32>} : memref<24x128xf32, #tpu.memory_space<vmem>>, vector<16xf32>,
        %mul3A_688 = arith.mulf %gather3A_629, %unpack3A_676 : vector<16xf32>
        %add3A_689 = arith.addf %get3A_687, %mul3A_688 : vector<16xf32>
        %swap3A_690 = arith.index_cast %scan3A_179 : i32 to index
        %swap3A_691 = arith.constant 80 : index
        %swap3A_692 = tpu.vector_load %arg18[%swap3A_690, %swap3A_691] {strides = array<i32>} : memref<24x128xf32, #tpu.memory_space<vmem>>, vector<16xf32>,
        tpu.vector_store %arg18[%swap3A_690, %swap3A_691], %add3A_689 {strides = array<i32>} : memref<24x128xf32, #tpu.memory_space<vmem>>, vector<16xf32>,
        %get3A_693 = arith.index_cast %scan3A_179 : i32 to index
        %get3A_694 = arith.constant 736 : index
        %get3A_695 = tpu.vector_load %arg14[%get3A_693, %get3A_694] {strides = array<i32>} : memref<24x1024xbf16, #tpu.memory_space<vmem>>, vector<32xbf16>,
        %unpack3A_696 = tpu.unpack_subelements %get3A_695, 0 {pack_format = #tpu.pack_format<interleaved>} : vector<32xbf16> -> vector<16xf32>
        %unpack3A_697 = tpu.unpack_subelements %get3A_695, 1 {pack_format = #tpu.pack_format<interleaved>} : vector<32xbf16> -> vector<16xf32>
        %get3A_698 = arith.index_cast %scan3A_179 : i32 to index
        %get3A_699 = arith.constant 96 : index
        %get3A_700 = tpu.vector_load %arg18[%get3A_698, %get3A_699] {strides = array<i32>} : memref<24x128xf32, #tpu.memory_space<vmem>>, vector<16xf32>,
        %mul3A_701 = arith.mulf %gather3A_629, %unpack3A_696 : vector<16xf32>
        %add3A_702 = arith.addf %get3A_700, %mul3A_701 : vector<16xf32>
        %swap3A_703 = arith.index_cast %scan3A_179 : i32 to index
        %swap3A_704 = arith.constant 96 : index
        %swap3A_705 = tpu.vector_load %arg18[%swap3A_703, %swap3A_704] {strides = array<i32>} : memref<24x128xf32, #tpu.memory_space<vmem>>, vector<16xf32>,
        tpu.vector_store %arg18[%swap3A_703, %swap3A_704], %add3A_702 {strides = array<i32>} : memref<24x128xf32, #tpu.memory_space<vmem>>, vector<16xf32>,
        %get3A_706 = arith.index_cast %scan3A_179 : i32 to index
        %get3A_707 = arith.constant 112 : index
        %get3A_708 = tpu.vector_load %arg18[%get3A_706, %get3A_707] {strides = array<i32>} : memref<24x128xf32, #tpu.memory_space<vmem>>, vector<16xf32>,
        %mul3A_709 = arith.mulf %gather3A_629, %unpack3A_697 : vector<16xf32>
        %add3A_710 = arith.addf %get3A_708, %mul3A_709 : vector<16xf32>
        %swap3A_711 = arith.index_cast %scan3A_179 : i32 to index
        %swap3A_712 = arith.constant 112 : index
        %swap3A_713 = tpu.vector_load %arg18[%swap3A_711, %swap3A_712] {strides = array<i32>} : memref<24x128xf32, #tpu.memory_space<vmem>>, vector<16xf32>,
        tpu.vector_store %arg18[%swap3A_711, %swap3A_712], %add3A_710 {strides = array<i32>} : memref<24x128xf32, #tpu.memory_space<vmem>>, vector<16xf32>,
        %lt3A_714 = arith.constant 0 : i32
        %lt3A_715 = vector.broadcast %lt3A_714 : i32 to vector<16xi32>
        %lt3A_716 = arith.cmpi slt, %broadcast_in_dim3A_17, %lt3A_715 : vector<16xi32>
        %add3A_717 = arith.constant 16 : i32
        %add3A_718 = vector.broadcast %add3A_717 : i32 to vector<16xi32>
        %add3A_719 = arith.addi %broadcast_in_dim3A_17, %add3A_718 : vector<16xi32>
        %select_n3A_720 = arith.select %lt3A_716, %add3A_719, %broadcast_in_dim3A_17 : vector<16xi1>, vector<16xi32>
        %broadcast_in_dim3A_721 = vector.shape_cast %select_n3A_720 : vector<16xi32> to vector<16x1xi32>
        %gather3A_722 = vector.shape_cast %broadcast_in_dim3A_721 : vector<16x1xi32> to vector<16xi32>
        %gather3A_723 = tpu.dynamic_gather %mul3A_185[%gather3A_722] in [0] : vector<16xf32>, vector<16xi32> -> vector<16xf32>
        %get3A_724 = arith.index_cast %scan3A_179 : i32 to index
        %get3A_725 = arith.constant 768 : index
        %get3A_726 = tpu.vector_load %arg14[%get3A_724, %get3A_725] {strides = array<i32>} : memref<24x1024xbf16, #tpu.memory_space<vmem>>, vector<32xbf16>,
        %unpack3A_727 = tpu.unpack_subelements %get3A_726, 0 {pack_format = #tpu.pack_format<interleaved>} : vector<32xbf16> -> vector<16xf32>
        %unpack3A_728 = tpu.unpack_subelements %get3A_726, 1 {pack_format = #tpu.pack_format<interleaved>} : vector<32xbf16> -> vector<16xf32>
        %get3A_729 = arith.index_cast %scan3A_179 : i32 to index
        %get3A_730 = arith.constant 0 : index
        %get3A_731 = tpu.vector_load %arg18[%get3A_729, %get3A_730] {strides = array<i32>} : memref<24x128xf32, #tpu.memory_space<vmem>>, vector<16xf32>,
        %mul3A_732 = arith.mulf %gather3A_723, %unpack3A_727 : vector<16xf32>
        %add3A_733 = arith.addf %get3A_731, %mul3A_732 : vector<16xf32>
        %swap3A_734 = arith.index_cast %scan3A_179 : i32 to index
        %swap3A_735 = arith.constant 0 : index
        %swap3A_736 = tpu.vector_load %arg18[%swap3A_734, %swap3A_735] {strides = array<i32>} : memref<24x128xf32, #tpu.memory_space<vmem>>, vector<16xf32>,
        tpu.vector_store %arg18[%swap3A_734, %swap3A_735], %add3A_733 {strides = array<i32>} : memref<24x128xf32, #tpu.memory_space<vmem>>, vector<16xf32>,
        %get3A_737 = arith.index_cast %scan3A_179 : i32 to index
        %get3A_738 = arith.constant 16 : index
        %get3A_739 = tpu.vector_load %arg18[%get3A_737, %get3A_738] {strides = array<i32>} : memref<24x128xf32, #tpu.memory_space<vmem>>, vector<16xf32>,
        %mul3A_740 = arith.mulf %gather3A_723, %unpack3A_728 : vector<16xf32>
        %add3A_741 = arith.addf %get3A_739, %mul3A_740 : vector<16xf32>
        %swap3A_742 = arith.index_cast %scan3A_179 : i32 to index
        %swap3A_743 = arith.constant 16 : index
        %swap3A_744 = tpu.vector_load %arg18[%swap3A_742, %swap3A_743] {strides = array<i32>} : memref<24x128xf32, #tpu.memory_space<vmem>>, vector<16xf32>,
        tpu.vector_store %arg18[%swap3A_742, %swap3A_743], %add3A_741 {strides = array<i32>} : memref<24x128xf32, #tpu.memory_space<vmem>>, vector<16xf32>,
        %get3A_745 = arith.index_cast %scan3A_179 : i32 to index
        %get3A_746 = arith.constant 800 : index
        %get3A_747 = tpu.vector_load %arg14[%get3A_745, %get3A_746] {strides = array<i32>} : memref<24x1024xbf16, #tpu.memory_space<vmem>>, vector<32xbf16>,
        %unpack3A_748 = tpu.unpack_subelements %get3A_747, 0 {pack_format = #tpu.pack_format<interleaved>} : vector<32xbf16> -> vector<16xf32>
        %unpack3A_749 = tpu.unpack_subelements %get3A_747, 1 {pack_format = #tpu.pack_format<interleaved>} : vector<32xbf16> -> vector<16xf32>
        %get3A_750 = arith.index_cast %scan3A_179 : i32 to index
        %get3A_751 = arith.constant 32 : index
        %get3A_752 = tpu.vector_load %arg18[%get3A_750, %get3A_751] {strides = array<i32>} : memref<24x128xf32, #tpu.memory_space<vmem>>, vector<16xf32>,
        %mul3A_753 = arith.mulf %gather3A_723, %unpack3A_748 : vector<16xf32>
        %add3A_754 = arith.addf %get3A_752, %mul3A_753 : vector<16xf32>
        %swap3A_755 = arith.index_cast %scan3A_179 : i32 to index
        %swap3A_756 = arith.constant 32 : index
        %swap3A_757 = tpu.vector_load %arg18[%swap3A_755, %swap3A_756] {strides = array<i32>} : memref<24x128xf32, #tpu.memory_space<vmem>>, vector<16xf32>,
        tpu.vector_store %arg18[%swap3A_755, %swap3A_756], %add3A_754 {strides = array<i32>} : memref<24x128xf32, #tpu.memory_space<vmem>>, vector<16xf32>,
        %get3A_758 = arith.index_cast %scan3A_179 : i32 to index
        %get3A_759 = arith.constant 48 : index
        %get3A_760 = tpu.vector_load %arg18[%get3A_758, %get3A_759] {strides = array<i32>} : memref<24x128xf32, #tpu.memory_space<vmem>>, vector<16xf32>,
        %mul3A_761 = arith.mulf %gather3A_723, %unpack3A_749 : vector<16xf32>
        %add3A_762 = arith.addf %get3A_760, %mul3A_761 : vector<16xf32>
        %swap3A_763 = arith.index_cast %scan3A_179 : i32 to index
        %swap3A_764 = arith.constant 48 : index
        %swap3A_765 = tpu.vector_load %arg18[%swap3A_763, %swap3A_764] {strides = array<i32>} : memref<24x128xf32, #tpu.memory_space<vmem>>, vector<16xf32>,
        tpu.vector_store %arg18[%swap3A_763, %swap3A_764], %add3A_762 {strides = array<i32>} : memref<24x128xf32, #tpu.memory_space<vmem>>, vector<16xf32>,
        %get3A_766 = arith.index_cast %scan3A_179 : i32 to index
        %get3A_767 = arith.constant 832 : index
        %get3A_768 = tpu.vector_load %arg14[%get3A_766, %get3A_767] {strides = array<i32>} : memref<24x1024xbf16, #tpu.memory_space<vmem>>, vector<32xbf16>,
        %unpack3A_769 = tpu.unpack_subelements %get3A_768, 0 {pack_format = #tpu.pack_format<interleaved>} : vector<32xbf16> -> vector<16xf32>
        %unpack3A_770 = tpu.unpack_subelements %get3A_768, 1 {pack_format = #tpu.pack_format<interleaved>} : vector<32xbf16> -> vector<16xf32>
        %get3A_771 = arith.index_cast %scan3A_179 : i32 to index
        %get3A_772 = arith.constant 64 : index
        %get3A_773 = tpu.vector_load %arg18[%get3A_771, %get3A_772] {strides = array<i32>} : memref<24x128xf32, #tpu.memory_space<vmem>>, vector<16xf32>,
        %mul3A_774 = arith.mulf %gather3A_723, %unpack3A_769 : vector<16xf32>
        %add3A_775 = arith.addf %get3A_773, %mul3A_774 : vector<16xf32>
        %swap3A_776 = arith.index_cast %scan3A_179 : i32 to index
        %swap3A_777 = arith.constant 64 : index
        %swap3A_778 = tpu.vector_load %arg18[%swap3A_776, %swap3A_777] {strides = array<i32>} : memref<24x128xf32, #tpu.memory_space<vmem>>, vector<16xf32>,
        tpu.vector_store %arg18[%swap3A_776, %swap3A_777], %add3A_775 {strides = array<i32>} : memref<24x128xf32, #tpu.memory_space<vmem>>, vector<16xf32>,
        %get3A_779 = arith.index_cast %scan3A_179 : i32 to index
        %get3A_780 = arith.constant 80 : index
        %get3A_781 = tpu.vector_load %arg18[%get3A_779, %get3A_780] {strides = array<i32>} : memref<24x128xf32, #tpu.memory_space<vmem>>, vector<16xf32>,
        %mul3A_782 = arith.mulf %gather3A_723, %unpack3A_770 : vector<16xf32>
        %add3A_783 = arith.addf %get3A_781, %mul3A_782 : vector<16xf32>
        %swap3A_784 = arith.index_cast %scan3A_179 : i32 to index
        %swap3A_785 = arith.constant 80 : index
        %swap3A_786 = tpu.vector_load %arg18[%swap3A_784, %swap3A_785] {strides = array<i32>} : memref<24x128xf32, #tpu.memory_space<vmem>>, vector<16xf32>,
        tpu.vector_store %arg18[%swap3A_784, %swap3A_785], %add3A_783 {strides = array<i32>} : memref<24x128xf32, #tpu.memory_space<vmem>>, vector<16xf32>,
        %get3A_787 = arith.index_cast %scan3A_179 : i32 to index
        %get3A_788 = arith.constant 864 : index
        %get3A_789 = tpu.vector_load %arg14[%get3A_787, %get3A_788] {strides = array<i32>} : memref<24x1024xbf16, #tpu.memory_space<vmem>>, vector<32xbf16>,
        %unpack3A_790 = tpu.unpack_subelements %get3A_789, 0 {pack_format = #tpu.pack_format<interleaved>} : vector<32xbf16> -> vector<16xf32>
        %unpack3A_791 = tpu.unpack_subelements %get3A_789, 1 {pack_format = #tpu.pack_format<interleaved>} : vector<32xbf16> -> vector<16xf32>
        %get3A_792 = arith.index_cast %scan3A_179 : i32 to index
        %get3A_793 = arith.constant 96 : index
        %get3A_794 = tpu.vector_load %arg18[%get3A_792, %get3A_793] {strides = array<i32>} : memref<24x128xf32, #tpu.memory_space<vmem>>, vector<16xf32>,
        %mul3A_795 = arith.mulf %gather3A_723, %unpack3A_790 : vector<16xf32>
        %add3A_796 = arith.addf %get3A_794, %mul3A_795 : vector<16xf32>
        %swap3A_797 = arith.index_cast %scan3A_179 : i32 to index
        %swap3A_798 = arith.constant 96 : index
        %swap3A_799 = tpu.vector_load %arg18[%swap3A_797, %swap3A_798] {strides = array<i32>} : memref<24x128xf32, #tpu.memory_space<vmem>>, vector<16xf32>,
        tpu.vector_store %arg18[%swap3A_797, %swap3A_798], %add3A_796 {strides = array<i32>} : memref<24x128xf32, #tpu.memory_space<vmem>>, vector<16xf32>,
        %get3A_800 = arith.index_cast %scan3A_179 : i32 to index
        %get3A_801 = arith.constant 112 : index
        %get3A_802 = tpu.vector_load %arg18[%get3A_800, %get3A_801] {strides = array<i32>} : memref<24x128xf32, #tpu.memory_space<vmem>>, vector<16xf32>,
        %mul3A_803 = arith.mulf %gather3A_723, %unpack3A_791 : vector<16xf32>
        %add3A_804 = arith.addf %get3A_802, %mul3A_803 : vector<16xf32>
        %swap3A_805 = arith.index_cast %scan3A_179 : i32 to index
        %swap3A_806 = arith.constant 112 : index
        %swap3A_807 = tpu.vector_load %arg18[%swap3A_805, %swap3A_806] {strides = array<i32>} : memref<24x128xf32, #tpu.memory_space<vmem>>, vector<16xf32>,
        tpu.vector_store %arg18[%swap3A_805, %swap3A_806], %add3A_804 {strides = array<i32>} : memref<24x128xf32, #tpu.memory_space<vmem>>, vector<16xf32>,
        %lt3A_808 = arith.constant 0 : i32
        %lt3A_809 = vector.broadcast %lt3A_808 : i32 to vector<16xi32>
        %lt3A_810 = arith.cmpi slt, %broadcast_in_dim3A_19, %lt3A_809 : vector<16xi32>
        %add3A_811 = arith.constant 16 : i32
        %add3A_812 = vector.broadcast %add3A_811 : i32 to vector<16xi32>
        %add3A_813 = arith.addi %broadcast_in_dim3A_19, %add3A_812 : vector<16xi32>
        %select_n3A_814 = arith.select %lt3A_810, %add3A_813, %broadcast_in_dim3A_19 : vector<16xi1>, vector<16xi32>
        %broadcast_in_dim3A_815 = vector.shape_cast %select_n3A_814 : vector<16xi32> to vector<16x1xi32>
        %gather3A_816 = vector.shape_cast %broadcast_in_dim3A_815 : vector<16x1xi32> to vector<16xi32>
        %gather3A_817 = tpu.dynamic_gather %mul3A_185[%gather3A_816] in [0] : vector<16xf32>, vector<16xi32> -> vector<16xf32>
        %get3A_818 = arith.index_cast %scan3A_179 : i32 to index
        %get3A_819 = arith.constant 896 : index
        %get3A_820 = tpu.vector_load %arg14[%get3A_818, %get3A_819] {strides = array<i32>} : memref<24x1024xbf16, #tpu.memory_space<vmem>>, vector<32xbf16>,
        %unpack3A_821 = tpu.unpack_subelements %get3A_820, 0 {pack_format = #tpu.pack_format<interleaved>} : vector<32xbf16> -> vector<16xf32>
        %unpack3A_822 = tpu.unpack_subelements %get3A_820, 1 {pack_format = #tpu.pack_format<interleaved>} : vector<32xbf16> -> vector<16xf32>
        %get3A_823 = arith.index_cast %scan3A_179 : i32 to index
        %get3A_824 = arith.constant 0 : index
        %get3A_825 = tpu.vector_load %arg18[%get3A_823, %get3A_824] {strides = array<i32>} : memref<24x128xf32, #tpu.memory_space<vmem>>, vector<16xf32>,
        %mul3A_826 = arith.mulf %gather3A_817, %unpack3A_821 : vector<16xf32>
        %add3A_827 = arith.addf %get3A_825, %mul3A_826 : vector<16xf32>
        %swap3A_828 = arith.index_cast %scan3A_179 : i32 to index
        %swap3A_829 = arith.constant 0 : index
        %swap3A_830 = tpu.vector_load %arg18[%swap3A_828, %swap3A_829] {strides = array<i32>} : memref<24x128xf32, #tpu.memory_space<vmem>>, vector<16xf32>,
        tpu.vector_store %arg18[%swap3A_828, %swap3A_829], %add3A_827 {strides = array<i32>} : memref<24x128xf32, #tpu.memory_space<vmem>>, vector<16xf32>,
        %get3A_831 = arith.index_cast %scan3A_179 : i32 to index
        %get3A_832 = arith.constant 16 : index
        %get3A_833 = tpu.vector_load %arg18[%get3A_831, %get3A_832] {strides = array<i32>} : memref<24x128xf32, #tpu.memory_space<vmem>>, vector<16xf32>,
        %mul3A_834 = arith.mulf %gather3A_817, %unpack3A_822 : vector<16xf32>
        %add3A_835 = arith.addf %get3A_833, %mul3A_834 : vector<16xf32>
        %swap3A_836 = arith.index_cast %scan3A_179 : i32 to index
        %swap3A_837 = arith.constant 16 : index
        %swap3A_838 = tpu.vector_load %arg18[%swap3A_836, %swap3A_837] {strides = array<i32>} : memref<24x128xf32, #tpu.memory_space<vmem>>, vector<16xf32>,
        tpu.vector_store %arg18[%swap3A_836, %swap3A_837], %add3A_835 {strides = array<i32>} : memref<24x128xf32, #tpu.memory_space<vmem>>, vector<16xf32>,
        %get3A_839 = arith.index_cast %scan3A_179 : i32 to index
        %get3A_840 = arith.constant 928 : index
        %get3A_841 = tpu.vector_load %arg14[%get3A_839, %get3A_840] {strides = array<i32>} : memref<24x1024xbf16, #tpu.memory_space<vmem>>, vector<32xbf16>,
        %unpack3A_842 = tpu.unpack_subelements %get3A_841, 0 {pack_format = #tpu.pack_format<interleaved>} : vector<32xbf16> -> vector<16xf32>
        %unpack3A_843 = tpu.unpack_subelements %get3A_841, 1 {pack_format = #tpu.pack_format<interleaved>} : vector<32xbf16> -> vector<16xf32>
        %get3A_844 = arith.index_cast %scan3A_179 : i32 to index
        %get3A_845 = arith.constant 32 : index
        %get3A_846 = tpu.vector_load %arg18[%get3A_844, %get3A_845] {strides = array<i32>} : memref<24x128xf32, #tpu.memory_space<vmem>>, vector<16xf32>,
        %mul3A_847 = arith.mulf %gather3A_817, %unpack3A_842 : vector<16xf32>
        %add3A_848 = arith.addf %get3A_846, %mul3A_847 : vector<16xf32>
        %swap3A_849 = arith.index_cast %scan3A_179 : i32 to index
        %swap3A_850 = arith.constant 32 : index
        %swap3A_851 = tpu.vector_load %arg18[%swap3A_849, %swap3A_850] {strides = array<i32>} : memref<24x128xf32, #tpu.memory_space<vmem>>, vector<16xf32>,
        tpu.vector_store %arg18[%swap3A_849, %swap3A_850], %add3A_848 {strides = array<i32>} : memref<24x128xf32, #tpu.memory_space<vmem>>, vector<16xf32>,
        %get3A_852 = arith.index_cast %scan3A_179 : i32 to index
        %get3A_853 = arith.constant 48 : index
        %get3A_854 = tpu.vector_load %arg18[%get3A_852, %get3A_853] {strides = array<i32>} : memref<24x128xf32, #tpu.memory_space<vmem>>, vector<16xf32>,
        %mul3A_855 = arith.mulf %gather3A_817, %unpack3A_843 : vector<16xf32>
        %add3A_856 = arith.addf %get3A_854, %mul3A_855 : vector<16xf32>
        %swap3A_857 = arith.index_cast %scan3A_179 : i32 to index
        %swap3A_858 = arith.constant 48 : index
        %swap3A_859 = tpu.vector_load %arg18[%swap3A_857, %swap3A_858] {strides = array<i32>} : memref<24x128xf32, #tpu.memory_space<vmem>>, vector<16xf32>,
        tpu.vector_store %arg18[%swap3A_857, %swap3A_858], %add3A_856 {strides = array<i32>} : memref<24x128xf32, #tpu.memory_space<vmem>>, vector<16xf32>,
        %get3A_860 = arith.index_cast %scan3A_179 : i32 to index
        %get3A_861 = arith.constant 960 : index
        %get3A_862 = tpu.vector_load %arg14[%get3A_860, %get3A_861] {strides = array<i32>} : memref<24x1024xbf16, #tpu.memory_space<vmem>>, vector<32xbf16>,
        %unpack3A_863 = tpu.unpack_subelements %get3A_862, 0 {pack_format = #tpu.pack_format<interleaved>} : vector<32xbf16> -> vector<16xf32>
        %unpack3A_864 = tpu.unpack_subelements %get3A_862, 1 {pack_format = #tpu.pack_format<interleaved>} : vector<32xbf16> -> vector<16xf32>
        %get3A_865 = arith.index_cast %scan3A_179 : i32 to index
        %get3A_866 = arith.constant 64 : index
        %get3A_867 = tpu.vector_load %arg18[%get3A_865, %get3A_866] {strides = array<i32>} : memref<24x128xf32, #tpu.memory_space<vmem>>, vector<16xf32>,
        %mul3A_868 = arith.mulf %gather3A_817, %unpack3A_863 : vector<16xf32>
        %add3A_869 = arith.addf %get3A_867, %mul3A_868 : vector<16xf32>
        %swap3A_870 = arith.index_cast %scan3A_179 : i32 to index
        %swap3A_871 = arith.constant 64 : index
        %swap3A_872 = tpu.vector_load %arg18[%swap3A_870, %swap3A_871] {strides = array<i32>} : memref<24x128xf32, #tpu.memory_space<vmem>>, vector<16xf32>,
        tpu.vector_store %arg18[%swap3A_870, %swap3A_871], %add3A_869 {strides = array<i32>} : memref<24x128xf32, #tpu.memory_space<vmem>>, vector<16xf32>,
        %get3A_873 = arith.index_cast %scan3A_179 : i32 to index
        %get3A_874 = arith.constant 80 : index
        %get3A_875 = tpu.vector_load %arg18[%get3A_873, %get3A_874] {strides = array<i32>} : memref<24x128xf32, #tpu.memory_space<vmem>>, vector<16xf32>,
        %mul3A_876 = arith.mulf %gather3A_817, %unpack3A_864 : vector<16xf32>
        %add3A_877 = arith.addf %get3A_875, %mul3A_876 : vector<16xf32>
        %swap3A_878 = arith.index_cast %scan3A_179 : i32 to index
        %swap3A_879 = arith.constant 80 : index
        %swap3A_880 = tpu.vector_load %arg18[%swap3A_878, %swap3A_879] {strides = array<i32>} : memref<24x128xf32, #tpu.memory_space<vmem>>, vector<16xf32>,
        tpu.vector_store %arg18[%swap3A_878, %swap3A_879], %add3A_877 {strides = array<i32>} : memref<24x128xf32, #tpu.memory_space<vmem>>, vector<16xf32>,
        %get3A_881 = arith.index_cast %scan3A_179 : i32 to index
        %get3A_882 = arith.constant 992 : index
        %get3A_883 = tpu.vector_load %arg14[%get3A_881, %get3A_882] {strides = array<i32>} : memref<24x1024xbf16, #tpu.memory_space<vmem>>, vector<32xbf16>,
        %unpack3A_884 = tpu.unpack_subelements %get3A_883, 0 {pack_format = #tpu.pack_format<interleaved>} : vector<32xbf16> -> vector<16xf32>
        %unpack3A_885 = tpu.unpack_subelements %get3A_883, 1 {pack_format = #tpu.pack_format<interleaved>} : vector<32xbf16> -> vector<16xf32>
        %get3A_886 = arith.index_cast %scan3A_179 : i32 to index
        %get3A_887 = arith.constant 96 : index
        %get3A_888 = tpu.vector_load %arg18[%get3A_886, %get3A_887] {strides = array<i32>} : memref<24x128xf32, #tpu.memory_space<vmem>>, vector<16xf32>,
        %mul3A_889 = arith.mulf %gather3A_817, %unpack3A_884 : vector<16xf32>
        %add3A_890 = arith.addf %get3A_888, %mul3A_889 : vector<16xf32>
        %swap3A_891 = arith.index_cast %scan3A_179 : i32 to index
        %swap3A_892 = arith.constant 96 : index
        %swap3A_893 = tpu.vector_load %arg18[%swap3A_891, %swap3A_892] {strides = array<i32>} : memref<24x128xf32, #tpu.memory_space<vmem>>, vector<16xf32>,
        tpu.vector_store %arg18[%swap3A_891, %swap3A_892], %add3A_890 {strides = array<i32>} : memref<24x128xf32, #tpu.memory_space<vmem>>, vector<16xf32>,
        %get3A_894 = arith.index_cast %scan3A_179 : i32 to index
        %get3A_895 = arith.constant 112 : index
        %get3A_896 = tpu.vector_load %arg18[%get3A_894, %get3A_895] {strides = array<i32>} : memref<24x128xf32, #tpu.memory_space<vmem>>, vector<16xf32>,
        %mul3A_897 = arith.mulf %gather3A_817, %unpack3A_885 : vector<16xf32>
        %add3A_898 = arith.addf %get3A_896, %mul3A_897 : vector<16xf32>
        %swap3A_899 = arith.index_cast %scan3A_179 : i32 to index
        %swap3A_900 = arith.constant 112 : index
        %swap3A_901 = tpu.vector_load %arg18[%swap3A_899, %swap3A_900] {strides = array<i32>} : memref<24x128xf32, #tpu.memory_space<vmem>>, vector<16xf32>,
        tpu.vector_store %arg18[%swap3A_899, %swap3A_900], %add3A_898 {strides = array<i32>} : memref<24x128xf32, #tpu.memory_space<vmem>>, vector<16xf32>,
      }
      %scan3A_116 = arith.constant 24 : i32
      %dma_start3A_117 = arith.constant 0 : i32
      %dma_start3A_118 = tpu.memref_slice %arg9[%add3A_74, %dma_start3A_117] : memref<432x24xi32, #tpu.memory_space<vmem>> -> memref<1x24xi32, #tpu.memory_space<vmem>>
      %dma_start3A_119 = tpu.memref_squeeze %dma_start3A_118 : memref<1x24xi32, #tpu.memory_space<vmem>> -> memref<24xi32, #tpu.memory_space<vmem>>
      %dma_start3A_120 = arith.constant 0 : i32
      %dma_start3A_121 = arith.constant 0 : i32
      %dma_start3A_122 = tpu.memref_slice %arg20[%dma_start3A_120, %dma_start3A_121] : memref<10112x128xf32, #tpu.memory_space<vmem_shared>> -> memref<10112x128xf32, #tpu.memory_space<vmem_shared>>
      tpu.enqueue_indirect_dma source(%arg18 : memref<24x128xf32, #tpu.memory_space<vmem>>) target(%dma_start3A_122 : memref<10112x128xf32, #tpu.memory_space<vmem_shared>>) offsets(%dma_start3A_119 : memref<24xi32, #tpu.memory_space<vmem>>) semaphore(%arg29 : memref<!tpu.dma_semaphore, #tpu.memory_space<semaphore_mem>>) {add = true}
      %mul3A_123 = arith.constant 2 : i32
      %mul3A_124 = arith.muli %scan3A_70, %mul3A_123 : i32
      %add3A_125 = arith.constant 1 : i32
      %add3A_126 = arith.addi %mul3A_124, %add3A_125 : i32
      %add3A_127 = arith.constant 1 : i32
      %add3A_128 = arith.addi %add3A_126, %add3A_127 : i32
      %lt3A_129 = arith.constant 432 : i32
      %lt3A_130 = arith.cmpi slt, %add3A_128, %lt3A_129 : i32
      %convert_element_type3A_131 = arith.extui %lt3A_130 : i1 to i32
      %cond3A_132 = arith.constant 0 : i32
      %cond3A_133 = arith.cmpi ne, %convert_element_type3A_131, %cond3A_132 : i32
      scf.if %cond3A_133 {
        %mul3A_179 = arith.constant 24 : i32
        %mul3A_180 = arith.muli %add3A_128, %mul3A_179 : i32
        %add3A_181 = arith.addi %mul3A_23, %mul3A_180 : i32
        %dma_wait3A_182 = tpu.memref_slice %arg2[%add3A_181] : memref<331776xi32, #tpu.memory_space<hbm>> -> memref<24xi32, #tpu.memory_space<hbm>>
        %dma_wait3A_183 = tpu.memref_slice %arg2[%add3A_181] : memref<331776xi32, #tpu.memory_space<hbm>> -> memref<24xi32, #tpu.memory_space<hbm>>
        tpu.wait_dma2 semaphore(%arg21 : memref<!tpu.dma_semaphore, #tpu.memory_space<semaphore_mem>>) src(%dma_wait3A_183 : memref<24xi32, #tpu.memory_space<hbm>>) dst(%arg10 : memref<24xi32, #tpu.memory_space<vmem>>)
      } else {
      }
      %mul3A_134 = arith.constant 24 : i32
      %mul3A_135 = arith.muli %add3A_126, %mul3A_134 : i32
      %add3A_136 = arith.addi %mul3A_23, %mul3A_135 : i32
      %dma_wait3A_137 = arith.constant 0 : i32
      %dma_wait3A_138 = tpu.memref_slice %arg9[%add3A_126, %dma_wait3A_137] : memref<432x24xi32, #tpu.memory_space<vmem>> -> memref<1x24xi32, #tpu.memory_space<vmem>>
      %dma_wait3A_139 = tpu.memref_squeeze %dma_wait3A_138 : memref<1x24xi32, #tpu.memory_space<vmem>> -> memref<24xi32, #tpu.memory_space<vmem>>
      %dma_wait3A_140 = arith.constant 0 : i32
      %dma_wait3A_141 = arith.constant 0 : i32
      %dma_wait3A_142 = tpu.memref_slice %arg4[%dma_wait3A_140, %dma_wait3A_141] : memref<10112x16xf32, #tpu.memory_space<hbm>> -> memref<10112x16xf32, #tpu.memory_space<hbm>>
      tpu.wait_indirect_dma semaphore(%arg24 : memref<!tpu.dma_semaphore, #tpu.memory_space<semaphore_mem>>) src(%dma_wait3A_142 : memref<10112x16xf32, #tpu.memory_space<hbm>>) dst(%arg13 : memref<24x16xf32, #tpu.memory_space<vmem>>)
      %dma_wait3A_143 = arith.constant 0 : i32
      %dma_wait3A_144 = arith.constant 0 : i32
      %dma_wait3A_145 = tpu.memref_slice %arg5[%dma_wait3A_143, %dma_wait3A_144] : memref<10000x1024xbf16, #tpu.memory_space<hbm>> -> memref<10000x1024xbf16, #tpu.memory_space<hbm>>
      tpu.wait_indirect_dma semaphore(%arg26 : memref<!tpu.dma_semaphore, #tpu.memory_space<semaphore_mem>>) src(%dma_wait3A_145 : memref<10000x1024xbf16, #tpu.memory_space<hbm>>) dst(%arg15 : memref<24x1024xbf16, #tpu.memory_space<vmem>>)
      %dma_wait3A_146 = arith.constant 0 : i32
      %dma_wait3A_147 = tpu.memref_slice %arg6[%add3A_136, %dma_wait3A_146] : memref<331776x16xf32, #tpu.memory_space<hbm>> -> memref<24x16xf32, #tpu.memory_space<hbm>>
      %dma_wait3A_148 = arith.constant 0 : i32
      %dma_wait3A_149 = tpu.memref_slice %arg6[%add3A_136, %dma_wait3A_148] : memref<331776x16xf32, #tpu.memory_space<hbm>> -> memref<24x16xf32, #tpu.memory_space<hbm>>
      tpu.wait_dma2 semaphore(%arg28 : memref<!tpu.dma_semaphore, #tpu.memory_space<semaphore_mem>>) src(%dma_wait3A_149 : memref<24x16xf32, #tpu.memory_space<hbm>>) dst(%arg17 : memref<24x16xf32, #tpu.memory_space<vmem>>)
      %lt3A_150 = arith.constant 432 : i32
      %lt3A_151 = arith.cmpi slt, %add3A_128, %lt3A_150 : i32
      %convert_element_type3A_152 = arith.extui %lt3A_151 : i1 to i32
      %cond3A_153 = arith.constant 0 : i32
      %cond3A_154 = arith.cmpi ne, %convert_element_type3A_152, %cond3A_153 : i32
      scf.if %cond3A_154 {
        %mul3A_179 = arith.constant 24 : i32
        %mul3A_180 = arith.muli %add3A_128, %mul3A_179 : i32
        %add3A_181 = arith.addi %mul3A_23, %mul3A_180 : i32
        %dma_start3A_182 = arith.constant 0 : i32
        %dma_start3A_183 = tpu.memref_slice %arg9[%add3A_128, %dma_start3A_182] : memref<432x24xi32, #tpu.memory_space<vmem>> -> memref<1x24xi32, #tpu.memory_space<vmem>>
        %dma_start3A_184 = tpu.memref_squeeze %dma_start3A_183 : memref<1x24xi32, #tpu.memory_space<vmem>> -> memref<24xi32, #tpu.memory_space<vmem>>
        %dma_start3A_185 = arith.constant 0 : i32
        %dma_start3A_186 = arith.constant 0 : i32
        %dma_start3A_187 = tpu.memref_slice %arg4[%dma_start3A_185, %dma_start3A_186] : memref<10112x16xf32, #tpu.memory_space<hbm>> -> memref<10112x16xf32, #tpu.memory_space<hbm>>
        tpu.enqueue_indirect_dma source(%dma_start3A_187 : memref<10112x16xf32, #tpu.memory_space<hbm>>) target(%arg12 : memref<24x16xf32, #tpu.memory_space<vmem>>) offsets(%dma_start3A_184 : memref<24xi32, #tpu.memory_space<vmem>>) semaphore(%arg23 : memref<!tpu.dma_semaphore, #tpu.memory_space<semaphore_mem>>)
        %dma_start3A_188 = arith.constant 0 : i32
        %dma_start3A_189 = arith.constant 0 : i32
        %dma_start3A_190 = tpu.memref_slice %arg5[%dma_start3A_188, %dma_start3A_189] : memref<10000x1024xbf16, #tpu.memory_space<hbm>> -> memref<10000x1024xbf16, #tpu.memory_space<hbm>>
        tpu.enqueue_indirect_dma source(%dma_start3A_190 : memref<10000x1024xbf16, #tpu.memory_space<hbm>>) target(%arg14 : memref<24x1024xbf16, #tpu.memory_space<vmem>>) offsets(%arg10 : memref<24xi32, #tpu.memory_space<vmem>>) semaphore(%arg25 : memref<!tpu.dma_semaphore, #tpu.memory_space<semaphore_mem>>)
        %dma_start3A_191 = arith.constant 0 : i32
        %dma_start3A_192 = tpu.memref_slice %arg6[%add3A_181, %dma_start3A_191] : memref<331776x16xf32, #tpu.memory_space<hbm>> -> memref<24x16xf32, #tpu.memory_space<hbm>>
        %dma_start3A_193 = arith.constant 0 : i32
        %dma_start3A_194 = tpu.memref_slice %arg6[%add3A_181, %dma_start3A_193] : memref<331776x16xf32, #tpu.memory_space<hbm>> -> memref<24x16xf32, #tpu.memory_space<hbm>>
        tpu.enqueue_dma source(%dma_start3A_194 : memref<24x16xf32, #tpu.memory_space<hbm>>) target(%arg16 : memref<24x16xf32, #tpu.memory_space<vmem>>) target_semaphore(%arg27 : memref<!tpu.dma_semaphore, #tpu.memory_space<semaphore_mem>>)
      } else {
      }
      %add3A_155 = arith.constant 2 : i32
      %add3A_156 = arith.addi %add3A_126, %add3A_155 : i32
      %lt3A_157 = arith.constant 432 : i32
      %lt3A_158 = arith.cmpi slt, %add3A_156, %lt3A_157 : i32
      %convert_element_type3A_159 = arith.extui %lt3A_158 : i1 to i32
      %cond3A_160 = arith.constant 0 : i32
      %cond3A_161 = arith.cmpi ne, %convert_element_type3A_159, %cond3A_160 : i32
      scf.if %cond3A_161 {
        %add3A_179 = arith.constant 2 : i32
        %add3A_180 = arith.addi %add3A_126, %add3A_179 : i32
        %mul3A_181 = arith.constant 24 : i32
        %mul3A_182 = arith.muli %add3A_180, %mul3A_181 : i32
        %add3A_183 = arith.addi %mul3A_23, %mul3A_182 : i32
        %dma_start3A_184 = tpu.memref_slice %arg2[%add3A_183] : memref<331776xi32, #tpu.memory_space<hbm>> -> memref<24xi32, #tpu.memory_space<hbm>>
        %dma_start3A_185 = tpu.memref_slice %arg2[%add3A_183] : memref<331776xi32, #tpu.memory_space<hbm>> -> memref<24xi32, #tpu.memory_space<hbm>>
        tpu.enqueue_dma source(%dma_start3A_185 : memref<24xi32, #tpu.memory_space<hbm>>) target(%arg11 : memref<24xi32, #tpu.memory_space<vmem>>) target_semaphore(%arg22 : memref<!tpu.dma_semaphore, #tpu.memory_space<semaphore_mem>>)
      } else {
      }
      %ge3A_162 = arith.constant 2 : i32
      %ge3A_163 = arith.cmpi sge, %add3A_126, %ge3A_162 : i32
      %convert_element_type3A_164 = arith.extui %ge3A_163 : i1 to i32
      %cond3A_165 = arith.constant 0 : i32
      %cond3A_166 = arith.cmpi ne, %convert_element_type3A_164, %cond3A_165 : i32
      scf.if %cond3A_166 {
        %sub3A = arith.constant 2 : i32
        %sub3A_179 = arith.subi %add3A_126, %sub3A : i32
        %dma_wait3A_180 = arith.constant 0 : i32
        %dma_wait3A_181 = tpu.memref_slice %arg9[%sub3A_179, %dma_wait3A_180] : memref<432x24xi32, #tpu.memory_space<vmem>> -> memref<1x24xi32, #tpu.memory_space<vmem>>
        %dma_wait3A_182 = tpu.memref_squeeze %dma_wait3A_181 : memref<1x24xi32, #tpu.memory_space<vmem>> -> memref<24xi32, #tpu.memory_space<vmem>>
        %dma_wait3A_183 = arith.constant 0 : i32
        %dma_wait3A_184 = arith.constant 0 : i32
        %dma_wait3A_185 = tpu.memref_slice %arg20[%dma_wait3A_183, %dma_wait3A_184] : memref<10112x128xf32, #tpu.memory_space<vmem_shared>> -> memref<10112x128xf32, #tpu.memory_space<vmem_shared>>
        tpu.wait_indirect_dma semaphore(%arg30 : memref<!tpu.dma_semaphore, #tpu.memory_space<semaphore_mem>>) src(%arg19 : memref<24x128xf32, #tpu.memory_space<vmem>>) dst(%dma_wait3A_185 : memref<10112x128xf32, #tpu.memory_space<vmem_shared>>)
      } else {
      }
      %scan3A_167 = arith.constant 0 : i32
      %scan3A_168 = arith.constant 0 : i32
      %scan3A_169 = arith.constant 24 : i32
      %scan3A_170 = arith.addi %scan3A_168, %scan3A_169 : i32
      %scan3A_171 = arith.constant 1 : i32
      scf.for %scan3A_179 = %scan3A_168 to %scan3A_170 step %scan3A_171  : i32 {
        %get3A = arith.index_cast %scan3A_179 : i32 to index
        %get3A_180 = arith.constant 0 : index
        %get3A_181 = tpu.vector_load %arg17[%get3A, %get3A_180] {strides = array<i32>} : memref<24x16xf32, #tpu.memory_space<vmem>>, vector<16xf32>,
        %get3A_182 = arith.index_cast %scan3A_179 : i32 to index
        %get3A_183 = arith.constant 0 : index
        %get3A_184 = tpu.vector_load %arg13[%get3A_182, %get3A_183] {strides = array<i32>} : memref<24x16xf32, #tpu.memory_space<vmem>>, vector<16xf32>,
        %mul3A_185 = arith.mulf %get3A_181, %get3A_184 : vector<16xf32>
        %lt3A_186 = arith.constant 0 : i32
        %lt3A_187 = vector.broadcast %lt3A_186 : i32 to vector<16xi32>
        %lt3A_188 = arith.cmpi slt, %broadcast_in_dim3A_5, %lt3A_187 : vector<16xi32>
        %add3A_189 = arith.constant 16 : i32
        %add3A_190 = vector.broadcast %add3A_189 : i32 to vector<16xi32>
        %add3A_191 = arith.addi %broadcast_in_dim3A_5, %add3A_190 : vector<16xi32>
        %select_n3A = arith.select %lt3A_188, %add3A_191, %broadcast_in_dim3A_5 : vector<16xi1>, vector<16xi32>
        %broadcast_in_dim3A_192 = vector.shape_cast %select_n3A : vector<16xi32> to vector<16x1xi32>
        %gather3A = vector.shape_cast %broadcast_in_dim3A_192 : vector<16x1xi32> to vector<16xi32>
        %gather3A_193 = tpu.dynamic_gather %mul3A_185[%gather3A] in [0] : vector<16xf32>, vector<16xi32> -> vector<16xf32>
        %get3A_194 = arith.index_cast %scan3A_179 : i32 to index
        %get3A_195 = arith.constant 0 : index
        %get3A_196 = tpu.vector_load %arg15[%get3A_194, %get3A_195] {strides = array<i32>} : memref<24x1024xbf16, #tpu.memory_space<vmem>>, vector<32xbf16>,
        %unpack3A = tpu.unpack_subelements %get3A_196, 0 {pack_format = #tpu.pack_format<interleaved>} : vector<32xbf16> -> vector<16xf32>
        %unpack3A_197 = tpu.unpack_subelements %get3A_196, 1 {pack_format = #tpu.pack_format<interleaved>} : vector<32xbf16> -> vector<16xf32>
        %mul3A_198 = arith.mulf %gather3A_193, %unpack3A : vector<16xf32>
        %swap3A = arith.index_cast %scan3A_179 : i32 to index
        %swap3A_199 = arith.constant 0 : index
        %swap3A_200 = tpu.vector_load %arg19[%swap3A, %swap3A_199] {strides = array<i32>} : memref<24x128xf32, #tpu.memory_space<vmem>>, vector<16xf32>,
        tpu.vector_store %arg19[%swap3A, %swap3A_199], %mul3A_198 {strides = array<i32>} : memref<24x128xf32, #tpu.memory_space<vmem>>, vector<16xf32>,
        %mul3A_201 = arith.mulf %gather3A_193, %unpack3A_197 : vector<16xf32>
        %swap3A_202 = arith.index_cast %scan3A_179 : i32 to index
        %swap3A_203 = arith.constant 16 : index
        %swap3A_204 = tpu.vector_load %arg19[%swap3A_202, %swap3A_203] {strides = array<i32>} : memref<24x128xf32, #tpu.memory_space<vmem>>, vector<16xf32>,
        tpu.vector_store %arg19[%swap3A_202, %swap3A_203], %mul3A_201 {strides = array<i32>} : memref<24x128xf32, #tpu.memory_space<vmem>>, vector<16xf32>,
        %get3A_205 = arith.index_cast %scan3A_179 : i32 to index
        %get3A_206 = arith.constant 32 : index
        %get3A_207 = tpu.vector_load %arg15[%get3A_205, %get3A_206] {strides = array<i32>} : memref<24x1024xbf16, #tpu.memory_space<vmem>>, vector<32xbf16>,
        %unpack3A_208 = tpu.unpack_subelements %get3A_207, 0 {pack_format = #tpu.pack_format<interleaved>} : vector<32xbf16> -> vector<16xf32>
        %unpack3A_209 = tpu.unpack_subelements %get3A_207, 1 {pack_format = #tpu.pack_format<interleaved>} : vector<32xbf16> -> vector<16xf32>
        %mul3A_210 = arith.mulf %gather3A_193, %unpack3A_208 : vector<16xf32>
        %swap3A_211 = arith.index_cast %scan3A_179 : i32 to index
        %swap3A_212 = arith.constant 32 : index
        %swap3A_213 = tpu.vector_load %arg19[%swap3A_211, %swap3A_212] {strides = array<i32>} : memref<24x128xf32, #tpu.memory_space<vmem>>, vector<16xf32>,
        tpu.vector_store %arg19[%swap3A_211, %swap3A_212], %mul3A_210 {strides = array<i32>} : memref<24x128xf32, #tpu.memory_space<vmem>>, vector<16xf32>,
        %mul3A_214 = arith.mulf %gather3A_193, %unpack3A_209 : vector<16xf32>
        %swap3A_215 = arith.index_cast %scan3A_179 : i32 to index
        %swap3A_216 = arith.constant 48 : index
        %swap3A_217 = tpu.vector_load %arg19[%swap3A_215, %swap3A_216] {strides = array<i32>} : memref<24x128xf32, #tpu.memory_space<vmem>>, vector<16xf32>,
        tpu.vector_store %arg19[%swap3A_215, %swap3A_216], %mul3A_214 {strides = array<i32>} : memref<24x128xf32, #tpu.memory_space<vmem>>, vector<16xf32>,
        %get3A_218 = arith.index_cast %scan3A_179 : i32 to index
        %get3A_219 = arith.constant 64 : index
        %get3A_220 = tpu.vector_load %arg15[%get3A_218, %get3A_219] {strides = array<i32>} : memref<24x1024xbf16, #tpu.memory_space<vmem>>, vector<32xbf16>,
        %unpack3A_221 = tpu.unpack_subelements %get3A_220, 0 {pack_format = #tpu.pack_format<interleaved>} : vector<32xbf16> -> vector<16xf32>
        %unpack3A_222 = tpu.unpack_subelements %get3A_220, 1 {pack_format = #tpu.pack_format<interleaved>} : vector<32xbf16> -> vector<16xf32>
        %mul3A_223 = arith.mulf %gather3A_193, %unpack3A_221 : vector<16xf32>
        %swap3A_224 = arith.index_cast %scan3A_179 : i32 to index
        %swap3A_225 = arith.constant 64 : index
        %swap3A_226 = tpu.vector_load %arg19[%swap3A_224, %swap3A_225] {strides = array<i32>} : memref<24x128xf32, #tpu.memory_space<vmem>>, vector<16xf32>,
        tpu.vector_store %arg19[%swap3A_224, %swap3A_225], %mul3A_223 {strides = array<i32>} : memref<24x128xf32, #tpu.memory_space<vmem>>, vector<16xf32>,
        %mul3A_227 = arith.mulf %gather3A_193, %unpack3A_222 : vector<16xf32>
        %swap3A_228 = arith.index_cast %scan3A_179 : i32 to index
        %swap3A_229 = arith.constant 80 : index
        %swap3A_230 = tpu.vector_load %arg19[%swap3A_228, %swap3A_229] {strides = array<i32>} : memref<24x128xf32, #tpu.memory_space<vmem>>, vector<16xf32>,
        tpu.vector_store %arg19[%swap3A_228, %swap3A_229], %mul3A_227 {strides = array<i32>} : memref<24x128xf32, #tpu.memory_space<vmem>>, vector<16xf32>,
        %get3A_231 = arith.index_cast %scan3A_179 : i32 to index
        %get3A_232 = arith.constant 96 : index
        %get3A_233 = tpu.vector_load %arg15[%get3A_231, %get3A_232] {strides = array<i32>} : memref<24x1024xbf16, #tpu.memory_space<vmem>>, vector<32xbf16>,
        %unpack3A_234 = tpu.unpack_subelements %get3A_233, 0 {pack_format = #tpu.pack_format<interleaved>} : vector<32xbf16> -> vector<16xf32>
        %unpack3A_235 = tpu.unpack_subelements %get3A_233, 1 {pack_format = #tpu.pack_format<interleaved>} : vector<32xbf16> -> vector<16xf32>
        %mul3A_236 = arith.mulf %gather3A_193, %unpack3A_234 : vector<16xf32>
        %swap3A_237 = arith.index_cast %scan3A_179 : i32 to index
        %swap3A_238 = arith.constant 96 : index
        %swap3A_239 = tpu.vector_load %arg19[%swap3A_237, %swap3A_238] {strides = array<i32>} : memref<24x128xf32, #tpu.memory_space<vmem>>, vector<16xf32>,
        tpu.vector_store %arg19[%swap3A_237, %swap3A_238], %mul3A_236 {strides = array<i32>} : memref<24x128xf32, #tpu.memory_space<vmem>>, vector<16xf32>,
        %mul3A_240 = arith.mulf %gather3A_193, %unpack3A_235 : vector<16xf32>
        %swap3A_241 = arith.index_cast %scan3A_179 : i32 to index
        %swap3A_242 = arith.constant 112 : index
        %swap3A_243 = tpu.vector_load %arg19[%swap3A_241, %swap3A_242] {strides = array<i32>} : memref<24x128xf32, #tpu.memory_space<vmem>>, vector<16xf32>,
        tpu.vector_store %arg19[%swap3A_241, %swap3A_242], %mul3A_240 {strides = array<i32>} : memref<24x128xf32, #tpu.memory_space<vmem>>, vector<16xf32>,
        %lt3A_244 = arith.constant 0 : i32
        %lt3A_245 = vector.broadcast %lt3A_244 : i32 to vector<16xi32>
        %lt3A_246 = arith.cmpi slt, %broadcast_in_dim3A_7, %lt3A_245 : vector<16xi32>
        %add3A_247 = arith.constant 16 : i32
        %add3A_248 = vector.broadcast %add3A_247 : i32 to vector<16xi32>
        %add3A_249 = arith.addi %broadcast_in_dim3A_7, %add3A_248 : vector<16xi32>
        %select_n3A_250 = arith.select %lt3A_246, %add3A_249, %broadcast_in_dim3A_7 : vector<16xi1>, vector<16xi32>
        %broadcast_in_dim3A_251 = vector.shape_cast %select_n3A_250 : vector<16xi32> to vector<16x1xi32>
        %gather3A_252 = vector.shape_cast %broadcast_in_dim3A_251 : vector<16x1xi32> to vector<16xi32>
        %gather3A_253 = tpu.dynamic_gather %mul3A_185[%gather3A_252] in [0] : vector<16xf32>, vector<16xi32> -> vector<16xf32>
        %get3A_254 = arith.index_cast %scan3A_179 : i32 to index
        %get3A_255 = arith.constant 128 : index
        %get3A_256 = tpu.vector_load %arg15[%get3A_254, %get3A_255] {strides = array<i32>} : memref<24x1024xbf16, #tpu.memory_space<vmem>>, vector<32xbf16>,
        %unpack3A_257 = tpu.unpack_subelements %get3A_256, 0 {pack_format = #tpu.pack_format<interleaved>} : vector<32xbf16> -> vector<16xf32>
        %unpack3A_258 = tpu.unpack_subelements %get3A_256, 1 {pack_format = #tpu.pack_format<interleaved>} : vector<32xbf16> -> vector<16xf32>
        %get3A_259 = arith.index_cast %scan3A_179 : i32 to index
        %get3A_260 = arith.constant 0 : index
        %get3A_261 = tpu.vector_load %arg19[%get3A_259, %get3A_260] {strides = array<i32>} : memref<24x128xf32, #tpu.memory_space<vmem>>, vector<16xf32>,
        %mul3A_262 = arith.mulf %gather3A_253, %unpack3A_257 : vector<16xf32>
        %add3A_263 = arith.addf %get3A_261, %mul3A_262 : vector<16xf32>
        %swap3A_264 = arith.index_cast %scan3A_179 : i32 to index
        %swap3A_265 = arith.constant 0 : index
        %swap3A_266 = tpu.vector_load %arg19[%swap3A_264, %swap3A_265] {strides = array<i32>} : memref<24x128xf32, #tpu.memory_space<vmem>>, vector<16xf32>,
        tpu.vector_store %arg19[%swap3A_264, %swap3A_265], %add3A_263 {strides = array<i32>} : memref<24x128xf32, #tpu.memory_space<vmem>>, vector<16xf32>,
        %get3A_267 = arith.index_cast %scan3A_179 : i32 to index
        %get3A_268 = arith.constant 16 : index
        %get3A_269 = tpu.vector_load %arg19[%get3A_267, %get3A_268] {strides = array<i32>} : memref<24x128xf32, #tpu.memory_space<vmem>>, vector<16xf32>,
        %mul3A_270 = arith.mulf %gather3A_253, %unpack3A_258 : vector<16xf32>
        %add3A_271 = arith.addf %get3A_269, %mul3A_270 : vector<16xf32>
        %swap3A_272 = arith.index_cast %scan3A_179 : i32 to index
        %swap3A_273 = arith.constant 16 : index
        %swap3A_274 = tpu.vector_load %arg19[%swap3A_272, %swap3A_273] {strides = array<i32>} : memref<24x128xf32, #tpu.memory_space<vmem>>, vector<16xf32>,
        tpu.vector_store %arg19[%swap3A_272, %swap3A_273], %add3A_271 {strides = array<i32>} : memref<24x128xf32, #tpu.memory_space<vmem>>, vector<16xf32>,
        %get3A_275 = arith.index_cast %scan3A_179 : i32 to index
        %get3A_276 = arith.constant 160 : index
        %get3A_277 = tpu.vector_load %arg15[%get3A_275, %get3A_276] {strides = array<i32>} : memref<24x1024xbf16, #tpu.memory_space<vmem>>, vector<32xbf16>,
        %unpack3A_278 = tpu.unpack_subelements %get3A_277, 0 {pack_format = #tpu.pack_format<interleaved>} : vector<32xbf16> -> vector<16xf32>
        %unpack3A_279 = tpu.unpack_subelements %get3A_277, 1 {pack_format = #tpu.pack_format<interleaved>} : vector<32xbf16> -> vector<16xf32>
        %get3A_280 = arith.index_cast %scan3A_179 : i32 to index
        %get3A_281 = arith.constant 32 : index
        %get3A_282 = tpu.vector_load %arg19[%get3A_280, %get3A_281] {strides = array<i32>} : memref<24x128xf32, #tpu.memory_space<vmem>>, vector<16xf32>,
        %mul3A_283 = arith.mulf %gather3A_253, %unpack3A_278 : vector<16xf32>
        %add3A_284 = arith.addf %get3A_282, %mul3A_283 : vector<16xf32>
        %swap3A_285 = arith.index_cast %scan3A_179 : i32 to index
        %swap3A_286 = arith.constant 32 : index
        %swap3A_287 = tpu.vector_load %arg19[%swap3A_285, %swap3A_286] {strides = array<i32>} : memref<24x128xf32, #tpu.memory_space<vmem>>, vector<16xf32>,
        tpu.vector_store %arg19[%swap3A_285, %swap3A_286], %add3A_284 {strides = array<i32>} : memref<24x128xf32, #tpu.memory_space<vmem>>, vector<16xf32>,
        %get3A_288 = arith.index_cast %scan3A_179 : i32 to index
        %get3A_289 = arith.constant 48 : index
        %get3A_290 = tpu.vector_load %arg19[%get3A_288, %get3A_289] {strides = array<i32>} : memref<24x128xf32, #tpu.memory_space<vmem>>, vector<16xf32>,
        %mul3A_291 = arith.mulf %gather3A_253, %unpack3A_279 : vector<16xf32>
        %add3A_292 = arith.addf %get3A_290, %mul3A_291 : vector<16xf32>
        %swap3A_293 = arith.index_cast %scan3A_179 : i32 to index
        %swap3A_294 = arith.constant 48 : index
        %swap3A_295 = tpu.vector_load %arg19[%swap3A_293, %swap3A_294] {strides = array<i32>} : memref<24x128xf32, #tpu.memory_space<vmem>>, vector<16xf32>,
        tpu.vector_store %arg19[%swap3A_293, %swap3A_294], %add3A_292 {strides = array<i32>} : memref<24x128xf32, #tpu.memory_space<vmem>>, vector<16xf32>,
        %get3A_296 = arith.index_cast %scan3A_179 : i32 to index
        %get3A_297 = arith.constant 192 : index
        %get3A_298 = tpu.vector_load %arg15[%get3A_296, %get3A_297] {strides = array<i32>} : memref<24x1024xbf16, #tpu.memory_space<vmem>>, vector<32xbf16>,
        %unpack3A_299 = tpu.unpack_subelements %get3A_298, 0 {pack_format = #tpu.pack_format<interleaved>} : vector<32xbf16> -> vector<16xf32>
        %unpack3A_300 = tpu.unpack_subelements %get3A_298, 1 {pack_format = #tpu.pack_format<interleaved>} : vector<32xbf16> -> vector<16xf32>
        %get3A_301 = arith.index_cast %scan3A_179 : i32 to index
        %get3A_302 = arith.constant 64 : index
        %get3A_303 = tpu.vector_load %arg19[%get3A_301, %get3A_302] {strides = array<i32>} : memref<24x128xf32, #tpu.memory_space<vmem>>, vector<16xf32>,
        %mul3A_304 = arith.mulf %gather3A_253, %unpack3A_299 : vector<16xf32>
        %add3A_305 = arith.addf %get3A_303, %mul3A_304 : vector<16xf32>
        %swap3A_306 = arith.index_cast %scan3A_179 : i32 to index
        %swap3A_307 = arith.constant 64 : index
        %swap3A_308 = tpu.vector_load %arg19[%swap3A_306, %swap3A_307] {strides = array<i32>} : memref<24x128xf32, #tpu.memory_space<vmem>>, vector<16xf32>,
        tpu.vector_store %arg19[%swap3A_306, %swap3A_307], %add3A_305 {strides = array<i32>} : memref<24x128xf32, #tpu.memory_space<vmem>>, vector<16xf32>,
        %get3A_309 = arith.index_cast %scan3A_179 : i32 to index
        %get3A_310 = arith.constant 80 : index
        %get3A_311 = tpu.vector_load %arg19[%get3A_309, %get3A_310] {strides = array<i32>} : memref<24x128xf32, #tpu.memory_space<vmem>>, vector<16xf32>,
        %mul3A_312 = arith.mulf %gather3A_253, %unpack3A_300 : vector<16xf32>
        %add3A_313 = arith.addf %get3A_311, %mul3A_312 : vector<16xf32>
        %swap3A_314 = arith.index_cast %scan3A_179 : i32 to index
        %swap3A_315 = arith.constant 80 : index
        %swap3A_316 = tpu.vector_load %arg19[%swap3A_314, %swap3A_315] {strides = array<i32>} : memref<24x128xf32, #tpu.memory_space<vmem>>, vector<16xf32>,
        tpu.vector_store %arg19[%swap3A_314, %swap3A_315], %add3A_313 {strides = array<i32>} : memref<24x128xf32, #tpu.memory_space<vmem>>, vector<16xf32>,
        %get3A_317 = arith.index_cast %scan3A_179 : i32 to index
        %get3A_318 = arith.constant 224 : index
        %get3A_319 = tpu.vector_load %arg15[%get3A_317, %get3A_318] {strides = array<i32>} : memref<24x1024xbf16, #tpu.memory_space<vmem>>, vector<32xbf16>,
        %unpack3A_320 = tpu.unpack_subelements %get3A_319, 0 {pack_format = #tpu.pack_format<interleaved>} : vector<32xbf16> -> vector<16xf32>
        %unpack3A_321 = tpu.unpack_subelements %get3A_319, 1 {pack_format = #tpu.pack_format<interleaved>} : vector<32xbf16> -> vector<16xf32>
        %get3A_322 = arith.index_cast %scan3A_179 : i32 to index
        %get3A_323 = arith.constant 96 : index
        %get3A_324 = tpu.vector_load %arg19[%get3A_322, %get3A_323] {strides = array<i32>} : memref<24x128xf32, #tpu.memory_space<vmem>>, vector<16xf32>,
        %mul3A_325 = arith.mulf %gather3A_253, %unpack3A_320 : vector<16xf32>
        %add3A_326 = arith.addf %get3A_324, %mul3A_325 : vector<16xf32>
        %swap3A_327 = arith.index_cast %scan3A_179 : i32 to index
        %swap3A_328 = arith.constant 96 : index
        %swap3A_329 = tpu.vector_load %arg19[%swap3A_327, %swap3A_328] {strides = array<i32>} : memref<24x128xf32, #tpu.memory_space<vmem>>, vector<16xf32>,
        tpu.vector_store %arg19[%swap3A_327, %swap3A_328], %add3A_326 {strides = array<i32>} : memref<24x128xf32, #tpu.memory_space<vmem>>, vector<16xf32>,
        %get3A_330 = arith.index_cast %scan3A_179 : i32 to index
        %get3A_331 = arith.constant 112 : index
        %get3A_332 = tpu.vector_load %arg19[%get3A_330, %get3A_331] {strides = array<i32>} : memref<24x128xf32, #tpu.memory_space<vmem>>, vector<16xf32>,
        %mul3A_333 = arith.mulf %gather3A_253, %unpack3A_321 : vector<16xf32>
        %add3A_334 = arith.addf %get3A_332, %mul3A_333 : vector<16xf32>
        %swap3A_335 = arith.index_cast %scan3A_179 : i32 to index
        %swap3A_336 = arith.constant 112 : index
        %swap3A_337 = tpu.vector_load %arg19[%swap3A_335, %swap3A_336] {strides = array<i32>} : memref<24x128xf32, #tpu.memory_space<vmem>>, vector<16xf32>,
        tpu.vector_store %arg19[%swap3A_335, %swap3A_336], %add3A_334 {strides = array<i32>} : memref<24x128xf32, #tpu.memory_space<vmem>>, vector<16xf32>,
        %lt3A_338 = arith.constant 0 : i32
        %lt3A_339 = vector.broadcast %lt3A_338 : i32 to vector<16xi32>
        %lt3A_340 = arith.cmpi slt, %broadcast_in_dim3A_9, %lt3A_339 : vector<16xi32>
        %add3A_341 = arith.constant 16 : i32
        %add3A_342 = vector.broadcast %add3A_341 : i32 to vector<16xi32>
        %add3A_343 = arith.addi %broadcast_in_dim3A_9, %add3A_342 : vector<16xi32>
        %select_n3A_344 = arith.select %lt3A_340, %add3A_343, %broadcast_in_dim3A_9 : vector<16xi1>, vector<16xi32>
        %broadcast_in_dim3A_345 = vector.shape_cast %select_n3A_344 : vector<16xi32> to vector<16x1xi32>
        %gather3A_346 = vector.shape_cast %broadcast_in_dim3A_345 : vector<16x1xi32> to vector<16xi32>
        %gather3A_347 = tpu.dynamic_gather %mul3A_185[%gather3A_346] in [0] : vector<16xf32>, vector<16xi32> -> vector<16xf32>
        %get3A_348 = arith.index_cast %scan3A_179 : i32 to index
        %get3A_349 = arith.constant 256 : index
        %get3A_350 = tpu.vector_load %arg15[%get3A_348, %get3A_349] {strides = array<i32>} : memref<24x1024xbf16, #tpu.memory_space<vmem>>, vector<32xbf16>,
        %unpack3A_351 = tpu.unpack_subelements %get3A_350, 0 {pack_format = #tpu.pack_format<interleaved>} : vector<32xbf16> -> vector<16xf32>
        %unpack3A_352 = tpu.unpack_subelements %get3A_350, 1 {pack_format = #tpu.pack_format<interleaved>} : vector<32xbf16> -> vector<16xf32>
        %get3A_353 = arith.index_cast %scan3A_179 : i32 to index
        %get3A_354 = arith.constant 0 : index
        %get3A_355 = tpu.vector_load %arg19[%get3A_353, %get3A_354] {strides = array<i32>} : memref<24x128xf32, #tpu.memory_space<vmem>>, vector<16xf32>,
        %mul3A_356 = arith.mulf %gather3A_347, %unpack3A_351 : vector<16xf32>
        %add3A_357 = arith.addf %get3A_355, %mul3A_356 : vector<16xf32>
        %swap3A_358 = arith.index_cast %scan3A_179 : i32 to index
        %swap3A_359 = arith.constant 0 : index
        %swap3A_360 = tpu.vector_load %arg19[%swap3A_358, %swap3A_359] {strides = array<i32>} : memref<24x128xf32, #tpu.memory_space<vmem>>, vector<16xf32>,
        tpu.vector_store %arg19[%swap3A_358, %swap3A_359], %add3A_357 {strides = array<i32>} : memref<24x128xf32, #tpu.memory_space<vmem>>, vector<16xf32>,
        %get3A_361 = arith.index_cast %scan3A_179 : i32 to index
        %get3A_362 = arith.constant 16 : index
        %get3A_363 = tpu.vector_load %arg19[%get3A_361, %get3A_362] {strides = array<i32>} : memref<24x128xf32, #tpu.memory_space<vmem>>, vector<16xf32>,
        %mul3A_364 = arith.mulf %gather3A_347, %unpack3A_352 : vector<16xf32>
        %add3A_365 = arith.addf %get3A_363, %mul3A_364 : vector<16xf32>
        %swap3A_366 = arith.index_cast %scan3A_179 : i32 to index
        %swap3A_367 = arith.constant 16 : index
        %swap3A_368 = tpu.vector_load %arg19[%swap3A_366, %swap3A_367] {strides = array<i32>} : memref<24x128xf32, #tpu.memory_space<vmem>>, vector<16xf32>,
        tpu.vector_store %arg19[%swap3A_366, %swap3A_367], %add3A_365 {strides = array<i32>} : memref<24x128xf32, #tpu.memory_space<vmem>>, vector<16xf32>,
        %get3A_369 = arith.index_cast %scan3A_179 : i32 to index
        %get3A_370 = arith.constant 288 : index
        %get3A_371 = tpu.vector_load %arg15[%get3A_369, %get3A_370] {strides = array<i32>} : memref<24x1024xbf16, #tpu.memory_space<vmem>>, vector<32xbf16>,
        %unpack3A_372 = tpu.unpack_subelements %get3A_371, 0 {pack_format = #tpu.pack_format<interleaved>} : vector<32xbf16> -> vector<16xf32>
        %unpack3A_373 = tpu.unpack_subelements %get3A_371, 1 {pack_format = #tpu.pack_format<interleaved>} : vector<32xbf16> -> vector<16xf32>
        %get3A_374 = arith.index_cast %scan3A_179 : i32 to index
        %get3A_375 = arith.constant 32 : index
        %get3A_376 = tpu.vector_load %arg19[%get3A_374, %get3A_375] {strides = array<i32>} : memref<24x128xf32, #tpu.memory_space<vmem>>, vector<16xf32>,
        %mul3A_377 = arith.mulf %gather3A_347, %unpack3A_372 : vector<16xf32>
        %add3A_378 = arith.addf %get3A_376, %mul3A_377 : vector<16xf32>
        %swap3A_379 = arith.index_cast %scan3A_179 : i32 to index
        %swap3A_380 = arith.constant 32 : index
        %swap3A_381 = tpu.vector_load %arg19[%swap3A_379, %swap3A_380] {strides = array<i32>} : memref<24x128xf32, #tpu.memory_space<vmem>>, vector<16xf32>,
        tpu.vector_store %arg19[%swap3A_379, %swap3A_380], %add3A_378 {strides = array<i32>} : memref<24x128xf32, #tpu.memory_space<vmem>>, vector<16xf32>,
        %get3A_382 = arith.index_cast %scan3A_179 : i32 to index
        %get3A_383 = arith.constant 48 : index
        %get3A_384 = tpu.vector_load %arg19[%get3A_382, %get3A_383] {strides = array<i32>} : memref<24x128xf32, #tpu.memory_space<vmem>>, vector<16xf32>,
        %mul3A_385 = arith.mulf %gather3A_347, %unpack3A_373 : vector<16xf32>
        %add3A_386 = arith.addf %get3A_384, %mul3A_385 : vector<16xf32>
        %swap3A_387 = arith.index_cast %scan3A_179 : i32 to index
        %swap3A_388 = arith.constant 48 : index
        %swap3A_389 = tpu.vector_load %arg19[%swap3A_387, %swap3A_388] {strides = array<i32>} : memref<24x128xf32, #tpu.memory_space<vmem>>, vector<16xf32>,
        tpu.vector_store %arg19[%swap3A_387, %swap3A_388], %add3A_386 {strides = array<i32>} : memref<24x128xf32, #tpu.memory_space<vmem>>, vector<16xf32>,
        %get3A_390 = arith.index_cast %scan3A_179 : i32 to index
        %get3A_391 = arith.constant 320 : index
        %get3A_392 = tpu.vector_load %arg15[%get3A_390, %get3A_391] {strides = array<i32>} : memref<24x1024xbf16, #tpu.memory_space<vmem>>, vector<32xbf16>,
        %unpack3A_393 = tpu.unpack_subelements %get3A_392, 0 {pack_format = #tpu.pack_format<interleaved>} : vector<32xbf16> -> vector<16xf32>
        %unpack3A_394 = tpu.unpack_subelements %get3A_392, 1 {pack_format = #tpu.pack_format<interleaved>} : vector<32xbf16> -> vector<16xf32>
        %get3A_395 = arith.index_cast %scan3A_179 : i32 to index
        %get3A_396 = arith.constant 64 : index
        %get3A_397 = tpu.vector_load %arg19[%get3A_395, %get3A_396] {strides = array<i32>} : memref<24x128xf32, #tpu.memory_space<vmem>>, vector<16xf32>,
        %mul3A_398 = arith.mulf %gather3A_347, %unpack3A_393 : vector<16xf32>
        %add3A_399 = arith.addf %get3A_397, %mul3A_398 : vector<16xf32>
        %swap3A_400 = arith.index_cast %scan3A_179 : i32 to index
        %swap3A_401 = arith.constant 64 : index
        %swap3A_402 = tpu.vector_load %arg19[%swap3A_400, %swap3A_401] {strides = array<i32>} : memref<24x128xf32, #tpu.memory_space<vmem>>, vector<16xf32>,
        tpu.vector_store %arg19[%swap3A_400, %swap3A_401], %add3A_399 {strides = array<i32>} : memref<24x128xf32, #tpu.memory_space<vmem>>, vector<16xf32>,
        %get3A_403 = arith.index_cast %scan3A_179 : i32 to index
        %get3A_404 = arith.constant 80 : index
        %get3A_405 = tpu.vector_load %arg19[%get3A_403, %get3A_404] {strides = array<i32>} : memref<24x128xf32, #tpu.memory_space<vmem>>, vector<16xf32>,
        %mul3A_406 = arith.mulf %gather3A_347, %unpack3A_394 : vector<16xf32>
        %add3A_407 = arith.addf %get3A_405, %mul3A_406 : vector<16xf32>
        %swap3A_408 = arith.index_cast %scan3A_179 : i32 to index
        %swap3A_409 = arith.constant 80 : index
        %swap3A_410 = tpu.vector_load %arg19[%swap3A_408, %swap3A_409] {strides = array<i32>} : memref<24x128xf32, #tpu.memory_space<vmem>>, vector<16xf32>,
        tpu.vector_store %arg19[%swap3A_408, %swap3A_409], %add3A_407 {strides = array<i32>} : memref<24x128xf32, #tpu.memory_space<vmem>>, vector<16xf32>,
        %get3A_411 = arith.index_cast %scan3A_179 : i32 to index
        %get3A_412 = arith.constant 352 : index
        %get3A_413 = tpu.vector_load %arg15[%get3A_411, %get3A_412] {strides = array<i32>} : memref<24x1024xbf16, #tpu.memory_space<vmem>>, vector<32xbf16>,
        %unpack3A_414 = tpu.unpack_subelements %get3A_413, 0 {pack_format = #tpu.pack_format<interleaved>} : vector<32xbf16> -> vector<16xf32>
        %unpack3A_415 = tpu.unpack_subelements %get3A_413, 1 {pack_format = #tpu.pack_format<interleaved>} : vector<32xbf16> -> vector<16xf32>
        %get3A_416 = arith.index_cast %scan3A_179 : i32 to index
        %get3A_417 = arith.constant 96 : index
        %get3A_418 = tpu.vector_load %arg19[%get3A_416, %get3A_417] {strides = array<i32>} : memref<24x128xf32, #tpu.memory_space<vmem>>, vector<16xf32>,
        %mul3A_419 = arith.mulf %gather3A_347, %unpack3A_414 : vector<16xf32>
        %add3A_420 = arith.addf %get3A_418, %mul3A_419 : vector<16xf32>
        %swap3A_421 = arith.index_cast %scan3A_179 : i32 to index
        %swap3A_422 = arith.constant 96 : index
        %swap3A_423 = tpu.vector_load %arg19[%swap3A_421, %swap3A_422] {strides = array<i32>} : memref<24x128xf32, #tpu.memory_space<vmem>>, vector<16xf32>,
        tpu.vector_store %arg19[%swap3A_421, %swap3A_422], %add3A_420 {strides = array<i32>} : memref<24x128xf32, #tpu.memory_space<vmem>>, vector<16xf32>,
        %get3A_424 = arith.index_cast %scan3A_179 : i32 to index
        %get3A_425 = arith.constant 112 : index
        %get3A_426 = tpu.vector_load %arg19[%get3A_424, %get3A_425] {strides = array<i32>} : memref<24x128xf32, #tpu.memory_space<vmem>>, vector<16xf32>,
        %mul3A_427 = arith.mulf %gather3A_347, %unpack3A_415 : vector<16xf32>
        %add3A_428 = arith.addf %get3A_426, %mul3A_427 : vector<16xf32>
        %swap3A_429 = arith.index_cast %scan3A_179 : i32 to index
        %swap3A_430 = arith.constant 112 : index
        %swap3A_431 = tpu.vector_load %arg19[%swap3A_429, %swap3A_430] {strides = array<i32>} : memref<24x128xf32, #tpu.memory_space<vmem>>, vector<16xf32>,
        tpu.vector_store %arg19[%swap3A_429, %swap3A_430], %add3A_428 {strides = array<i32>} : memref<24x128xf32, #tpu.memory_space<vmem>>, vector<16xf32>,
        %lt3A_432 = arith.constant 0 : i32
        %lt3A_433 = vector.broadcast %lt3A_432 : i32 to vector<16xi32>
        %lt3A_434 = arith.cmpi slt, %broadcast_in_dim3A_11, %lt3A_433 : vector<16xi32>
        %add3A_435 = arith.constant 16 : i32
        %add3A_436 = vector.broadcast %add3A_435 : i32 to vector<16xi32>
        %add3A_437 = arith.addi %broadcast_in_dim3A_11, %add3A_436 : vector<16xi32>
        %select_n3A_438 = arith.select %lt3A_434, %add3A_437, %broadcast_in_dim3A_11 : vector<16xi1>, vector<16xi32>
        %broadcast_in_dim3A_439 = vector.shape_cast %select_n3A_438 : vector<16xi32> to vector<16x1xi32>
        %gather3A_440 = vector.shape_cast %broadcast_in_dim3A_439 : vector<16x1xi32> to vector<16xi32>
        %gather3A_441 = tpu.dynamic_gather %mul3A_185[%gather3A_440] in [0] : vector<16xf32>, vector<16xi32> -> vector<16xf32>
        %get3A_442 = arith.index_cast %scan3A_179 : i32 to index
        %get3A_443 = arith.constant 384 : index
        %get3A_444 = tpu.vector_load %arg15[%get3A_442, %get3A_443] {strides = array<i32>} : memref<24x1024xbf16, #tpu.memory_space<vmem>>, vector<32xbf16>,
        %unpack3A_445 = tpu.unpack_subelements %get3A_444, 0 {pack_format = #tpu.pack_format<interleaved>} : vector<32xbf16> -> vector<16xf32>
        %unpack3A_446 = tpu.unpack_subelements %get3A_444, 1 {pack_format = #tpu.pack_format<interleaved>} : vector<32xbf16> -> vector<16xf32>
        %get3A_447 = arith.index_cast %scan3A_179 : i32 to index
        %get3A_448 = arith.constant 0 : index
        %get3A_449 = tpu.vector_load %arg19[%get3A_447, %get3A_448] {strides = array<i32>} : memref<24x128xf32, #tpu.memory_space<vmem>>, vector<16xf32>,
        %mul3A_450 = arith.mulf %gather3A_441, %unpack3A_445 : vector<16xf32>
        %add3A_451 = arith.addf %get3A_449, %mul3A_450 : vector<16xf32>
        %swap3A_452 = arith.index_cast %scan3A_179 : i32 to index
        %swap3A_453 = arith.constant 0 : index
        %swap3A_454 = tpu.vector_load %arg19[%swap3A_452, %swap3A_453] {strides = array<i32>} : memref<24x128xf32, #tpu.memory_space<vmem>>, vector<16xf32>,
        tpu.vector_store %arg19[%swap3A_452, %swap3A_453], %add3A_451 {strides = array<i32>} : memref<24x128xf32, #tpu.memory_space<vmem>>, vector<16xf32>,
        %get3A_455 = arith.index_cast %scan3A_179 : i32 to index
        %get3A_456 = arith.constant 16 : index
        %get3A_457 = tpu.vector_load %arg19[%get3A_455, %get3A_456] {strides = array<i32>} : memref<24x128xf32, #tpu.memory_space<vmem>>, vector<16xf32>,
        %mul3A_458 = arith.mulf %gather3A_441, %unpack3A_446 : vector<16xf32>
        %add3A_459 = arith.addf %get3A_457, %mul3A_458 : vector<16xf32>
        %swap3A_460 = arith.index_cast %scan3A_179 : i32 to index
        %swap3A_461 = arith.constant 16 : index
        %swap3A_462 = tpu.vector_load %arg19[%swap3A_460, %swap3A_461] {strides = array<i32>} : memref<24x128xf32, #tpu.memory_space<vmem>>, vector<16xf32>,
        tpu.vector_store %arg19[%swap3A_460, %swap3A_461], %add3A_459 {strides = array<i32>} : memref<24x128xf32, #tpu.memory_space<vmem>>, vector<16xf32>,
        %get3A_463 = arith.index_cast %scan3A_179 : i32 to index
        %get3A_464 = arith.constant 416 : index
        %get3A_465 = tpu.vector_load %arg15[%get3A_463, %get3A_464] {strides = array<i32>} : memref<24x1024xbf16, #tpu.memory_space<vmem>>, vector<32xbf16>,
        %unpack3A_466 = tpu.unpack_subelements %get3A_465, 0 {pack_format = #tpu.pack_format<interleaved>} : vector<32xbf16> -> vector<16xf32>
        %unpack3A_467 = tpu.unpack_subelements %get3A_465, 1 {pack_format = #tpu.pack_format<interleaved>} : vector<32xbf16> -> vector<16xf32>
        %get3A_468 = arith.index_cast %scan3A_179 : i32 to index
        %get3A_469 = arith.constant 32 : index
        %get3A_470 = tpu.vector_load %arg19[%get3A_468, %get3A_469] {strides = array<i32>} : memref<24x128xf32, #tpu.memory_space<vmem>>, vector<16xf32>,
        %mul3A_471 = arith.mulf %gather3A_441, %unpack3A_466 : vector<16xf32>
        %add3A_472 = arith.addf %get3A_470, %mul3A_471 : vector<16xf32>
        %swap3A_473 = arith.index_cast %scan3A_179 : i32 to index
        %swap3A_474 = arith.constant 32 : index
        %swap3A_475 = tpu.vector_load %arg19[%swap3A_473, %swap3A_474] {strides = array<i32>} : memref<24x128xf32, #tpu.memory_space<vmem>>, vector<16xf32>,
        tpu.vector_store %arg19[%swap3A_473, %swap3A_474], %add3A_472 {strides = array<i32>} : memref<24x128xf32, #tpu.memory_space<vmem>>, vector<16xf32>,
        %get3A_476 = arith.index_cast %scan3A_179 : i32 to index
        %get3A_477 = arith.constant 48 : index
        %get3A_478 = tpu.vector_load %arg19[%get3A_476, %get3A_477] {strides = array<i32>} : memref<24x128xf32, #tpu.memory_space<vmem>>, vector<16xf32>,
        %mul3A_479 = arith.mulf %gather3A_441, %unpack3A_467 : vector<16xf32>
        %add3A_480 = arith.addf %get3A_478, %mul3A_479 : vector<16xf32>
        %swap3A_481 = arith.index_cast %scan3A_179 : i32 to index
        %swap3A_482 = arith.constant 48 : index
        %swap3A_483 = tpu.vector_load %arg19[%swap3A_481, %swap3A_482] {strides = array<i32>} : memref<24x128xf32, #tpu.memory_space<vmem>>, vector<16xf32>,
        tpu.vector_store %arg19[%swap3A_481, %swap3A_482], %add3A_480 {strides = array<i32>} : memref<24x128xf32, #tpu.memory_space<vmem>>, vector<16xf32>,
        %get3A_484 = arith.index_cast %scan3A_179 : i32 to index
        %get3A_485 = arith.constant 448 : index
        %get3A_486 = tpu.vector_load %arg15[%get3A_484, %get3A_485] {strides = array<i32>} : memref<24x1024xbf16, #tpu.memory_space<vmem>>, vector<32xbf16>,
        %unpack3A_487 = tpu.unpack_subelements %get3A_486, 0 {pack_format = #tpu.pack_format<interleaved>} : vector<32xbf16> -> vector<16xf32>
        %unpack3A_488 = tpu.unpack_subelements %get3A_486, 1 {pack_format = #tpu.pack_format<interleaved>} : vector<32xbf16> -> vector<16xf32>
        %get3A_489 = arith.index_cast %scan3A_179 : i32 to index
        %get3A_490 = arith.constant 64 : index
        %get3A_491 = tpu.vector_load %arg19[%get3A_489, %get3A_490] {strides = array<i32>} : memref<24x128xf32, #tpu.memory_space<vmem>>, vector<16xf32>,
        %mul3A_492 = arith.mulf %gather3A_441, %unpack3A_487 : vector<16xf32>
        %add3A_493 = arith.addf %get3A_491, %mul3A_492 : vector<16xf32>
        %swap3A_494 = arith.index_cast %scan3A_179 : i32 to index
        %swap3A_495 = arith.constant 64 : index
        %swap3A_496 = tpu.vector_load %arg19[%swap3A_494, %swap3A_495] {strides = array<i32>} : memref<24x128xf32, #tpu.memory_space<vmem>>, vector<16xf32>,
        tpu.vector_store %arg19[%swap3A_494, %swap3A_495], %add3A_493 {strides = array<i32>} : memref<24x128xf32, #tpu.memory_space<vmem>>, vector<16xf32>,
        %get3A_497 = arith.index_cast %scan3A_179 : i32 to index
        %get3A_498 = arith.constant 80 : index
        %get3A_499 = tpu.vector_load %arg19[%get3A_497, %get3A_498] {strides = array<i32>} : memref<24x128xf32, #tpu.memory_space<vmem>>, vector<16xf32>,
        %mul3A_500 = arith.mulf %gather3A_441, %unpack3A_488 : vector<16xf32>
        %add3A_501 = arith.addf %get3A_499, %mul3A_500 : vector<16xf32>
        %swap3A_502 = arith.index_cast %scan3A_179 : i32 to index
        %swap3A_503 = arith.constant 80 : index
        %swap3A_504 = tpu.vector_load %arg19[%swap3A_502, %swap3A_503] {strides = array<i32>} : memref<24x128xf32, #tpu.memory_space<vmem>>, vector<16xf32>,
        tpu.vector_store %arg19[%swap3A_502, %swap3A_503], %add3A_501 {strides = array<i32>} : memref<24x128xf32, #tpu.memory_space<vmem>>, vector<16xf32>,
        %get3A_505 = arith.index_cast %scan3A_179 : i32 to index
        %get3A_506 = arith.constant 480 : index
        %get3A_507 = tpu.vector_load %arg15[%get3A_505, %get3A_506] {strides = array<i32>} : memref<24x1024xbf16, #tpu.memory_space<vmem>>, vector<32xbf16>,
        %unpack3A_508 = tpu.unpack_subelements %get3A_507, 0 {pack_format = #tpu.pack_format<interleaved>} : vector<32xbf16> -> vector<16xf32>
        %unpack3A_509 = tpu.unpack_subelements %get3A_507, 1 {pack_format = #tpu.pack_format<interleaved>} : vector<32xbf16> -> vector<16xf32>
        %get3A_510 = arith.index_cast %scan3A_179 : i32 to index
        %get3A_511 = arith.constant 96 : index
        %get3A_512 = tpu.vector_load %arg19[%get3A_510, %get3A_511] {strides = array<i32>} : memref<24x128xf32, #tpu.memory_space<vmem>>, vector<16xf32>,
        %mul3A_513 = arith.mulf %gather3A_441, %unpack3A_508 : vector<16xf32>
        %add3A_514 = arith.addf %get3A_512, %mul3A_513 : vector<16xf32>
        %swap3A_515 = arith.index_cast %scan3A_179 : i32 to index
        %swap3A_516 = arith.constant 96 : index
        %swap3A_517 = tpu.vector_load %arg19[%swap3A_515, %swap3A_516] {strides = array<i32>} : memref<24x128xf32, #tpu.memory_space<vmem>>, vector<16xf32>,
        tpu.vector_store %arg19[%swap3A_515, %swap3A_516], %add3A_514 {strides = array<i32>} : memref<24x128xf32, #tpu.memory_space<vmem>>, vector<16xf32>,
        %get3A_518 = arith.index_cast %scan3A_179 : i32 to index
        %get3A_519 = arith.constant 112 : index
        %get3A_520 = tpu.vector_load %arg19[%get3A_518, %get3A_519] {strides = array<i32>} : memref<24x128xf32, #tpu.memory_space<vmem>>, vector<16xf32>,
        %mul3A_521 = arith.mulf %gather3A_441, %unpack3A_509 : vector<16xf32>
        %add3A_522 = arith.addf %get3A_520, %mul3A_521 : vector<16xf32>
        %swap3A_523 = arith.index_cast %scan3A_179 : i32 to index
        %swap3A_524 = arith.constant 112 : index
        %swap3A_525 = tpu.vector_load %arg19[%swap3A_523, %swap3A_524] {strides = array<i32>} : memref<24x128xf32, #tpu.memory_space<vmem>>, vector<16xf32>,
        tpu.vector_store %arg19[%swap3A_523, %swap3A_524], %add3A_522 {strides = array<i32>} : memref<24x128xf32, #tpu.memory_space<vmem>>, vector<16xf32>,
        %lt3A_526 = arith.constant 0 : i32
        %lt3A_527 = vector.broadcast %lt3A_526 : i32 to vector<16xi32>
        %lt3A_528 = arith.cmpi slt, %broadcast_in_dim3A_13, %lt3A_527 : vector<16xi32>
        %add3A_529 = arith.constant 16 : i32
        %add3A_530 = vector.broadcast %add3A_529 : i32 to vector<16xi32>
        %add3A_531 = arith.addi %broadcast_in_dim3A_13, %add3A_530 : vector<16xi32>
        %select_n3A_532 = arith.select %lt3A_528, %add3A_531, %broadcast_in_dim3A_13 : vector<16xi1>, vector<16xi32>
        %broadcast_in_dim3A_533 = vector.shape_cast %select_n3A_532 : vector<16xi32> to vector<16x1xi32>
        %gather3A_534 = vector.shape_cast %broadcast_in_dim3A_533 : vector<16x1xi32> to vector<16xi32>
        %gather3A_535 = tpu.dynamic_gather %mul3A_185[%gather3A_534] in [0] : vector<16xf32>, vector<16xi32> -> vector<16xf32>
        %get3A_536 = arith.index_cast %scan3A_179 : i32 to index
        %get3A_537 = arith.constant 512 : index
        %get3A_538 = tpu.vector_load %arg15[%get3A_536, %get3A_537] {strides = array<i32>} : memref<24x1024xbf16, #tpu.memory_space<vmem>>, vector<32xbf16>,
        %unpack3A_539 = tpu.unpack_subelements %get3A_538, 0 {pack_format = #tpu.pack_format<interleaved>} : vector<32xbf16> -> vector<16xf32>
        %unpack3A_540 = tpu.unpack_subelements %get3A_538, 1 {pack_format = #tpu.pack_format<interleaved>} : vector<32xbf16> -> vector<16xf32>
        %get3A_541 = arith.index_cast %scan3A_179 : i32 to index
        %get3A_542 = arith.constant 0 : index
        %get3A_543 = tpu.vector_load %arg19[%get3A_541, %get3A_542] {strides = array<i32>} : memref<24x128xf32, #tpu.memory_space<vmem>>, vector<16xf32>,
        %mul3A_544 = arith.mulf %gather3A_535, %unpack3A_539 : vector<16xf32>
        %add3A_545 = arith.addf %get3A_543, %mul3A_544 : vector<16xf32>
        %swap3A_546 = arith.index_cast %scan3A_179 : i32 to index
        %swap3A_547 = arith.constant 0 : index
        %swap3A_548 = tpu.vector_load %arg19[%swap3A_546, %swap3A_547] {strides = array<i32>} : memref<24x128xf32, #tpu.memory_space<vmem>>, vector<16xf32>,
        tpu.vector_store %arg19[%swap3A_546, %swap3A_547], %add3A_545 {strides = array<i32>} : memref<24x128xf32, #tpu.memory_space<vmem>>, vector<16xf32>,
        %get3A_549 = arith.index_cast %scan3A_179 : i32 to index
        %get3A_550 = arith.constant 16 : index
        %get3A_551 = tpu.vector_load %arg19[%get3A_549, %get3A_550] {strides = array<i32>} : memref<24x128xf32, #tpu.memory_space<vmem>>, vector<16xf32>,
        %mul3A_552 = arith.mulf %gather3A_535, %unpack3A_540 : vector<16xf32>
        %add3A_553 = arith.addf %get3A_551, %mul3A_552 : vector<16xf32>
        %swap3A_554 = arith.index_cast %scan3A_179 : i32 to index
        %swap3A_555 = arith.constant 16 : index
        %swap3A_556 = tpu.vector_load %arg19[%swap3A_554, %swap3A_555] {strides = array<i32>} : memref<24x128xf32, #tpu.memory_space<vmem>>, vector<16xf32>,
        tpu.vector_store %arg19[%swap3A_554, %swap3A_555], %add3A_553 {strides = array<i32>} : memref<24x128xf32, #tpu.memory_space<vmem>>, vector<16xf32>,
        %get3A_557 = arith.index_cast %scan3A_179 : i32 to index
        %get3A_558 = arith.constant 544 : index
        %get3A_559 = tpu.vector_load %arg15[%get3A_557, %get3A_558] {strides = array<i32>} : memref<24x1024xbf16, #tpu.memory_space<vmem>>, vector<32xbf16>,
        %unpack3A_560 = tpu.unpack_subelements %get3A_559, 0 {pack_format = #tpu.pack_format<interleaved>} : vector<32xbf16> -> vector<16xf32>
        %unpack3A_561 = tpu.unpack_subelements %get3A_559, 1 {pack_format = #tpu.pack_format<interleaved>} : vector<32xbf16> -> vector<16xf32>
        %get3A_562 = arith.index_cast %scan3A_179 : i32 to index
        %get3A_563 = arith.constant 32 : index
        %get3A_564 = tpu.vector_load %arg19[%get3A_562, %get3A_563] {strides = array<i32>} : memref<24x128xf32, #tpu.memory_space<vmem>>, vector<16xf32>,
        %mul3A_565 = arith.mulf %gather3A_535, %unpack3A_560 : vector<16xf32>
        %add3A_566 = arith.addf %get3A_564, %mul3A_565 : vector<16xf32>
        %swap3A_567 = arith.index_cast %scan3A_179 : i32 to index
        %swap3A_568 = arith.constant 32 : index
        %swap3A_569 = tpu.vector_load %arg19[%swap3A_567, %swap3A_568] {strides = array<i32>} : memref<24x128xf32, #tpu.memory_space<vmem>>, vector<16xf32>,
        tpu.vector_store %arg19[%swap3A_567, %swap3A_568], %add3A_566 {strides = array<i32>} : memref<24x128xf32, #tpu.memory_space<vmem>>, vector<16xf32>,
        %get3A_570 = arith.index_cast %scan3A_179 : i32 to index
        %get3A_571 = arith.constant 48 : index
        %get3A_572 = tpu.vector_load %arg19[%get3A_570, %get3A_571] {strides = array<i32>} : memref<24x128xf32, #tpu.memory_space<vmem>>, vector<16xf32>,
        %mul3A_573 = arith.mulf %gather3A_535, %unpack3A_561 : vector<16xf32>
        %add3A_574 = arith.addf %get3A_572, %mul3A_573 : vector<16xf32>
        %swap3A_575 = arith.index_cast %scan3A_179 : i32 to index
        %swap3A_576 = arith.constant 48 : index
        %swap3A_577 = tpu.vector_load %arg19[%swap3A_575, %swap3A_576] {strides = array<i32>} : memref<24x128xf32, #tpu.memory_space<vmem>>, vector<16xf32>,
        tpu.vector_store %arg19[%swap3A_575, %swap3A_576], %add3A_574 {strides = array<i32>} : memref<24x128xf32, #tpu.memory_space<vmem>>, vector<16xf32>,
        %get3A_578 = arith.index_cast %scan3A_179 : i32 to index
        %get3A_579 = arith.constant 576 : index
        %get3A_580 = tpu.vector_load %arg15[%get3A_578, %get3A_579] {strides = array<i32>} : memref<24x1024xbf16, #tpu.memory_space<vmem>>, vector<32xbf16>,
        %unpack3A_581 = tpu.unpack_subelements %get3A_580, 0 {pack_format = #tpu.pack_format<interleaved>} : vector<32xbf16> -> vector<16xf32>
        %unpack3A_582 = tpu.unpack_subelements %get3A_580, 1 {pack_format = #tpu.pack_format<interleaved>} : vector<32xbf16> -> vector<16xf32>
        %get3A_583 = arith.index_cast %scan3A_179 : i32 to index
        %get3A_584 = arith.constant 64 : index
        %get3A_585 = tpu.vector_load %arg19[%get3A_583, %get3A_584] {strides = array<i32>} : memref<24x128xf32, #tpu.memory_space<vmem>>, vector<16xf32>,
        %mul3A_586 = arith.mulf %gather3A_535, %unpack3A_581 : vector<16xf32>
        %add3A_587 = arith.addf %get3A_585, %mul3A_586 : vector<16xf32>
        %swap3A_588 = arith.index_cast %scan3A_179 : i32 to index
        %swap3A_589 = arith.constant 64 : index
        %swap3A_590 = tpu.vector_load %arg19[%swap3A_588, %swap3A_589] {strides = array<i32>} : memref<24x128xf32, #tpu.memory_space<vmem>>, vector<16xf32>,
        tpu.vector_store %arg19[%swap3A_588, %swap3A_589], %add3A_587 {strides = array<i32>} : memref<24x128xf32, #tpu.memory_space<vmem>>, vector<16xf32>,
        %get3A_591 = arith.index_cast %scan3A_179 : i32 to index
        %get3A_592 = arith.constant 80 : index
        %get3A_593 = tpu.vector_load %arg19[%get3A_591, %get3A_592] {strides = array<i32>} : memref<24x128xf32, #tpu.memory_space<vmem>>, vector<16xf32>,
        %mul3A_594 = arith.mulf %gather3A_535, %unpack3A_582 : vector<16xf32>
        %add3A_595 = arith.addf %get3A_593, %mul3A_594 : vector<16xf32>
        %swap3A_596 = arith.index_cast %scan3A_179 : i32 to index
        %swap3A_597 = arith.constant 80 : index
        %swap3A_598 = tpu.vector_load %arg19[%swap3A_596, %swap3A_597] {strides = array<i32>} : memref<24x128xf32, #tpu.memory_space<vmem>>, vector<16xf32>,
        tpu.vector_store %arg19[%swap3A_596, %swap3A_597], %add3A_595 {strides = array<i32>} : memref<24x128xf32, #tpu.memory_space<vmem>>, vector<16xf32>,
        %get3A_599 = arith.index_cast %scan3A_179 : i32 to index
        %get3A_600 = arith.constant 608 : index
        %get3A_601 = tpu.vector_load %arg15[%get3A_599, %get3A_600] {strides = array<i32>} : memref<24x1024xbf16, #tpu.memory_space<vmem>>, vector<32xbf16>,
        %unpack3A_602 = tpu.unpack_subelements %get3A_601, 0 {pack_format = #tpu.pack_format<interleaved>} : vector<32xbf16> -> vector<16xf32>
        %unpack3A_603 = tpu.unpack_subelements %get3A_601, 1 {pack_format = #tpu.pack_format<interleaved>} : vector<32xbf16> -> vector<16xf32>
        %get3A_604 = arith.index_cast %scan3A_179 : i32 to index
        %get3A_605 = arith.constant 96 : index
        %get3A_606 = tpu.vector_load %arg19[%get3A_604, %get3A_605] {strides = array<i32>} : memref<24x128xf32, #tpu.memory_space<vmem>>, vector<16xf32>,
        %mul3A_607 = arith.mulf %gather3A_535, %unpack3A_602 : vector<16xf32>
        %add3A_608 = arith.addf %get3A_606, %mul3A_607 : vector<16xf32>
        %swap3A_609 = arith.index_cast %scan3A_179 : i32 to index
        %swap3A_610 = arith.constant 96 : index
        %swap3A_611 = tpu.vector_load %arg19[%swap3A_609, %swap3A_610] {strides = array<i32>} : memref<24x128xf32, #tpu.memory_space<vmem>>, vector<16xf32>,
        tpu.vector_store %arg19[%swap3A_609, %swap3A_610], %add3A_608 {strides = array<i32>} : memref<24x128xf32, #tpu.memory_space<vmem>>, vector<16xf32>,
        %get3A_612 = arith.index_cast %scan3A_179 : i32 to index
        %get3A_613 = arith.constant 112 : index
        %get3A_614 = tpu.vector_load %arg19[%get3A_612, %get3A_613] {strides = array<i32>} : memref<24x128xf32, #tpu.memory_space<vmem>>, vector<16xf32>,
        %mul3A_615 = arith.mulf %gather3A_535, %unpack3A_603 : vector<16xf32>
        %add3A_616 = arith.addf %get3A_614, %mul3A_615 : vector<16xf32>
        %swap3A_617 = arith.index_cast %scan3A_179 : i32 to index
        %swap3A_618 = arith.constant 112 : index
        %swap3A_619 = tpu.vector_load %arg19[%swap3A_617, %swap3A_618] {strides = array<i32>} : memref<24x128xf32, #tpu.memory_space<vmem>>, vector<16xf32>,
        tpu.vector_store %arg19[%swap3A_617, %swap3A_618], %add3A_616 {strides = array<i32>} : memref<24x128xf32, #tpu.memory_space<vmem>>, vector<16xf32>,
        %lt3A_620 = arith.constant 0 : i32
        %lt3A_621 = vector.broadcast %lt3A_620 : i32 to vector<16xi32>
        %lt3A_622 = arith.cmpi slt, %broadcast_in_dim3A_15, %lt3A_621 : vector<16xi32>
        %add3A_623 = arith.constant 16 : i32
        %add3A_624 = vector.broadcast %add3A_623 : i32 to vector<16xi32>
        %add3A_625 = arith.addi %broadcast_in_dim3A_15, %add3A_624 : vector<16xi32>
        %select_n3A_626 = arith.select %lt3A_622, %add3A_625, %broadcast_in_dim3A_15 : vector<16xi1>, vector<16xi32>
        %broadcast_in_dim3A_627 = vector.shape_cast %select_n3A_626 : vector<16xi32> to vector<16x1xi32>
        %gather3A_628 = vector.shape_cast %broadcast_in_dim3A_627 : vector<16x1xi32> to vector<16xi32>
        %gather3A_629 = tpu.dynamic_gather %mul3A_185[%gather3A_628] in [0] : vector<16xf32>, vector<16xi32> -> vector<16xf32>
        %get3A_630 = arith.index_cast %scan3A_179 : i32 to index
        %get3A_631 = arith.constant 640 : index
        %get3A_632 = tpu.vector_load %arg15[%get3A_630, %get3A_631] {strides = array<i32>} : memref<24x1024xbf16, #tpu.memory_space<vmem>>, vector<32xbf16>,
        %unpack3A_633 = tpu.unpack_subelements %get3A_632, 0 {pack_format = #tpu.pack_format<interleaved>} : vector<32xbf16> -> vector<16xf32>
        %unpack3A_634 = tpu.unpack_subelements %get3A_632, 1 {pack_format = #tpu.pack_format<interleaved>} : vector<32xbf16> -> vector<16xf32>
        %get3A_635 = arith.index_cast %scan3A_179 : i32 to index
        %get3A_636 = arith.constant 0 : index
        %get3A_637 = tpu.vector_load %arg19[%get3A_635, %get3A_636] {strides = array<i32>} : memref<24x128xf32, #tpu.memory_space<vmem>>, vector<16xf32>,
        %mul3A_638 = arith.mulf %gather3A_629, %unpack3A_633 : vector<16xf32>
        %add3A_639 = arith.addf %get3A_637, %mul3A_638 : vector<16xf32>
        %swap3A_640 = arith.index_cast %scan3A_179 : i32 to index
        %swap3A_641 = arith.constant 0 : index
        %swap3A_642 = tpu.vector_load %arg19[%swap3A_640, %swap3A_641] {strides = array<i32>} : memref<24x128xf32, #tpu.memory_space<vmem>>, vector<16xf32>,
        tpu.vector_store %arg19[%swap3A_640, %swap3A_641], %add3A_639 {strides = array<i32>} : memref<24x128xf32, #tpu.memory_space<vmem>>, vector<16xf32>,
        %get3A_643 = arith.index_cast %scan3A_179 : i32 to index
        %get3A_644 = arith.constant 16 : index
        %get3A_645 = tpu.vector_load %arg19[%get3A_643, %get3A_644] {strides = array<i32>} : memref<24x128xf32, #tpu.memory_space<vmem>>, vector<16xf32>,
        %mul3A_646 = arith.mulf %gather3A_629, %unpack3A_634 : vector<16xf32>
        %add3A_647 = arith.addf %get3A_645, %mul3A_646 : vector<16xf32>
        %swap3A_648 = arith.index_cast %scan3A_179 : i32 to index
        %swap3A_649 = arith.constant 16 : index
        %swap3A_650 = tpu.vector_load %arg19[%swap3A_648, %swap3A_649] {strides = array<i32>} : memref<24x128xf32, #tpu.memory_space<vmem>>, vector<16xf32>,
        tpu.vector_store %arg19[%swap3A_648, %swap3A_649], %add3A_647 {strides = array<i32>} : memref<24x128xf32, #tpu.memory_space<vmem>>, vector<16xf32>,
        %get3A_651 = arith.index_cast %scan3A_179 : i32 to index
        %get3A_652 = arith.constant 672 : index
        %get3A_653 = tpu.vector_load %arg15[%get3A_651, %get3A_652] {strides = array<i32>} : memref<24x1024xbf16, #tpu.memory_space<vmem>>, vector<32xbf16>,
        %unpack3A_654 = tpu.unpack_subelements %get3A_653, 0 {pack_format = #tpu.pack_format<interleaved>} : vector<32xbf16> -> vector<16xf32>
        %unpack3A_655 = tpu.unpack_subelements %get3A_653, 1 {pack_format = #tpu.pack_format<interleaved>} : vector<32xbf16> -> vector<16xf32>
        %get3A_656 = arith.index_cast %scan3A_179 : i32 to index
        %get3A_657 = arith.constant 32 : index
        %get3A_658 = tpu.vector_load %arg19[%get3A_656, %get3A_657] {strides = array<i32>} : memref<24x128xf32, #tpu.memory_space<vmem>>, vector<16xf32>,
        %mul3A_659 = arith.mulf %gather3A_629, %unpack3A_654 : vector<16xf32>
        %add3A_660 = arith.addf %get3A_658, %mul3A_659 : vector<16xf32>
        %swap3A_661 = arith.index_cast %scan3A_179 : i32 to index
        %swap3A_662 = arith.constant 32 : index
        %swap3A_663 = tpu.vector_load %arg19[%swap3A_661, %swap3A_662] {strides = array<i32>} : memref<24x128xf32, #tpu.memory_space<vmem>>, vector<16xf32>,
        tpu.vector_store %arg19[%swap3A_661, %swap3A_662], %add3A_660 {strides = array<i32>} : memref<24x128xf32, #tpu.memory_space<vmem>>, vector<16xf32>,
        %get3A_664 = arith.index_cast %scan3A_179 : i32 to index
        %get3A_665 = arith.constant 48 : index
        %get3A_666 = tpu.vector_load %arg19[%get3A_664, %get3A_665] {strides = array<i32>} : memref<24x128xf32, #tpu.memory_space<vmem>>, vector<16xf32>,
        %mul3A_667 = arith.mulf %gather3A_629, %unpack3A_655 : vector<16xf32>
        %add3A_668 = arith.addf %get3A_666, %mul3A_667 : vector<16xf32>
        %swap3A_669 = arith.index_cast %scan3A_179 : i32 to index
        %swap3A_670 = arith.constant 48 : index
        %swap3A_671 = tpu.vector_load %arg19[%swap3A_669, %swap3A_670] {strides = array<i32>} : memref<24x128xf32, #tpu.memory_space<vmem>>, vector<16xf32>,
        tpu.vector_store %arg19[%swap3A_669, %swap3A_670], %add3A_668 {strides = array<i32>} : memref<24x128xf32, #tpu.memory_space<vmem>>, vector<16xf32>,
        %get3A_672 = arith.index_cast %scan3A_179 : i32 to index
        %get3A_673 = arith.constant 704 : index
        %get3A_674 = tpu.vector_load %arg15[%get3A_672, %get3A_673] {strides = array<i32>} : memref<24x1024xbf16, #tpu.memory_space<vmem>>, vector<32xbf16>,
        %unpack3A_675 = tpu.unpack_subelements %get3A_674, 0 {pack_format = #tpu.pack_format<interleaved>} : vector<32xbf16> -> vector<16xf32>
        %unpack3A_676 = tpu.unpack_subelements %get3A_674, 1 {pack_format = #tpu.pack_format<interleaved>} : vector<32xbf16> -> vector<16xf32>
        %get3A_677 = arith.index_cast %scan3A_179 : i32 to index
        %get3A_678 = arith.constant 64 : index
        %get3A_679 = tpu.vector_load %arg19[%get3A_677, %get3A_678] {strides = array<i32>} : memref<24x128xf32, #tpu.memory_space<vmem>>, vector<16xf32>,
        %mul3A_680 = arith.mulf %gather3A_629, %unpack3A_675 : vector<16xf32>
        %add3A_681 = arith.addf %get3A_679, %mul3A_680 : vector<16xf32>
        %swap3A_682 = arith.index_cast %scan3A_179 : i32 to index
        %swap3A_683 = arith.constant 64 : index
        %swap3A_684 = tpu.vector_load %arg19[%swap3A_682, %swap3A_683] {strides = array<i32>} : memref<24x128xf32, #tpu.memory_space<vmem>>, vector<16xf32>,
        tpu.vector_store %arg19[%swap3A_682, %swap3A_683], %add3A_681 {strides = array<i32>} : memref<24x128xf32, #tpu.memory_space<vmem>>, vector<16xf32>,
        %get3A_685 = arith.index_cast %scan3A_179 : i32 to index
        %get3A_686 = arith.constant 80 : index
        %get3A_687 = tpu.vector_load %arg19[%get3A_685, %get3A_686] {strides = array<i32>} : memref<24x128xf32, #tpu.memory_space<vmem>>, vector<16xf32>,
        %mul3A_688 = arith.mulf %gather3A_629, %unpack3A_676 : vector<16xf32>
        %add3A_689 = arith.addf %get3A_687, %mul3A_688 : vector<16xf32>
        %swap3A_690 = arith.index_cast %scan3A_179 : i32 to index
        %swap3A_691 = arith.constant 80 : index
        %swap3A_692 = tpu.vector_load %arg19[%swap3A_690, %swap3A_691] {strides = array<i32>} : memref<24x128xf32, #tpu.memory_space<vmem>>, vector<16xf32>,
        tpu.vector_store %arg19[%swap3A_690, %swap3A_691], %add3A_689 {strides = array<i32>} : memref<24x128xf32, #tpu.memory_space<vmem>>, vector<16xf32>,
        %get3A_693 = arith.index_cast %scan3A_179 : i32 to index
        %get3A_694 = arith.constant 736 : index
        %get3A_695 = tpu.vector_load %arg15[%get3A_693, %get3A_694] {strides = array<i32>} : memref<24x1024xbf16, #tpu.memory_space<vmem>>, vector<32xbf16>,
        %unpack3A_696 = tpu.unpack_subelements %get3A_695, 0 {pack_format = #tpu.pack_format<interleaved>} : vector<32xbf16> -> vector<16xf32>
        %unpack3A_697 = tpu.unpack_subelements %get3A_695, 1 {pack_format = #tpu.pack_format<interleaved>} : vector<32xbf16> -> vector<16xf32>
        %get3A_698 = arith.index_cast %scan3A_179 : i32 to index
        %get3A_699 = arith.constant 96 : index
        %get3A_700 = tpu.vector_load %arg19[%get3A_698, %get3A_699] {strides = array<i32>} : memref<24x128xf32, #tpu.memory_space<vmem>>, vector<16xf32>,
        %mul3A_701 = arith.mulf %gather3A_629, %unpack3A_696 : vector<16xf32>
        %add3A_702 = arith.addf %get3A_700, %mul3A_701 : vector<16xf32>
        %swap3A_703 = arith.index_cast %scan3A_179 : i32 to index
        %swap3A_704 = arith.constant 96 : index
        %swap3A_705 = tpu.vector_load %arg19[%swap3A_703, %swap3A_704] {strides = array<i32>} : memref<24x128xf32, #tpu.memory_space<vmem>>, vector<16xf32>,
        tpu.vector_store %arg19[%swap3A_703, %swap3A_704], %add3A_702 {strides = array<i32>} : memref<24x128xf32, #tpu.memory_space<vmem>>, vector<16xf32>,
        %get3A_706 = arith.index_cast %scan3A_179 : i32 to index
        %get3A_707 = arith.constant 112 : index
        %get3A_708 = tpu.vector_load %arg19[%get3A_706, %get3A_707] {strides = array<i32>} : memref<24x128xf32, #tpu.memory_space<vmem>>, vector<16xf32>,
        %mul3A_709 = arith.mulf %gather3A_629, %unpack3A_697 : vector<16xf32>
        %add3A_710 = arith.addf %get3A_708, %mul3A_709 : vector<16xf32>
        %swap3A_711 = arith.index_cast %scan3A_179 : i32 to index
        %swap3A_712 = arith.constant 112 : index
        %swap3A_713 = tpu.vector_load %arg19[%swap3A_711, %swap3A_712] {strides = array<i32>} : memref<24x128xf32, #tpu.memory_space<vmem>>, vector<16xf32>,
        tpu.vector_store %arg19[%swap3A_711, %swap3A_712], %add3A_710 {strides = array<i32>} : memref<24x128xf32, #tpu.memory_space<vmem>>, vector<16xf32>,
        %lt3A_714 = arith.constant 0 : i32
        %lt3A_715 = vector.broadcast %lt3A_714 : i32 to vector<16xi32>
        %lt3A_716 = arith.cmpi slt, %broadcast_in_dim3A_17, %lt3A_715 : vector<16xi32>
        %add3A_717 = arith.constant 16 : i32
        %add3A_718 = vector.broadcast %add3A_717 : i32 to vector<16xi32>
        %add3A_719 = arith.addi %broadcast_in_dim3A_17, %add3A_718 : vector<16xi32>
        %select_n3A_720 = arith.select %lt3A_716, %add3A_719, %broadcast_in_dim3A_17 : vector<16xi1>, vector<16xi32>
        %broadcast_in_dim3A_721 = vector.shape_cast %select_n3A_720 : vector<16xi32> to vector<16x1xi32>
        %gather3A_722 = vector.shape_cast %broadcast_in_dim3A_721 : vector<16x1xi32> to vector<16xi32>
        %gather3A_723 = tpu.dynamic_gather %mul3A_185[%gather3A_722] in [0] : vector<16xf32>, vector<16xi32> -> vector<16xf32>
        %get3A_724 = arith.index_cast %scan3A_179 : i32 to index
        %get3A_725 = arith.constant 768 : index
        %get3A_726 = tpu.vector_load %arg15[%get3A_724, %get3A_725] {strides = array<i32>} : memref<24x1024xbf16, #tpu.memory_space<vmem>>, vector<32xbf16>,
        %unpack3A_727 = tpu.unpack_subelements %get3A_726, 0 {pack_format = #tpu.pack_format<interleaved>} : vector<32xbf16> -> vector<16xf32>
        %unpack3A_728 = tpu.unpack_subelements %get3A_726, 1 {pack_format = #tpu.pack_format<interleaved>} : vector<32xbf16> -> vector<16xf32>
        %get3A_729 = arith.index_cast %scan3A_179 : i32 to index
        %get3A_730 = arith.constant 0 : index
        %get3A_731 = tpu.vector_load %arg19[%get3A_729, %get3A_730] {strides = array<i32>} : memref<24x128xf32, #tpu.memory_space<vmem>>, vector<16xf32>,
        %mul3A_732 = arith.mulf %gather3A_723, %unpack3A_727 : vector<16xf32>
        %add3A_733 = arith.addf %get3A_731, %mul3A_732 : vector<16xf32>
        %swap3A_734 = arith.index_cast %scan3A_179 : i32 to index
        %swap3A_735 = arith.constant 0 : index
        %swap3A_736 = tpu.vector_load %arg19[%swap3A_734, %swap3A_735] {strides = array<i32>} : memref<24x128xf32, #tpu.memory_space<vmem>>, vector<16xf32>,
        tpu.vector_store %arg19[%swap3A_734, %swap3A_735], %add3A_733 {strides = array<i32>} : memref<24x128xf32, #tpu.memory_space<vmem>>, vector<16xf32>,
        %get3A_737 = arith.index_cast %scan3A_179 : i32 to index
        %get3A_738 = arith.constant 16 : index
        %get3A_739 = tpu.vector_load %arg19[%get3A_737, %get3A_738] {strides = array<i32>} : memref<24x128xf32, #tpu.memory_space<vmem>>, vector<16xf32>,
        %mul3A_740 = arith.mulf %gather3A_723, %unpack3A_728 : vector<16xf32>
        %add3A_741 = arith.addf %get3A_739, %mul3A_740 : vector<16xf32>
        %swap3A_742 = arith.index_cast %scan3A_179 : i32 to index
        %swap3A_743 = arith.constant 16 : index
        %swap3A_744 = tpu.vector_load %arg19[%swap3A_742, %swap3A_743] {strides = array<i32>} : memref<24x128xf32, #tpu.memory_space<vmem>>, vector<16xf32>,
        tpu.vector_store %arg19[%swap3A_742, %swap3A_743], %add3A_741 {strides = array<i32>} : memref<24x128xf32, #tpu.memory_space<vmem>>, vector<16xf32>,
        %get3A_745 = arith.index_cast %scan3A_179 : i32 to index
        %get3A_746 = arith.constant 800 : index
        %get3A_747 = tpu.vector_load %arg15[%get3A_745, %get3A_746] {strides = array<i32>} : memref<24x1024xbf16, #tpu.memory_space<vmem>>, vector<32xbf16>,
        %unpack3A_748 = tpu.unpack_subelements %get3A_747, 0 {pack_format = #tpu.pack_format<interleaved>} : vector<32xbf16> -> vector<16xf32>
        %unpack3A_749 = tpu.unpack_subelements %get3A_747, 1 {pack_format = #tpu.pack_format<interleaved>} : vector<32xbf16> -> vector<16xf32>
        %get3A_750 = arith.index_cast %scan3A_179 : i32 to index
        %get3A_751 = arith.constant 32 : index
        %get3A_752 = tpu.vector_load %arg19[%get3A_750, %get3A_751] {strides = array<i32>} : memref<24x128xf32, #tpu.memory_space<vmem>>, vector<16xf32>,
        %mul3A_753 = arith.mulf %gather3A_723, %unpack3A_748 : vector<16xf32>
        %add3A_754 = arith.addf %get3A_752, %mul3A_753 : vector<16xf32>
        %swap3A_755 = arith.index_cast %scan3A_179 : i32 to index
        %swap3A_756 = arith.constant 32 : index
        %swap3A_757 = tpu.vector_load %arg19[%swap3A_755, %swap3A_756] {strides = array<i32>} : memref<24x128xf32, #tpu.memory_space<vmem>>, vector<16xf32>,
        tpu.vector_store %arg19[%swap3A_755, %swap3A_756], %add3A_754 {strides = array<i32>} : memref<24x128xf32, #tpu.memory_space<vmem>>, vector<16xf32>,
        %get3A_758 = arith.index_cast %scan3A_179 : i32 to index
        %get3A_759 = arith.constant 48 : index
        %get3A_760 = tpu.vector_load %arg19[%get3A_758, %get3A_759] {strides = array<i32>} : memref<24x128xf32, #tpu.memory_space<vmem>>, vector<16xf32>,
        %mul3A_761 = arith.mulf %gather3A_723, %unpack3A_749 : vector<16xf32>
        %add3A_762 = arith.addf %get3A_760, %mul3A_761 : vector<16xf32>
        %swap3A_763 = arith.index_cast %scan3A_179 : i32 to index
        %swap3A_764 = arith.constant 48 : index
        %swap3A_765 = tpu.vector_load %arg19[%swap3A_763, %swap3A_764] {strides = array<i32>} : memref<24x128xf32, #tpu.memory_space<vmem>>, vector<16xf32>,
        tpu.vector_store %arg19[%swap3A_763, %swap3A_764], %add3A_762 {strides = array<i32>} : memref<24x128xf32, #tpu.memory_space<vmem>>, vector<16xf32>,
        %get3A_766 = arith.index_cast %scan3A_179 : i32 to index
        %get3A_767 = arith.constant 832 : index
        %get3A_768 = tpu.vector_load %arg15[%get3A_766, %get3A_767] {strides = array<i32>} : memref<24x1024xbf16, #tpu.memory_space<vmem>>, vector<32xbf16>,
        %unpack3A_769 = tpu.unpack_subelements %get3A_768, 0 {pack_format = #tpu.pack_format<interleaved>} : vector<32xbf16> -> vector<16xf32>
        %unpack3A_770 = tpu.unpack_subelements %get3A_768, 1 {pack_format = #tpu.pack_format<interleaved>} : vector<32xbf16> -> vector<16xf32>
        %get3A_771 = arith.index_cast %scan3A_179 : i32 to index
        %get3A_772 = arith.constant 64 : index
        %get3A_773 = tpu.vector_load %arg19[%get3A_771, %get3A_772] {strides = array<i32>} : memref<24x128xf32, #tpu.memory_space<vmem>>, vector<16xf32>,
        %mul3A_774 = arith.mulf %gather3A_723, %unpack3A_769 : vector<16xf32>
        %add3A_775 = arith.addf %get3A_773, %mul3A_774 : vector<16xf32>
        %swap3A_776 = arith.index_cast %scan3A_179 : i32 to index
        %swap3A_777 = arith.constant 64 : index
        %swap3A_778 = tpu.vector_load %arg19[%swap3A_776, %swap3A_777] {strides = array<i32>} : memref<24x128xf32, #tpu.memory_space<vmem>>, vector<16xf32>,
        tpu.vector_store %arg19[%swap3A_776, %swap3A_777], %add3A_775 {strides = array<i32>} : memref<24x128xf32, #tpu.memory_space<vmem>>, vector<16xf32>,
        %get3A_779 = arith.index_cast %scan3A_179 : i32 to index
        %get3A_780 = arith.constant 80 : index
        %get3A_781 = tpu.vector_load %arg19[%get3A_779, %get3A_780] {strides = array<i32>} : memref<24x128xf32, #tpu.memory_space<vmem>>, vector<16xf32>,
        %mul3A_782 = arith.mulf %gather3A_723, %unpack3A_770 : vector<16xf32>
        %add3A_783 = arith.addf %get3A_781, %mul3A_782 : vector<16xf32>
        %swap3A_784 = arith.index_cast %scan3A_179 : i32 to index
        %swap3A_785 = arith.constant 80 : index
        %swap3A_786 = tpu.vector_load %arg19[%swap3A_784, %swap3A_785] {strides = array<i32>} : memref<24x128xf32, #tpu.memory_space<vmem>>, vector<16xf32>,
        tpu.vector_store %arg19[%swap3A_784, %swap3A_785], %add3A_783 {strides = array<i32>} : memref<24x128xf32, #tpu.memory_space<vmem>>, vector<16xf32>,
        %get3A_787 = arith.index_cast %scan3A_179 : i32 to index
        %get3A_788 = arith.constant 864 : index
        %get3A_789 = tpu.vector_load %arg15[%get3A_787, %get3A_788] {strides = array<i32>} : memref<24x1024xbf16, #tpu.memory_space<vmem>>, vector<32xbf16>,
        %unpack3A_790 = tpu.unpack_subelements %get3A_789, 0 {pack_format = #tpu.pack_format<interleaved>} : vector<32xbf16> -> vector<16xf32>
        %unpack3A_791 = tpu.unpack_subelements %get3A_789, 1 {pack_format = #tpu.pack_format<interleaved>} : vector<32xbf16> -> vector<16xf32>
        %get3A_792 = arith.index_cast %scan3A_179 : i32 to index
        %get3A_793 = arith.constant 96 : index
        %get3A_794 = tpu.vector_load %arg19[%get3A_792, %get3A_793] {strides = array<i32>} : memref<24x128xf32, #tpu.memory_space<vmem>>, vector<16xf32>,
        %mul3A_795 = arith.mulf %gather3A_723, %unpack3A_790 : vector<16xf32>
        %add3A_796 = arith.addf %get3A_794, %mul3A_795 : vector<16xf32>
        %swap3A_797 = arith.index_cast %scan3A_179 : i32 to index
        %swap3A_798 = arith.constant 96 : index
        %swap3A_799 = tpu.vector_load %arg19[%swap3A_797, %swap3A_798] {strides = array<i32>} : memref<24x128xf32, #tpu.memory_space<vmem>>, vector<16xf32>,
        tpu.vector_store %arg19[%swap3A_797, %swap3A_798], %add3A_796 {strides = array<i32>} : memref<24x128xf32, #tpu.memory_space<vmem>>, vector<16xf32>,
        %get3A_800 = arith.index_cast %scan3A_179 : i32 to index
        %get3A_801 = arith.constant 112 : index
        %get3A_802 = tpu.vector_load %arg19[%get3A_800, %get3A_801] {strides = array<i32>} : memref<24x128xf32, #tpu.memory_space<vmem>>, vector<16xf32>,
        %mul3A_803 = arith.mulf %gather3A_723, %unpack3A_791 : vector<16xf32>
        %add3A_804 = arith.addf %get3A_802, %mul3A_803 : vector<16xf32>
        %swap3A_805 = arith.index_cast %scan3A_179 : i32 to index
        %swap3A_806 = arith.constant 112 : index
        %swap3A_807 = tpu.vector_load %arg19[%swap3A_805, %swap3A_806] {strides = array<i32>} : memref<24x128xf32, #tpu.memory_space<vmem>>, vector<16xf32>,
        tpu.vector_store %arg19[%swap3A_805, %swap3A_806], %add3A_804 {strides = array<i32>} : memref<24x128xf32, #tpu.memory_space<vmem>>, vector<16xf32>,
        %lt3A_808 = arith.constant 0 : i32
        %lt3A_809 = vector.broadcast %lt3A_808 : i32 to vector<16xi32>
        %lt3A_810 = arith.cmpi slt, %broadcast_in_dim3A_19, %lt3A_809 : vector<16xi32>
        %add3A_811 = arith.constant 16 : i32
        %add3A_812 = vector.broadcast %add3A_811 : i32 to vector<16xi32>
        %add3A_813 = arith.addi %broadcast_in_dim3A_19, %add3A_812 : vector<16xi32>
        %select_n3A_814 = arith.select %lt3A_810, %add3A_813, %broadcast_in_dim3A_19 : vector<16xi1>, vector<16xi32>
        %broadcast_in_dim3A_815 = vector.shape_cast %select_n3A_814 : vector<16xi32> to vector<16x1xi32>
        %gather3A_816 = vector.shape_cast %broadcast_in_dim3A_815 : vector<16x1xi32> to vector<16xi32>
        %gather3A_817 = tpu.dynamic_gather %mul3A_185[%gather3A_816] in [0] : vector<16xf32>, vector<16xi32> -> vector<16xf32>
        %get3A_818 = arith.index_cast %scan3A_179 : i32 to index
        %get3A_819 = arith.constant 896 : index
        %get3A_820 = tpu.vector_load %arg15[%get3A_818, %get3A_819] {strides = array<i32>} : memref<24x1024xbf16, #tpu.memory_space<vmem>>, vector<32xbf16>,
        %unpack3A_821 = tpu.unpack_subelements %get3A_820, 0 {pack_format = #tpu.pack_format<interleaved>} : vector<32xbf16> -> vector<16xf32>
        %unpack3A_822 = tpu.unpack_subelements %get3A_820, 1 {pack_format = #tpu.pack_format<interleaved>} : vector<32xbf16> -> vector<16xf32>
        %get3A_823 = arith.index_cast %scan3A_179 : i32 to index
        %get3A_824 = arith.constant 0 : index
        %get3A_825 = tpu.vector_load %arg19[%get3A_823, %get3A_824] {strides = array<i32>} : memref<24x128xf32, #tpu.memory_space<vmem>>, vector<16xf32>,
        %mul3A_826 = arith.mulf %gather3A_817, %unpack3A_821 : vector<16xf32>
        %add3A_827 = arith.addf %get3A_825, %mul3A_826 : vector<16xf32>
        %swap3A_828 = arith.index_cast %scan3A_179 : i32 to index
        %swap3A_829 = arith.constant 0 : index
        %swap3A_830 = tpu.vector_load %arg19[%swap3A_828, %swap3A_829] {strides = array<i32>} : memref<24x128xf32, #tpu.memory_space<vmem>>, vector<16xf32>,
        tpu.vector_store %arg19[%swap3A_828, %swap3A_829], %add3A_827 {strides = array<i32>} : memref<24x128xf32, #tpu.memory_space<vmem>>, vector<16xf32>,
        %get3A_831 = arith.index_cast %scan3A_179 : i32 to index
        %get3A_832 = arith.constant 16 : index
        %get3A_833 = tpu.vector_load %arg19[%get3A_831, %get3A_832] {strides = array<i32>} : memref<24x128xf32, #tpu.memory_space<vmem>>, vector<16xf32>,
        %mul3A_834 = arith.mulf %gather3A_817, %unpack3A_822 : vector<16xf32>
        %add3A_835 = arith.addf %get3A_833, %mul3A_834 : vector<16xf32>
        %swap3A_836 = arith.index_cast %scan3A_179 : i32 to index
        %swap3A_837 = arith.constant 16 : index
        %swap3A_838 = tpu.vector_load %arg19[%swap3A_836, %swap3A_837] {strides = array<i32>} : memref<24x128xf32, #tpu.memory_space<vmem>>, vector<16xf32>,
        tpu.vector_store %arg19[%swap3A_836, %swap3A_837], %add3A_835 {strides = array<i32>} : memref<24x128xf32, #tpu.memory_space<vmem>>, vector<16xf32>,
        %get3A_839 = arith.index_cast %scan3A_179 : i32 to index
        %get3A_840 = arith.constant 928 : index
        %get3A_841 = tpu.vector_load %arg15[%get3A_839, %get3A_840] {strides = array<i32>} : memref<24x1024xbf16, #tpu.memory_space<vmem>>, vector<32xbf16>,
        %unpack3A_842 = tpu.unpack_subelements %get3A_841, 0 {pack_format = #tpu.pack_format<interleaved>} : vector<32xbf16> -> vector<16xf32>
        %unpack3A_843 = tpu.unpack_subelements %get3A_841, 1 {pack_format = #tpu.pack_format<interleaved>} : vector<32xbf16> -> vector<16xf32>
        %get3A_844 = arith.index_cast %scan3A_179 : i32 to index
        %get3A_845 = arith.constant 32 : index
        %get3A_846 = tpu.vector_load %arg19[%get3A_844, %get3A_845] {strides = array<i32>} : memref<24x128xf32, #tpu.memory_space<vmem>>, vector<16xf32>,
        %mul3A_847 = arith.mulf %gather3A_817, %unpack3A_842 : vector<16xf32>
        %add3A_848 = arith.addf %get3A_846, %mul3A_847 : vector<16xf32>
        %swap3A_849 = arith.index_cast %scan3A_179 : i32 to index
        %swap3A_850 = arith.constant 32 : index
        %swap3A_851 = tpu.vector_load %arg19[%swap3A_849, %swap3A_850] {strides = array<i32>} : memref<24x128xf32, #tpu.memory_space<vmem>>, vector<16xf32>,
        tpu.vector_store %arg19[%swap3A_849, %swap3A_850], %add3A_848 {strides = array<i32>} : memref<24x128xf32, #tpu.memory_space<vmem>>, vector<16xf32>,
        %get3A_852 = arith.index_cast %scan3A_179 : i32 to index
        %get3A_853 = arith.constant 48 : index
        %get3A_854 = tpu.vector_load %arg19[%get3A_852, %get3A_853] {strides = array<i32>} : memref<24x128xf32, #tpu.memory_space<vmem>>, vector<16xf32>,
        %mul3A_855 = arith.mulf %gather3A_817, %unpack3A_843 : vector<16xf32>
        %add3A_856 = arith.addf %get3A_854, %mul3A_855 : vector<16xf32>
        %swap3A_857 = arith.index_cast %scan3A_179 : i32 to index
        %swap3A_858 = arith.constant 48 : index
        %swap3A_859 = tpu.vector_load %arg19[%swap3A_857, %swap3A_858] {strides = array<i32>} : memref<24x128xf32, #tpu.memory_space<vmem>>, vector<16xf32>,
        tpu.vector_store %arg19[%swap3A_857, %swap3A_858], %add3A_856 {strides = array<i32>} : memref<24x128xf32, #tpu.memory_space<vmem>>, vector<16xf32>,
        %get3A_860 = arith.index_cast %scan3A_179 : i32 to index
        %get3A_861 = arith.constant 960 : index
        %get3A_862 = tpu.vector_load %arg15[%get3A_860, %get3A_861] {strides = array<i32>} : memref<24x1024xbf16, #tpu.memory_space<vmem>>, vector<32xbf16>,
        %unpack3A_863 = tpu.unpack_subelements %get3A_862, 0 {pack_format = #tpu.pack_format<interleaved>} : vector<32xbf16> -> vector<16xf32>
        %unpack3A_864 = tpu.unpack_subelements %get3A_862, 1 {pack_format = #tpu.pack_format<interleaved>} : vector<32xbf16> -> vector<16xf32>
        %get3A_865 = arith.index_cast %scan3A_179 : i32 to index
        %get3A_866 = arith.constant 64 : index
        %get3A_867 = tpu.vector_load %arg19[%get3A_865, %get3A_866] {strides = array<i32>} : memref<24x128xf32, #tpu.memory_space<vmem>>, vector<16xf32>,
        %mul3A_868 = arith.mulf %gather3A_817, %unpack3A_863 : vector<16xf32>
        %add3A_869 = arith.addf %get3A_867, %mul3A_868 : vector<16xf32>
        %swap3A_870 = arith.index_cast %scan3A_179 : i32 to index
        %swap3A_871 = arith.constant 64 : index
        %swap3A_872 = tpu.vector_load %arg19[%swap3A_870, %swap3A_871] {strides = array<i32>} : memref<24x128xf32, #tpu.memory_space<vmem>>, vector<16xf32>,
        tpu.vector_store %arg19[%swap3A_870, %swap3A_871], %add3A_869 {strides = array<i32>} : memref<24x128xf32, #tpu.memory_space<vmem>>, vector<16xf32>,
        %get3A_873 = arith.index_cast %scan3A_179 : i32 to index
        %get3A_874 = arith.constant 80 : index
        %get3A_875 = tpu.vector_load %arg19[%get3A_873, %get3A_874] {strides = array<i32>} : memref<24x128xf32, #tpu.memory_space<vmem>>, vector<16xf32>,
        %mul3A_876 = arith.mulf %gather3A_817, %unpack3A_864 : vector<16xf32>
        %add3A_877 = arith.addf %get3A_875, %mul3A_876 : vector<16xf32>
        %swap3A_878 = arith.index_cast %scan3A_179 : i32 to index
        %swap3A_879 = arith.constant 80 : index
        %swap3A_880 = tpu.vector_load %arg19[%swap3A_878, %swap3A_879] {strides = array<i32>} : memref<24x128xf32, #tpu.memory_space<vmem>>, vector<16xf32>,
        tpu.vector_store %arg19[%swap3A_878, %swap3A_879], %add3A_877 {strides = array<i32>} : memref<24x128xf32, #tpu.memory_space<vmem>>, vector<16xf32>,
        %get3A_881 = arith.index_cast %scan3A_179 : i32 to index
        %get3A_882 = arith.constant 992 : index
        %get3A_883 = tpu.vector_load %arg15[%get3A_881, %get3A_882] {strides = array<i32>} : memref<24x1024xbf16, #tpu.memory_space<vmem>>, vector<32xbf16>,
        %unpack3A_884 = tpu.unpack_subelements %get3A_883, 0 {pack_format = #tpu.pack_format<interleaved>} : vector<32xbf16> -> vector<16xf32>
        %unpack3A_885 = tpu.unpack_subelements %get3A_883, 1 {pack_format = #tpu.pack_format<interleaved>} : vector<32xbf16> -> vector<16xf32>
        %get3A_886 = arith.index_cast %scan3A_179 : i32 to index
        %get3A_887 = arith.constant 96 : index
        %get3A_888 = tpu.vector_load %arg19[%get3A_886, %get3A_887] {strides = array<i32>} : memref<24x128xf32, #tpu.memory_space<vmem>>, vector<16xf32>,
        %mul3A_889 = arith.mulf %gather3A_817, %unpack3A_884 : vector<16xf32>
        %add3A_890 = arith.addf %get3A_888, %mul3A_889 : vector<16xf32>
        %swap3A_891 = arith.index_cast %scan3A_179 : i32 to index
        %swap3A_892 = arith.constant 96 : index
        %swap3A_893 = tpu.vector_load %arg19[%swap3A_891, %swap3A_892] {strides = array<i32>} : memref<24x128xf32, #tpu.memory_space<vmem>>, vector<16xf32>,
        tpu.vector_store %arg19[%swap3A_891, %swap3A_892], %add3A_890 {strides = array<i32>} : memref<24x128xf32, #tpu.memory_space<vmem>>, vector<16xf32>,
        %get3A_894 = arith.index_cast %scan3A_179 : i32 to index
        %get3A_895 = arith.constant 112 : index
        %get3A_896 = tpu.vector_load %arg19[%get3A_894, %get3A_895] {strides = array<i32>} : memref<24x128xf32, #tpu.memory_space<vmem>>, vector<16xf32>,
        %mul3A_897 = arith.mulf %gather3A_817, %unpack3A_885 : vector<16xf32>
        %add3A_898 = arith.addf %get3A_896, %mul3A_897 : vector<16xf32>
        %swap3A_899 = arith.index_cast %scan3A_179 : i32 to index
        %swap3A_900 = arith.constant 112 : index
        %swap3A_901 = tpu.vector_load %arg19[%swap3A_899, %swap3A_900] {strides = array<i32>} : memref<24x128xf32, #tpu.memory_space<vmem>>, vector<16xf32>,
        tpu.vector_store %arg19[%swap3A_899, %swap3A_900], %add3A_898 {strides = array<i32>} : memref<24x128xf32, #tpu.memory_space<vmem>>, vector<16xf32>,
      }
      %scan3A_172 = arith.constant 24 : i32
      %dma_start3A_173 = arith.constant 0 : i32
      %dma_start3A_174 = tpu.memref_slice %arg9[%add3A_126, %dma_start3A_173] : memref<432x24xi32, #tpu.memory_space<vmem>> -> memref<1x24xi32, #tpu.memory_space<vmem>>
      %dma_start3A_175 = tpu.memref_squeeze %dma_start3A_174 : memref<1x24xi32, #tpu.memory_space<vmem>> -> memref<24xi32, #tpu.memory_space<vmem>>
      %dma_start3A_176 = arith.constant 0 : i32
      %dma_start3A_177 = arith.constant 0 : i32
      %dma_start3A_178 = tpu.memref_slice %arg20[%dma_start3A_176, %dma_start3A_177] : memref<10112x128xf32, #tpu.memory_space<vmem_shared>> -> memref<10112x128xf32, #tpu.memory_space<vmem_shared>>
      tpu.enqueue_indirect_dma source(%arg19 : memref<24x128xf32, #tpu.memory_space<vmem>>) target(%dma_start3A_178 : memref<10112x128xf32, #tpu.memory_space<vmem_shared>>) offsets(%dma_start3A_175 : memref<24xi32, #tpu.memory_space<vmem>>) semaphore(%arg30 : memref<!tpu.dma_semaphore, #tpu.memory_space<semaphore_mem>>) {add = true}
    }
    %scan3A_54 = arith.constant 216 : i32
    %dma_wait3A_55 = arith.constant 430 : i32
    %dma_wait3A_56 = arith.constant 0 : i32
    %dma_wait3A_57 = tpu.memref_slice %arg9[%dma_wait3A_55, %dma_wait3A_56] : memref<432x24xi32, #tpu.memory_space<vmem>> -> memref<1x24xi32, #tpu.memory_space<vmem>>
    %dma_wait3A_58 = tpu.memref_squeeze %dma_wait3A_57 : memref<1x24xi32, #tpu.memory_space<vmem>> -> memref<24xi32, #tpu.memory_space<vmem>>
    %dma_wait3A_59 = arith.constant 0 : i32
    %dma_wait3A_60 = arith.constant 0 : i32
    %dma_wait3A_61 = tpu.memref_slice %arg20[%dma_wait3A_59, %dma_wait3A_60] : memref<10112x128xf32, #tpu.memory_space<vmem_shared>> -> memref<10112x128xf32, #tpu.memory_space<vmem_shared>>
    tpu.wait_indirect_dma semaphore(%arg29 : memref<!tpu.dma_semaphore, #tpu.memory_space<semaphore_mem>>) src(%arg18 : memref<24x128xf32, #tpu.memory_space<vmem>>) dst(%dma_wait3A_61 : memref<10112x128xf32, #tpu.memory_space<vmem_shared>>)
    %dma_wait3A_62 = arith.constant 431 : i32
    %dma_wait3A_63 = arith.constant 0 : i32
    %dma_wait3A_64 = tpu.memref_slice %arg9[%dma_wait3A_62, %dma_wait3A_63] : memref<432x24xi32, #tpu.memory_space<vmem>> -> memref<1x24xi32, #tpu.memory_space<vmem>>
    %dma_wait3A_65 = tpu.memref_squeeze %dma_wait3A_64 : memref<1x24xi32, #tpu.memory_space<vmem>> -> memref<24xi32, #tpu.memory_space<vmem>>
    %dma_wait3A_66 = arith.constant 0 : i32
    %dma_wait3A_67 = arith.constant 0 : i32
    %dma_wait3A_68 = tpu.memref_slice %arg20[%dma_wait3A_66, %dma_wait3A_67] : memref<10112x128xf32, #tpu.memory_space<vmem_shared>> -> memref<10112x128xf32, #tpu.memory_space<vmem_shared>>
    tpu.wait_indirect_dma semaphore(%arg30 : memref<!tpu.dma_semaphore, #tpu.memory_space<semaphore_mem>>) src(%arg19 : memref<24x128xf32, #tpu.memory_space<vmem>>) dst(%dma_wait3A_68 : memref<10112x128xf32, #tpu.memory_space<vmem_shared>>)
    %barrier3A_69 = arith.constant 0 : index
    tpu.barrier barrier_id(%barrier3A_69)
    "tpu.region"() ({
      %run_scoped3A = tpu.sem_alloc : memref<!tpu.dma_semaphore, #tpu.memory_space<semaphore_mem>>
      %dma_start3A_70 = arith.constant 0 : i32
      %dma_start3A_71 = tpu.memref_slice %arg8[%arg0, %mul3A_2, %dma_start3A_70] : memref<2x10112x128xf32, #tpu.memory_space<hbm>> -> memref<1x632x128xf32, #tpu.memory_space<hbm>>
      %dma_start3A_72 = tpu.memref_squeeze %dma_start3A_71 : memref<1x632x128xf32, #tpu.memory_space<hbm>> -> memref<632x128xf32, #tpu.memory_space<hbm>>
      %dma_start3A_73 = arith.constant 0 : i32
      %dma_start3A_74 = tpu.memref_slice %arg20[%mul3A_2, %dma_start3A_73] : memref<10112x128xf32, #tpu.memory_space<vmem_shared>> -> memref<632x128xf32, #tpu.memory_space<vmem_shared>>
      tpu.enqueue_dma source(%dma_start3A_74 : memref<632x128xf32, #tpu.memory_space<vmem_shared>>) target(%dma_start3A_72 : memref<632x128xf32, #tpu.memory_space<hbm>>) target_semaphore(%run_scoped3A : memref<!tpu.dma_semaphore, #tpu.memory_space<semaphore_mem>>)
      %dma_wait3A_75 = arith.constant 0 : i32
      %dma_wait3A_76 = tpu.memref_slice %arg8[%arg0, %mul3A_2, %dma_wait3A_75] : memref<2x10112x128xf32, #tpu.memory_space<hbm>> -> memref<1x632x128xf32, #tpu.memory_space<hbm>>
      %dma_wait3A_77 = tpu.memref_squeeze %dma_wait3A_76 : memref<1x632x128xf32, #tpu.memory_space<hbm>> -> memref<632x128xf32, #tpu.memory_space<hbm>>
      %dma_wait3A_78 = arith.constant 0 : i32
      %dma_wait3A_79 = tpu.memref_slice %arg20[%mul3A_2, %dma_wait3A_78] : memref<10112x128xf32, #tpu.memory_space<vmem_shared>> -> memref<632x128xf32, #tpu.memory_space<vmem_shared>>
      tpu.wait_dma2 semaphore(%run_scoped3A : memref<!tpu.dma_semaphore, #tpu.memory_space<semaphore_mem>>) src(%dma_wait3A_79 : memref<632x128xf32, #tpu.memory_space<vmem_shared>>) dst(%dma_wait3A_77 : memref<632x128xf32, #tpu.memory_space<hbm>>)
      tpu.yield
    }) : () -> ()
    return
  }
}

module attributes {stable_mosaic.version = 14 : i64} {
  func.func @_proj_body(%arg0: i32, %arg1: memref<1000x128xf32, #tpu.memory_space<vmem>>, %arg2: memref<1024x128xf32, #tpu.memory_space<vmem>>, %arg3: memref<16x128xf32, #tpu.memory_space<vmem>>, %arg4: memref<1000x1024xf32, #tpu.memory_space<vmem>>, %arg5: memref<1000x16xf32, #tpu.memory_space<vmem>>, %arg6: memref<1x16xf32, #tpu.memory_space<vmem>>) attributes {dimension_semantics = [#tpu.dimension_semantics<arbitrary>], iteration_bounds = array<i64: 10>, scalar_prefetch = 0 : i64, scratch_operands = 0 : i64, tpu.core_type = #tpu.core_type<tc>, window_params = [{transform_indices = @transform_0, window_bounds = array<i64: 1000, 128>}, {pipeline_mode = #tpu.pipeline_mode<synchronous>, transform_indices = @transform_1, window_bounds = array<i64: 1024, 128>}, {pipeline_mode = #tpu.pipeline_mode<synchronous>, transform_indices = @transform_2, window_bounds = array<i64: 16, 128>}, {transform_indices = @transform_3, window_bounds = array<i64: 1000, 1024>}, {transform_indices = @transform_4, window_bounds = array<i64: 1000, 16>}, {pipeline_mode = #tpu.pipeline_mode<synchronous>, transform_indices = @transform_5, window_bounds = array<i64: 1, 16>}]} {
    %get3A = arith.constant 0 : index
    %get3A_0 = arith.constant 0 : index
    %get3A_1 = vector.load %arg1[%get3A, %get3A_0] : memref<1000x128xf32, #tpu.memory_space<vmem>>, vector<1000x128xf32>
    %get3A_2 = arith.constant 0 : index
    %get3A_3 = arith.constant 0 : index
    %get3A_4 = vector.load %arg2[%get3A_2, %get3A_3] : memref<1024x128xf32, #tpu.memory_space<vmem>>, vector<1024x128xf32>
    %dot_general3A = arith.constant dense<0.000000e+00> : vector<1000x1024xf32>
    %dot_general3A_5 = tpu.matmul %get3A_1, %get3A_4, %dot_general3A {dimension_numbers = #tpu.dot_dimension_numbers<[1], [1], [0], [0], [0, 0, 1, 0], [], []>, transpose_lhs_hint = false} : vector<1000x128xf32>, vector<1024x128xf32>, vector<1000x1024xf32> -> vector<1000x1024xf32>
    %swap3A = arith.constant 0 : index
    %swap3A_6 = arith.constant 0 : index
    %swap3A_7 = vector.load %arg4[%swap3A, %swap3A_6] : memref<1000x1024xf32, #tpu.memory_space<vmem>>, vector<1000x1024xf32>
    tpu.vector_store %arg4[%swap3A, %swap3A_6], %dot_general3A_5 {strides = array<i32>} : memref<1000x1024xf32, #tpu.memory_space<vmem>>, vector<1000x1024xf32>,
    %get3A_8 = arith.constant 0 : index
    %get3A_9 = arith.constant 0 : index
    %get3A_10 = vector.load %arg2[%get3A_8, %get3A_9] : memref<1024x128xf32, #tpu.memory_space<vmem>>, vector<128x128xf32>
    %get3A_11 = arith.constant 0 : index
    %get3A_12 = arith.constant 0 : index
    %get3A_13 = vector.load %arg3[%get3A_11, %get3A_12] : memref<16x128xf32, #tpu.memory_space<vmem>>, vector<1x128xf32>
    %dot_general3A_14 = arith.constant dense<0.000000e+00> : vector<1x128xf32>
    %dot_general3A_15 = tpu.matmul %get3A_13, %get3A_10, %dot_general3A_14 {dimension_numbers = #tpu.dot_dimension_numbers<[1], [0], [0], [1], [0, 0, 1, 1], [], []>, transpose_lhs_hint = false} : vector<1x128xf32>, vector<128x128xf32>, vector<1x128xf32> -> vector<1x128xf32>
    %get3A_16 = arith.constant 128 : index
    %get3A_17 = arith.constant 0 : index
    %get3A_18 = vector.load %arg2[%get3A_16, %get3A_17] : memref<1024x128xf32, #tpu.memory_space<vmem>>, vector<128x128xf32>
    %get3A_19 = arith.constant 1 : index
    %get3A_20 = arith.constant 0 : index
    %get3A_21 = vector.load %arg3[%get3A_19, %get3A_20] : memref<16x128xf32, #tpu.memory_space<vmem>>, vector<1x128xf32>
    %dot_general3A_22 = arith.constant dense<0.000000e+00> : vector<1x128xf32>
    %dot_general3A_23 = tpu.matmul %get3A_21, %get3A_18, %dot_general3A_22 {dimension_numbers = #tpu.dot_dimension_numbers<[1], [0], [0], [1], [0, 0, 1, 1], [], []>, transpose_lhs_hint = false} : vector<1x128xf32>, vector<128x128xf32>, vector<1x128xf32> -> vector<1x128xf32>
    %get3A_24 = arith.constant 256 : index
    %get3A_25 = arith.constant 0 : index
    %get3A_26 = vector.load %arg2[%get3A_24, %get3A_25] : memref<1024x128xf32, #tpu.memory_space<vmem>>, vector<128x128xf32>
    %get3A_27 = arith.constant 2 : index
    %get3A_28 = arith.constant 0 : index
    %get3A_29 = vector.load %arg3[%get3A_27, %get3A_28] : memref<16x128xf32, #tpu.memory_space<vmem>>, vector<1x128xf32>
    %dot_general3A_30 = arith.constant dense<0.000000e+00> : vector<1x128xf32>
    %dot_general3A_31 = tpu.matmul %get3A_29, %get3A_26, %dot_general3A_30 {dimension_numbers = #tpu.dot_dimension_numbers<[1], [0], [0], [1], [0, 0, 1, 1], [], []>, transpose_lhs_hint = false} : vector<1x128xf32>, vector<128x128xf32>, vector<1x128xf32> -> vector<1x128xf32>
    %get3A_32 = arith.constant 384 : index
    %get3A_33 = arith.constant 0 : index
    %get3A_34 = vector.load %arg2[%get3A_32, %get3A_33] : memref<1024x128xf32, #tpu.memory_space<vmem>>, vector<128x128xf32>
    %get3A_35 = arith.constant 3 : index
    %get3A_36 = arith.constant 0 : index
    %get3A_37 = vector.load %arg3[%get3A_35, %get3A_36] : memref<16x128xf32, #tpu.memory_space<vmem>>, vector<1x128xf32>
    %dot_general3A_38 = arith.constant dense<0.000000e+00> : vector<1x128xf32>
    %dot_general3A_39 = tpu.matmul %get3A_37, %get3A_34, %dot_general3A_38 {dimension_numbers = #tpu.dot_dimension_numbers<[1], [0], [0], [1], [0, 0, 1, 1], [], []>, transpose_lhs_hint = false} : vector<1x128xf32>, vector<128x128xf32>, vector<1x128xf32> -> vector<1x128xf32>
    %get3A_40 = arith.constant 512 : index
    %get3A_41 = arith.constant 0 : index
    %get3A_42 = vector.load %arg2[%get3A_40, %get3A_41] : memref<1024x128xf32, #tpu.memory_space<vmem>>, vector<128x128xf32>
    %get3A_43 = arith.constant 4 : index
    %get3A_44 = arith.constant 0 : index
    %get3A_45 = vector.load %arg3[%get3A_43, %get3A_44] : memref<16x128xf32, #tpu.memory_space<vmem>>, vector<1x128xf32>
    %dot_general3A_46 = arith.constant dense<0.000000e+00> : vector<1x128xf32>
    %dot_general3A_47 = tpu.matmul %get3A_45, %get3A_42, %dot_general3A_46 {dimension_numbers = #tpu.dot_dimension_numbers<[1], [0], [0], [1], [0, 0, 1, 1], [], []>, transpose_lhs_hint = false} : vector<1x128xf32>, vector<128x128xf32>, vector<1x128xf32> -> vector<1x128xf32>
    %get3A_48 = arith.constant 640 : index
    %get3A_49 = arith.constant 0 : index
    %get3A_50 = vector.load %arg2[%get3A_48, %get3A_49] : memref<1024x128xf32, #tpu.memory_space<vmem>>, vector<128x128xf32>
    %get3A_51 = arith.constant 5 : index
    %get3A_52 = arith.constant 0 : index
    %get3A_53 = vector.load %arg3[%get3A_51, %get3A_52] : memref<16x128xf32, #tpu.memory_space<vmem>>, vector<1x128xf32>
    %dot_general3A_54 = arith.constant dense<0.000000e+00> : vector<1x128xf32>
    %dot_general3A_55 = tpu.matmul %get3A_53, %get3A_50, %dot_general3A_54 {dimension_numbers = #tpu.dot_dimension_numbers<[1], [0], [0], [1], [0, 0, 1, 1], [], []>, transpose_lhs_hint = false} : vector<1x128xf32>, vector<128x128xf32>, vector<1x128xf32> -> vector<1x128xf32>
    %get3A_56 = arith.constant 768 : index
    %get3A_57 = arith.constant 0 : index
    %get3A_58 = vector.load %arg2[%get3A_56, %get3A_57] : memref<1024x128xf32, #tpu.memory_space<vmem>>, vector<128x128xf32>
    %get3A_59 = arith.constant 6 : index
    %get3A_60 = arith.constant 0 : index
    %get3A_61 = vector.load %arg3[%get3A_59, %get3A_60] : memref<16x128xf32, #tpu.memory_space<vmem>>, vector<1x128xf32>
    %dot_general3A_62 = arith.constant dense<0.000000e+00> : vector<1x128xf32>
    %dot_general3A_63 = tpu.matmul %get3A_61, %get3A_58, %dot_general3A_62 {dimension_numbers = #tpu.dot_dimension_numbers<[1], [0], [0], [1], [0, 0, 1, 1], [], []>, transpose_lhs_hint = false} : vector<1x128xf32>, vector<128x128xf32>, vector<1x128xf32> -> vector<1x128xf32>
    %get3A_64 = arith.constant 896 : index
    %get3A_65 = arith.constant 0 : index
    %get3A_66 = vector.load %arg2[%get3A_64, %get3A_65] : memref<1024x128xf32, #tpu.memory_space<vmem>>, vector<128x128xf32>
    %get3A_67 = arith.constant 7 : index
    %get3A_68 = arith.constant 0 : index
    %get3A_69 = vector.load %arg3[%get3A_67, %get3A_68] : memref<16x128xf32, #tpu.memory_space<vmem>>, vector<1x128xf32>
    %dot_general3A_70 = arith.constant dense<0.000000e+00> : vector<1x128xf32>
    %dot_general3A_71 = tpu.matmul %get3A_69, %get3A_66, %dot_general3A_70 {dimension_numbers = #tpu.dot_dimension_numbers<[1], [0], [0], [1], [0, 0, 1, 1], [], []>, transpose_lhs_hint = false} : vector<1x128xf32>, vector<128x128xf32>, vector<1x128xf32> -> vector<1x128xf32>
    %get3A_72 = arith.constant 0 : index
    %get3A_73 = arith.constant 0 : index
    %get3A_74 = vector.load %arg2[%get3A_72, %get3A_73] : memref<1024x128xf32, #tpu.memory_space<vmem>>, vector<128x128xf32>
    %get3A_75 = arith.constant 8 : index
    %get3A_76 = arith.constant 0 : index
    %get3A_77 = vector.load %arg3[%get3A_75, %get3A_76] : memref<16x128xf32, #tpu.memory_space<vmem>>, vector<1x128xf32>
    %dot_general3A_78 = arith.constant dense<0.000000e+00> : vector<1x128xf32>
    %dot_general3A_79 = tpu.matmul %get3A_77, %get3A_74, %dot_general3A_78 {dimension_numbers = #tpu.dot_dimension_numbers<[1], [0], [0], [1], [0, 0, 1, 1], [], []>, transpose_lhs_hint = false} : vector<1x128xf32>, vector<128x128xf32>, vector<1x128xf32> -> vector<1x128xf32>
    %get3A_80 = arith.constant 128 : index
    %get3A_81 = arith.constant 0 : index
    %get3A_82 = vector.load %arg2[%get3A_80, %get3A_81] : memref<1024x128xf32, #tpu.memory_space<vmem>>, vector<128x128xf32>
    %get3A_83 = arith.constant 9 : index
    %get3A_84 = arith.constant 0 : index
    %get3A_85 = vector.load %arg3[%get3A_83, %get3A_84] : memref<16x128xf32, #tpu.memory_space<vmem>>, vector<1x128xf32>
    %dot_general3A_86 = arith.constant dense<0.000000e+00> : vector<1x128xf32>
    %dot_general3A_87 = tpu.matmul %get3A_85, %get3A_82, %dot_general3A_86 {dimension_numbers = #tpu.dot_dimension_numbers<[1], [0], [0], [1], [0, 0, 1, 1], [], []>, transpose_lhs_hint = false} : vector<1x128xf32>, vector<128x128xf32>, vector<1x128xf32> -> vector<1x128xf32>
    %get3A_88 = arith.constant 256 : index
    %get3A_89 = arith.constant 0 : index
    %get3A_90 = vector.load %arg2[%get3A_88, %get3A_89] : memref<1024x128xf32, #tpu.memory_space<vmem>>, vector<128x128xf32>
    %get3A_91 = arith.constant 10 : index
    %get3A_92 = arith.constant 0 : index
    %get3A_93 = vector.load %arg3[%get3A_91, %get3A_92] : memref<16x128xf32, #tpu.memory_space<vmem>>, vector<1x128xf32>
    %dot_general3A_94 = arith.constant dense<0.000000e+00> : vector<1x128xf32>
    %dot_general3A_95 = tpu.matmul %get3A_93, %get3A_90, %dot_general3A_94 {dimension_numbers = #tpu.dot_dimension_numbers<[1], [0], [0], [1], [0, 0, 1, 1], [], []>, transpose_lhs_hint = false} : vector<1x128xf32>, vector<128x128xf32>, vector<1x128xf32> -> vector<1x128xf32>
    %get3A_96 = arith.constant 384 : index
    %get3A_97 = arith.constant 0 : index
    %get3A_98 = vector.load %arg2[%get3A_96, %get3A_97] : memref<1024x128xf32, #tpu.memory_space<vmem>>, vector<128x128xf32>
    %get3A_99 = arith.constant 11 : index
    %get3A_100 = arith.constant 0 : index
    %get3A_101 = vector.load %arg3[%get3A_99, %get3A_100] : memref<16x128xf32, #tpu.memory_space<vmem>>, vector<1x128xf32>
    %dot_general3A_102 = arith.constant dense<0.000000e+00> : vector<1x128xf32>
    %dot_general3A_103 = tpu.matmul %get3A_101, %get3A_98, %dot_general3A_102 {dimension_numbers = #tpu.dot_dimension_numbers<[1], [0], [0], [1], [0, 0, 1, 1], [], []>, transpose_lhs_hint = false} : vector<1x128xf32>, vector<128x128xf32>, vector<1x128xf32> -> vector<1x128xf32>
    %get3A_104 = arith.constant 512 : index
    %get3A_105 = arith.constant 0 : index
    %get3A_106 = vector.load %arg2[%get3A_104, %get3A_105] : memref<1024x128xf32, #tpu.memory_space<vmem>>, vector<128x128xf32>
    %get3A_107 = arith.constant 12 : index
    %get3A_108 = arith.constant 0 : index
    %get3A_109 = vector.load %arg3[%get3A_107, %get3A_108] : memref<16x128xf32, #tpu.memory_space<vmem>>, vector<1x128xf32>
    %dot_general3A_110 = arith.constant dense<0.000000e+00> : vector<1x128xf32>
    %dot_general3A_111 = tpu.matmul %get3A_109, %get3A_106, %dot_general3A_110 {dimension_numbers = #tpu.dot_dimension_numbers<[1], [0], [0], [1], [0, 0, 1, 1], [], []>, transpose_lhs_hint = false} : vector<1x128xf32>, vector<128x128xf32>, vector<1x128xf32> -> vector<1x128xf32>
    %get3A_112 = arith.constant 640 : index
    %get3A_113 = arith.constant 0 : index
    %get3A_114 = vector.load %arg2[%get3A_112, %get3A_113] : memref<1024x128xf32, #tpu.memory_space<vmem>>, vector<128x128xf32>
    %get3A_115 = arith.constant 13 : index
    %get3A_116 = arith.constant 0 : index
    %get3A_117 = vector.load %arg3[%get3A_115, %get3A_116] : memref<16x128xf32, #tpu.memory_space<vmem>>, vector<1x128xf32>
    %dot_general3A_118 = arith.constant dense<0.000000e+00> : vector<1x128xf32>
    %dot_general3A_119 = tpu.matmul %get3A_117, %get3A_114, %dot_general3A_118 {dimension_numbers = #tpu.dot_dimension_numbers<[1], [0], [0], [1], [0, 0, 1, 1], [], []>, transpose_lhs_hint = false} : vector<1x128xf32>, vector<128x128xf32>, vector<1x128xf32> -> vector<1x128xf32>
    %get3A_120 = arith.constant 768 : index
    %get3A_121 = arith.constant 0 : index
    %get3A_122 = vector.load %arg2[%get3A_120, %get3A_121] : memref<1024x128xf32, #tpu.memory_space<vmem>>, vector<128x128xf32>
    %get3A_123 = arith.constant 14 : index
    %get3A_124 = arith.constant 0 : index
    %get3A_125 = vector.load %arg3[%get3A_123, %get3A_124] : memref<16x128xf32, #tpu.memory_space<vmem>>, vector<1x128xf32>
    %dot_general3A_126 = arith.constant dense<0.000000e+00> : vector<1x128xf32>
    %dot_general3A_127 = tpu.matmul %get3A_125, %get3A_122, %dot_general3A_126 {dimension_numbers = #tpu.dot_dimension_numbers<[1], [0], [0], [1], [0, 0, 1, 1], [], []>, transpose_lhs_hint = false} : vector<1x128xf32>, vector<128x128xf32>, vector<1x128xf32> -> vector<1x128xf32>
    %get3A_128 = arith.constant 896 : index
    %get3A_129 = arith.constant 0 : index
    %get3A_130 = vector.load %arg2[%get3A_128, %get3A_129] : memref<1024x128xf32, #tpu.memory_space<vmem>>, vector<128x128xf32>
    %get3A_131 = arith.constant 15 : index
    %get3A_132 = arith.constant 0 : index
    %get3A_133 = vector.load %arg3[%get3A_131, %get3A_132] : memref<16x128xf32, #tpu.memory_space<vmem>>, vector<1x128xf32>
    %dot_general3A_134 = arith.constant dense<0.000000e+00> : vector<1x128xf32>
    %dot_general3A_135 = tpu.matmul %get3A_133, %get3A_130, %dot_general3A_134 {dimension_numbers = #tpu.dot_dimension_numbers<[1], [0], [0], [1], [0, 0, 1, 1], [], []>, transpose_lhs_hint = false} : vector<1x128xf32>, vector<128x128xf32>, vector<1x128xf32> -> vector<1x128xf32>
    %concatenate3A = tpu.concatenate %dot_general3A_15, %dot_general3A_23, %dot_general3A_31, %dot_general3A_39, %dot_general3A_47, %dot_general3A_55, %dot_general3A_63, %dot_general3A_71, %dot_general3A_79, %dot_general3A_87, %dot_general3A_95, %dot_general3A_103, %dot_general3A_111, %dot_general3A_119, %dot_general3A_127, %dot_general3A_135 in 0 : vector<1x128xf32>, vector<1x128xf32>, vector<1x128xf32>, vector<1x128xf32>, vector<1x128xf32>, vector<1x128xf32>, vector<1x128xf32>, vector<1x128xf32>, vector<1x128xf32>, vector<1x128xf32>, vector<1x128xf32>, vector<1x128xf32>, vector<1x128xf32>, vector<1x128xf32>, vector<1x128xf32>, vector<1x128xf32> -> vector<16x128xf32>
    %dot_general3A_136 = arith.constant dense<0.000000e+00> : vector<1000x16xf32>
    %dot_general3A_137 = tpu.matmul %get3A_1, %concatenate3A, %dot_general3A_136 {dimension_numbers = #tpu.dot_dimension_numbers<[1], [1], [0], [0], [0, 0, 1, 0], [], []>, transpose_lhs_hint = false} : vector<1000x128xf32>, vector<16x128xf32>, vector<1000x16xf32> -> vector<1000x16xf32>
    %swap3A_138 = arith.constant 0 : index
    %swap3A_139 = arith.constant 0 : index
    %swap3A_140 = vector.load %arg5[%swap3A_138, %swap3A_139] : memref<1000x16xf32, #tpu.memory_space<vmem>>, vector<1000x16xf32>
    tpu.vector_store %arg5[%swap3A_138, %swap3A_139], %dot_general3A_137 {strides = array<i32>} : memref<1000x16xf32, #tpu.memory_space<vmem>>, vector<1000x16xf32>,
    %reduce_max3A = arith.constant dense<0xFF800000> : vector<16xf32>
    %reduce_max3A_141 = vector.multi_reduction <maximumf>, %dot_general3A_137, %reduce_max3A [0] : vector<1000x16xf32> to vector<16xf32>
    %broadcast_in_dim3A = vector.shape_cast %reduce_max3A_141 : vector<16xf32> to vector<1x16xf32>
    %eq3A = arith.constant 0 : i32
    %eq3A_142 = arith.cmpi eq, %arg0, %eq3A : i32
    %convert_element_type3A = arith.extui %eq3A_142 : i1 to i32
    %cond3A = arith.constant 0 : i32
    %cond3A_143 = arith.cmpi ne, %convert_element_type3A, %cond3A : i32
    scf.if %cond3A_143 {
      %swap3A_148 = arith.constant 0 : index
      %swap3A_149 = arith.constant 0 : index
      %swap3A_150 = vector.load %arg6[%swap3A_148, %swap3A_149] : memref<1x16xf32, #tpu.memory_space<vmem>>, vector<1x16xf32>
      tpu.vector_store %arg6[%swap3A_148, %swap3A_149], %broadcast_in_dim3A {strides = array<i32>} : memref<1x16xf32, #tpu.memory_space<vmem>>, vector<1x16xf32>,
    } else {
    }
    %gt3A = arith.constant 0 : i32
    %gt3A_144 = arith.cmpi sgt, %arg0, %gt3A : i32
    %convert_element_type3A_145 = arith.extui %gt3A_144 : i1 to i32
    %cond3A_146 = arith.constant 0 : i32
    %cond3A_147 = arith.cmpi ne, %convert_element_type3A_145, %cond3A_146 : i32
    scf.if %cond3A_147 {
      %get3A_148 = arith.constant 0 : index
      %get3A_149 = arith.constant 0 : index
      %get3A_150 = vector.load %arg6[%get3A_148, %get3A_149] : memref<1x16xf32, #tpu.memory_space<vmem>>, vector<1x16xf32>
      %max3A = arith.maximumf %get3A_150, %broadcast_in_dim3A : vector<1x16xf32>
      %swap3A_151 = arith.constant 0 : index
      %swap3A_152 = arith.constant 0 : index
      %swap3A_153 = vector.load %arg6[%swap3A_151, %swap3A_152] : memref<1x16xf32, #tpu.memory_space<vmem>>, vector<1x16xf32>
      tpu.vector_store %arg6[%swap3A_151, %swap3A_152], %max3A {strides = array<i32>} : memref<1x16xf32, #tpu.memory_space<vmem>>, vector<1x16xf32>,
    } else {
    }
    return
  }
  func.func @transform_0(%arg0: i32) -> (i32, i32) {
    %c0_i32 = arith.constant 0 : i32
    %c0_i32_0 = arith.constant 0 : i32
    return %arg0, %c0_i32 : i32, i32
  }
  func.func @transform_1(%arg0: i32) -> (i32, i32) {
    %c0_i32 = arith.constant 0 : i32
    %c0_i32_0 = arith.constant 0 : i32
    %c0_i32_1 = arith.constant 0 : i32
    return %c0_i32, %c0_i32_0 : i32, i32
  }
  func.func @transform_2(%arg0: i32) -> (i32, i32) {
    %c0_i32 = arith.constant 0 : i32
    %c0_i32_0 = arith.constant 0 : i32
    %c0_i32_1 = arith.constant 0 : i32
    return %c0_i32, %c0_i32_0 : i32, i32
  }
  func.func @transform_3(%arg0: i32) -> (i32, i32) {
    %c0_i32 = arith.constant 0 : i32
    %c0_i32_0 = arith.constant 0 : i32
    return %arg0, %c0_i32 : i32, i32
  }
  func.func @transform_4(%arg0: i32) -> (i32, i32) {
    %c0_i32 = arith.constant 0 : i32
    %c0_i32_0 = arith.constant 0 : i32
    return %arg0, %c0_i32 : i32, i32
  }
  func.func @transform_5(%arg0: i32) -> (i32, i32) {
    %c0_i32 = arith.constant 0 : i32
    %c0_i32_0 = arith.constant 0 : i32
    %c0_i32_1 = arith.constant 0 : i32
    return %c0_i32, %c0_i32_0 : i32, i32
  }
}

module attributes {stable_mosaic.version = 14 : i64} {
  func.func @_recip_body(%arg0: memref<2x10112x16xf32, #tpu.memory_space<vmem>>, %arg1: memref<10112x16xf32, #tpu.memory_space<vmem>>) attributes {dimension_semantics = [], scalar_prefetch = 0 : i64, scratch_operands = 0 : i64, tpu.core_type = #tpu.core_type<tc>} {
    %get3A = arith.constant 0 : index
    %get3A_0 = arith.constant 0 : index
    %get3A_1 = arith.constant 0 : index
    %get3A_2 = vector.load %arg0[%get3A, %get3A_0, %get3A_1] : memref<2x10112x16xf32, #tpu.memory_space<vmem>>, vector<1x10112x16xf32>
    %get3A_3 = vector.shape_cast %get3A_2 : vector<1x10112x16xf32> to vector<10112x16xf32>
    %get3A_4 = arith.constant 1 : index
    %get3A_5 = arith.constant 0 : index
    %get3A_6 = arith.constant 0 : index
    %get3A_7 = vector.load %arg0[%get3A_4, %get3A_5, %get3A_6] : memref<2x10112x16xf32, #tpu.memory_space<vmem>>, vector<1x10112x16xf32>
    %get3A_8 = vector.shape_cast %get3A_7 : vector<1x10112x16xf32> to vector<10112x16xf32>
    %add3A = arith.addf %get3A_3, %get3A_8 : vector<10112x16xf32>
    %add3A_9 = arith.constant 1.000000e-16 : f32
    %add3A_10 = vector.broadcast %add3A_9 : f32 to vector<10112x16xf32>
    %add3A_11 = arith.addf %add3A, %add3A_10 : vector<10112x16xf32>
    %div3A = arith.constant 1.000000e+00 : f32
    %div3A_12 = vector.broadcast %div3A : f32 to vector<10112x16xf32>
    %div3A_13 = arith.divf %div3A_12, %add3A_11 : vector<10112x16xf32>
    %swap3A = arith.constant 0 : index
    %swap3A_14 = arith.constant 0 : index
    %swap3A_15 = vector.load %arg1[%swap3A, %swap3A_14] : memref<10112x16xf32, #tpu.memory_space<vmem>>, vector<10112x16xf32>
    tpu.vector_store %arg1[%swap3A, %swap3A_14], %div3A_13 {strides = array<i32>} : memref<10112x16xf32, #tpu.memory_space<vmem>>, vector<10112x16xf32>,
    return
  }
}

module attributes {stable_mosaic.version = 14 : i64} {
  func.func @_final_body(%arg0: i32, %arg1: memref<2x1000x128xf32, #tpu.memory_space<vmem>>, %arg2: memref<1x128xf32, #tpu.memory_space<vmem>>, %arg3: memref<1000x128xf32, #tpu.memory_space<vmem>>) attributes {dimension_semantics = [#tpu.dimension_semantics<arbitrary>], iteration_bounds = array<i64: 10>, scalar_prefetch = 0 : i64, scratch_operands = 0 : i64, tpu.core_type = #tpu.core_type<tc>, window_params = [{transform_indices = @transform_0, window_bounds = array<i64: 2, 1000, 128>}, {pipeline_mode = #tpu.pipeline_mode<synchronous>, transform_indices = @transform_1, window_bounds = array<i64: 1, 128>}, {transform_indices = @transform_2, window_bounds = array<i64: 1000, 128>}]} {
    %get3A = arith.constant 0 : index
    %get3A_0 = arith.constant 0 : index
    %get3A_1 = arith.constant 0 : index
    %get3A_2 = vector.load %arg1[%get3A, %get3A_0, %get3A_1] : memref<2x1000x128xf32, #tpu.memory_space<vmem>>, vector<1x1000x128xf32>
    %get3A_3 = vector.shape_cast %get3A_2 : vector<1x1000x128xf32> to vector<1000x128xf32>
    %get3A_4 = arith.constant 1 : index
    %get3A_5 = arith.constant 0 : index
    %get3A_6 = arith.constant 0 : index
    %get3A_7 = vector.load %arg1[%get3A_4, %get3A_5, %get3A_6] : memref<2x1000x128xf32, #tpu.memory_space<vmem>>, vector<1x1000x128xf32>
    %get3A_8 = vector.shape_cast %get3A_7 : vector<1x1000x128xf32> to vector<1000x128xf32>
    %add3A = arith.addf %get3A_3, %get3A_8 : vector<1000x128xf32>
    %mul3A = arith.constant 1.250000e-01 : f32
    %mul3A_9 = vector.broadcast %mul3A : f32 to vector<1000x128xf32>
    %mul3A_10 = arith.mulf %add3A, %mul3A_9 : vector<1000x128xf32>
    %get3A_11 = arith.constant 0 : index
    %get3A_12 = arith.constant 0 : index
    %get3A_13 = vector.load %arg2[%get3A_11, %get3A_12] : memref<1x128xf32, #tpu.memory_space<vmem>>, vector<1x128xf32>
    %add3A_14 = vector.broadcast %get3A_13 : vector<1x128xf32> to vector<1000x128xf32>
    %add3A_15 = arith.addf %mul3A_10, %add3A_14 : vector<1000x128xf32>
    %swap3A = arith.constant 0 : index
    %swap3A_16 = arith.constant 0 : index
    %swap3A_17 = vector.load %arg3[%swap3A, %swap3A_16] : memref<1000x128xf32, #tpu.memory_space<vmem>>, vector<1000x128xf32>
    tpu.vector_store %arg3[%swap3A, %swap3A_16], %add3A_15 {strides = array<i32>} : memref<1000x128xf32, #tpu.memory_space<vmem>>, vector<1000x128xf32>,
    return
  }
  func.func @transform_0(%arg0: i32) -> (i32, i32, i32) {
    %c0_i32 = arith.constant 0 : i32
    %c0_i32_0 = arith.constant 0 : i32
    %c0_i32_1 = arith.constant 0 : i32
    return %c0_i32, %arg0, %c0_i32_0 : i32, i32, i32
  }
  func.func @transform_1(%arg0: i32) -> (i32, i32) {
    %c0_i32 = arith.constant 0 : i32
    %c0_i32_0 = arith.constant 0 : i32
    %c0_i32_1 = arith.constant 0 : i32
    return %c0_i32, %c0_i32_0 : i32, i32
  }
  func.func @transform_2(%arg0: i32) -> (i32, i32) {
    %c0_i32 = arith.constant 0 : i32
    %c0_i32_0 = arith.constant 0 : i32
    return %arg0, %c0_i32 : i32, i32
  }
}

</mosaic_0001>

<sc_bundles>
// kernel: kernel.10.cloned.1.call-start
scs
__scs_entry_jumppad:
0x0: {  	(pc) =	sbr.rel $0x88, $3  }
0x1: {  	(tag) =	ssettag $0x0;
	lr =	simm.s32 $0x1  }
0x2: {  	[smem:$0x3F9B] =	sst lr;
	_ =	strace $0xD0000000  }
0x3: {  	_ = 	snop  }
0x4: {  	_ = 	snop  }
0x5: {  	_ = 	snop  }
0x6: {  	_ = 	snop  }
0x7: {  	_ = 	snop  }
__scs_overlays_trampoline_lowered:
0x8: {  	[smem:$0x3FAA] =	sst s0  }
0x9: {  	[smem:$0x3FAB] =	sst s1  }
0xa: {  	[smem:$0x3FAC] =	sst s2  }
0xb: {  	[smem:$0x3FAD] =	sst s3  }
0xc: {  	[smem:$0x3FAE] =	sst s4  }
0xd: {  	[smem:$0x3FAF] =	sst s5  }
0xe: {  	[smem:$0x3FB0] =	sst s6  }
0xf: {  	[smem:$0x3FB1] =	sst s7  }
0x10: {  	[smem:$0x3FB2] =	sst s8  }
0x11: {  	[smem:$0x3FB3] =	sst s9;
	s0 =	simm.s32 @!p0 $0x0  }
0x12: {  	s1 =	sld [smem:$0x3F99];
	s0 =	simm.s32 @p0 $0x1  }
0x13: {  	[smem:$0x3FB4] =	sst s0;
	s0 =	simm.s32 @!p1 $0x0  }
0x14: {  	s2 =	sld [smem:$0x3F98];
	s0 =	simm.s32 @p1 $0x1  }
0x15: {  	[smem:$0x3FB5] =	sst s0;
	s0 =	simm.s32 @!p2 $0x0  }
0x16: {  	s3 =	sld [smem:$0x3FDB];
	s0 =	simm.s32 @p2 $0x1  }
0x17: {  	s4 =	simm.s32 $0x1BF5;
	[smem:$0x3FB7] =	sst s0  }
0x18: {  	s0 =	sld [smem:$0x3F9A];
	_ =	swait.ge [sflag:s4], $0x0  }
0x19: {  	s7 =	sld [smem:$0x3F9B]  }
0x1a: {  	s8 =	sadd.s32 $0xFFFFE003, lr  }
0x1b: {  	s9 =	sadd.s32 $0xFFFFFEF7, lr;
	s5 =	simm.s32 $0xFFFFFFFF;
	p2 =	slt.u32 s8, $0xFFFFF086  }
0x1c: {  	p1 =	slt.u32 s9, $0xF7A;
	s5 =	simm.s32 @!p2 $0x0  }
0x1d: {  	s5 =	simm.s32 @p1 $0x1;
	p0 =	seq.s32 s7, s2  }
0x1e: {  	s7 =	smul.u32 @!p0 $0xF7A, s2;
	p2 =	seq.s32 @!p0 s5, $0x0  }
0x1f: {  	s9 =	smul.u32 $0xF7A, s1;
	s8 =	simm.s32 @!p0 $0x1BF5;
	p2 =	por !p2, p0  }
0x20: {  	[sflag:s8] =	ssyncset.s32 @!p0 $0xFFFFF086;
	s6 =	sadd.s32 @!p0 s3, s7;
	s7 =	simm.s32 @!p0 $0x108  }
0x21: {  	s3 =	sadd.s32 s3, s9;
	s6 =	sadd.s32 @!p0 $0x88, s6;
	s7 =	simm.s32 @p2 $0x1082  }
0x22: {  	[simem:s7], [sflag:s8] =	dma.local @!p0 [hbm:s6], $0xF7A  }
0x23: {  	s9 =	sor.u32 $0xD0000000, s2;
	s6 =	simm.s32 $0x108;
	_ =	swait.ge @!p0 [sflag:s8], $0x0  }
0x24: {  	s3 =	sadd.s32 $0x88, s3;
	s6 =	simm.s32 @!p1 $0x1082;
	[sflag:s4] =	ssyncset.s32 $0xFFFFF086  }
0x25: {  	[simem:s6], [sflag:s4] =	dma.local [hbm:s3], $0xF7A  }
0x26: {  	[smem:$0x3F9B] =	sst s1;
	(tag) =	ssettag s2;
	_ =	strace s9  }
0x27: {  	s1 =	sld [smem:$0x3FAB]  }
0x28: {  	s2 =	sld [smem:$0x3FAC]  }
0x29: {  	s4 =	sld [smem:$0x3FAE]  }
0x2a: {  	p0 =	seq.s32 s5, $0x0;
	s5 =	sld [smem:$0x3FAF]  }
0x2b: {  	s6 =	sld [smem:$0x3FB0]  }
0x2c: {  	s7 =	sld [smem:$0x3FB1]  }
0x2d: {  	s3 =	simm.s32 $0x108;
	s8 =	sld [smem:$0x3FB2]  }
0x2e: {  	s3 =	simm.s32 @!p0 $0x1082;
	s9 =	sld [smem:$0x3FB3]  }
0x2f: {  	lr =	sadd.s32 s0, s3;
	s0 =	sld [smem:$0x3FAA]  }
0x30: {  	s3 =	sld [smem:$0x3FAD]  }
0x31: {  	[smem:$0x3FB6] =	sst s10  }
0x32: {  	s10 =	sld [smem:$0x3FB4];
	_ =	sdelay $0x3  }
0x33: {  	p0 =	seq.s32 s10, $0x1;
	s10 =	sld [smem:$0x3FB6];
	_ =	sdelay $0x3  }
0x34: {  	[smem:$0x3FB6] =	sst s10  }
0x35: {  	s10 =	sld [smem:$0x3FB5];
	_ =	sdelay $0x3  }
0x36: {  	p1 =	seq.s32 s10, $0x1;
	s10 =	sld [smem:$0x3FB6];
	_ =	sdelay $0x3  }
0x37: {  	[smem:$0x3FB6] =	sst s10  }
0x38: {  	s10 =	sld [smem:$0x3FB7]  }
0x39: {  	_ = 	snop;
	(pc) =	sbr.ind lr, $3  }
0x3a: {  	_ = 	snop  }
0x3b: {  	_ = 	snop  }
0x3c: {  	p2 =	seq.s32 s10, $0x1;
	s10 =	sld [smem:$0x3FB6]  }
0x3d: {  	_ =	shalt  }
0x3e: {  	_ =	shalt  }
0x3f: {  	_ =	shalt  }
0x40: {  	_ =	shalt  }
0x41: {  	_ =	shalt  }
0x42: {  	_ =	shalt  }
0x43: {  	_ =	shalt  }
0x44: {  	_ =	shalt  }
0x45: {  	_ =	shalt  }
0x46: {  	_ =	shalt  }
0x47: {  	_ =	shalt  }
0x48: {  	_ =	shalt  }
0x49: {  	_ =	shalt  }
0x4a: {  	_ =	shalt  }
0x4b: {  	_ =	shalt  }
0x4c: {  	_ =	shalt  }
0x4d: {  	_ =	shalt  }
0x4e: {  	_ =	shalt  }
0x4f: {  	_ =	shalt  }
0x50: {  	_ =	shalt  }
0x51: {  	_ =	shalt  }
0x52: {  	_ =	shalt  }
0x53: {  	_ =	shalt  }
0x54: {  	_ =	shalt  }
0x55: {  	_ =	shalt  }
0x56: {  	_ =	shalt  }
0x57: {  	_ =	shalt  }
0x58: {  	_ =	shalt  }
0x59: {  	_ =	shalt  }
0x5a: {  	_ =	shalt  }
0x5b: {  	_ =	shalt  }
0x5c: {  	_ =	shalt  }
0x5d: {  	_ =	shalt  }
0x5e: {  	_ =	shalt  }
0x5f: {  	_ =	shalt  }
0x60: {  	_ =	shalt  }
0x61: {  	_ =	shalt  }
0x62: {  	_ =	shalt  }
0x63: {  	_ =	shalt  }
0x64: {  	_ =	shalt  }
0x65: {  	_ =	shalt  }
0x66: {  	_ =	shalt  }
0x67: {  	_ =	shalt  }
0x68: {  	_ =	shalt  }
0x69: {  	_ =	shalt  }
0x6a: {  	_ =	shalt  }
0x6b: {  	_ =	shalt  }
0x6c: {  	_ =	shalt  }
0x6d: {  	_ =	shalt  }
0x6e: {  	_ =	shalt  }
0x6f: {  	_ =	shalt  }
0x70: {  	_ =	shalt  }
0x71: {  	_ =	shalt  }
0x72: {  	_ =	shalt  }
0x73: {  	_ =	shalt  }
0x74: {  	_ =	shalt  }
0x75: {  	_ =	shalt  }
0x76: {  	_ =	shalt  }
0x77: {  	_ =	shalt  }
0x78: {  	_ =	shalt  }
0x79: {  	_ =	shalt  }
0x7a: {  	_ =	shalt  }
0x7b: {  	_ =	shalt  }
0x7c: {  	_ =	shalt  }
0x7d: {  	_ =	shalt  }
0x7e: {  	_ =	shalt  }
0x7f: {  	_ =	shalt  }
0x80: {  	_ =	shalt  }
0x81: {  	_ =	shalt  }
0x82: {  	_ =	shalt  }
0x83: {  	_ =	shalt  }
0x84: {  	_ =	shalt  }
0x85: {  	_ =	shalt  }
0x86: {  	_ =	shalt  }
0x87: {  	_ =	shalt  }
.Lfunc_end0:
.L_simem_size_0:
called_computation.1_lowered:
.L_overlay_start_0:
0x88: {  	s2 =	sld [smem:$0x3FD9]  }
0x89: {  	s3 =	sld [smem:$0x3FFE];
	_ =	sdelay $0x1  }
0x8a: {  	s1 =	srdreg.scid  }
0x8b: {  	s0 =	sand.u32 $0x1, s1  }
0x8c: {  	s17 =	sshll.u32 s0, $0xA;
	s2 =	sadd.s32 s3, s2  }
0x8d: {  	s2 =	sadd.s32 s2, s17  }
0x8e: {  	[smem:$0x3FC2] =	sst s2  }
0x8f: {  	_ = 	snop  }
0x90: {  	s2 =	sld [smem:$0x3FD0];
	(tm) =	ssettm $0x1  }
0x91: {  	s18 =	sld [smem:$0x3FFB];
	_ =	sdelay $0x3  }
0x92: {  	_ =	strace s18  }
0x93: {  	s3 =	sld [smem:$0x3FFC];
	_ =	sdelay $0x3  }
0x94: {  	_ =	strace s3  }
0x95: {  	s3 =	sld [smem:$0x3FFD];
	_ =	sdelay $0x3  }
0x96: {  	_ =	strace s3  }
0x97: {  	_ =	strace $0x8FFFFFFF  }
0x98: {  	s19 =	sld [smem:$0x3FDB];
	_ =	sdelay $0x1  }
0x99: {  	s4 =	simm.s32 $_scs_section_size  }
0x9a: {  	s5 =	simm.s32 $_size__tile_overlayer_lowered;
	s6 =	simm.s32 $_tile_overlayer_lowered  }
0x9b: {  	s22 =	simm.s32 $0x1BFF;
	s21 =	sshll.u32 s6, $0x1;
	s3 =	sadd.s32 s4, s19  }
0x9c: {  	s7 =	simm.s32 $0x0;
	s20 =	sshll.u32 s5, $0x1;
	s5 =	sadd.s32 s21, s3  }
0x9d: {  	[timem:s7], [sflag:s22] =	dma.local [hbm:s5], s20  }
0x9e: {  	_ =	swait.ge [sflag:s22], s20  }
0x9f: {  	s4 =	ssub.s32 $0x0, s20;
	[sflag:s22] =	ssyncset.done $0x0  }
0xa0: {  	[sflag:s22] =	ssyncadd.s32 s4;
	_ =	sdelay $0x1  }
0xa1: {  	s23 =	simm.s32 $0x1B8B  }
0xa2: {  	_ =	swait.ge [sflag:s23], $0x1  }
0xa3: {  	[sflag:s23] =	ssyncset.done $0x0  }
0xa4: {  	s25 =	simm.s32 $0x1B8E;
	s24 =	sld [smem:$0x3FFE];
	[sflag:s23] =	ssyncadd.s32 $0xFFFFFFFF  }
0xa5: {  	s26 =	simm.s32 $execute0_lowered;
	[smem:$0x3FD2] =	sst s25  }
0xa6: {  	s5 =	sshll.u32 s26, $0x1;
	_ =	strace $0x80000049;
	[dreg:$0x1] =	wrdreg $0xFFFFFFFF  }
0xa7: {  	s28 =	simm.s32 $_size_execute0_lowered;
	s3 =	sadd.s32 s3, s5;
	[dreg:$0x0] =	wrdreg $0x0  }
0xa8: {  	s5 =	sshll.u32 s28, $0x1;
	[dreg:$0x2] =	wrdreg s3  }
0xa9: {  	[dreg:$0x3] =	wrdreg s5  }
0xaa: {  	[dreg:$0x4] =	wrdreg $0xC0  }
0xab: {  	_ =	task [dreg:s7], $0x5FFFF  }
0xac: {  	[dreg:$0x1] =	wrdreg $0xFFFFFFFF  }
0xad: {  	[dreg:$0x0] =	wrdreg $0x60  }
0xae: {  	[dreg:$0x2] =	wrdreg s2  }
0xaf: {  	[dreg:$0x3] =	wrdreg s24  }
0xb0: {  	[dreg:$0x4] =	wrdreg $0xA6B00  }
0xb1: {  	[dreg:$0x5] =	wrdreg $0x9  }
0xb2: {  	_ =	task.clear_ibuf [dreg:s7], $0x6FFFF;
	_ =	strace $0x90000049  }
0xb3: {  	s29 =	simm.s32 $0x9;
	_ =	strace $0x8000004B  }
0xb4: {  	_ =	swait.ge [sflag:s29], $0x1  }
0xb5: {  	[sflag:s29] =	ssyncadd.s32 $0xFFFFFFFF  }
0xb6: {  	_ =	strace $0x9000004B  }
0xb7: {  	_ =	sfence  }
0xb8: {  	s30 =	sld [smem:$0x0];
	_ =	sdelay $0x2  }
0xb9: {  	s31 =	sshll.u32 s1, $0xD;
	s1 =	sshrl.u32 s1, $0x2  }
0xba: {  	s3 =	sand.u32 $0x4000, s31;
	s1 =	sadd.s32 s1, s30  }
0xbb: {  	s0 =	sor.u32 s3, s0;
	s1 =	sshll.u32 s1, $0x11  }
0xbc: {  	s0 =	sor.u32 s1, s0  }
0xbd: {  	s0 =	sadd.s32 $0x8F2B, s0  }
0xbe: {  	[sflag:s0] =	ssyncadd.remote.s32 $0x1  }
0xbf: {  	_ =	sfence.sel $0xFFFF  }
0xc0: {  	[dreg:$0x0] =	wrdreg $0xFFFFFFFF;
	(pc) =	sbr.abs _section_cstart, $3  }
0xc1: {  	[dreg:$0x1] =	wrdreg $0xFFFFFFFF  }
0xc2: {  	_ =	task.clear_ibuf [dreg:s7], $0x2FFFF;
	_ =	strace $0x9FFFFFFF  }
0xc3: {  	(tm) =	ssettm $0x7FFFFFFF  }
tec
execute0_lowered:
.L_overlay_start_1:
0x0: {  	(tag) =	ssettag $0x1  }
0x1: {  	s1 =	rddreg [dreg:$0x0]  }
0x2: {  	s0 =	rddreg [dreg:$0x1]  }
0x3: {  	s2 =	srdreg.scid;
	s15 =	stileid.u32  }
0x4: {  	s3 =	rddreg [dreg:$0x2];
	s4 =	simm.s32 $0x0;
	s20 =	simm.s32 $0xB  }
0x5: {  	s28 =	simm.s32 $0x2;
	s29 =	simm.s32 $0x3;
	s30 =	simm.s32 $0x5  }
0x6: {  	s31 =	simm.s32 $0x7;
	s16 =	simm.s32 $0x8;
	s17 =	simm.s32 $0xA  }
0x7: {  	s2 =	sand.u32 $0x1, s2;
	s5 =	sshll.u32 s15, $0x1;
	[smem:$0x7FF] =	sst s4  }
0x8: {  	s10 =	smul.u32 $0x13C00, s15;
	s6 =	sadd.s32 $0x9D600, s0;
	s7 =	sadd.s32 $0x15CC00, s0  }
0x9: {  	s21 =	sshll.u32 s15, $0x6;
	s9 =	sor.u32 s2, s5;
	_ =	strace $0x8000004A  }
0xa: {  	s8 =	smul.u32 $0x13C000, s2;
	s2 =	ssub.s32 $0x2, s2;
	s18 =	sor.u32 $0x1C0B, s21  }
0xb: {  	s21 =	simm.s32 $0x1;
	s5 =	smul.u32 $0x510, s9;
	s12 =	sshrl.u32 s10, $0x3  }
0xc: {  	s14 =	sshrl.u32 s2, $0x1;
	[dreg:$0x5] =	wrdreg s18;
	s12 =	sadd.s32 s12, s0  }
0xd: {  	s8 =	sadd.s32 s10, s8;
	s2 =	ssub.s32 s2, s14;
	s10 =	sadd.s32 s10, s3  }
0xe: {  	s14 =	simm.s32 $0x6;
	s13 =	sshrl.u32 s8, $0x3;
	s8 =	smul.u32 $0x2880, s9  }
0xf: {  	s11 =	sadd.s32 s5, s0;
	s5 =	sadd.s32 $0x139A00, s0;
	s9 =	smul.u32 $0x5100, s9  }
0x10: {  	s12 =	sadd.s32 $0x1200, s12;
	s26 =	smax.u32 s2, $0x1;
	s19 =	sshrl.u32 s10, $0x3  }
0x11: {  	s2 =	simm.s32 $0x2A30;
	s10 =	simm.s32 $0x9;
	[dreg:$0x4] =	wrdreg s12  }
0x12: {  	s0 =	sadd.s32 s13, s0;
	s11 =	sadd.s32 $0x143C00, s11;
	[dreg:$0xc] =	wrdreg s26  }
0x13: {  	s12 =	simm.s32 $0x8EB0;
	s13 =	simm.s32 $0x4;
	[dreg:$0xd] =	wrdreg s19  }
0x14: {  	s22 =	sshrl.u32 s8, $0x3;
	[dreg:$0x7] =	wrdreg s11;
	s9 =	sadd.s32 s7, s9  }
0x15: {  	s25 =	sor.u32 $0x48, s8;
	s0 =	sadd.s32 $0x28A00, s0;
	[dreg:$0x9] =	wrdreg s9  }
0x16: {  	s11 =	simm.s32 $0x9AB0;
	s23 =	sadd.s32 s1, s22;
	[dreg:$0xa] =	wrdreg s25  }
0x17: {  	v0 =	vimm.s32 $0x0;
	v1 =	vimm.s32 $0x1;
	[dreg:$0xb] =	wrdreg s0;
	s22 =	simm.s32 $0x2898;
	s0 =	simm.s32 $0x5BB0  }
0x18: {  	v2 =	vimm.s32 $0x2;
	v3 =	vimm.s32 $0x3;
	v4 =	vimm.s32 $0x4;
	s9 =	simm.s32 $0x8D30;
	[dreg:$0x6] =	wrdreg s23;
	s24 =	sadd.s32 $0x3, s23  }
0x19: {  	v5 =	vimm.s32 $0x5;
	v6 =	vimm.s32 $0x6;
	v7 =	vimm.s32 $0x7;
	s23 =	simm.s32 $0x18;
	[dreg:$0x8] =	wrdreg s24;
	s24 =	simm.s32 $0x0  }
.LBB2_1:
0x1a: {  	[dreg:$0xe] =	wrdreg s24  }
0x1b: {  	s15 =	rddreg [dreg:$0x4]  }
0x1c: {  	[spmem:s19], [sflag:s18] =	dma.local [hbm:s15], $0x2780  }
0x1d: {  	_ =	swait.ge [sflag:s20], $0x2780  }
0x1e: {  	[sflag:s20] =	ssyncset.done $0x0  }
0x1f: {  	s24 =	rddreg [dreg:$0x7];
	[sflag:s20] =	ssyncadd.s32 $0xFFFFD880  }
0x20: {  	[tilespmem:s4], [sflag:$0xB] =	stream.linear.gather [hbm4b:s24+s4], $0x2880, $0x38;
	[tilespmem:$0x1E2B0] =	vst v63  }
0x21: {  	_ =	swait.ge [sflag:s20], $0x2880  }
0x22: {  	[sflag:s20] =	ssyncset.done $0x0  }
0x23: {  	[sflag:s20] =	ssyncadd.s32 $0xFFFFD780  }
0x24: {  	[bflag:$0x0] =	sbarrier.arrive $0xFFFF  }
0x25: {  	s26 =	simm.s32 $0x2880;
	s25 =	rddreg [dreg:$0x6]  }
0x26: {  	[tilespmem:s26], [sflag:$0x1] =	stream.linear.gather [hbm4b:s25+s4], $0x18, $0x38;
	[tilespmem:$0x1E2B0] =	vst v63  }
0x27: {  	_ =	swait.ge [sflag:s21], $0x18  }
0x28: {  	[sflag:s21] =	ssyncset.done $0x0  }
0x29: {  	s19 =	rddreg [dreg:$0x8];
	[sflag:s21] =	ssyncadd.s32 $0xFFFFFFE8  }
0x2a: {  	[tilespmem:s22], [sflag:$0x2] =	stream.linear.gather [hbm4b:s19+s4], $0x18, $0x38;
	[tilespmem:$0x1E2B0] =	vst v63  }
0x2b: {  	s20 =	simm.s32 $0x28B0  }
0x2c: {  	[tilespmem:s20], [sflag:$0x3] =	stream.indirect.gather [hbm4b:s5+s23], $0x10, s4, s23, $0xb8;
	[tilespmem:$0x1E2B0] =	vst v63  }
0x2d: {  	s24 =	simm.s32 $0x2BB0  }
0x2e: {  	[tilespmem:s24], [sflag:$0x5] =	stream.indirect.gather [hbm4b:s6+s23], $0x200, s26, s23, $0xb8;
	[tilespmem:$0x1E2B0] =	vst v63  }
0x2f: {  	s25 =	rddreg [dreg:$0x9];
	s19 =	simm.s32 $0x0;
	s26 =	simm.s32 $0x8BB0  }
0x30: {  	[tilespmem:s26], [sflag:$0x7] =	stream.linear.gather [hbm4b:s25+s4], $0x180, $0x38;
	[tilespmem:$0x1E2B0] =	vst v63  }
.LBB2_2:
0x31: {  	_ =	swait.ge [sflag:s28], $0x18  }
0x32: {  	[sflag:s28] =	ssyncset.done $0x0  }
0x33: {  	[sflag:s28] =	ssyncadd.s32 $0xFFFFFFE8  }
0x34: {  	_ =	swait.ge [sflag:s29], $0x180  }
0x35: {  	[sflag:s29] =	ssyncset.done $0x0  }
0x36: {  	[sflag:s29] =	ssyncadd.s32 $0xFFFFFE80  }
0x37: {  	_ =	swait.ge [sflag:s30], $0x3000  }
0x38: {  	[sflag:s30] =	ssyncset.done $0x0  }
0x39: {  	[sflag:s30] =	ssyncadd.s32 $0xFFFFD000  }
0x3a: {  	s18 =	sshllo.u32 s19, $0x1;
	_ =	swait.ge [sflag:s31], $0x180  }
0x3b: {  	s20 =	smul.u32 $0x18, s18;
	[sflag:s31] =	ssyncset.done $0x0  }
0x3c: {  	[sflag:s31] =	ssyncadd.s32 $0xFFFFFE80  }
0x3d: {  	[tilespmem:s2], [sflag:$0x4] =	stream.indirect.gather [hbm4b:s5+s23], $0x10, s20, s23, $0xb8;
	[tilespmem:$0x1E2B0] =	vst v63  }
0x3e: {  	s20 =	sadd.s32 s8, s20  }
0x3f: {  	s24 =	sshll.u32 s19, $0x1;
	p0 =	seq.s32 s19, $0xD7;
	s20 =	sshll.u32 s20, $0x1  }
0x40: {  	[tilespmem:s0], [sflag:$0x6] =	stream.indirect.gather [hbm4b:s6+s23], $0x200, s22, s23, $0xb8;
	[tilespmem:$0x1E2B0] =	vst v63  }
0x41: {  	s24 =	sadd.s32 $0x2, s24;
	p1 =	seq.s32 @!p0 s19, $0x0;
	s20 =	sand.u32 $0x1FFFFFF0, s20  }
0x42: {  	s25 =	smul.u32 @!p0 $0x18, s24;
	p1 =	por p0, !p1;
	s20 =	sadd.s32 s7, s20  }
0x43: {  	[tilespmem:s9], [sflag:$0x8] =	stream.linear.gather [hbm4b:s20+s4], $0x180, $0x38;
	[tilespmem:$0x1E2B0] =	vst v63  }
.Ltmp0:
0x44: {  	_ = 	snop;
	(pc) =	sbr.rel @!p1 .LBB2_3-.Ltmp0, $4  }
0x45: {  	s20 =	sadd.s32 @!p0 s8, s25  }
0x46: {  	s20 =	sshrl.u32 @!p0 s20, $0x3  }
0x47: {  	s26 =	simm.s32 @!p0 $0x2880;
	s25 =	simm.s32 @!p0 $0x0;
	s20 =	sadd.s32 @!p0 s1, s20  }
0x48: {  	[tilespmem:s26], [sflag:$0x1] =	stream.linear.gather @!p0 [hbm4b:s20+s25], $0x18, $0x38;
	[tilespmem:$0x1E2B0] =	vst v63  }
.Ltmp1:
0x49: {  	(pc) =	sbr.rel .LBB2_5-.Ltmp1, $4  }
0x4a: {  	_ = 	snop  }
0x4b: {  	_ =	swait.ge [sflag:s10], $0xC00  }
0x4c: {  	[sflag:s10] =	ssyncset.done $0x0  }
0x4d: {  	p0 =	por $0x0, $0x0;
	[sflag:s10] =	ssyncadd.s32 $0xFFFFF400  }
.LBB2_3:
0x4e: {  	p0 =	por @!p0 $0x1, $0x1  }
.LBB2_5:
0x4f: {  	s25 =	simm.s32 $0x0;
	s26 =	simm.s32 $0x8EF0;
	s20 =	simm.s32 $0x2CB0  }
.LBB2_6:
0x50: {  	s15 =	sshra.s32 s25, $0x2  }
0x51: {  	v8 =	vld [tilespmem:s15+$0x8BB0]  }
0x52: {  	v9 =	vld [tilespmem:s15+$0x28B0];
	_ =	sdelay $0x2  }
0x53: {  	v10 =	vld [tilespmem:s20+$0xFFFFFF00];
	_ =	sdelay $0x1  }
0x54: {  	v8 =	vmul.f32 v9, v8;
	_ =	sdelay $0x1  }
0x55: {  	v9 =	vperm.xlane v8, v0  }
0x56: {  	v11 =	vunpack.i.l.bf16.f32 v10  }
0x57: {  	v10 =	vunpack.i.u.bf16.f32 v10;
	v11 =	vmul.f32 v11, v9  }
0x58: {  	v10 =	vmul.f32 v10, v9  }
0x59: {  	[tilespmem:s26+$0xFFFFFFC0] =	vst v11  }
0x5a: {  	[tilespmem:s26+$0xFFFFFFD0] =	vst v10  }
0x5b: {  	v12 =	vld [tilespmem:s20+$0xFFFFFF10];
	_ =	sdelay $0x4  }
0x5c: {  	v13 =	vunpack.i.l.bf16.f32 v12  }
0x5d: {  	v12 =	vunpack.i.u.bf16.f32 v12;
	v13 =	vmul.f32 v13, v9  }
0x5e: {  	v12 =	vmul.f32 v12, v9  }
0x5f: {  	[tilespmem:s26+$0xFFFFFFE0] =	vst v13  }
0x60: {  	[tilespmem:s26+$0xFFFFFFF0] =	vst v12  }
0x61: {  	v14 =	vld [tilespmem:s20+$0xFFFFFF20];
	_ =	sdelay $0x4  }
0x62: {  	v15 =	vunpack.i.l.bf16.f32 v14  }
0x63: {  	v14 =	vunpack.i.u.bf16.f32 v14;
	v15 =	vmul.f32 v15, v9  }
0x64: {  	v14 =	vmul.f32 v14, v9  }
0x65: {  	[tilespmem:s26+$0x0] =	vst v15  }
0x66: {  	[tilespmem:s26+$0x10] =	vst v14  }
0x67: {  	v16 =	vld [tilespmem:s20+$0xFFFFFF30];
	_ =	sdelay $0x4  }
0x68: {  	v17 =	vunpack.i.l.bf16.f32 v16  }
0x69: {  	v16 =	vunpack.i.u.bf16.f32 v16;
	v17 =	vmul.f32 v17, v9  }
0x6a: {  	v9 =	vmul.f32 v16, v9  }
0x6b: {  	[tilespmem:s26+$0x20] =	vst v17  }
0x6c: {  	[tilespmem:s26+$0x30] =	vst v9  }
0x6d: {  	v49 =	vld [tilespmem:s20+$0xFFFFFF40];
	_ =	sdelay $0x3  }
0x6e: {  	v18 =	vperm.xlane v8, v1  }
0x6f: {  	v19 =	vunpack.i.l.bf16.f32 v49  }
0x70: {  	v16 =	vunpack.i.u.bf16.f32 v49;
	v19 =	vmul.f32 v19, v18  }
0x71: {  	v16 =	vmul.f32 v16, v18  }
0x72: {  	v11 =	vadd.f32 v19, v11  }
0x73: {  	v10 =	vadd.f32 v16, v10  }
0x74: {  	[tilespmem:s26+$0xFFFFFFC0] =	vst v11  }
0x75: {  	[tilespmem:s26+$0xFFFFFFD0] =	vst v10  }
0x76: {  	v50 =	vld [tilespmem:s20+$0xFFFFFF50];
	_ =	sdelay $0x4  }
0x77: {  	v51 =	vunpack.i.l.bf16.f32 v50  }
0x78: {  	v16 =	vunpack.i.u.bf16.f32 v50;
	v19 =	vmul.f32 v51, v18  }
0x79: {  	v16 =	vmul.f32 v16, v18  }
0x7a: {  	v13 =	vadd.f32 v19, v13  }
0x7b: {  	v12 =	vadd.f32 v16, v12  }
0x7c: {  	[tilespmem:s26+$0xFFFFFFE0] =	vst v13  }
0x7d: {  	[tilespmem:s26+$0xFFFFFFF0] =	vst v12  }
0x7e: {  	v52 =	vld [tilespmem:s20+$0xFFFFFF60];
	_ =	sdelay $0x4  }
0x7f: {  	v53 =	vunpack.i.l.bf16.f32 v52  }
0x80: {  	v16 =	vunpack.i.u.bf16.f32 v52;
	v19 =	vmul.f32 v53, v18  }
0x81: {  	v16 =	vmul.f32 v16, v18  }
0x82: {  	v15 =	vadd.f32 v19, v15  }
0x83: {  	v14 =	vadd.f32 v16, v14  }
0x84: {  	[tilespmem:s26+$0x0] =	vst v15  }
0x85: {  	[tilespmem:s26+$0x10] =	vst v14  }
0x86: {  	v54 =	vld [tilespmem:s20+$0xFFFFFF70];
	_ =	sdelay $0x4  }
0x87: {  	v55 =	vunpack.i.l.bf16.f32 v54  }
0x88: {  	v16 =	vunpack.i.u.bf16.f32 v54;
	v19 =	vmul.f32 v55, v18  }
0x89: {  	v16 =	vmul.f32 v16, v18  }
0x8a: {  	v17 =	vadd.f32 v19, v17  }
0x8b: {  	v9 =	vadd.f32 v16, v9  }
0x8c: {  	[tilespmem:s26+$0x20] =	vst v17  }
0x8d: {  	[tilespmem:s26+$0x30] =	vst v9  }
0x8e: {  	v56 =	vld [tilespmem:s20+$0xFFFFFF80];
	_ =	sdelay $0x3  }
0x8f: {  	v57 =	vperm.xlane v8, v2  }
0x90: {  	v58 =	vunpack.i.l.bf16.f32 v56  }
0x91: {  	v16 =	vunpack.i.u.bf16.f32 v56;
	v19 =	vmul.f32 v58, v57  }
0x92: {  	v16 =	vmul.f32 v16, v57  }
0x93: {  	v11 =	vadd.f32 v19, v11  }
0x94: {  	v10 =	vadd.f32 v16, v10  }
0x95: {  	[tilespmem:s26+$0xFFFFFFC0] =	vst v11  }
0x96: {  	[tilespmem:s26+$0xFFFFFFD0] =	vst v10  }
0x97: {  	v59 =	vld [tilespmem:s20+$0xFFFFFF90];
	_ =	sdelay $0x4  }
0x98: {  	v60 =	vunpack.i.l.bf16.f32 v59  }
0x99: {  	v16 =	vunpack.i.u.bf16.f32 v59;
	v19 =	vmul.f32 v60, v57  }
0x9a: {  	v16 =	vmul.f32 v16, v57  }
0x9b: {  	v13 =	vadd.f32 v19, v13  }
0x9c: {  	v12 =	vadd.f32 v16, v12  }
0x9d: {  	[tilespmem:s26+$0xFFFFFFE0] =	vst v13  }
0x9e: {  	[tilespmem:s26+$0xFFFFFFF0] =	vst v12  }
0x9f: {  	v61 =	vld [tilespmem:s20+$0xFFFFFFA0];
	_ =	sdelay $0x4  }
0xa0: {  	v62 =	vunpack.i.l.bf16.f32 v61  }
0xa1: {  	v16 =	vunpack.i.u.bf16.f32 v61;
	v19 =	vmul.f32 v62, v57  }
0xa2: {  	v16 =	vmul.f32 v16, v57  }
0xa3: {  	v15 =	vadd.f32 v19, v15  }
0xa4: {  	v14 =	vadd.f32 v16, v14  }
0xa5: {  	[tilespmem:s26+$0x0] =	vst v15  }
0xa6: {  	[tilespmem:s26+$0x10] =	vst v14  }
0xa7: {  	v63 =	vld [tilespmem:s20+$0xFFFFFFB0];
	_ =	sdelay $0x4  }
0xa8: {  	v21 =	vunpack.i.l.bf16.f32 v63  }
0xa9: {  	v16 =	vunpack.i.u.bf16.f32 v63;
	v19 =	vmul.f32 v21, v57  }
0xaa: {  	v16 =	vmul.f32 v16, v57  }
0xab: {  	v17 =	vadd.f32 v19, v17  }
0xac: {  	v9 =	vadd.f32 v16, v9  }
0xad: {  	[tilespmem:s26+$0x20] =	vst v17  }
0xae: {  	[tilespmem:s26+$0x30] =	vst v9  }
0xaf: {  	v22 =	vld [tilespmem:s20+$0xFFFFFFC0];
	_ =	sdelay $0x3  }
0xb0: {  	v23 =	vperm.xlane v8, v3  }
0xb1: {  	v24 =	vunpack.i.l.bf16.f32 v22  }
0xb2: {  	v16 =	vunpack.i.u.bf16.f32 v22;
	v19 =	vmul.f32 v24, v23  }
0xb3: {  	v16 =	vmul.f32 v16, v23  }
0xb4: {  	v11 =	vadd.f32 v19, v11  }
0xb5: {  	v10 =	vadd.f32 v16, v10  }
0xb6: {  	[tilespmem:s26+$0xFFFFFFC0] =	vst v11  }
0xb7: {  	[tilespmem:s26+$0xFFFFFFD0] =	vst v10  }
0xb8: {  	v25 =	vld [tilespmem:s20+$0xFFFFFFD0];
	_ =	sdelay $0x4  }
0xb9: {  	v26 =	vunpack.i.l.bf16.f32 v25  }
0xba: {  	v16 =	vunpack.i.u.bf16.f32 v25;
	v19 =	vmul.f32 v26, v23  }
0xbb: {  	v16 =	vmul.f32 v16, v23  }
0xbc: {  	v13 =	vadd.f32 v19, v13  }
0xbd: {  	v12 =	vadd.f32 v16, v12  }
0xbe: {  	[tilespmem:s26+$0xFFFFFFE0] =	vst v13  }
0xbf: {  	[tilespmem:s26+$0xFFFFFFF0] =	vst v12  }
0xc0: {  	v27 =	vld [tilespmem:s20+$0xFFFFFFE0];
	_ =	sdelay $0x4  }
0xc1: {  	v28 =	vunpack.i.l.bf16.f32 v27  }
0xc2: {  	v16 =	vunpack.i.u.bf16.f32 v27;
	v19 =	vmul.f32 v28, v23  }
0xc3: {  	v16 =	vmul.f32 v16, v23  }
0xc4: {  	v15 =	vadd.f32 v19, v15  }
0xc5: {  	v14 =	vadd.f32 v16, v14  }
0xc6: {  	[tilespmem:s26+$0x0] =	vst v15  }
0xc7: {  	[tilespmem:s26+$0x10] =	vst v14  }
0xc8: {  	v29 =	vld [tilespmem:s20+$0xFFFFFFF0];
	_ =	sdelay $0x4  }
0xc9: {  	v30 =	vunpack.i.l.bf16.f32 v29  }
0xca: {  	v16 =	vunpack.i.u.bf16.f32 v29;
	v19 =	vmul.f32 v30, v23  }
0xcb: {  	v16 =	vmul.f32 v16, v23  }
0xcc: {  	v17 =	vadd.f32 v19, v17  }
0xcd: {  	v9 =	vadd.f32 v16, v9  }
0xce: {  	[tilespmem:s26+$0x20] =	vst v17  }
0xcf: {  	[tilespmem:s26+$0x30] =	vst v9  }
0xd0: {  	v31 =	vld [tilespmem:s20+$0x0];
	_ =	sdelay $0x3  }
0xd1: {  	v32 =	vperm.xlane v8, v4  }
0xd2: {  	v33 =	vunpack.i.l.bf16.f32 v31  }
0xd3: {  	v16 =	vunpack.i.u.bf16.f32 v31;
	v19 =	vmul.f32 v33, v32  }
0xd4: {  	v16 =	vmul.f32 v16, v32  }
0xd5: {  	v11 =	vadd.f32 v19, v11  }
0xd6: {  	v10 =	vadd.f32 v16, v10  }
0xd7: {  	[tilespmem:s26+$0xFFFFFFC0] =	vst v11  }
0xd8: {  	[tilespmem:s26+$0xFFFFFFD0] =	vst v10  }
0xd9: {  	v34 =	vld [tilespmem:s20+$0x10];
	_ =	sdelay $0x4  }
0xda: {  	v35 =	vunpack.i.l.bf16.f32 v34  }
0xdb: {  	v16 =	vunpack.i.u.bf16.f32 v34;
	v19 =	vmul.f32 v35, v32  }
0xdc: {  	v16 =	vmul.f32 v16, v32  }
0xdd: {  	v13 =	vadd.f32 v19, v13  }
0xde: {  	v12 =	vadd.f32 v16, v12  }
0xdf: {  	[tilespmem:s26+$0xFFFFFFE0] =	vst v13  }
0xe0: {  	[tilespmem:s26+$0xFFFFFFF0] =	vst v12  }
0xe1: {  	v36 =	vld [tilespmem:s20+$0x20];
	_ =	sdelay $0x4  }
0xe2: {  	v37 =	vunpack.i.l.bf16.f32 v36  }
0xe3: {  	v16 =	vunpack.i.u.bf16.f32 v36;
	v19 =	vmul.f32 v37, v32  }
0xe4: {  	v16 =	vmul.f32 v16, v32  }
0xe5: {  	v15 =	vadd.f32 v19, v15  }
0xe6: {  	v14 =	vadd.f32 v16, v14  }
0xe7: {  	[tilespmem:s26+$0x0] =	vst v15  }
0xe8: {  	[tilespmem:s26+$0x10] =	vst v14  }
0xe9: {  	v38 =	vld [tilespmem:s20+$0x30];
	_ =	sdelay $0x4  }
0xea: {  	v39 =	vunpack.i.l.bf16.f32 v38  }
0xeb: {  	v16 =	vunpack.i.u.bf16.f32 v38;
	v19 =	vmul.f32 v39, v32  }
0xec: {  	v16 =	vmul.f32 v16, v32  }
0xed: {  	v17 =	vadd.f32 v19, v17  }
0xee: {  	v9 =	vadd.f32 v16, v9  }
0xef: {  	[tilespmem:s26+$0x20] =	vst v17  }
0xf0: {  	[tilespmem:s26+$0x30] =	vst v9  }
0xf1: {  	v40 =	vld [tilespmem:s20+$0x40];
	_ =	sdelay $0x3  }
0xf2: {  	v41 =	vperm.xlane v8, v5  }
0xf3: {  	v42 =	vunpack.i.l.bf16.f32 v40  }
0xf4: {  	v16 =	vunpack.i.u.bf16.f32 v40;
	v19 =	vmul.f32 v42, v41  }
0xf5: {  	v16 =	vmul.f32 v16, v41  }
0xf6: {  	v11 =	vadd.f32 v19, v11  }
0xf7: {  	v10 =	vadd.f32 v16, v10  }
0xf8: {  	[tilespmem:s26+$0xFFFFFFC0] =	vst v11  }
0xf9: {  	[tilespmem:s26+$0xFFFFFFD0] =	vst v10  }
0xfa: {  	v43 =	vld [tilespmem:s20+$0x50];
	_ =	sdelay $0x4  }
0xfb: {  	v44 =	vunpack.i.l.bf16.f32 v43  }
0xfc: {  	v16 =	vunpack.i.u.bf16.f32 v43;
	v19 =	vmul.f32 v44, v41  }
0xfd: {  	v16 =	vmul.f32 v16, v41  }
0xfe: {  	v13 =	vadd.f32 v19, v13  }
0xff: {  	v12 =	vadd.f32 v16, v12  }
0x100: {  	[tilespmem:s26+$0xFFFFFFE0] =	vst v13  }
0x101: {  	[tilespmem:s26+$0xFFFFFFF0] =	vst v12  }
0x102: {  	v45 =	vld [tilespmem:s20+$0x60];
	_ =	sdelay $0x4  }
0x103: {  	v46 =	vunpack.i.l.bf16.f32 v45  }
0x104: {  	v16 =	vunpack.i.u.bf16.f32 v45;
	v19 =	vmul.f32 v46, v41  }
0x105: {  	v16 =	vmul.f32 v16, v41  }
0x106: {  	v15 =	vadd.f32 v19, v15  }
0x107: {  	v14 =	vadd.f32 v16, v14  }
0x108: {  	[tilespmem:s26+$0x0] =	vst v15  }
0x109: {  	[tilespmem:s26+$0x10] =	vst v14  }
0x10a: {  	v47 =	vld [tilespmem:s20+$0x70];
	_ =	sdelay $0x4  }
0x10b: {  	v48 =	vunpack.i.l.bf16.f32 v47  }
0x10c: {  	v16 =	vunpack.i.u.bf16.f32 v47;
	v19 =	vmul.f32 v48, v41  }
0x10d: {  	v16 =	vmul.f32 v16, v41  }
0x10e: {  	v17 =	vadd.f32 v19, v17  }
0x10f: {  	v9 =	vadd.f32 v16, v9  }
0x110: {  	[tilespmem:s26+$0x20] =	vst v17  }
0x111: {  	[tilespmem:s26+$0x30] =	vst v9  }
0x112: {  	v49 =	vld [tilespmem:s20+$0x80];
	_ =	sdelay $0x3  }
0x113: {  	v50 =	vperm.xlane v8, v6  }
0x114: {  	v51 =	vunpack.i.l.bf16.f32 v49  }
0x115: {  	v16 =	vunpack.i.u.bf16.f32 v49;
	v19 =	vmul.f32 v51, v50  }
0x116: {  	v16 =	vmul.f32 v16, v50  }
0x117: {  	v11 =	vadd.f32 v19, v11  }
0x118: {  	v10 =	vadd.f32 v16, v10  }
0x119: {  	[tilespmem:s26+$0xFFFFFFC0] =	vst v11  }
0x11a: {  	[tilespmem:s26+$0xFFFFFFD0] =	vst v10  }
0x11b: {  	v52 =	vld [tilespmem:s20+$0x90];
	_ =	sdelay $0x4  }
0x11c: {  	v53 =	vunpack.i.l.bf16.f32 v52  }
0x11d: {  	v16 =	vunpack.i.u.bf16.f32 v52;
	v19 =	vmul.f32 v53, v50  }
0x11e: {  	v16 =	vmul.f32 v16, v50  }
0x11f: {  	v13 =	vadd.f32 v19, v13  }
0x120: {  	v12 =	vadd.f32 v16, v12  }
0x121: {  	[tilespmem:s26+$0xFFFFFFE0] =	vst v13  }
0x122: {  	[tilespmem:s26+$0xFFFFFFF0] =	vst v12  }
0x123: {  	v54 =	vld [tilespmem:s20+$0xA0];
	_ =	sdelay $0x4  }
0x124: {  	v55 =	vunpack.i.l.bf16.f32 v54  }
0x125: {  	v16 =	vunpack.i.u.bf16.f32 v54;
	v19 =	vmul.f32 v55, v50  }
0x126: {  	v16 =	vmul.f32 v16, v50  }
0x127: {  	v15 =	vadd.f32 v19, v15  }
0x128: {  	v14 =	vadd.f32 v16, v14  }
0x129: {  	[tilespmem:s26+$0x0] =	vst v15  }
0x12a: {  	[tilespmem:s26+$0x10] =	vst v14  }
0x12b: {  	v56 =	vld [tilespmem:s20+$0xB0];
	_ =	sdelay $0x4  }
0x12c: {  	v57 =	vunpack.i.l.bf16.f32 v56  }
0x12d: {  	v16 =	vunpack.i.u.bf16.f32 v56;
	v19 =	vmul.f32 v57, v50  }
0x12e: {  	v16 =	vmul.f32 v16, v50  }
0x12f: {  	v17 =	vadd.f32 v19, v17  }
0x130: {  	v9 =	vadd.f32 v16, v9  }
0x131: {  	[tilespmem:s26+$0x20] =	vst v17  }
0x132: {  	[tilespmem:s26+$0x30] =	vst v9  }
0x133: {  	v58 =	vld [tilespmem:s20+$0xC0];
	_ =	sdelay $0x3  }
0x134: {  	v8 =	vperm.xlane v8, v7  }
0x135: {  	v59 =	vunpack.i.l.bf16.f32 v58  }
0x136: {  	v16 =	vunpack.i.u.bf16.f32 v58;
	v18 =	vmul.f32 v59, v8  }
0x137: {  	v16 =	vmul.f32 v16, v8  }
0x138: {  	v11 =	vadd.f32 v18, v11  }
0x139: {  	v10 =	vadd.f32 v16, v10  }
0x13a: {  	[tilespmem:s26+$0xFFFFFFC0] =	vst v11  }
0x13b: {  	[tilespmem:s26+$0xFFFFFFD0] =	vst v10  }
0x13c: {  	v10 =	vld [tilespmem:s20+$0xD0];
	_ =	sdelay $0x4  }
0x13d: {  	v60 =	vunpack.i.l.bf16.f32 v10  }
0x13e: {  	v10 =	vunpack.i.u.bf16.f32 v10;
	v11 =	vmul.f32 v60, v8  }
0x13f: {  	v10 =	vmul.f32 v10, v8  }
0x140: {  	v11 =	vadd.f32 v11, v13  }
0x141: {  	v10 =	vadd.f32 v10, v12  }
0x142: {  	[tilespmem:s26+$0xFFFFFFE0] =	vst v11  }
0x143: {  	[tilespmem:s26+$0xFFFFFFF0] =	vst v10  }
0x144: {  	v10 =	vld [tilespmem:s20+$0xE0];
	_ =	sdelay $0x4  }
0x145: {  	v61 =	vunpack.i.l.bf16.f32 v10  }
0x146: {  	v10 =	vunpack.i.u.bf16.f32 v10;
	v11 =	vmul.f32 v61, v8  }
0x147: {  	v10 =	vmul.f32 v10, v8  }
0x148: {  	v11 =	vadd.f32 v11, v15  }
0x149: {  	v10 =	vadd.f32 v10, v14  }
0x14a: {  	[tilespmem:s26+$0x0] =	vst v11  }
0x14b: {  	[tilespmem:s26+$0x10] =	vst v10  }
0x14c: {  	v10 =	vld [tilespmem:s20+$0xF0];
	_ =	sdelay $0x4  }
0x14d: {  	v62 =	vunpack.i.l.bf16.f32 v10  }
0x14e: {  	p1 =	sne.s32 s25, $0x5C0;
	v10 =	vunpack.i.u.bf16.f32 v10;
	v11 =	vmul.f32 v62, v8  }
.Ltmp2:
0x14f: {  	v8 =	vmul.f32 v10, v8;
	(pc) =	sbr.rel @p1 .LBB2_6-.Ltmp2, $4  }
0x150: {  	v63 =	vadd.f32 v11, v17  }
0x151: {  	v8 =	vadd.f32 v8, v9  }
0x152: {  	[tilespmem:s26+$0x20] =	vst v63  }
0x153: {  	s25 =	sadd.s32 $0x40, s25;
	s20 =	sadd.s32 $0x200, s20;
	[tilespmem:s26+$0x30] =	vst v8;
	s26 =	sadd.s32 $0x80, s26  }
0x154: {  	p1 =	sne.s32 s19, $0xD7  }
.Ltmp3:
0x155: {  	_ = 	snop;
	(pc) =	sbr.rel @p1 .LBB2_9-.Ltmp3, $3  }
0x156: {  	s15 =	smul.u32 $0xC0, s19;
	_ =	sdelay $0x1  }
0x157: {  	s15 =	sshra.s32 s15, $0x2  }
0x158: {  	[spmem:s3] =	stream.indirect.scatter.add.f32 [tilespmem:s12], [sflag:$0x9], $0x80, s15, s23, $0xb8;
	[tilespmem:$0x1E2B0] =	vst v63  }
0x159: {  	_ =	swait.ge [sflag:s13], $0x180  }
0x15a: {  	[sflag:s13] =	ssyncset.done $0x0  }
0x15b: {  	[sflag:s13] =	ssyncadd.s32 $0xFFFFFE80  }
0x15c: {  	_ =	swait.ge [sflag:s14], $0x3000  }
.Ltmp4:
0x15d: {  	[sflag:s14] =	ssyncset.done $0x0;
	(pc) =	sbr.rel .LBB2_10-.Ltmp4, $4  }
0x15e: {  	[sflag:s14] =	ssyncadd.s32 $0xFFFFD000  }
0x15f: {  	_ =	swait.ge [sflag:s16], $0x180  }
0x160: {  	[sflag:s16] =	ssyncset.done $0x0  }
0x161: {  	[sflag:s16] =	ssyncadd.s32 $0xFFFFFE80  }
.LBB2_9:
0x162: {  	_ =	swait.ge [sflag:s21], $0x18  }
0x163: {  	[sflag:s21] =	ssyncset.done $0x0  }
0x164: {  	[sflag:s21] =	ssyncadd.s32 $0xFFFFFFE8  }
0x165: {  	_ =	swait.ge [sflag:s13], $0x180  }
0x166: {  	[sflag:s13] =	ssyncset.done $0x0  }
0x167: {  	[sflag:s13] =	ssyncadd.s32 $0xFFFFFE80  }
0x168: {  	_ =	swait.ge [sflag:s14], $0x3000  }
0x169: {  	[sflag:s14] =	ssyncset.done $0x0  }
0x16a: {  	[sflag:s14] =	ssyncadd.s32 $0xFFFFD000  }
0x16b: {  	_ =	swait.ge [sflag:s16], $0x180  }
0x16c: {  	s15 =	smul.u32 $0x18, s24;
	[sflag:s16] =	ssyncset.done $0x0  }
0x16d: {  	s20 =	simm.s32 $0x28B0;
	[sflag:s16] =	ssyncadd.s32 $0xFFFFFE80  }
0x16e: {  	[tilespmem:s20], [sflag:$0x3] =	stream.indirect.gather [hbm4b:s5+s23], $0x10, s15, s23, $0xb8;
	[tilespmem:$0x1E2B0] =	vst v63  }
0x16f: {  	s15 =	sadd.s32 s8, s15  }
0x170: {  	s25 =	simm.s32 $0x2880;
	s26 =	simm.s32 $0x2BB0;
	s15 =	sshll.u32 s15, $0x1  }
0x171: {  	[tilespmem:s26], [sflag:$0x5] =	stream.indirect.gather [hbm4b:s6+s23], $0x200, s25, s23, $0xb8;
	[tilespmem:$0x1E2B0] =	vst v63  }
0x172: {  	s15 =	sand.u32 $0x1FFFFFE0, s15  }
0x173: {  	s20 =	smul.u32 $0x30, s19;
	s25 =	simm.s32 $0x8BB0;
	s15 =	sadd.s32 s7, s15  }
0x174: {  	[tilespmem:s25], [sflag:$0x7] =	stream.linear.gather [hbm4b:s15+s4], $0x180, $0x38;
	[tilespmem:$0x1E2B0] =	vst v63  }
.Ltmp5:
0x175: {  	s26 =	rddreg [dreg:$0xa];
	(pc) =	sbr.rel @p0 .LBB2_11-.Ltmp5, $4  }
0x176: {  	s15 =	sadd.s32 s20, s26  }
0x177: {  	s15 =	sshrl.u32 s15, $0x3  }
0x178: {  	s15 =	sadd.s32 s1, s15  }
0x179: {  	[tilespmem:s22], [sflag:$0x2] =	stream.linear.gather [hbm4b:s15+s4], $0x18, $0x38;
	[tilespmem:$0x1E2B0] =	vst v63  }
.LBB2_10:
0x17a: {  	_ =	swait.ge [sflag:s17], $0xC00  }
0x17b: {  	[sflag:s17] =	ssyncset.done $0x0  }
0x17c: {  	[sflag:s17] =	ssyncadd.s32 $0xFFFFF400  }
.LBB2_11:
0x17d: {  	s24 =	simm.s32 $0x0;
	s25 =	simm.s32 $0x9AF0;
	s20 =	simm.s32 $0x5CB0  }
.LBB2_12:
0x17e: {  	s15 =	sshra.s32 s24, $0x2  }
0x17f: {  	v8 =	vld [tilespmem:s15+$0x8D30]  }
0x180: {  	v9 =	vld [tilespmem:s15+$0x2A30];
	_ =	sdelay $0x2  }
0x181: {  	v10 =	vld [tilespmem:s20+$0xFFFFFF00];
	_ =	sdelay $0x1  }
0x182: {  	v8 =	vmul.f32 v9, v8;
	_ =	sdelay $0x1  }
0x183: {  	v9 =	vperm.xlane v8, v0  }
0x184: {  	v11 =	vunpack.i.l.bf16.f32 v10  }
0x185: {  	v10 =	vunpack.i.u.bf16.f32 v10;
	v11 =	vmul.f32 v11, v9  }
0x186: {  	v10 =	vmul.f32 v10, v9  }
0x187: {  	[tilespmem:s25+$0xFFFFFFC0] =	vst v11  }
0x188: {  	[tilespmem:s25+$0xFFFFFFD0] =	vst v10  }
0x189: {  	v12 =	vld [tilespmem:s20+$0xFFFFFF10];
	_ =	sdelay $0x4  }
0x18a: {  	v13 =	vunpack.i.l.bf16.f32 v12  }
0x18b: {  	v12 =	vunpack.i.u.bf16.f32 v12;
	v13 =	vmul.f32 v13, v9  }
0x18c: {  	v12 =	vmul.f32 v12, v9  }
0x18d: {  	[tilespmem:s25+$0xFFFFFFE0] =	vst v13  }
0x18e: {  	[tilespmem:s25+$0xFFFFFFF0] =	vst v12  }
0x18f: {  	v14 =	vld [tilespmem:s20+$0xFFFFFF20];
	_ =	sdelay $0x4  }
0x190: {  	v15 =	vunpack.i.l.bf16.f32 v14  }
0x191: {  	v14 =	vunpack.i.u.bf16.f32 v14;
	v15 =	vmul.f32 v15, v9  }
0x192: {  	v14 =	vmul.f32 v14, v9  }
0x193: {  	[tilespmem:s25+$0x0] =	vst v15  }
0x194: {  	[tilespmem:s25+$0x10] =	vst v14  }
0x195: {  	v16 =	vld [tilespmem:s20+$0xFFFFFF30];
	_ =	sdelay $0x4  }
0x196: {  	v17 =	vunpack.i.l.bf16.f32 v16  }
0x197: {  	v16 =	vunpack.i.u.bf16.f32 v16;
	v17 =	vmul.f32 v17, v9  }
0x198: {  	v9 =	vmul.f32 v16, v9  }
0x199: {  	[tilespmem:s25+$0x20] =	vst v17  }
0x19a: {  	[tilespmem:s25+$0x30] =	vst v9  }
0x19b: {  	v49 =	vld [tilespmem:s20+$0xFFFFFF40];
	_ =	sdelay $0x3  }
0x19c: {  	v18 =	vperm.xlane v8, v1  }
0x19d: {  	v19 =	vunpack.i.l.bf16.f32 v49  }
0x19e: {  	v16 =	vunpack.i.u.bf16.f32 v49;
	v19 =	vmul.f32 v19, v18  }
0x19f: {  	v16 =	vmul.f32 v16, v18  }
0x1a0: {  	v11 =	vadd.f32 v19, v11  }
0x1a1: {  	v10 =	vadd.f32 v16, v10  }
0x1a2: {  	[tilespmem:s25+$0xFFFFFFC0] =	vst v11  }
0x1a3: {  	[tilespmem:s25+$0xFFFFFFD0] =	vst v10  }
0x1a4: {  	v50 =	vld [tilespmem:s20+$0xFFFFFF50];
	_ =	sdelay $0x4  }
0x1a5: {  	v51 =	vunpack.i.l.bf16.f32 v50  }
0x1a6: {  	v16 =	vunpack.i.u.bf16.f32 v50;
	v19 =	vmul.f32 v51, v18  }
0x1a7: {  	v16 =	vmul.f32 v16, v18  }
0x1a8: {  	v13 =	vadd.f32 v19, v13  }
0x1a9: {  	v12 =	vadd.f32 v16, v12  }
0x1aa: {  	[tilespmem:s25+$0xFFFFFFE0] =	vst v13  }
0x1ab: {  	[tilespmem:s25+$0xFFFFFFF0] =	vst v12  }
0x1ac: {  	v52 =	vld [tilespmem:s20+$0xFFFFFF60];
	_ =	sdelay $0x4  }
0x1ad: {  	v53 =	vunpack.i.l.bf16.f32 v52  }
0x1ae: {  	v16 =	vunpack.i.u.bf16.f32 v52;
	v19 =	vmul.f32 v53, v18  }
0x1af: {  	v16 =	vmul.f32 v16, v18  }
0x1b0: {  	v15 =	vadd.f32 v19, v15  }
0x1b1: {  	v14 =	vadd.f32 v16, v14  }
0x1b2: {  	[tilespmem:s25+$0x0] =	vst v15  }
0x1b3: {  	[tilespmem:s25+$0x10] =	vst v14  }
0x1b4: {  	v54 =	vld [tilespmem:s20+$0xFFFFFF70];
	_ =	sdelay $0x4  }
0x1b5: {  	v55 =	vunpack.i.l.bf16.f32 v54  }
0x1b6: {  	v16 =	vunpack.i.u.bf16.f32 v54;
	v19 =	vmul.f32 v55, v18  }
0x1b7: {  	v16 =	vmul.f32 v16, v18  }
0x1b8: {  	v17 =	vadd.f32 v19, v17  }
0x1b9: {  	v9 =	vadd.f32 v16, v9  }
0x1ba: {  	[tilespmem:s25+$0x20] =	vst v17  }
0x1bb: {  	[tilespmem:s25+$0x30] =	vst v9  }
0x1bc: {  	v56 =	vld [tilespmem:s20+$0xFFFFFF80];
	_ =	sdelay $0x3  }
0x1bd: {  	v57 =	vperm.xlane v8, v2  }
0x1be: {  	v58 =	vunpack.i.l.bf16.f32 v56  }
0x1bf: {  	v16 =	vunpack.i.u.bf16.f32 v56;
	v19 =	vmul.f32 v58, v57  }
0x1c0: {  	v16 =	vmul.f32 v16, v57  }
0x1c1: {  	v11 =	vadd.f32 v19, v11  }
0x1c2: {  	v10 =	vadd.f32 v16, v10  }
0x1c3: {  	[tilespmem:s25+$0xFFFFFFC0] =	vst v11  }
0x1c4: {  	[tilespmem:s25+$0xFFFFFFD0] =	vst v10  }
0x1c5: {  	v59 =	vld [tilespmem:s20+$0xFFFFFF90];
	_ =	sdelay $0x4  }
0x1c6: {  	v60 =	vunpack.i.l.bf16.f32 v59  }
0x1c7: {  	v16 =	vunpack.i.u.bf16.f32 v59;
	v19 =	vmul.f32 v60, v57  }
0x1c8: {  	v16 =	vmul.f32 v16, v57  }
0x1c9: {  	v13 =	vadd.f32 v19, v13  }
0x1ca: {  	v12 =	vadd.f32 v16, v12  }
0x1cb: {  	[tilespmem:s25+$0xFFFFFFE0] =	vst v13  }
0x1cc: {  	[tilespmem:s25+$0xFFFFFFF0] =	vst v12  }
0x1cd: {  	v61 =	vld [tilespmem:s20+$0xFFFFFFA0];
	_ =	sdelay $0x4  }
0x1ce: {  	v62 =	vunpack.i.l.bf16.f32 v61  }
0x1cf: {  	v16 =	vunpack.i.u.bf16.f32 v61;
	v19 =	vmul.f32 v62, v57  }
0x1d0: {  	v16 =	vmul.f32 v16, v57  }
0x1d1: {  	v15 =	vadd.f32 v19, v15  }
0x1d2: {  	v14 =	vadd.f32 v16, v14  }
0x1d3: {  	[tilespmem:s25+$0x0] =	vst v15  }
0x1d4: {  	[tilespmem:s25+$0x10] =	vst v14  }
0x1d5: {  	v63 =	vld [tilespmem:s20+$0xFFFFFFB0];
	_ =	sdelay $0x4  }
0x1d6: {  	v21 =	vunpack.i.l.bf16.f32 v63  }
0x1d7: {  	v16 =	vunpack.i.u.bf16.f32 v63;
	v19 =	vmul.f32 v21, v57  }
0x1d8: {  	v16 =	vmul.f32 v16, v57  }
0x1d9: {  	v17 =	vadd.f32 v19, v17  }
0x1da: {  	v9 =	vadd.f32 v16, v9  }
0x1db: {  	[tilespmem:s25+$0x20] =	vst v17  }
0x1dc: {  	[tilespmem:s25+$0x30] =	vst v9  }
0x1dd: {  	v22 =	vld [tilespmem:s20+$0xFFFFFFC0];
	_ =	sdelay $0x3  }
0x1de: {  	v23 =	vperm.xlane v8, v3  }
0x1df: {  	v24 =	vunpack.i.l.bf16.f32 v22  }
0x1e0: {  	v16 =	vunpack.i.u.bf16.f32 v22;
	v19 =	vmul.f32 v24, v23  }
0x1e1: {  	v16 =	vmul.f32 v16, v23  }
0x1e2: {  	v11 =	vadd.f32 v19, v11  }
0x1e3: {  	v10 =	vadd.f32 v16, v10  }
0x1e4: {  	[tilespmem:s25+$0xFFFFFFC0] =	vst v11  }
0x1e5: {  	[tilespmem:s25+$0xFFFFFFD0] =	vst v10  }
0x1e6: {  	v25 =	vld [tilespmem:s20+$0xFFFFFFD0];
	_ =	sdelay $0x4  }
0x1e7: {  	v26 =	vunpack.i.l.bf16.f32 v25  }
0x1e8: {  	v16 =	vunpack.i.u.bf16.f32 v25;
	v19 =	vmul.f32 v26, v23  }
0x1e9: {  	v16 =	vmul.f32 v16, v23  }
0x1ea: {  	v13 =	vadd.f32 v19, v13  }
0x1eb: {  	v12 =	vadd.f32 v16, v12  }
0x1ec: {  	[tilespmem:s25+$0xFFFFFFE0] =	vst v13  }
0x1ed: {  	[tilespmem:s25+$0xFFFFFFF0] =	vst v12  }
0x1ee: {  	v27 =	vld [tilespmem:s20+$0xFFFFFFE0];
	_ =	sdelay $0x4  }
0x1ef: {  	v28 =	vunpack.i.l.bf16.f32 v27  }
0x1f0: {  	v16 =	vunpack.i.u.bf16.f32 v27;
	v19 =	vmul.f32 v28, v23  }
0x1f1: {  	v16 =	vmul.f32 v16, v23  }
0x1f2: {  	v15 =	vadd.f32 v19, v15  }
0x1f3: {  	v14 =	vadd.f32 v16, v14  }
0x1f4: {  	[tilespmem:s25+$0x0] =	vst v15  }
0x1f5: {  	[tilespmem:s25+$0x10] =	vst v14  }
0x1f6: {  	v29 =	vld [tilespmem:s20+$0xFFFFFFF0];
	_ =	sdelay $0x4  }
0x1f7: {  	v30 =	vunpack.i.l.bf16.f32 v29  }
0x1f8: {  	v16 =	vunpack.i.u.bf16.f32 v29;
	v19 =	vmul.f32 v30, v23  }
0x1f9: {  	v16 =	vmul.f32 v16, v23  }
0x1fa: {  	v17 =	vadd.f32 v19, v17  }
0x1fb: {  	v9 =	vadd.f32 v16, v9  }
0x1fc: {  	[tilespmem:s25+$0x20] =	vst v17  }
0x1fd: {  	[tilespmem:s25+$0x30] =	vst v9  }
0x1fe: {  	v31 =	vld [tilespmem:s20+$0x0];
	_ =	sdelay $0x3  }
0x1ff: {  	v32 =	vperm.xlane v8, v4  }
0x200: {  	v33 =	vunpack.i.l.bf16.f32 v31  }
0x201: {  	v16 =	vunpack.i.u.bf16.f32 v31;
	v19 =	vmul.f32 v33, v32  }
0x202: {  	v16 =	vmul.f32 v16, v32  }
0x203: {  	v11 =	vadd.f32 v19, v11  }
0x204: {  	v10 =	vadd.f32 v16, v10  }
0x205: {  	[tilespmem:s25+$0xFFFFFFC0] =	vst v11  }
0x206: {  	[tilespmem:s25+$0xFFFFFFD0] =	vst v10  }
0x207: {  	v34 =	vld [tilespmem:s20+$0x10];
	_ =	sdelay $0x4  }
0x208: {  	v35 =	vunpack.i.l.bf16.f32 v34  }
0x209: {  	v16 =	vunpack.i.u.bf16.f32 v34;
	v19 =	vmul.f32 v35, v32  }
0x20a: {  	v16 =	vmul.f32 v16, v32  }
0x20b: {  	v13 =	vadd.f32 v19, v13  }
0x20c: {  	v12 =	vadd.f32 v16, v12  }
0x20d: {  	[tilespmem:s25+$0xFFFFFFE0] =	vst v13  }
0x20e: {  	[tilespmem:s25+$0xFFFFFFF0] =	vst v12  }
0x20f: {  	v36 =	vld [tilespmem:s20+$0x20];
	_ =	sdelay $0x4  }
0x210: {  	v37 =	vunpack.i.l.bf16.f32 v36  }
0x211: {  	v16 =	vunpack.i.u.bf16.f32 v36;
	v19 =	vmul.f32 v37, v32  }
0x212: {  	v16 =	vmul.f32 v16, v32  }
0x213: {  	v15 =	vadd.f32 v19, v15  }
0x214: {  	v14 =	vadd.f32 v16, v14  }
0x215: {  	[tilespmem:s25+$0x0] =	vst v15  }
0x216: {  	[tilespmem:s25+$0x10] =	vst v14  }
0x217: {  	v38 =	vld [tilespmem:s20+$0x30];
	_ =	sdelay $0x4  }
0x218: {  	v39 =	vunpack.i.l.bf16.f32 v38  }
0x219: {  	v16 =	vunpack.i.u.bf16.f32 v38;
	v19 =	vmul.f32 v39, v32  }
0x21a: {  	v16 =	vmul.f32 v16, v32  }
0x21b: {  	v17 =	vadd.f32 v19, v17  }
0x21c: {  	v9 =	vadd.f32 v16, v9  }
0x21d: {  	[tilespmem:s25+$0x20] =	vst v17  }
0x21e: {  	[tilespmem:s25+$0x30] =	vst v9  }
0x21f: {  	v40 =	vld [tilespmem:s20+$0x40];
	_ =	sdelay $0x3  }
0x220: {  	v41 =	vperm.xlane v8, v5  }
0x221: {  	v42 =	vunpack.i.l.bf16.f32 v40  }
0x222: {  	v16 =	vunpack.i.u.bf16.f32 v40;
	v19 =	vmul.f32 v42, v41  }
0x223: {  	v16 =	vmul.f32 v16, v41  }
0x224: {  	v11 =	vadd.f32 v19, v11  }
0x225: {  	v10 =	vadd.f32 v16, v10  }
0x226: {  	[tilespmem:s25+$0xFFFFFFC0] =	vst v11  }
0x227: {  	[tilespmem:s25+$0xFFFFFFD0] =	vst v10  }
0x228: {  	v43 =	vld [tilespmem:s20+$0x50];
	_ =	sdelay $0x4  }
0x229: {  	v44 =	vunpack.i.l.bf16.f32 v43  }
0x22a: {  	v16 =	vunpack.i.u.bf16.f32 v43;
	v19 =	vmul.f32 v44, v41  }
0x22b: {  	v16 =	vmul.f32 v16, v41  }
0x22c: {  	v13 =	vadd.f32 v19, v13  }
0x22d: {  	v12 =	vadd.f32 v16, v12  }
0x22e: {  	[tilespmem:s25+$0xFFFFFFE0] =	vst v13  }
0x22f: {  	[tilespmem:s25+$0xFFFFFFF0] =	vst v12  }
0x230: {  	v45 =	vld [tilespmem:s20+$0x60];
	_ =	sdelay $0x4  }
0x231: {  	v46 =	vunpack.i.l.bf16.f32 v45  }
0x232: {  	v16 =	vunpack.i.u.bf16.f32 v45;
	v19 =	vmul.f32 v46, v41  }
0x233: {  	v16 =	vmul.f32 v16, v41  }
0x234: {  	v15 =	vadd.f32 v19, v15  }
0x235: {  	v14 =	vadd.f32 v16, v14  }
0x236: {  	[tilespmem:s25+$0x0] =	vst v15  }
0x237: {  	[tilespmem:s25+$0x10] =	vst v14  }
0x238: {  	v47 =	vld [tilespmem:s20+$0x70];
	_ =	sdelay $0x4  }
0x239: {  	v48 =	vunpack.i.l.bf16.f32 v47  }
0x23a: {  	v16 =	vunpack.i.u.bf16.f32 v47;
	v19 =	vmul.f32 v48, v41  }
0x23b: {  	v16 =	vmul.f32 v16, v41  }
0x23c: {  	v17 =	vadd.f32 v19, v17  }
0x23d: {  	v9 =	vadd.f32 v16, v9  }
0x23e: {  	[tilespmem:s25+$0x20] =	vst v17  }
0x23f: {  	[tilespmem:s25+$0x30] =	vst v9  }
0x240: {  	v49 =	vld [tilespmem:s20+$0x80];
	_ =	sdelay $0x3  }
0x241: {  	v50 =	vperm.xlane v8, v6  }
0x242: {  	v51 =	vunpack.i.l.bf16.f32 v49  }
0x243: {  	v16 =	vunpack.i.u.bf16.f32 v49;
	v19 =	vmul.f32 v51, v50  }
0x244: {  	v16 =	vmul.f32 v16, v50  }
0x245: {  	v11 =	vadd.f32 v19, v11  }
0x246: {  	v10 =	vadd.f32 v16, v10  }
0x247: {  	[tilespmem:s25+$0xFFFFFFC0] =	vst v11  }
0x248: {  	[tilespmem:s25+$0xFFFFFFD0] =	vst v10  }
0x249: {  	v52 =	vld [tilespmem:s20+$0x90];
	_ =	sdelay $0x4  }
0x24a: {  	v53 =	vunpack.i.l.bf16.f32 v52  }
0x24b: {  	v16 =	vunpack.i.u.bf16.f32 v52;
	v19 =	vmul.f32 v53, v50  }
0x24c: {  	v16 =	vmul.f32 v16, v50  }
0x24d: {  	v13 =	vadd.f32 v19, v13  }
0x24e: {  	v12 =	vadd.f32 v16, v12  }
0x24f: {  	[tilespmem:s25+$0xFFFFFFE0] =	vst v13  }
0x250: {  	[tilespmem:s25+$0xFFFFFFF0] =	vst v12  }
0x251: {  	v54 =	vld [tilespmem:s20+$0xA0];
	_ =	sdelay $0x4  }
0x252: {  	v55 =	vunpack.i.l.bf16.f32 v54  }
0x253: {  	v16 =	vunpack.i.u.bf16.f32 v54;
	v19 =	vmul.f32 v55, v50  }
0x254: {  	v16 =	vmul.f32 v16, v50  }
0x255: {  	v15 =	vadd.f32 v19, v15  }
0x256: {  	v14 =	vadd.f32 v16, v14  }
0x257: {  	[tilespmem:s25+$0x0] =	vst v15  }
0x258: {  	[tilespmem:s25+$0x10] =	vst v14  }
0x259: {  	v56 =	vld [tilespmem:s20+$0xB0];
	_ =	sdelay $0x4  }
0x25a: {  	v57 =	vunpack.i.l.bf16.f32 v56  }
0x25b: {  	v16 =	vunpack.i.u.bf16.f32 v56;
	v19 =	vmul.f32 v57, v50  }
0x25c: {  	v16 =	vmul.f32 v16, v50  }
0x25d: {  	v17 =	vadd.f32 v19, v17  }
0x25e: {  	v9 =	vadd.f32 v16, v9  }
0x25f: {  	[tilespmem:s25+$0x20] =	vst v17  }
0x260: {  	[tilespmem:s25+$0x30] =	vst v9  }
0x261: {  	v58 =	vld [tilespmem:s20+$0xC0];
	_ =	sdelay $0x3  }
0x262: {  	v8 =	vperm.xlane v8, v7  }
0x263: {  	v59 =	vunpack.i.l.bf16.f32 v58  }
0x264: {  	v16 =	vunpack.i.u.bf16.f32 v58;
	v18 =	vmul.f32 v59, v8  }
0x265: {  	v16 =	vmul.f32 v16, v8  }
0x266: {  	v11 =	vadd.f32 v18, v11  }
0x267: {  	v10 =	vadd.f32 v16, v10  }
0x268: {  	[tilespmem:s25+$0xFFFFFFC0] =	vst v11  }
0x269: {  	[tilespmem:s25+$0xFFFFFFD0] =	vst v10  }
0x26a: {  	v10 =	vld [tilespmem:s20+$0xD0];
	_ =	sdelay $0x4  }
0x26b: {  	v60 =	vunpack.i.l.bf16.f32 v10  }
0x26c: {  	v10 =	vunpack.i.u.bf16.f32 v10;
	v11 =	vmul.f32 v60, v8  }
0x26d: {  	v10 =	vmul.f32 v10, v8  }
0x26e: {  	v11 =	vadd.f32 v11, v13  }
0x26f: {  	v10 =	vadd.f32 v10, v12  }
0x270: {  	[tilespmem:s25+$0xFFFFFFE0] =	vst v11  }
0x271: {  	[tilespmem:s25+$0xFFFFFFF0] =	vst v10  }
0x272: {  	v10 =	vld [tilespmem:s20+$0xE0];
	_ =	sdelay $0x4  }
0x273: {  	v61 =	vunpack.i.l.bf16.f32 v10  }
0x274: {  	v10 =	vunpack.i.u.bf16.f32 v10;
	v11 =	vmul.f32 v61, v8  }
0x275: {  	v10 =	vmul.f32 v10, v8  }
0x276: {  	v11 =	vadd.f32 v11, v15  }
0x277: {  	v10 =	vadd.f32 v10, v14  }
0x278: {  	[tilespmem:s25+$0x0] =	vst v11  }
0x279: {  	[tilespmem:s25+$0x10] =	vst v10  }
0x27a: {  	v10 =	vld [tilespmem:s20+$0xF0];
	_ =	sdelay $0x4  }
0x27b: {  	v62 =	vunpack.i.l.bf16.f32 v10  }
0x27c: {  	p0 =	sne.s32 s24, $0x5C0;
	v10 =	vunpack.i.u.bf16.f32 v10;
	v11 =	vmul.f32 v62, v8  }
.Ltmp6:
0x27d: {  	v8 =	vmul.f32 v10, v8;
	(pc) =	sbr.rel @p0 .LBB2_12-.Ltmp6, $4  }
0x27e: {  	v63 =	vadd.f32 v11, v17  }
0x27f: {  	v8 =	vadd.f32 v8, v9  }
0x280: {  	[tilespmem:s25+$0x20] =	vst v63  }
0x281: {  	s24 =	sadd.s32 $0x40, s24;
	s20 =	sadd.s32 $0x200, s20;
	[tilespmem:s25+$0x30] =	vst v8;
	s25 =	sadd.s32 $0x80, s25  }
0x282: {  	s19 =	sadd.s32 $0x1, s19  }
0x283: {  	p0 =	sne.s32 s19, $0xD8  }
.Ltmp7:
0x284: {  	_ = 	snop;
	(pc) =	sbr.rel @p0 .LBB2_2-.Ltmp7, $3  }
0x285: {  	s15 =	smul.u32 $0x60, s18;
	_ =	sdelay $0x1  }
0x286: {  	s15 =	sshra.s32 s15, $0x2  }
0x287: {  	[spmem:s3] =	stream.indirect.scatter.add.f32 [tilespmem:s11], [sflag:$0xA], $0x80, s15, s23, $0xb8;
	[tilespmem:$0x1E2B0] =	vst v63  }
0x288: {  	_ =	swait.ge [sflag:s10], $0xC00  }
0x289: {  	[sflag:s10] =	ssyncset.done $0x0  }
0x28a: {  	[sflag:s10] =	ssyncadd.s32 $0xFFFFF400  }
0x28b: {  	_ =	swait.ge [sflag:s17], $0xC00  }
0x28c: {  	[sflag:s17] =	ssyncset.done $0x0  }
0x28d: {  	[sflag:s17] =	ssyncadd.s32 $0xFFFFF400  }
0x28e: {  	[bflag:$0x0] =	sbarrier.arrive $0xFFFF  }
0x28f: {  	s18 =	rddreg [dreg:$0x5]  }
0x290: {  	s15 =	rddreg [dreg:$0xb]  }
0x291: {  	s20 =	simm.s32 $0xB;
	s19 =	rddreg [dreg:$0xd]  }
0x292: {  	[hbm:s15], [sflag:s18] =	dma.local [spmem:s19], $0x2780  }
0x293: {  	_ =	swait.ge [sflag:s20], $0x2780  }
0x294: {  	s24 =	rddreg [dreg:$0xe]  }
0x295: {  	s26 =	rddreg [dreg:$0xc];
	s24 =	sadd.s32 $0x1, s24  }
0x296: {  	p0 =	sne.s32 s24, s26  }
.Ltmp8:
0x297: {  	_ = 	snop;
	(pc) =	sbr.rel @p0 .LBB2_1-.Ltmp8, $3  }
0x298: {  	_ =	sdelay $0x1  }
0x299: {  	[sflag:s20] =	ssyncset.done $0x0  }
0x29a: {  	[sflag:s20] =	ssyncadd.s32 $0xFFFFD880  }
0x29b: {  	_ =	sfence.sel $0x180000  }
0x29c: {  	[bflag:$0x0] =	sbarrier.arrive $0xFFFF  }
0x29d: {  	_ =	strace $0x9000004A  }
0x29e: {  	s0 =	stileid.u32;
	[bflag:$0x2] =	sbarrier.arrive $0xFFFF  }
0x29f: {  	p0 =	sne.s32 s0, $0x0;
	s0 =	rddreg [dreg:$0x3]  }
0x2a0: {  	s0 =	sadd.s32 @!p0 $0x100000, s0  }
0x2a1: {  	[sflag:s0] =	ssyncadd.tile.s32 @!p0 $0x1;
	_ =	shalt  }
.Lfunc_end2:
_tile_overlayer_lowered:
.L_overlay_start_2:
0x2a2: {  	(tag) =	ssettag $0x2  }
0x2a3: {  	s0 =	rddreg [dreg:$0x0];
	s2 =	stileid.u32  }
0x2a4: {  	s1 =	rddreg [dreg:$0x1];
	p0 =	sne.s32 s2, $0x0  }
0x2a5: {  	s3 =	rddreg [dreg:$0x2];
	[bflag:$0x3] =	sbarrier.arrive $0xFFFF;
	s2 =	simm.s32 @!p0 $0x1C0B  }
0x2a6: {  	[timem:s3], [sflag:s2] =	dma.local @!p0 [hbm:s0], s1  }
0x2a7: {  	s0 =	simm.s32 @!p0 $0xB  }
0x2a8: {  	_ =	swait.ge @!p0 [sflag:s0], s1  }
0x2a9: {  	s1 =	ssub.s32 @!p0 $0x0, s1;
	[sflag:s0] =	ssyncset.done @!p0 $0x0  }
0x2aa: {  	[sflag:s0] =	ssyncadd.s32 @!p0 s1  }
0x2ab: {  	[bflag:$0x3] =	sbarrier.arrive $0xFFFF  }
0x2ac: {  	_ =	shalt  }

// kernel: kernel.7.cloned.1.call-start
scs
__scs_entry_jumppad:
0x0: {  	(pc) =	sbr.rel $0x88, $3  }
0x1: {  	(tag) =	ssettag $0x0;
	lr =	simm.s32 $0x1  }
0x2: {  	[smem:$0x3F9B] =	sst lr;
	_ =	strace $0xD0000000  }
0x3: {  	_ = 	snop  }
0x4: {  	_ = 	snop  }
0x5: {  	_ = 	snop  }
0x6: {  	_ = 	snop  }
0x7: {  	_ = 	snop  }
__scs_overlays_trampoline_lowered:
0x8: {  	[smem:$0x3FAA] =	sst s0  }
0x9: {  	[smem:$0x3FAB] =	sst s1  }
0xa: {  	[smem:$0x3FAC] =	sst s2  }
0xb: {  	[smem:$0x3FAD] =	sst s3  }
0xc: {  	[smem:$0x3FAE] =	sst s4  }
0xd: {  	[smem:$0x3FAF] =	sst s5  }
0xe: {  	[smem:$0x3FB0] =	sst s6  }
0xf: {  	[smem:$0x3FB1] =	sst s7  }
0x10: {  	[smem:$0x3FB2] =	sst s8  }
0x11: {  	[smem:$0x3FB3] =	sst s9;
	s0 =	simm.s32 @!p0 $0x0  }
0x12: {  	s1 =	sld [smem:$0x3F99];
	s0 =	simm.s32 @p0 $0x1  }
0x13: {  	[smem:$0x3FB4] =	sst s0;
	s0 =	simm.s32 @!p1 $0x0  }
0x14: {  	s2 =	sld [smem:$0x3F98];
	s0 =	simm.s32 @p1 $0x1  }
0x15: {  	[smem:$0x3FB5] =	sst s0;
	s0 =	simm.s32 @!p2 $0x0  }
0x16: {  	s3 =	sld [smem:$0x3FDB];
	s0 =	simm.s32 @p2 $0x1  }
0x17: {  	s4 =	simm.s32 $0x1BF5;
	[smem:$0x3FB7] =	sst s0  }
0x18: {  	s0 =	sld [smem:$0x3F9A];
	_ =	swait.ge [sflag:s4], $0x0  }
0x19: {  	s7 =	sld [smem:$0x3F9B]  }
0x1a: {  	s8 =	sadd.s32 $0xFFFFE003, lr  }
0x1b: {  	s9 =	sadd.s32 $0xFFFFFEF7, lr;
	s5 =	simm.s32 $0xFFFFFFFF;
	p2 =	slt.u32 s8, $0xFFFFF086  }
0x1c: {  	p1 =	slt.u32 s9, $0xF7A;
	s5 =	simm.s32 @!p2 $0x0  }
0x1d: {  	s5 =	simm.s32 @p1 $0x1;
	p0 =	seq.s32 s7, s2  }
0x1e: {  	s7 =	smul.u32 @!p0 $0xF7A, s2;
	p2 =	seq.s32 @!p0 s5, $0x0  }
0x1f: {  	s9 =	smul.u32 $0xF7A, s1;
	s8 =	simm.s32 @!p0 $0x1BF5;
	p2 =	por !p2, p0  }
0x20: {  	[sflag:s8] =	ssyncset.s32 @!p0 $0xFFFFF086;
	s6 =	sadd.s32 @!p0 s3, s7;
	s7 =	simm.s32 @!p0 $0x108  }
0x21: {  	s3 =	sadd.s32 s3, s9;
	s6 =	sadd.s32 @!p0 $0x88, s6;
	s7 =	simm.s32 @p2 $0x1082  }
0x22: {  	[simem:s7], [sflag:s8] =	dma.local @!p0 [hbm:s6], $0xF7A  }
0x23: {  	s9 =	sor.u32 $0xD0000000, s2;
	s6 =	simm.s32 $0x108;
	_ =	swait.ge @!p0 [sflag:s8], $0x0  }
0x24: {  	s3 =	sadd.s32 $0x88, s3;
	s6 =	simm.s32 @!p1 $0x1082;
	[sflag:s4] =	ssyncset.s32 $0xFFFFF086  }
0x25: {  	[simem:s6], [sflag:s4] =	dma.local [hbm:s3], $0xF7A  }
0x26: {  	[smem:$0x3F9B] =	sst s1;
	(tag) =	ssettag s2;
	_ =	strace s9  }
0x27: {  	s1 =	sld [smem:$0x3FAB]  }
0x28: {  	s2 =	sld [smem:$0x3FAC]  }
0x29: {  	s4 =	sld [smem:$0x3FAE]  }
0x2a: {  	p0 =	seq.s32 s5, $0x0;
	s5 =	sld [smem:$0x3FAF]  }
0x2b: {  	s6 =	sld [smem:$0x3FB0]  }
0x2c: {  	s7 =	sld [smem:$0x3FB1]  }
0x2d: {  	s3 =	simm.s32 $0x108;
	s8 =	sld [smem:$0x3FB2]  }
0x2e: {  	s3 =	simm.s32 @!p0 $0x1082;
	s9 =	sld [smem:$0x3FB3]  }
0x2f: {  	lr =	sadd.s32 s0, s3;
	s0 =	sld [smem:$0x3FAA]  }
0x30: {  	s3 =	sld [smem:$0x3FAD]  }
0x31: {  	[smem:$0x3FB6] =	sst s10  }
0x32: {  	s10 =	sld [smem:$0x3FB4];
	_ =	sdelay $0x3  }
0x33: {  	p0 =	seq.s32 s10, $0x1;
	s10 =	sld [smem:$0x3FB6];
	_ =	sdelay $0x3  }
0x34: {  	[smem:$0x3FB6] =	sst s10  }
0x35: {  	s10 =	sld [smem:$0x3FB5];
	_ =	sdelay $0x3  }
0x36: {  	p1 =	seq.s32 s10, $0x1;
	s10 =	sld [smem:$0x3FB6];
	_ =	sdelay $0x3  }
0x37: {  	[smem:$0x3FB6] =	sst s10  }
0x38: {  	s10 =	sld [smem:$0x3FB7]  }
0x39: {  	_ = 	snop;
	(pc) =	sbr.ind lr, $3  }
0x3a: {  	_ = 	snop  }
0x3b: {  	_ = 	snop  }
0x3c: {  	p2 =	seq.s32 s10, $0x1;
	s10 =	sld [smem:$0x3FB6]  }
0x3d: {  	_ =	shalt  }
0x3e: {  	_ =	shalt  }
0x3f: {  	_ =	shalt  }
0x40: {  	_ =	shalt  }
0x41: {  	_ =	shalt  }
0x42: {  	_ =	shalt  }
0x43: {  	_ =	shalt  }
0x44: {  	_ =	shalt  }
0x45: {  	_ =	shalt  }
0x46: {  	_ =	shalt  }
0x47: {  	_ =	shalt  }
0x48: {  	_ =	shalt  }
0x49: {  	_ =	shalt  }
0x4a: {  	_ =	shalt  }
0x4b: {  	_ =	shalt  }
0x4c: {  	_ =	shalt  }
0x4d: {  	_ =	shalt  }
0x4e: {  	_ =	shalt  }
0x4f: {  	_ =	shalt  }
0x50: {  	_ =	shalt  }
0x51: {  	_ =	shalt  }
0x52: {  	_ =	shalt  }
0x53: {  	_ =	shalt  }
0x54: {  	_ =	shalt  }
0x55: {  	_ =	shalt  }
0x56: {  	_ =	shalt  }
0x57: {  	_ =	shalt  }
0x58: {  	_ =	shalt  }
0x59: {  	_ =	shalt  }
0x5a: {  	_ =	shalt  }
0x5b: {  	_ =	shalt  }
0x5c: {  	_ =	shalt  }
0x5d: {  	_ =	shalt  }
0x5e: {  	_ =	shalt  }
0x5f: {  	_ =	shalt  }
0x60: {  	_ =	shalt  }
0x61: {  	_ =	shalt  }
0x62: {  	_ =	shalt  }
0x63: {  	_ =	shalt  }
0x64: {  	_ =	shalt  }
0x65: {  	_ =	shalt  }
0x66: {  	_ =	shalt  }
0x67: {  	_ =	shalt  }
0x68: {  	_ =	shalt  }
0x69: {  	_ =	shalt  }
0x6a: {  	_ =	shalt  }
0x6b: {  	_ =	shalt  }
0x6c: {  	_ =	shalt  }
0x6d: {  	_ =	shalt  }
0x6e: {  	_ =	shalt  }
0x6f: {  	_ =	shalt  }
0x70: {  	_ =	shalt  }
0x71: {  	_ =	shalt  }
0x72: {  	_ =	shalt  }
0x73: {  	_ =	shalt  }
0x74: {  	_ =	shalt  }
0x75: {  	_ =	shalt  }
0x76: {  	_ =	shalt  }
0x77: {  	_ =	shalt  }
0x78: {  	_ =	shalt  }
0x79: {  	_ =	shalt  }
0x7a: {  	_ =	shalt  }
0x7b: {  	_ =	shalt  }
0x7c: {  	_ =	shalt  }
0x7d: {  	_ =	shalt  }
0x7e: {  	_ =	shalt  }
0x7f: {  	_ =	shalt  }
0x80: {  	_ =	shalt  }
0x81: {  	_ =	shalt  }
0x82: {  	_ =	shalt  }
0x83: {  	_ =	shalt  }
0x84: {  	_ =	shalt  }
0x85: {  	_ =	shalt  }
0x86: {  	_ =	shalt  }
0x87: {  	_ =	shalt  }
.Lfunc_end0:
.L_simem_size_0:
called_computation_lowered:
.L_overlay_start_0:
0x88: {  	s2 =	sld [smem:$0x3FD9]  }
0x89: {  	s3 =	sld [smem:$0x3FFE];
	_ =	sdelay $0x1  }
0x8a: {  	s1 =	srdreg.scid  }
0x8b: {  	s0 =	sand.u32 $0x1, s1  }
0x8c: {  	s17 =	sshll.u32 s0, $0xA;
	s2 =	sadd.s32 s3, s2  }
0x8d: {  	s2 =	sadd.s32 s2, s17  }
0x8e: {  	[smem:$0x3FC2] =	sst s2  }
0x8f: {  	_ = 	snop  }
0x90: {  	s2 =	sld [smem:$0x3FD0];
	(tm) =	ssettm $0x1  }
0x91: {  	s18 =	sld [smem:$0x3FFB];
	_ =	sdelay $0x3  }
0x92: {  	_ =	strace s18  }
0x93: {  	s3 =	sld [smem:$0x3FFC];
	_ =	sdelay $0x3  }
0x94: {  	_ =	strace s3  }
0x95: {  	s3 =	sld [smem:$0x3FFD];
	_ =	sdelay $0x3  }
0x96: {  	_ =	strace s3  }
0x97: {  	_ =	strace $0x8FFFFFFF  }
0x98: {  	s19 =	sld [smem:$0x3FDB];
	_ =	sdelay $0x1  }
0x99: {  	s4 =	simm.s32 $_scs_section_size  }
0x9a: {  	s5 =	simm.s32 $_size__tile_overlayer_lowered;
	s6 =	simm.s32 $_tile_overlayer_lowered  }
0x9b: {  	s22 =	simm.s32 $0x1BFF;
	s21 =	sshll.u32 s6, $0x1;
	s3 =	sadd.s32 s4, s19  }
0x9c: {  	s7 =	simm.s32 $0x0;
	s20 =	sshll.u32 s5, $0x1;
	s5 =	sadd.s32 s21, s3  }
0x9d: {  	[timem:s7], [sflag:s22] =	dma.local [hbm:s5], s20  }
0x9e: {  	_ =	swait.ge [sflag:s22], s20  }
0x9f: {  	s4 =	ssub.s32 $0x0, s20;
	[sflag:s22] =	ssyncset.done $0x0  }
0xa0: {  	[sflag:s22] =	ssyncadd.s32 s4;
	_ =	sdelay $0x1  }
0xa1: {  	s23 =	simm.s32 $0x1B8B  }
0xa2: {  	_ =	swait.ge [sflag:s23], $0x1  }
0xa3: {  	[sflag:s23] =	ssyncset.done $0x0  }
0xa4: {  	s25 =	simm.s32 $0x1B8E;
	s24 =	sld [smem:$0x3FFE];
	[sflag:s23] =	ssyncadd.s32 $0xFFFFFFFF  }
0xa5: {  	s26 =	simm.s32 $execute0_lowered;
	[smem:$0x3FD2] =	sst s25  }
0xa6: {  	s5 =	sshll.u32 s26, $0x1;
	_ =	strace $0x80000046;
	[dreg:$0x1] =	wrdreg $0xFFFFFFFF  }
0xa7: {  	s28 =	simm.s32 $_size_execute0_lowered;
	s3 =	sadd.s32 s3, s5;
	[dreg:$0x0] =	wrdreg $0x0  }
0xa8: {  	s5 =	sshll.u32 s28, $0x1;
	[dreg:$0x2] =	wrdreg s3  }
0xa9: {  	[dreg:$0x3] =	wrdreg s5  }
0xaa: {  	[dreg:$0x4] =	wrdreg $0xC0  }
0xab: {  	_ =	task [dreg:s7], $0x5FFFF  }
0xac: {  	[dreg:$0x1] =	wrdreg $0xFFFFFFFF  }
0xad: {  	[dreg:$0x0] =	wrdreg $0x60  }
0xae: {  	[dreg:$0x2] =	wrdreg s2  }
0xaf: {  	[dreg:$0x3] =	wrdreg s24  }
0xb0: {  	[dreg:$0x4] =	wrdreg $0x6F100  }
0xb1: {  	[dreg:$0x5] =	wrdreg $0x9  }
0xb2: {  	_ =	task.clear_ibuf [dreg:s7], $0x6FFFF;
	_ =	strace $0x90000046  }
0xb3: {  	s29 =	simm.s32 $0x9;
	_ =	strace $0x80000048  }
0xb4: {  	_ =	swait.ge [sflag:s29], $0x1  }
0xb5: {  	[sflag:s29] =	ssyncadd.s32 $0xFFFFFFFF  }
0xb6: {  	_ =	strace $0x90000048  }
0xb7: {  	_ =	sfence  }
0xb8: {  	s30 =	sld [smem:$0x0];
	_ =	sdelay $0x2  }
0xb9: {  	s31 =	sshll.u32 s1, $0xD;
	s1 =	sshrl.u32 s1, $0x2  }
0xba: {  	s3 =	sand.u32 $0x4000, s31;
	s1 =	sadd.s32 s1, s30  }
0xbb: {  	s0 =	sor.u32 s3, s0;
	s1 =	sshll.u32 s1, $0x11  }
0xbc: {  	s0 =	sor.u32 s1, s0  }
0xbd: {  	s0 =	sadd.s32 $0x8F2B, s0  }
0xbe: {  	[sflag:s0] =	ssyncadd.remote.s32 $0x1  }
0xbf: {  	_ =	sfence.sel $0xFFFF  }
0xc0: {  	[dreg:$0x0] =	wrdreg $0xFFFFFFFF;
	(pc) =	sbr.abs _section_cstart, $3  }
0xc1: {  	[dreg:$0x1] =	wrdreg $0xFFFFFFFF  }
0xc2: {  	_ =	task.clear_ibuf [dreg:s7], $0x2FFFF;
	_ =	strace $0x9FFFFFFF  }
0xc3: {  	(tm) =	ssettm $0x7FFFFFFF  }
tec
execute0_lowered:
.L_overlay_start_1:
0x0: {  	(tag) =	ssettag $0x1  }
0x1: {  	s0 =	rddreg [dreg:$0x0]  }
0x2: {  	s1 =	rddreg [dreg:$0x1];
	s3 =	srdreg.scid  }
0x3: {  	s15 =	stileid.u32;
	s2 =	rddreg [dreg:$0x2]  }
0x4: {  	s16 =	simm.s32 $0x5;
	s18 =	simm.s32 $0x2880;
	s19 =	simm.s32 $0x60  }
0x5: {  	s22 =	simm.s32 $0x1;
	s28 =	simm.s32 $0x2;
	s29 =	simm.s32 $0x4  }
0x6: {  	s30 =	simm.s32 $0x0;
	s6 =	sand.u32 $0x1, s3;
	s4 =	sshll.u32 s15, $0x1  }
0x7: {  	s3 =	simm.s32 $0x0;
	s9 =	smul.u32 $0x2780, s15;
	s5 =	sadd.s32 $0x139C00, s1  }
0x8: {  	s10 =	sadd.s32 $0x139A00, s1;
	s31 =	sshll.u32 s15, $0x6;
	s8 =	sor.u32 s6, s4  }
0x9: {  	[smem:$0x7FF] =	sst s3;
	s4 =	sadd.s32 $0x13EC00, s1;
	s7 =	smul.u32 $0x27800, s6  }
0xa: {  	s6 =	ssub.s32 $0x2, s6;
	s11 =	smul.u32 $0x510, s8;
	_ =	strace $0x80000047  }
0xb: {  	[dreg:$0x4] =	wrdreg s10;
	s23 =	sshrl.u32 s9, $0x3;
	s13 =	sshrl.u32 s6, $0x1  }
0xc: {  	s25 =	sadd.s32 s9, s2;
	s7 =	sadd.s32 s9, s7;
	s10 =	sadd.s32 s23, s1  }
0xd: {  	s24 =	ssub.s32 s6, s13;
	s9 =	sor.u32 $0x1C05, s31;
	s15 =	sshrl.u32 s25, $0x3  }
0xe: {  	s23 =	simm.s32 $0x3;
	s25 =	simm.s32 $0x6300;
	s12 =	sadd.s32 s11, s1  }
0xf: {  	s7 =	sshrl.u32 s7, $0x3;
	s26 =	sadd.s32 $0x14DE00, s10;
	s10 =	smul.u32 $0x6C, s8  }
0x10: {  	s11 =	sadd.s32 s0, s11;
	s14 =	sadd.s32 s7, s1;
	s7 =	sadd.s32 $0x15CC00, s1  }
0x11: {  	[dreg:$0x5] =	wrdreg s26;
	s12 =	sadd.s32 $0x143C00, s12;
	s26 =	simm.s32 $0x6900  }
0x12: {  	s13 =	sadd.s32 $0x152E00, s14;
	s14 =	smax.u32 s24, $0x1;
	s24 =	simm.s32 $0x5700  }
.LBB2_1:
0x13: {  	s0 =	rddreg [dreg:$0x5]  }
0x14: {  	[spmem:s15], [sflag:s9] =	dma.local [hbm:s0], $0x4F0  }
0x15: {  	_ =	swait.ge [sflag:s16], $0x4F0  }
0x16: {  	[sflag:s16] =	ssyncset.done $0x0  }
0x17: {  	s1 =	simm.s32 $0x6F00;
	s17 =	rddreg [dreg:$0x4];
	[sflag:s16] =	ssyncadd.s32 $0xFFFFFB10  }
0x18: {  	[tilespmem:s1], [sflag:$0x5] =	stream.linear.gather [hbm4b:s17+s3], $0x10, $0x38;
	[tilespmem:$0x9690] =	vst v63  }
0x19: {  	_ =	swait.ge [sflag:s16], $0x10  }
0x1a: {  	[sflag:s16] =	ssyncset.done $0x0  }
0x1b: {  	[sflag:s16] =	ssyncadd.s32 $0xFFFFFFF0  }
0x1c: {  	[tilespmem:s3], [sflag:$0x5] =	stream.linear.gather [hbm4b:s11+s3], $0x2880, $0x38;
	[tilespmem:$0x9690] =	vst v63  }
0x1d: {  	_ =	swait.ge [sflag:s16], $0x2880  }
0x1e: {  	[sflag:s16] =	ssyncset.done $0x0  }
0x1f: {  	[sflag:s16] =	ssyncadd.s32 $0xFFFFD780  }
0x20: {  	[tilespmem:s18], [sflag:$0x5] =	stream.linear.gather [hbm4b:s12+s3], $0x2880, $0x38;
	[tilespmem:$0x9690] =	vst v63  }
0x21: {  	_ =	swait.ge [sflag:s16], $0x2880  }
0x22: {  	[sflag:s16] =	ssyncset.done $0x0  }
0x23: {  	[sflag:s16] =	ssyncadd.s32 $0xFFFFD780  }
0x24: {  	s20 =	simm.s32 $0x5100;
	[bflag:$0x0] =	sbarrier.arrive $0xFFFF  }
0x25: {  	v0 =	vld [tilespmem:$0x6F00];
	[tilespmem:s20], [sflag:$0x1] =	stream.indirect.gather [hbm4b:s4+s19], $0x10, s3, s19, $0xb8  }
0x26: {  	s21 =	simm.s32 $0x5D00;
	s31 =	simm.s32 $0x0  }
0x27: {  	[tilespmem:s21], [sflag:$0x3] =	stream.indirect.gather [hbm4b:s5+s19], $0x10, s18, s19, $0xb8;
	[tilespmem:$0x9690] =	vst v63  }
.LBB2_2:
0x28: {  	_ =	swait.ge [sflag:s22], $0x600  }
0x29: {  	[sflag:s22] =	ssyncset.done $0x0  }
0x2a: {  	[sflag:s22] =	ssyncadd.s32 $0xFFFFFA00  }
0x2b: {  	s1 =	sshllo.u32 s31, $0x1;
	_ =	swait.ge [sflag:s23], $0x600  }
0x2c: {  	s0 =	smul.u32 $0x60, s1;
	[sflag:s23] =	ssyncset.done $0x0  }
0x2d: {  	[sflag:s23] =	ssyncadd.s32 $0xFFFFFA00  }
0x2e: {  	[tilespmem:s24], [sflag:$0x2] =	stream.indirect.gather [hbm4b:s4+s19], $0x10, s0, s19, $0xb8;
	[tilespmem:$0x9690] =	vst v63  }
0x2f: {  	s8 =	simm.s32 $0x5D20;
	s0 =	sadd.s32 $0x2880, s0  }
0x30: {  	[tilespmem:s25], [sflag:$0x4] =	stream.indirect.gather [hbm4b:s5+s19], $0x10, s0, s19, $0xb8;
	[tilespmem:$0x9690] =	vst v63  }
0x31: {  	s6 =	simm.s32 $0x5120;
	v1 =	vld [tilespmem:s8+$0xFFFFFFE0]  }
0x32: {  	v2 =	vld [tilespmem:s6+$0x10]  }
0x33: {  	v3 =	vld [tilespmem:s6+$0xFFFFFFE0]  }
0x34: {  	v4 =	vld [tilespmem:s8+$0x10]  }
0x35: {  	v5 =	vld [tilespmem:s8+$0xFFFFFFF0]  }
0x36: {  	v7 =	vld [tilespmem:s8+$0x0]  }
0x37: {  	v8 =	vld [tilespmem:s6+$0xFFFFFFF0];
	_ =	sdelay $0x1  }
0x38: {  	v6 =	vadd.f32 v1, v0  }
0x39: {  	v1 =	vadd.f32 v1, v3;
	v2 =	vadd.f32 v4, v2  }
0x3a: {  	v4 =	vadd.f32 v4, v0;
	v11 =	vadd.f32 v5, v0;
	v3 =	vmul.f32 $2.000000030e-01, v6  }
0x3b: {  	v5 =	vadd.f32 v5, v8;
	v8 =	vadd.f32 v7, v0;
	vm0 =	vgt.f32 v6, $0.0e+00  }
0x3c: {  	v9 =	vmul.f32 $2.000000030e-01, v1;
	v12 =	vmul.f32 $2.000000030e-01, v4;
	v3 =	vsel vm0, v6, v3;
	v6 =	vld [tilespmem:s6+$0x0]  }
0x3d: {  	v10 =	vmul.f32 $2.000000030e-01, v2;
	vm1 =	vgt.f32 v2, $0.0e+00;
	vm0 =	vgt.f32 v4, $0.0e+00  }
0x3e: {  	vm2 =	vgt.f32 v11, $0.0e+00;
	v4 =	vsel vm0, v4, v12;
	vm0 =	vgt.f32 v1, $0.0e+00  }
0x3f: {  	s17 =	simm.s32 $0x5D60;
	v13 =	vmul.f32 $2.000000030e-01, v11;
	v14 =	vmul.f32 $2.000000030e-01, v8;
	v1 =	vsel vm0, v1, v9  }
0x40: {  	s20 =	simm.s32 $0x5160;
	v15 =	vld [tilespmem:s17+$0xFFFFFFE0];
	v2 =	vsel vm1, v2, v10;
	v12 =	vmul.f32 $2.000000030e-01, v5;
	v1 =	vsub.f32 v1, v3  }
0x41: {  	vm3 =	vgt.f32 v5, $0.0e+00;
	v9 =	vld [tilespmem:s20+$0xFFFFFFE0];
	v4 =	vsub.f32 v2, v4;
	v6 =	vadd.f32 v7, v6  }
0x42: {  	v3 =	vsel vm2, v11, v13;
	v5 =	vsel vm3, v5, v12;
	v12 =	vld [tilespmem:s17+$0x10];
	v1 =	vmul.f32 $1.442695020e+00, v1  }
0x43: {  	vm0 =	vgt.f32 v8, $0.0e+00;
	v3 =	vsub.f32 v5, v3;
	v7 =	vld [tilespmem:s20+$0x10];
	v11 =	vmul.f32 $2.000000030e-01, v6  }
0x44: {  	v10 =	vld [tilespmem:s17+$0xFFFFFFF0];
	v4 =	vmul.f32 $1.442695020e+00, v4;
	vm2 =	vgt.f32 v6, $0.0e+00;
	(erf) = vpow2.f32 v1  }
0x45: {  	v13 =	vld [tilespmem:s20+$0xFFFFFFF0];
	v5 =	vsel vm2, v6, v11;
	v6 =	vsel vm0, v8, v14;
	v11 =	vadd.f32 v15, v0  }
0x46: {  	v2 =	vld [tilespmem:s17+$0x0];
	v3 =	vmul.f32 $1.442695020e+00, v3;
	v6 =	vsub.f32 v5, v6  }
0x47: {  	(erf) = vpow2.f32 v4;
	v5 =	vadd.f32 v15, v9;
	v9 =	vmul.f32 $2.000000030e-01, v11  }
0x48: {  	v1 =	vadd.f32 v12, v7;
	vm0 =	vgt.f32 v11, $0.0e+00;
	v7 =	vmul.f32 $1.442695020e+00, v6  }
0x49: {  	v14 =	vadd.f32 v12, v0;
	(erf) = vpow2.f32 v3;
	v6 =	vsel vm0, v11, v9  }
0x4a: {  	v9 =	vadd.f32 v10, v0;
	v10 =	vadd.f32 v10, v13;
	v13 =	vld [tilespmem:s20+$0x0];
	(erf) = vpow2.f32 v7  }
0x4b: {  	v4 =	vadd.f32 v2, v0;
	vm2 =	vgt.f32 v14, $0.0e+00;
	v8 =	vmul.f32 $2.000000030e-01, v5  }
0x4c: {  	v3 =	vmul.f32 $2.000000030e-01, v1;
	vm0 =	vgt.f32 v1, $0.0e+00;
	v7 =	vmul.f32 $2.000000030e-01, v14  }
0x4d: {  	s21 =	simm.s32 $0x4;
	s0 =	sshll.u32 s31, $0x1;
	s8 =	simm.s32 $0x51A0;
	v11 =	vmul.f32 $2.000000030e-01, v4;
	vm1 =	vgt.f32 v9, $0.0e+00;
	v12 =	vmul.f32 $2.000000030e-01, v9  }
0x4e: {  	s6 =	simm.s32 $0x5DA0;
	s17 =	simm.s32 $0x6920;
	s20 =	simm.s32 $0x6920;
	v15 =	vmul.f32 $2.000000030e-01, v10;
	v7 =	vsel vm2, v14, v7;
	vm2 =	vgt.f32 v5, $0.0e+00;
	v14 =	vpop (erf)  }
.LBB2_3:
0x4f: {  	v16 =	vld [tilespmem:s6+$0xFFFFFFE0];
	s21 =	sadd.s32 $0x4, s21;
	v5 =	vsel vm2, v5, v8;
	v2 =	vadd.f32 v2, v13;
	vm2 =	vgt.f32 v4, $0.0e+00;
	[tilespmem:s17+$0xFFFFFFE0] =	vst v14;
	s20 =	sadd.s32 $0x40, s20  }
0x50: {  	vm3 =	vgt.f32 v10, $0.0e+00;
	v8 =	vld [tilespmem:s8+$0x10];
	p0 =	slt.u32 s21, $0x5C;
	v5 =	vsub.f32 v5, v6;
	v6 =	vsel vm1, v9, v12  }
0x51: {  	v10 =	vsel vm3, v10, v15;
	v9 =	vld [tilespmem:s8+$0xFFFFFFE0];
	vm1 =	vgt.f32 v2, $0.0e+00;
	v12 =	vmul.f32 $2.000000030e-01, v2;
	v13 =	vpop (erf)  }
0x52: {  	v1 =	vsel vm0, v1, v3;
	v6 =	vsub.f32 v10, v6;
	v14 =	vld [tilespmem:s6+$0x10];
	v5 =	vmul.f32 $1.442695020e+00, v5;
	[tilespmem:s17+$0x10] =	vst v13;
	v3 =	vpop (erf)  }
0x53: {  	v4 =	vsel vm2, v4, v11;
	v1 =	vsub.f32 v1, v7;
	v10 =	vld [tilespmem:s6+$0xFFFFFFF0];
	v12 =	vsel vm1, v2, v12;
	[tilespmem:s17+$0xFFFFFFF0] =	vst v3;
	v3 =	vpop (erf)  }
0x54: {  	v7 =	vadd.f32 v16, v0;
	v2 =	vld [tilespmem:s6+$0x0];
	v4 =	vsub.f32 v12, v4;
	(erf) = vpow2.f32 v5;
	[tilespmem:s17+$0x0] =	vst v3;
	s17 =	smov.u32 s20  }
0x55: {  	v3 =	vmul.f32 $1.442695020e+00, v6;
	v6 =	vmul.f32 $1.442695020e+00, v1  }
0x56: {  	v5 =	vadd.f32 v16, v9;
	vm0 =	vgt.f32 v7, $0.0e+00;
	v9 =	vmul.f32 $2.000000030e-01, v7;
	v11 =	vld [tilespmem:s8+$0xFFFFFFF0]  }
0x57: {  	v4 =	vmul.f32 $1.442695020e+00, v4;
	v1 =	vadd.f32 v14, v8;
	(erf) = vpow2.f32 v6  }
0x58: {  	v14 =	vadd.f32 v14, v0;
	v8 =	vmul.f32 $2.000000030e-01, v5;
	(erf) = vpow2.f32 v3  }
.Ltmp0:
0x59: {  	v6 =	vsel vm0, v7, v9;
	v13 =	vld [tilespmem:s8+$0x0];
	v3 =	vmul.f32 $2.000000030e-01, v1;
	(erf) = vpow2.f32 v4;
	(pc) =	sbr.rel @p0 .LBB2_3-.Ltmp0, $4  }
0x5a: {  	v9 =	vadd.f32 v10, v0;
	vm2 =	vgt.f32 v14, $0.0e+00;
	v7 =	vmul.f32 $2.000000030e-01, v14  }
0x5b: {  	v4 =	vadd.f32 v2, v0;
	vm0 =	vgt.f32 v1, $0.0e+00;
	v10 =	vadd.f32 v10, v11  }
0x5c: {  	vm1 =	vgt.f32 v9, $0.0e+00;
	v12 =	vmul.f32 $2.000000030e-01, v9;
	v7 =	vsel vm2, v14, v7  }
0x5d: {  	s6 =	sadd.s32 $0x40, s6;
	s8 =	sadd.s32 $0x40, s8;
	vm2 =	vgt.f32 v5, $0.0e+00;
	v11 =	vmul.f32 $2.000000030e-01, v4;
	v15 =	vmul.f32 $2.000000030e-01, v10;
	v14 =	vpop (erf)  }
0x5e: {  	v5 =	vsel vm2, v5, v8;
	v2 =	vadd.f32 v2, v13;
	vm2 =	vgt.f32 v4, $0.0e+00  }
0x5f: {  	vm3 =	vgt.f32 v10, $0.0e+00;
	v1 =	vsel vm0, v1, v3;
	v5 =	vsub.f32 v5, v6  }
0x60: {  	v6 =	vsel vm1, v9, v12;
	v8 =	vsel vm3, v10, v15;
	v9 =	vmul.f32 $2.000000030e-01, v2  }
0x61: {  	v1 =	vsub.f32 v1, v7;
	v4 =	vsel vm2, v4, v11;
	vm0 =	vgt.f32 v2, $0.0e+00  }
0x62: {  	v3 =	vmul.f32 $1.442695020e+00, v5;
	v5 =	vsub.f32 v8, v6;
	v2 =	vsel vm0, v2, v9  }
0x63: {  	v1 =	vmul.f32 $1.442695020e+00, v1;
	v2 =	vsub.f32 v2, v4  }
0x64: {  	(erf) = vpow2.f32 v3;
	v3 =	vmul.f32 $1.442695020e+00, v5  }
0x65: {  	(erf) = vpow2.f32 v1;
	v2 =	vmul.f32 $1.442695020e+00, v2  }
0x66: {  	(erf) = vpow2.f32 v3  }
0x67: {  	(erf) = vpow2.f32 v2;
	_ =	sdelay $0x2  }
0x68: {  	[tilespmem:s17+$0xFFFFFFE0] =	vst v14;
	v1 =	vpop (erf)  }
0x69: {  	[tilespmem:s17+$0x10] =	vst v1;
	v2 =	vpop (erf)  }
0x6a: {  	v1 =	vpop (erf);
	[tilespmem:s17+$0xFFFFFFF0] =	vst v2  }
0x6b: {  	s6 =	sadd.s32 $0x40, s20;
	[tilespmem:s17+$0x0] =	vst v1;
	v1 =	vpop (erf)  }
0x6c: {  	s8 =	smul.u32 $0x300, s31;
	[tilespmem:s6+$0xFFFFFFE0] =	vst v1;
	v1 =	vpop (erf)  }
0x6d: {  	[tilespmem:s6+$0x10] =	vst v1;
	v1 =	vpop (erf)  }
0x6e: {  	s8 =	sshra.s32 s8, $0x2;
	[tilespmem:s6+$0xFFFFFFF0] =	vst v1;
	v1 =	vpop (erf)  }
0x6f: {  	s0 =	sadd.s32 s10, s0;
	s21 =	sadd.s32 $0x2880, s8;
	[tilespmem:s6+$0x0] =	vst v1  }
0x70: {  	[spmem:s2] =	stream.indirect.scatter.add.f32 [tilespmem:s26], [sflag:$0x5], $0x10, s21, s19, $0xb8;
	[tilespmem:$0x9690] =	vst v63  }
0x71: {  	s0 =	smul.u32 $0xC0, s0;
	_ =	swait.ge [sflag:s16], $0x600  }
0x72: {  	[sflag:s16] =	ssyncset.done $0x0  }
0x73: {  	s0 =	sadd.s32 s7, s0;
	[sflag:s16] =	ssyncadd.s32 $0xFFFFFA00  }
0x74: {  	[hbm4b:s0+s3] =	stream.linear.scatter [tilespmem:s26], [sflag:$0x5], $0x600, $0x38;
	[tilespmem:$0x9690] =	vst v63  }
0x75: {  	_ =	swait.ge [sflag:s16], $0x600  }
0x76: {  	[sflag:s16] =	ssyncset.done $0x0  }
0x77: {  	[sflag:s16] =	ssyncadd.s32 $0xFFFFFA00  }
0x78: {  	_ =	swait.ge [sflag:s28], $0x600  }
0x79: {  	[sflag:s28] =	ssyncset.done $0x0  }
0x7a: {  	p0 =	seq.s32 s31, $0x35;
	[sflag:s28] =	ssyncadd.s32 $0xFFFFFA00  }
0x7b: {  	s0 =	smul.u32 @!p0 $0xC0, s31;
	_ =	swait.ge [sflag:s29], $0x600  }
0x7c: {  	s8 =	simm.s32 @!p0 $0x60;
	[sflag:s29] =	ssyncset.done $0x0  }
0x7d: {  	s17 =	simm.s32 @!p0 $0x5100;
	s6 =	sadd.s32 @!p0 $0xC0, s0;
	[sflag:s29] =	ssyncadd.s32 $0xFFFFFA00  }
0x7e: {  	[tilespmem:s17], [sflag:$0x1] =	stream.indirect.gather @!p0 [hbm4b:s4+s8], $0x10, s6, s8, $0xb8;
	[tilespmem:$0x9690] =	vst v63  }
0x7f: {  	s0 =	sadd.s32 @!p0 $0x2940, s0;
	s6 =	simm.s32 @!p0 $0x5D00  }
0x80: {  	[tilespmem:s6], [sflag:$0x3] =	stream.indirect.gather @!p0 [hbm4b:s5+s8], $0x10, s0, s8, $0xb8;
	[tilespmem:$0x9690] =	vst v63  }
0x81: {  	s8 =	simm.s32 $0x6320  }
0x82: {  	s17 =	simm.s32 $0x5720;
	v1 =	vld [tilespmem:s8+$0xFFFFFFE0]  }
0x83: {  	v2 =	vld [tilespmem:s17+$0x10]  }
0x84: {  	v3 =	vld [tilespmem:s17+$0xFFFFFFE0]  }
0x85: {  	v4 =	vld [tilespmem:s8+$0x10]  }
0x86: {  	v5 =	vld [tilespmem:s8+$0xFFFFFFF0]  }
0x87: {  	v8 =	vld [tilespmem:s17+$0xFFFFFFF0]  }
0x88: {  	v7 =	vld [tilespmem:s8+$0x0]  }
0x89: {  	v6 =	vadd.f32 v1, v0  }
0x8a: {  	v1 =	vadd.f32 v1, v3  }
0x8b: {  	v2 =	vadd.f32 v4, v2;
	v4 =	vadd.f32 v4, v0;
	v3 =	vmul.f32 $2.000000030e-01, v6  }
0x8c: {  	v11 =	vadd.f32 v5, v0;
	v5 =	vadd.f32 v5, v8;
	vm0 =	vgt.f32 v6, $0.0e+00  }
0x8d: {  	v8 =	vadd.f32 v7, v0;
	v9 =	vmul.f32 $2.000000030e-01, v1;
	v3 =	vsel vm0, v6, v3;
	v6 =	vld [tilespmem:s17+$0x0]  }
0x8e: {  	v10 =	vmul.f32 $2.000000030e-01, v2;
	v12 =	vmul.f32 $2.000000030e-01, v4;
	vm1 =	vgt.f32 v2, $0.0e+00  }
0x8f: {  	s20 =	simm.s32 $0x6360;
	vm2 =	vgt.f32 v11, $0.0e+00;
	v13 =	vmul.f32 $2.000000030e-01, v11;
	vm0 =	vgt.f32 v4, $0.0e+00  }
0x90: {  	s21 =	simm.s32 $0x5760;
	v15 =	vld [tilespmem:s20+$0xFFFFFFE0];
	v2 =	vsel vm1, v2, v10;
	v4 =	vsel vm0, v4, v12;
	vm0 =	vgt.f32 v1, $0.0e+00  }
0x91: {  	v12 =	vmul.f32 $2.000000030e-01, v5;
	v1 =	vsel vm0, v1, v9;
	v9 =	vld [tilespmem:s21+$0xFFFFFFE0];
	v4 =	vsub.f32 v2, v4  }
0x92: {  	vm3 =	vgt.f32 v5, $0.0e+00;
	v2 =	vld [tilespmem:s20+$0x0];
	v1 =	vsub.f32 v1, v3;
	v6 =	vadd.f32 v7, v6  }
0x93: {  	v14 =	vmul.f32 $2.000000030e-01, v8;
	vm0 =	vgt.f32 v8, $0.0e+00;
	v5 =	vsel vm3, v5, v12;
	v12 =	vld [tilespmem:s20+$0x10]  }
0x94: {  	v3 =	vsel vm2, v11, v13;
	v7 =	vld [tilespmem:s21+$0x10];
	v1 =	vmul.f32 $1.442695020e+00, v1;
	v11 =	vmul.f32 $2.000000030e-01, v6  }
0x95: {  	v10 =	vld [tilespmem:s20+$0xFFFFFFF0];
	v3 =	vsub.f32 v5, v3;
	v4 =	vmul.f32 $1.442695020e+00, v4;
	vm2 =	vgt.f32 v6, $0.0e+00  }
0x96: {  	v13 =	vld [tilespmem:s21+$0xFFFFFFF0];
	(erf) = vpow2.f32 v1;
	v5 =	vsel vm2, v6, v11;
	v6 =	vsel vm0, v8, v14  }
0x97: {  	v3 =	vmul.f32 $1.442695020e+00, v3;
	v11 =	vadd.f32 v15, v0;
	v6 =	vsub.f32 v5, v6  }
0x98: {  	(erf) = vpow2.f32 v4;
	v4 =	vadd.f32 v2, v0;
	v5 =	vadd.f32 v15, v9  }
0x99: {  	v1 =	vadd.f32 v12, v7;
	v9 =	vmul.f32 $2.000000030e-01, v11;
	v7 =	vmul.f32 $1.442695020e+00, v6  }
0x9a: {  	v14 =	vadd.f32 v12, v0;
	(erf) = vpow2.f32 v3;
	vm0 =	vgt.f32 v11, $0.0e+00  }
0x9b: {  	v6 =	vsel vm0, v11, v9;
	v11 =	vadd.f32 v10, v13;
	v13 =	vld [tilespmem:s21+$0x0];
	(erf) = vpow2.f32 v7  }
0x9c: {  	vm2 =	vgt.f32 v14, $0.0e+00;
	v8 =	vmul.f32 $2.000000030e-01, v5;
	v9 =	vadd.f32 v10, v0  }
0x9d: {  	v3 =	vmul.f32 $2.000000030e-01, v1;
	vm0 =	vgt.f32 v1, $0.0e+00;
	v7 =	vmul.f32 $2.000000030e-01, v14  }
0x9e: {  	s0 =	simm.s32 $0x6920;
	s6 =	simm.s32 $0x63A0;
	v10 =	vmul.f32 $2.000000030e-01, v4;
	vm1 =	vgt.f32 v9, $0.0e+00;
	v12 =	vmul.f32 $2.000000030e-01, v9  }
0x9f: {  	s8 =	simm.s32 $0x57A0;
	s17 =	simm.s32 $0x6920;
	s20 =	simm.s32 $0x4;
	v15 =	vmul.f32 $2.000000030e-01, v11;
	v7 =	vsel vm2, v14, v7;
	vm2 =	vgt.f32 v5, $0.0e+00;
	v14 =	vpop (erf)  }
.LBB2_5:
0xa0: {  	v16 =	vld [tilespmem:s6+$0xFFFFFFE0];
	s20 =	sadd.s32 $0x4, s20;
	v5 =	vsel vm2, v5, v8;
	v2 =	vadd.f32 v2, v13;
	vm2 =	vgt.f32 v4, $0.0e+00;
	[tilespmem:s0+$0xFFFFFFE0] =	vst v14;
	s17 =	sadd.s32 $0x40, s17  }
0xa1: {  	vm3 =	vgt.f32 v11, $0.0e+00;
	v8 =	vld [tilespmem:s8+$0x10];
	p0 =	slt.u32 s20, $0x5C;
	v5 =	vsub.f32 v5, v6;
	v6 =	vsel vm1, v9, v12  }
0xa2: {  	v11 =	vsel vm3, v11, v15;
	v9 =	vld [tilespmem:s8+$0xFFFFFFE0];
	vm1 =	vgt.f32 v2, $0.0e+00;
	v12 =	vmul.f32 $2.000000030e-01, v2;
	v13 =	vpop (erf)  }
0xa3: {  	v1 =	vsel vm0, v1, v3;
	v6 =	vsub.f32 v11, v6;
	v14 =	vld [tilespmem:s6+$0x10];
	v5 =	vmul.f32 $1.442695020e+00, v5;
	[tilespmem:s0+$0x10] =	vst v13;
	v3 =	vpop (erf)  }
0xa4: {  	v4 =	vsel vm2, v4, v10;
	v1 =	vsub.f32 v1, v7;
	v11 =	vld [tilespmem:s6+$0xFFFFFFF0];
	v12 =	vsel vm1, v2, v12;
	[tilespmem:s0+$0xFFFFFFF0] =	vst v3;
	v3 =	vpop (erf)  }
0xa5: {  	v7 =	vadd.f32 v16, v0;
	v2 =	vld [tilespmem:s6+$0x0];
	v4 =	vsub.f32 v12, v4;
	(erf) = vpow2.f32 v5;
	[tilespmem:s0+$0x0] =	vst v3;
	s0 =	smov.u32 s17  }
0xa6: {  	v3 =	vmul.f32 $1.442695020e+00, v6;
	v6 =	vmul.f32 $1.442695020e+00, v1  }
0xa7: {  	v5 =	vadd.f32 v16, v9;
	vm0 =	vgt.f32 v7, $0.0e+00;
	v9 =	vmul.f32 $2.000000030e-01, v7;
	v10 =	vld [tilespmem:s8+$0xFFFFFFF0]  }
0xa8: {  	v4 =	vmul.f32 $1.442695020e+00, v4;
	v1 =	vadd.f32 v14, v8;
	(erf) = vpow2.f32 v6  }
0xa9: {  	v14 =	vadd.f32 v14, v0;
	v8 =	vmul.f32 $2.000000030e-01, v5;
	(erf) = vpow2.f32 v3  }
.Ltmp1:
0xaa: {  	v6 =	vsel vm0, v7, v9;
	v13 =	vld [tilespmem:s8+$0x0];
	v3 =	vmul.f32 $2.000000030e-01, v1;
	(erf) = vpow2.f32 v4;
	(pc) =	sbr.rel @p0 .LBB2_5-.Ltmp1, $4  }
0xab: {  	v9 =	vadd.f32 v11, v0;
	vm2 =	vgt.f32 v14, $0.0e+00;
	v7 =	vmul.f32 $2.000000030e-01, v14  }
0xac: {  	v4 =	vadd.f32 v2, v0;
	vm0 =	vgt.f32 v1, $0.0e+00;
	v11 =	vadd.f32 v11, v10  }
0xad: {  	vm1 =	vgt.f32 v9, $0.0e+00;
	v12 =	vmul.f32 $2.000000030e-01, v9;
	v7 =	vsel vm2, v14, v7  }
0xae: {  	s6 =	sadd.s32 $0x40, s6;
	s8 =	sadd.s32 $0x40, s8;
	vm2 =	vgt.f32 v5, $0.0e+00;
	v10 =	vmul.f32 $2.000000030e-01, v4;
	v15 =	vmul.f32 $2.000000030e-01, v11;
	v14 =	vpop (erf)  }
0xaf: {  	v5 =	vsel vm2, v5, v8;
	v2 =	vadd.f32 v2, v13;
	vm14 =	vgt.f32 v4, $0.0e+00  }
0xb0: {  	vm3 =	vgt.f32 v11, $0.0e+00;
	v60 =	vsel vm1, v9, v12;
	v1 =	vsel vm0, v1, v3  }
0xb1: {  	v5 =	vsub.f32 v5, v6;
	v61 =	vsel vm3, v11, v15;
	v62 =	vmul.f32 $2.000000030e-01, v2  }
0xb2: {  	v1 =	vsub.f32 v1, v7;
	v4 =	vsel vm14, v4, v10;
	vm15 =	vgt.f32 v2, $0.0e+00  }
0xb3: {  	v63 =	vsub.f32 v61, v60;
	v3 =	vmul.f32 $1.442695020e+00, v5;
	v2 =	vsel vm15, v2, v62  }
0xb4: {  	v1 =	vmul.f32 $1.442695020e+00, v1;
	v2 =	vsub.f32 v2, v4  }
0xb5: {  	(erf) = vpow2.f32 v3;
	v3 =	vmul.f32 $1.442695020e+00, v63  }
0xb6: {  	(erf) = vpow2.f32 v1;
	v2 =	vmul.f32 $1.442695020e+00, v2  }
0xb7: {  	(erf) = vpow2.f32 v3  }
0xb8: {  	(erf) = vpow2.f32 v2;
	_ =	sdelay $0x2  }
0xb9: {  	[tilespmem:s0+$0xFFFFFFE0] =	vst v14;
	v1 =	vpop (erf)  }
0xba: {  	[tilespmem:s0+$0x10] =	vst v1;
	v2 =	vpop (erf)  }
0xbb: {  	v1 =	vpop (erf);
	[tilespmem:s0+$0xFFFFFFF0] =	vst v2  }
0xbc: {  	s6 =	sadd.s32 $0x40, s17;
	[tilespmem:s0+$0x0] =	vst v1;
	v1 =	vpop (erf)  }
0xbd: {  	s20 =	smul.u32 $0x180, s1;
	[tilespmem:s6+$0xFFFFFFE0] =	vst v1;
	v1 =	vpop (erf)  }
0xbe: {  	[tilespmem:s6+$0x10] =	vst v1;
	v1 =	vpop (erf)  }
0xbf: {  	s0 =	sshra.s32 s20, $0x2;
	[tilespmem:s6+$0xFFFFFFF0] =	vst v1;
	v1 =	vpop (erf)  }
0xc0: {  	s21 =	sadd.s32 s10, s1;
	s0 =	sadd.s32 $0x2880, s0;
	[tilespmem:s6+$0x0] =	vst v1  }
0xc1: {  	[spmem:s2] =	stream.indirect.scatter.add.f32 [tilespmem:s26], [sflag:$0x5], $0x10, s0, s19, $0xb8;
	[tilespmem:$0x9690] =	vst v63  }
0xc2: {  	s31 =	sadd.s32 $0x1, s31;
	s0 =	smul.u32 $0xC0, s21;
	_ =	swait.ge [sflag:s16], $0x600  }
0xc3: {  	p0 =	sne.s32 s31, $0x36;
	[sflag:s16] =	ssyncset.done $0x0  }
.Ltmp2:
0xc4: {  	s0 =	sadd.s32 s7, s0;
	[sflag:s16] =	ssyncadd.s32 $0xFFFFFA00;
	(pc) =	sbr.rel @p0 .LBB2_2-.Ltmp2, $4  }
0xc5: {  	[hbm4b:s0+s3] =	stream.linear.scatter [tilespmem:s26], [sflag:$0x5], $0x600, $0x38;
	[tilespmem:$0x9690] =	vst v63  }
0xc6: {  	_ =	swait.ge [sflag:s16], $0x600  }
0xc7: {  	[sflag:s16] =	ssyncset.done $0x0  }
0xc8: {  	[sflag:s16] =	ssyncadd.s32 $0xFFFFFA00  }
0xc9: {  	s30 =	sadd.s32 $0x1, s30  }
0xca: {  	p0 =	sne.s32 s30, s14  }
.Ltmp3:
0xcb: {  	[bflag:$0x0] =	sbarrier.arrive $0xFFFF;
	(pc) =	sbr.rel @p0 .LBB2_1-.Ltmp3, $4  }
0xcc: {  	[hbm:s13], [sflag:s9] =	dma.local [spmem:s15], $0x4F0  }
0xcd: {  	_ =	swait.ge [sflag:s16], $0x4F0  }
0xce: {  	[sflag:s16] =	ssyncset.done $0x0  }
0xcf: {  	[sflag:s16] =	ssyncadd.s32 $0xFFFFFB10  }
0xd0: {  	_ =	sfence.sel $0x180000  }
0xd1: {  	[bflag:$0x0] =	sbarrier.arrive $0xFFFF  }
0xd2: {  	_ =	strace $0x90000047  }
0xd3: {  	s0 =	stileid.u32;
	[bflag:$0x2] =	sbarrier.arrive $0xFFFF  }
0xd4: {  	p0 =	sne.s32 s0, $0x0;
	s0 =	rddreg [dreg:$0x3]  }
0xd5: {  	s0 =	sadd.s32 @!p0 $0x100000, s0  }
0xd6: {  	[sflag:s0] =	ssyncadd.tile.s32 @!p0 $0x1;
	_ =	shalt  }
.Lfunc_end2:
_tile_overlayer_lowered:
.L_overlay_start_2:
0xd7: {  	(tag) =	ssettag $0x2  }
0xd8: {  	s0 =	rddreg [dreg:$0x0];
	s2 =	stileid.u32  }
0xd9: {  	s1 =	rddreg [dreg:$0x1];
	p0 =	sne.s32 s2, $0x0  }
0xda: {  	s3 =	rddreg [dreg:$0x2];
	[bflag:$0x3] =	sbarrier.arrive $0xFFFF;
	s2 =	simm.s32 @!p0 $0x1C05  }
0xdb: {  	[timem:s3], [sflag:s2] =	dma.local @!p0 [hbm:s0], s1  }
0xdc: {  	s0 =	simm.s32 @!p0 $0x5  }
0xdd: {  	_ =	swait.ge @!p0 [sflag:s0], s1  }
0xde: {  	s1 =	ssub.s32 @!p0 $0x0, s1;
	[sflag:s0] =	ssyncset.done @!p0 $0x0  }
0xdf: {  	[sflag:s0] =	ssyncadd.s32 @!p0 s1  }
0xe0: {  	[bflag:$0x3] =	sbarrier.arrive $0xFFFF  }
0xe1: {  	_ =	shalt  }

</sc_bundles>
